<compile_context>
chip_gen: v7x
topology: tpu7x:2x2x1
jax: 0.10.2.dev20260603
libtpu: 0.0.44.dev20260713+nightly
codegen_flags: <defaults>
</compile_context>

<pallas_src>
import math

import jax
import jax.numpy as jnp
from jax import lax
from jax.experimental import pallas as pl
from jax.experimental.pallas import tpu as pltpu
from jax.experimental.pallas import tpu_sc as plsc

D, H, O, E, TOPK, T = 1024, 2048, 1024, 8, 2, 2048
CAP = T
BR = 256
RMAX = CAP // BR
NW = 32
TPW = T // NW
CHUNK = 32
WREP = 128
NBP = 24


def _router_body(x_ref, wg_ref, bg_ref, aux_ref, w0r_ref, w1r_ref,
                 d0_ref, d1_ref, exp_ref, rblk_ref, act_ref):
    x = x_ref[...]
    logits = jnp.dot(x, wg_ref[...], preferred_element_type=jnp.float32)
    logits = logits + bg_ref[...]
    m = jnp.max(logits, axis=-1, keepdims=True)
    p = jnp.exp(logits - m)
    probs = p / jnp.sum(p, axis=-1, keepdims=True)

    lane = jax.lax.broadcasted_iota(jnp.int32, (T, E), 1)
    m1 = jnp.max(probs, axis=-1, keepdims=True)
    i1 = jnp.argmax(probs, axis=-1)[:, None]
    probs2 = jnp.where(lane == i1, -1.0, probs)
    m2 = jnp.max(probs2, axis=-1, keepdims=True)
    i2 = jnp.argmax(probs2, axis=-1)[:, None]

    wsum = m1 + m2
    w0 = m1 / wsum
    w1 = m2 / wsum
    oh1 = (lane == i1).astype(jnp.float32)
    oh2 = (lane == i2).astype(jnp.float32)
    mask = oh1 + oh2

    c = mask
    s = 1
    while s < T:
        c = c + jnp.concatenate([jnp.zeros((s, E), jnp.float32), c[:-s, :]],
                                axis=0)
        s *= 2
    pos = c - mask
    pe0 = jnp.sum(pos * oh1, axis=1, keepdims=True)
    pe1 = jnp.sum(pos * oh2, axis=1, keepdims=True)
    d0_ref[...] = jnp.reshape(i1 * CAP + pe0.astype(jnp.int32), (T,))
    d1_ref[...] = jnp.reshape(i2 * CAP + pe1.astype(jnp.int32), (T,))
    w0r_ref[...] = jnp.broadcast_to(w0, (T, WREP))
    w1r_ref[...] = jnp.broadcast_to(w1, (T, WREP))
    counts = jnp.sum(mask, axis=0, keepdims=True).astype(jnp.int32)
    nb = (counts + BR - 1) // BR
    cnb = nb
    sh = 1
    while sh < E:
        cnb = cnb + jnp.concatenate(
            [jnp.zeros((1, sh), jnp.int32), cnb[:, :-sh]], axis=1)
        sh *= 2
    cnb_excl = cnb - nb
    gi = jax.lax.broadcasted_iota(jnp.int32, (NBP, E), 0)
    exp8 = jnp.sum((gi >= cnb[0][None, :]).astype(jnp.int32), axis=1,
                   keepdims=True)
    act = (exp8 < E).astype(jnp.int32)
    expc = jnp.minimum(exp8, E - 1)
    ohe = (jax.lax.broadcasted_iota(jnp.int32, (NBP, E), 1) == expc)
    cnbe = jnp.sum(cnb_excl[0][None, :] * ohe.astype(jnp.int32), axis=1,
                   keepdims=True)
    nbe = jnp.sum(nb[0][None, :] * ohe.astype(jnp.int32), axis=1,
                  keepdims=True)
    g_col = jax.lax.broadcasted_iota(jnp.int32, (NBP, 1), 0)
    rblk_raw = g_col - cnbe
    rblk = jnp.where(act == 1, rblk_raw, jnp.maximum(nbe - 1, 0))
    exp_ref[...] = jnp.reshape(expc, (1, NBP))
    rblk_ref[...] = jnp.reshape(rblk, (1, NBP))
    act_ref[...] = jnp.reshape(act, (1, NBP))

    imp = jnp.sum(probs, axis=0, keepdims=True)
    imp_mu = jnp.mean(imp)
    imp_std = jnp.sqrt(jnp.sum((imp - imp_mu) ** 2) / (E - 1))
    imp_loss = (imp_std / (imp_mu + 1e-6)) ** 2
    load = jnp.mean(mask, axis=0, keepdims=True)
    load_mu = jnp.mean(load)
    load_std = jnp.sqrt(jnp.sum((load - load_mu) ** 2) / (E - 1))
    load_loss = (load_std / (load_mu + 1e-6)) ** 2
    aux_ref[...] = (imp_loss + load_loss)[None, None]


def _run_router(x, Wg, bg):
    return pl.pallas_call(
        _router_body,
        out_shape=(
            jax.ShapeDtypeStruct((1, 1), jnp.float32),
            jax.ShapeDtypeStruct((T, WREP), jnp.float32),
            jax.ShapeDtypeStruct((T, WREP), jnp.float32),
            jax.ShapeDtypeStruct((T,), jnp.int32),
            jax.ShapeDtypeStruct((T,), jnp.int32),
            jax.ShapeDtypeStruct((1, NBP), jnp.int32),
            jax.ShapeDtypeStruct((1, NBP), jnp.int32),
            jax.ShapeDtypeStruct((1, NBP), jnp.int32),
        ),
    )(x, Wg, bg.reshape(1, E))


def _dispatch_body(x_hbm, d0_hbm, d1_hbm, w0r_hbm, w1r_hbm, xs_hbm, ws_hbm,
                   rows_v, idx_v, w_v, sem):
    wid = lax.axis_index("s") * 2 + lax.axis_index("c")
    base = wid * TPW
    for ci in range(TPW // CHUNK):
        off = base + ci * CHUNK
        pltpu.sync_copy(x_hbm.at[pl.ds(off, CHUNK)], rows_v)
        for d_hbm, wr_hbm in ((d0_hbm, w0r_hbm), (d1_hbm, w1r_hbm)):
            pltpu.sync_copy(d_hbm.at[pl.ds(off, CHUNK)], idx_v)
            pltpu.sync_copy(wr_hbm.at[pl.ds(off, CHUNK)], w_v)
            pltpu.async_copy(rows_v, xs_hbm.at[idx_v], sem).wait()
            pltpu.async_copy(w_v, ws_hbm.at[idx_v], sem).wait()


def _run_dispatch(x, d0, d1, w0r, w1r):
    mesh = plsc.VectorSubcoreMesh(core_axis_name="c", subcore_axis_name="s")
    f = pl.kernel(
        _dispatch_body,
        out_type=(
            jax.ShapeDtypeStruct((E * CAP, D), jnp.float32),
            jax.ShapeDtypeStruct((E * CAP, WREP), jnp.float32),
        ),
        mesh=mesh,
        scratch_types=[
            pltpu.VMEM((CHUNK, D), jnp.float32),
            pltpu.VMEM((CHUNK,), jnp.int32),
            pltpu.VMEM((CHUNK, WREP), jnp.float32),
            pltpu.SemaphoreType.DMA,
        ],
    )
    return f(x, d0, d1, w0r, w1r)


def _mm_body(exp_ref, rblk_ref, act_ref, xs_ref, ws_ref, w1_ref, b1_ref,
             lng_ref, lnb_ref, w2_ref, b2_ref, eo_ref, w1b_ref, w2b_ref):
    g = pl.program_id(0)

    @pl.when(rblk_ref[g] == 0)
    def _():
        w1b_ref[...] = w1_ref[0].astype(jnp.bfloat16)
        w2b_ref[...] = w2_ref[0].astype(jnp.bfloat16)

    @pl.when(act_ref[g] == 1)
    def _():
        h = jnp.dot(xs_ref[...].astype(jnp.bfloat16), w1b_ref[...],
                    preferred_element_type=jnp.float32) + b1_ref[0]
        mu = jnp.mean(h, axis=-1, keepdims=True)
        d = h - mu
        var = jnp.mean(d * d, axis=-1, keepdims=True)
        hn = d * jax.lax.rsqrt(var + 1e-5) * lng_ref[0] + lnb_ref[0]
        g = 0.5 * hn * (1.0 + jax.lax.erf(hn / math.sqrt(2.0)))
        eo = jnp.dot(g.astype(jnp.bfloat16), w2b_ref[...],
                     preferred_element_type=jnp.float32) + b2_ref[0]
        eo_ref[...] = eo * ws_ref[:, 0:1]


def _run_mm(exp_of, rblk_of, act_of, xs, ws, W1, b1, ln_g, ln_b, W2, b2):
    grid_spec = pltpu.PrefetchScalarGridSpec(
        num_scalar_prefetch=3,
        grid=(NBP,),
        in_specs=[
            pl.BlockSpec((BR, D), lambda g, ex, rb, ac: (
                ex[g] * RMAX + rb[g], 0)),
            pl.BlockSpec((BR, WREP), lambda g, ex, rb, ac: (
                ex[g] * RMAX + rb[g], 0)),
            pl.BlockSpec((1, D, H), lambda g, ex, rb, ac: (ex[g], 0, 0)),
            pl.BlockSpec((1, 1, H), lambda g, ex, rb, ac: (ex[g], 0, 0)),
            pl.BlockSpec((1, 1, H), lambda g, ex, rb, ac: (ex[g], 0, 0)),
            pl.BlockSpec((1, 1, H), lambda g, ex, rb, ac: (ex[g], 0, 0)),
            pl.BlockSpec((1, H, O), lambda g, ex, rb, ac: (ex[g], 0, 0)),
            pl.BlockSpec((1, 1, O), lambda g, ex, rb, ac: (ex[g], 0, 0)),
        ],
        out_specs=pl.BlockSpec((BR, O), lambda g, ex, rb, ac: (
            ex[g] * RMAX + rb[g], 0)),
        scratch_shapes=[
            pltpu.VMEM((D, H), jnp.bfloat16),
            pltpu.VMEM((H, O), jnp.bfloat16),
        ],
    )
    return pl.pallas_call(
        _mm_body,
        grid_spec=grid_spec,
        out_shape=jax.ShapeDtypeStruct((E * CAP, O), jnp.float32),
        compiler_params=pltpu.CompilerParams(
            dimension_semantics=("arbitrary",),
            vmem_limit_bytes=100 * 1024 * 1024,
        ),
    )(exp_of, rblk_of, act_of, xs, ws, W1, b1.reshape(E, 1, H),
      ln_g.reshape(E, 1, H), ln_b.reshape(E, 1, H), W2, b2.reshape(E, 1, O))


def _combine_body(eo_hbm, d0_hbm, d1_hbm, pre_hbm,
                  a_v, b_v, o_v, i0_v, i1_v, sem):
    wid = lax.axis_index("s") * 2 + lax.axis_index("c")
    base = wid * TPW
    for ci in range(TPW // CHUNK):
        off = base + ci * CHUNK
        pltpu.sync_copy(d0_hbm.at[pl.ds(off, CHUNK)], i0_v)
        pltpu.sync_copy(d1_hbm.at[pl.ds(off, CHUNK)], i1_v)
        pltpu.async_copy(eo_hbm.at[i0_v], a_v, sem).wait()
        pltpu.async_copy(eo_hbm.at[i1_v], b_v, sem).wait()

        def row(i, carry):
            for l in range(O // 16):
                sl = pl.ds(l * 16, 16)
                o_v[i, sl] = a_v[i, sl] + b_v[i, sl]
            return carry

        lax.fori_loop(0, CHUNK, row, 0)
        pltpu.sync_copy(o_v, pre_hbm.at[pl.ds(off, CHUNK)])


def _run_combine(eo, d0, d1):
    mesh = plsc.VectorSubcoreMesh(core_axis_name="c", subcore_axis_name="s")
    f = pl.kernel(
        _combine_body,
        out_type=jax.ShapeDtypeStruct((T, O), jnp.float32),
        mesh=mesh,
        scratch_types=[
            pltpu.VMEM((CHUNK, O), jnp.float32),
            pltpu.VMEM((CHUNK, O), jnp.float32),
            pltpu.VMEM((CHUNK, O), jnp.float32),
            pltpu.VMEM((CHUNK,), jnp.int32),
            pltpu.VMEM((CHUNK,), jnp.int32),
            pltpu.SemaphoreType.DMA,
        ],
    )
    return f(eo, d0, d1)


def _ln_body(pre_ref, g_ref, b_ref, out_ref):
    y = pre_ref[...]
    mu = jnp.mean(y, axis=-1, keepdims=True)
    d = y - mu
    var = jnp.mean(d * d, axis=-1, keepdims=True)
    out_ref[...] = d * jax.lax.rsqrt(var + 1e-5) * g_ref[...] + b_ref[...]


def _run_ln(pre, out_g, out_b):
    return pl.pallas_call(
        _ln_body,
        grid=(T // 256,),
        in_specs=[
            pl.BlockSpec((256, O), lambda r: (r, 0)),
            pl.BlockSpec((1, O), lambda r: (0, 0)),
            pl.BlockSpec((1, O), lambda r: (0, 0)),
        ],
        out_specs=pl.BlockSpec((256, O), lambda r: (r, 0)),
        out_shape=jax.ShapeDtypeStruct((T, O), jnp.float32),
    )(pre, out_g.reshape(1, O), out_b.reshape(1, O))


@jax.jit
def kernel(x, Wg, bg, W1, b1, ln_g, ln_b, W2, b2, out_g, out_b):
    aux, w0r, w1r, d0, d1, exp_of, rblk_of, act_of = _run_router(x, Wg, bg)
    xs, ws = _run_dispatch(x, d0, d1, w0r, w1r)
    eo = _run_mm(exp_of.reshape(NBP), rblk_of.reshape(NBP),
                 act_of.reshape(NBP), xs, ws, W1, b1, ln_g, ln_b, W2, b2)
    pre = _run_combine(eo, d0, d1)
    out = _run_ln(pre, out_g, out_b)
    return (out, aux[0, 0])

# --- scband reference (transcript-rebuilt; emitter-appended) ---
"""Pipeline reference for scband-mo-elayer-15006615734191 (READ-ONLY COPY).

The authoritative reference and input builder live on the scoring server;
editing this copy changes nothing except your own understanding.
"""

import jax, jax.numpy as jnp
import numpy as np

D, H, O, E, TOPK, T = 1024, 2048, 1024, 8, 2, 2048

def layer_norm(x, g, b, eps=1e-5):
    mu = jnp.mean(x, axis=-1, keepdims=True)
    var = jnp.var(x, axis=-1, keepdims=True)
    return (x - mu) / jnp.sqrt(var + eps) * g + b

def setup_inputs(seed: int = 0):
    key = jax.random.key(seed)
    ks = jax.random.split(key, 8)
    s = 0.02
    x = jax.random.normal(ks[0], (T, D), jnp.float32)
    Wg = jax.random.normal(ks[1], (D, E), jnp.float32) * s
    bg = jnp.zeros((E,), jnp.float32)
    W1 = jax.random.normal(ks[2], (E, D, H), jnp.float32) * s
    b1 = jnp.zeros((E, H), jnp.float32)
    ln_g = jnp.ones((E, H), jnp.float32)
    ln_b = jnp.zeros((E, H), jnp.float32)
    W2 = jax.random.normal(ks[3], (E, H, O), jnp.float32) * s
    b2 = jnp.zeros((E, O), jnp.float32)
    out_g = jnp.ones((O,), jnp.float32)
    out_b = jnp.zeros((O,), jnp.float32)
    return {"x": x, "Wg": Wg, "bg": bg, "W1": W1, "b1": b1, "ln_g": ln_g, "ln_b": ln_b, "W2": W2, "b2": b2, "out_g": out_g, "out_b": out_b}

def reference(x, Wg, bg, W1, b1, ln_g, ln_b, W2, b2, out_g, out_b):
    Tn = x.shape[0]
    logits = x @ Wg + bg
    probs = jax.nn.softmax(logits, axis=-1)
    topw, topi = jax.lax.top_k(probs, TOPK)
    topw = topw / jnp.sum(topw, axis=-1, keepdims=True)
    rows = jnp.arange(Tn)[:, None]
    mask = jnp.zeros_like(probs).at[rows, topi].set(1.0)
    combine = jnp.zeros_like(probs).at[rows, topi].add(topw)
    # dense-equivalent expert dispatch (same math as masked index_add)
    h1 = jnp.einsum('td,edh->eth', x, W1) + b1[:, None, :]
    h1 = layer_norm(h1, ln_g[:, None, :], ln_b[:, None, :])
    h1 = jax.nn.gelu(h1, approximate=False)
    eo = jnp.einsum('eth,eho->eto', h1, W2) + b2[:, None, :]
    out = jnp.einsum('te,eto->to', combine, eo)
    out = layer_norm(out, out_g, out_b)
    importance = jnp.sum(probs, axis=0)
    imp_loss = (jnp.std(importance, ddof=1) / (jnp.mean(importance) + 1e-6)) ** 2
    load = jnp.mean(mask, axis=0)
    load_loss = (jnp.std(load, ddof=1) / (jnp.mean(load) + 1e-6)) ** 2
    aux_loss = imp_loss + load_loss
    return (out, aux_loss)

if __name__ == "__main__":
    import jax
    _d = setup_inputs()
    print(jax.jit(kernel)(*tuple(_d.values())))

</pallas_src>

<mosaic_0001>
#map = affine_map<(d0, d1) -> (0, 0)>
#map1 = affine_map<(d0, d1) -> (0)>
module attributes {stable_mosaic.version = 14 : i64} {
  func.func @_dispatch_body(%arg0: i32, %arg1: i32, %arg2: memref<2048x1024xf32, #tpu.memory_space<hbm>>, %arg3: memref<2048xi32, #tpu.memory_space<hbm>>, %arg4: memref<2048xi32, #tpu.memory_space<hbm>>, %arg5: memref<2048x128xf32, #tpu.memory_space<hbm>>, %arg6: memref<2048x128xf32, #tpu.memory_space<hbm>>, %arg7: memref<16384x1024xf32, #tpu.memory_space<hbm>>, %arg8: memref<16384x128xf32, #tpu.memory_space<hbm>>, %arg9: memref<32x1024xf32, #tpu.memory_space<vmem>>, %arg10: memref<32xi32, #tpu.memory_space<vmem>>, %arg11: memref<32x128xf32, #tpu.memory_space<vmem>>, %arg12: memref<!tpu.dma_semaphore, #tpu.memory_space<semaphore_mem>>) attributes {dimension_semantics = [#tpu.dimension_semantics<core_parallel>, #tpu.dimension_semantics<subcore_parallel>], iteration_bounds = array<i64: 2, 16>, scalar_prefetch = 0 : i64, scratch_operands = 4 : i64, tpu.core_type = #tpu.core_type<sc_vector_subcore>, window_params = [{transform_indices = #map}, {transform_indices = #map1}, {transform_indices = #map1}, {transform_indices = #map}, {transform_indices = #map}, {transform_indices = #map}, {transform_indices = #map}]} {
    %mul3A = arith.constant 2 : i32
    %mul3A_0 = arith.muli %arg1, %mul3A : i32
    %add3A = arith.addi %mul3A_0, %arg0 : i32
    %mul3A_1 = arith.constant 64 : i32
    %mul3A_2 = arith.muli %add3A, %mul3A_1 : i32
    %add3A_3 = arith.constant 0 : i32
    %add3A_4 = arith.addi %mul3A_2, %add3A_3 : i32
    "tpu.region"() ({
      %run_scoped3A = tpu.sem_alloc : memref<!tpu.dma_semaphore, #tpu.memory_space<semaphore_mem>>
      %dma_start3A_53 = arith.constant 0 : i32
      %dma_start3A_54 = tpu.memref_slice %arg2[%add3A_4, %dma_start3A_53] : memref<2048x1024xf32, #tpu.memory_space<hbm>> -> memref<32x1024xf32, #tpu.memory_space<hbm>>
      %dma_start3A_55 = arith.constant 0 : i32
      %dma_start3A_56 = tpu.memref_slice %arg2[%add3A_4, %dma_start3A_55] : memref<2048x1024xf32, #tpu.memory_space<hbm>> -> memref<32x1024xf32, #tpu.memory_space<hbm>>
      tpu.enqueue_dma source(%dma_start3A_56 : memref<32x1024xf32, #tpu.memory_space<hbm>>) target(%arg9 : memref<32x1024xf32, #tpu.memory_space<vmem>>) target_semaphore(%run_scoped3A : memref<!tpu.dma_semaphore, #tpu.memory_space<semaphore_mem>>)
      %dma_wait3A_57 = arith.constant 0 : i32
      %dma_wait3A_58 = tpu.memref_slice %arg2[%add3A_4, %dma_wait3A_57] : memref<2048x1024xf32, #tpu.memory_space<hbm>> -> memref<32x1024xf32, #tpu.memory_space<hbm>>
      %dma_wait3A_59 = arith.constant 0 : i32
      %dma_wait3A_60 = tpu.memref_slice %arg2[%add3A_4, %dma_wait3A_59] : memref<2048x1024xf32, #tpu.memory_space<hbm>> -> memref<32x1024xf32, #tpu.memory_space<hbm>>
      tpu.wait_dma2 semaphore(%run_scoped3A : memref<!tpu.dma_semaphore, #tpu.memory_space<semaphore_mem>>) src(%dma_wait3A_60 : memref<32x1024xf32, #tpu.memory_space<hbm>>) dst(%arg9 : memref<32x1024xf32, #tpu.memory_space<vmem>>)
      tpu.yield
    }) : () -> ()
    "tpu.region"() ({
      %run_scoped3A = tpu.sem_alloc : memref<!tpu.dma_semaphore, #tpu.memory_space<semaphore_mem>>
      %dma_start3A_53 = tpu.memref_slice %arg3[%add3A_4] : memref<2048xi32, #tpu.memory_space<hbm>> -> memref<32xi32, #tpu.memory_space<hbm>>
      %dma_start3A_54 = tpu.memref_slice %arg3[%add3A_4] : memref<2048xi32, #tpu.memory_space<hbm>> -> memref<32xi32, #tpu.memory_space<hbm>>
      tpu.enqueue_dma source(%dma_start3A_54 : memref<32xi32, #tpu.memory_space<hbm>>) target(%arg10 : memref<32xi32, #tpu.memory_space<vmem>>) target_semaphore(%run_scoped3A : memref<!tpu.dma_semaphore, #tpu.memory_space<semaphore_mem>>)
      %dma_wait3A_55 = tpu.memref_slice %arg3[%add3A_4] : memref<2048xi32, #tpu.memory_space<hbm>> -> memref<32xi32, #tpu.memory_space<hbm>>
      %dma_wait3A_56 = tpu.memref_slice %arg3[%add3A_4] : memref<2048xi32, #tpu.memory_space<hbm>> -> memref<32xi32, #tpu.memory_space<hbm>>
      tpu.wait_dma2 semaphore(%run_scoped3A : memref<!tpu.dma_semaphore, #tpu.memory_space<semaphore_mem>>) src(%dma_wait3A_56 : memref<32xi32, #tpu.memory_space<hbm>>) dst(%arg10 : memref<32xi32, #tpu.memory_space<vmem>>)
      tpu.yield
    }) : () -> ()
    "tpu.region"() ({
      %run_scoped3A = tpu.sem_alloc : memref<!tpu.dma_semaphore, #tpu.memory_space<semaphore_mem>>
      %dma_start3A_53 = arith.constant 0 : i32
      %dma_start3A_54 = tpu.memref_slice %arg5[%add3A_4, %dma_start3A_53] : memref<2048x128xf32, #tpu.memory_space<hbm>> -> memref<32x128xf32, #tpu.memory_space<hbm>>
      %dma_start3A_55 = arith.constant 0 : i32
      %dma_start3A_56 = tpu.memref_slice %arg5[%add3A_4, %dma_start3A_55] : memref<2048x128xf32, #tpu.memory_space<hbm>> -> memref<32x128xf32, #tpu.memory_space<hbm>>
      tpu.enqueue_dma source(%dma_start3A_56 : memref<32x128xf32, #tpu.memory_space<hbm>>) target(%arg11 : memref<32x128xf32, #tpu.memory_space<vmem>>) target_semaphore(%run_scoped3A : memref<!tpu.dma_semaphore, #tpu.memory_space<semaphore_mem>>)
      %dma_wait3A_57 = arith.constant 0 : i32
      %dma_wait3A_58 = tpu.memref_slice %arg5[%add3A_4, %dma_wait3A_57] : memref<2048x128xf32, #tpu.memory_space<hbm>> -> memref<32x128xf32, #tpu.memory_space<hbm>>
      %dma_wait3A_59 = arith.constant 0 : i32
      %dma_wait3A_60 = tpu.memref_slice %arg5[%add3A_4, %dma_wait3A_59] : memref<2048x128xf32, #tpu.memory_space<hbm>> -> memref<32x128xf32, #tpu.memory_space<hbm>>
      tpu.wait_dma2 semaphore(%run_scoped3A : memref<!tpu.dma_semaphore, #tpu.memory_space<semaphore_mem>>) src(%dma_wait3A_60 : memref<32x128xf32, #tpu.memory_space<hbm>>) dst(%arg11 : memref<32x128xf32, #tpu.memory_space<vmem>>)
      tpu.yield
    }) : () -> ()
    %dma_start3A = arith.constant 0 : i32
    %dma_start3A_5 = arith.constant 0 : i32
    %dma_start3A_6 = tpu.memref_slice %arg7[%dma_start3A, %dma_start3A_5] : memref<16384x1024xf32, #tpu.memory_space<hbm>> -> memref<16384x1024xf32, #tpu.memory_space<hbm>>
    tpu.enqueue_indirect_dma source(%arg9 : memref<32x1024xf32, #tpu.memory_space<vmem>>) target(%dma_start3A_6 : memref<16384x1024xf32, #tpu.memory_space<hbm>>) offsets(%arg10 : memref<32xi32, #tpu.memory_space<vmem>>) semaphore(%arg12 : memref<!tpu.dma_semaphore, #tpu.memory_space<semaphore_mem>>)
    %dma_wait3A = arith.constant 0 : i32
    %dma_wait3A_7 = arith.constant 0 : i32
    %dma_wait3A_8 = tpu.memref_slice %arg7[%dma_wait3A, %dma_wait3A_7] : memref<16384x1024xf32, #tpu.memory_space<hbm>> -> memref<16384x1024xf32, #tpu.memory_space<hbm>>
    tpu.wait_indirect_dma semaphore(%arg12 : memref<!tpu.dma_semaphore, #tpu.memory_space<semaphore_mem>>) src(%arg9 : memref<32x1024xf32, #tpu.memory_space<vmem>>) dst(%dma_wait3A_8 : memref<16384x1024xf32, #tpu.memory_space<hbm>>)
    %dma_start3A_9 = arith.constant 0 : i32
    %dma_start3A_10 = arith.constant 0 : i32
    %dma_start3A_11 = tpu.memref_slice %arg8[%dma_start3A_9, %dma_start3A_10] : memref<16384x128xf32, #tpu.memory_space<hbm>> -> memref<16384x128xf32, #tpu.memory_space<hbm>>
    tpu.enqueue_indirect_dma source(%arg11 : memref<32x128xf32, #tpu.memory_space<vmem>>) target(%dma_start3A_11 : memref<16384x128xf32, #tpu.memory_space<hbm>>) offsets(%arg10 : memref<32xi32, #tpu.memory_space<vmem>>) semaphore(%arg12 : memref<!tpu.dma_semaphore, #tpu.memory_space<semaphore_mem>>)
    %dma_wait3A_12 = arith.constant 0 : i32
    %dma_wait3A_13 = arith.constant 0 : i32
    %dma_wait3A_14 = tpu.memref_slice %arg8[%dma_wait3A_12, %dma_wait3A_13] : memref<16384x128xf32, #tpu.memory_space<hbm>> -> memref<16384x128xf32, #tpu.memory_space<hbm>>
    tpu.wait_indirect_dma semaphore(%arg12 : memref<!tpu.dma_semaphore, #tpu.memory_space<semaphore_mem>>) src(%arg11 : memref<32x128xf32, #tpu.memory_space<vmem>>) dst(%dma_wait3A_14 : memref<16384x128xf32, #tpu.memory_space<hbm>>)
    "tpu.region"() ({
      %run_scoped3A = tpu.sem_alloc : memref<!tpu.dma_semaphore, #tpu.memory_space<semaphore_mem>>
      %dma_start3A_53 = tpu.memref_slice %arg4[%add3A_4] : memref<2048xi32, #tpu.memory_space<hbm>> -> memref<32xi32, #tpu.memory_space<hbm>>
      %dma_start3A_54 = tpu.memref_slice %arg4[%add3A_4] : memref<2048xi32, #tpu.memory_space<hbm>> -> memref<32xi32, #tpu.memory_space<hbm>>
      tpu.enqueue_dma source(%dma_start3A_54 : memref<32xi32, #tpu.memory_space<hbm>>) target(%arg10 : memref<32xi32, #tpu.memory_space<vmem>>) target_semaphore(%run_scoped3A : memref<!tpu.dma_semaphore, #tpu.memory_space<semaphore_mem>>)
      %dma_wait3A_55 = tpu.memref_slice %arg4[%add3A_4] : memref<2048xi32, #tpu.memory_space<hbm>> -> memref<32xi32, #tpu.memory_space<hbm>>
      %dma_wait3A_56 = tpu.memref_slice %arg4[%add3A_4] : memref<2048xi32, #tpu.memory_space<hbm>> -> memref<32xi32, #tpu.memory_space<hbm>>
      tpu.wait_dma2 semaphore(%run_scoped3A : memref<!tpu.dma_semaphore, #tpu.memory_space<semaphore_mem>>) src(%dma_wait3A_56 : memref<32xi32, #tpu.memory_space<hbm>>) dst(%arg10 : memref<32xi32, #tpu.memory_space<vmem>>)
      tpu.yield
    }) : () -> ()
    "tpu.region"() ({
      %run_scoped3A = tpu.sem_alloc : memref<!tpu.dma_semaphore, #tpu.memory_space<semaphore_mem>>
      %dma_start3A_53 = arith.constant 0 : i32
      %dma_start3A_54 = tpu.memref_slice %arg6[%add3A_4, %dma_start3A_53] : memref<2048x128xf32, #tpu.memory_space<hbm>> -> memref<32x128xf32, #tpu.memory_space<hbm>>
      %dma_start3A_55 = arith.constant 0 : i32
      %dma_start3A_56 = tpu.memref_slice %arg6[%add3A_4, %dma_start3A_55] : memref<2048x128xf32, #tpu.memory_space<hbm>> -> memref<32x128xf32, #tpu.memory_space<hbm>>
      tpu.enqueue_dma source(%dma_start3A_56 : memref<32x128xf32, #tpu.memory_space<hbm>>) target(%arg11 : memref<32x128xf32, #tpu.memory_space<vmem>>) target_semaphore(%run_scoped3A : memref<!tpu.dma_semaphore, #tpu.memory_space<semaphore_mem>>)
      %dma_wait3A_57 = arith.constant 0 : i32
      %dma_wait3A_58 = tpu.memref_slice %arg6[%add3A_4, %dma_wait3A_57] : memref<2048x128xf32, #tpu.memory_space<hbm>> -> memref<32x128xf32, #tpu.memory_space<hbm>>
      %dma_wait3A_59 = arith.constant 0 : i32
      %dma_wait3A_60 = tpu.memref_slice %arg6[%add3A_4, %dma_wait3A_59] : memref<2048x128xf32, #tpu.memory_space<hbm>> -> memref<32x128xf32, #tpu.memory_space<hbm>>
      tpu.wait_dma2 semaphore(%run_scoped3A : memref<!tpu.dma_semaphore, #tpu.memory_space<semaphore_mem>>) src(%dma_wait3A_60 : memref<32x128xf32, #tpu.memory_space<hbm>>) dst(%arg11 : memref<32x128xf32, #tpu.memory_space<vmem>>)
      tpu.yield
    }) : () -> ()
    %dma_start3A_15 = arith.constant 0 : i32
    %dma_start3A_16 = arith.constant 0 : i32
    %dma_start3A_17 = tpu.memref_slice %arg7[%dma_start3A_15, %dma_start3A_16] : memref<16384x1024xf32, #tpu.memory_space<hbm>> -> memref<16384x1024xf32, #tpu.memory_space<hbm>>
    tpu.enqueue_indirect_dma source(%arg9 : memref<32x1024xf32, #tpu.memory_space<vmem>>) target(%dma_start3A_17 : memref<16384x1024xf32, #tpu.memory_space<hbm>>) offsets(%arg10 : memref<32xi32, #tpu.memory_space<vmem>>) semaphore(%arg12 : memref<!tpu.dma_semaphore, #tpu.memory_space<semaphore_mem>>)
    %dma_wait3A_18 = arith.constant 0 : i32
    %dma_wait3A_19 = arith.constant 0 : i32
    %dma_wait3A_20 = tpu.memref_slice %arg7[%dma_wait3A_18, %dma_wait3A_19] : memref<16384x1024xf32, #tpu.memory_space<hbm>> -> memref<16384x1024xf32, #tpu.memory_space<hbm>>
    tpu.wait_indirect_dma semaphore(%arg12 : memref<!tpu.dma_semaphore, #tpu.memory_space<semaphore_mem>>) src(%arg9 : memref<32x1024xf32, #tpu.memory_space<vmem>>) dst(%dma_wait3A_20 : memref<16384x1024xf32, #tpu.memory_space<hbm>>)
    %dma_start3A_21 = arith.constant 0 : i32
    %dma_start3A_22 = arith.constant 0 : i32
    %dma_start3A_23 = tpu.memref_slice %arg8[%dma_start3A_21, %dma_start3A_22] : memref<16384x128xf32, #tpu.memory_space<hbm>> -> memref<16384x128xf32, #tpu.memory_space<hbm>>
    tpu.enqueue_indirect_dma source(%arg11 : memref<32x128xf32, #tpu.memory_space<vmem>>) target(%dma_start3A_23 : memref<16384x128xf32, #tpu.memory_space<hbm>>) offsets(%arg10 : memref<32xi32, #tpu.memory_space<vmem>>) semaphore(%arg12 : memref<!tpu.dma_semaphore, #tpu.memory_space<semaphore_mem>>)
    %dma_wait3A_24 = arith.constant 0 : i32
    %dma_wait3A_25 = arith.constant 0 : i32
    %dma_wait3A_26 = tpu.memref_slice %arg8[%dma_wait3A_24, %dma_wait3A_25] : memref<16384x128xf32, #tpu.memory_space<hbm>> -> memref<16384x128xf32, #tpu.memory_space<hbm>>
    tpu.wait_indirect_dma semaphore(%arg12 : memref<!tpu.dma_semaphore, #tpu.memory_space<semaphore_mem>>) src(%arg11 : memref<32x128xf32, #tpu.memory_space<vmem>>) dst(%dma_wait3A_26 : memref<16384x128xf32, #tpu.memory_space<hbm>>)
    %add3A_27 = arith.constant 32 : i32
    %add3A_28 = arith.addi %mul3A_2, %add3A_27 : i32
    "tpu.region"() ({
      %run_scoped3A = tpu.sem_alloc : memref<!tpu.dma_semaphore, #tpu.memory_space<semaphore_mem>>
      %dma_start3A_53 = arith.constant 0 : i32
      %dma_start3A_54 = tpu.memref_slice %arg2[%add3A_28, %dma_start3A_53] : memref<2048x1024xf32, #tpu.memory_space<hbm>> -> memref<32x1024xf32, #tpu.memory_space<hbm>>
      %dma_start3A_55 = arith.constant 0 : i32
      %dma_start3A_56 = tpu.memref_slice %arg2[%add3A_28, %dma_start3A_55] : memref<2048x1024xf32, #tpu.memory_space<hbm>> -> memref<32x1024xf32, #tpu.memory_space<hbm>>
      tpu.enqueue_dma source(%dma_start3A_56 : memref<32x1024xf32, #tpu.memory_space<hbm>>) target(%arg9 : memref<32x1024xf32, #tpu.memory_space<vmem>>) target_semaphore(%run_scoped3A : memref<!tpu.dma_semaphore, #tpu.memory_space<semaphore_mem>>)
      %dma_wait3A_57 = arith.constant 0 : i32
      %dma_wait3A_58 = tpu.memref_slice %arg2[%add3A_28, %dma_wait3A_57] : memref<2048x1024xf32, #tpu.memory_space<hbm>> -> memref<32x1024xf32, #tpu.memory_space<hbm>>
      %dma_wait3A_59 = arith.constant 0 : i32
      %dma_wait3A_60 = tpu.memref_slice %arg2[%add3A_28, %dma_wait3A_59] : memref<2048x1024xf32, #tpu.memory_space<hbm>> -> memref<32x1024xf32, #tpu.memory_space<hbm>>
      tpu.wait_dma2 semaphore(%run_scoped3A : memref<!tpu.dma_semaphore, #tpu.memory_space<semaphore_mem>>) src(%dma_wait3A_60 : memref<32x1024xf32, #tpu.memory_space<hbm>>) dst(%arg9 : memref<32x1024xf32, #tpu.memory_space<vmem>>)
      tpu.yield
    }) : () -> ()
    "tpu.region"() ({
      %run_scoped3A = tpu.sem_alloc : memref<!tpu.dma_semaphore, #tpu.memory_space<semaphore_mem>>
      %dma_start3A_53 = tpu.memref_slice %arg3[%add3A_28] : memref<2048xi32, #tpu.memory_space<hbm>> -> memref<32xi32, #tpu.memory_space<hbm>>
      %dma_start3A_54 = tpu.memref_slice %arg3[%add3A_28] : memref<2048xi32, #tpu.memory_space<hbm>> -> memref<32xi32, #tpu.memory_space<hbm>>
      tpu.enqueue_dma source(%dma_start3A_54 : memref<32xi32, #tpu.memory_space<hbm>>) target(%arg10 : memref<32xi32, #tpu.memory_space<vmem>>) target_semaphore(%run_scoped3A : memref<!tpu.dma_semaphore, #tpu.memory_space<semaphore_mem>>)
      %dma_wait3A_55 = tpu.memref_slice %arg3[%add3A_28] : memref<2048xi32, #tpu.memory_space<hbm>> -> memref<32xi32, #tpu.memory_space<hbm>>
      %dma_wait3A_56 = tpu.memref_slice %arg3[%add3A_28] : memref<2048xi32, #tpu.memory_space<hbm>> -> memref<32xi32, #tpu.memory_space<hbm>>
      tpu.wait_dma2 semaphore(%run_scoped3A : memref<!tpu.dma_semaphore, #tpu.memory_space<semaphore_mem>>) src(%dma_wait3A_56 : memref<32xi32, #tpu.memory_space<hbm>>) dst(%arg10 : memref<32xi32, #tpu.memory_space<vmem>>)
      tpu.yield
    }) : () -> ()
    "tpu.region"() ({
      %run_scoped3A = tpu.sem_alloc : memref<!tpu.dma_semaphore, #tpu.memory_space<semaphore_mem>>
      %dma_start3A_53 = arith.constant 0 : i32
      %dma_start3A_54 = tpu.memref_slice %arg5[%add3A_28, %dma_start3A_53] : memref<2048x128xf32, #tpu.memory_space<hbm>> -> memref<32x128xf32, #tpu.memory_space<hbm>>
      %dma_start3A_55 = arith.constant 0 : i32
      %dma_start3A_56 = tpu.memref_slice %arg5[%add3A_28, %dma_start3A_55] : memref<2048x128xf32, #tpu.memory_space<hbm>> -> memref<32x128xf32, #tpu.memory_space<hbm>>
      tpu.enqueue_dma source(%dma_start3A_56 : memref<32x128xf32, #tpu.memory_space<hbm>>) target(%arg11 : memref<32x128xf32, #tpu.memory_space<vmem>>) target_semaphore(%run_scoped3A : memref<!tpu.dma_semaphore, #tpu.memory_space<semaphore_mem>>)
      %dma_wait3A_57 = arith.constant 0 : i32
      %dma_wait3A_58 = tpu.memref_slice %arg5[%add3A_28, %dma_wait3A_57] : memref<2048x128xf32, #tpu.memory_space<hbm>> -> memref<32x128xf32, #tpu.memory_space<hbm>>
      %dma_wait3A_59 = arith.constant 0 : i32
      %dma_wait3A_60 = tpu.memref_slice %arg5[%add3A_28, %dma_wait3A_59] : memref<2048x128xf32, #tpu.memory_space<hbm>> -> memref<32x128xf32, #tpu.memory_space<hbm>>
      tpu.wait_dma2 semaphore(%run_scoped3A : memref<!tpu.dma_semaphore, #tpu.memory_space<semaphore_mem>>) src(%dma_wait3A_60 : memref<32x128xf32, #tpu.memory_space<hbm>>) dst(%arg11 : memref<32x128xf32, #tpu.memory_space<vmem>>)
      tpu.yield
    }) : () -> ()
    %dma_start3A_29 = arith.constant 0 : i32
    %dma_start3A_30 = arith.constant 0 : i32
    %dma_start3A_31 = tpu.memref_slice %arg7[%dma_start3A_29, %dma_start3A_30] : memref<16384x1024xf32, #tpu.memory_space<hbm>> -> memref<16384x1024xf32, #tpu.memory_space<hbm>>
    tpu.enqueue_indirect_dma source(%arg9 : memref<32x1024xf32, #tpu.memory_space<vmem>>) target(%dma_start3A_31 : memref<16384x1024xf32, #tpu.memory_space<hbm>>) offsets(%arg10 : memref<32xi32, #tpu.memory_space<vmem>>) semaphore(%arg12 : memref<!tpu.dma_semaphore, #tpu.memory_space<semaphore_mem>>)
    %dma_wait3A_32 = arith.constant 0 : i32
    %dma_wait3A_33 = arith.constant 0 : i32
    %dma_wait3A_34 = tpu.memref_slice %arg7[%dma_wait3A_32, %dma_wait3A_33] : memref<16384x1024xf32, #tpu.memory_space<hbm>> -> memref<16384x1024xf32, #tpu.memory_space<hbm>>
    tpu.wait_indirect_dma semaphore(%arg12 : memref<!tpu.dma_semaphore, #tpu.memory_space<semaphore_mem>>) src(%arg9 : memref<32x1024xf32, #tpu.memory_space<vmem>>) dst(%dma_wait3A_34 : memref<16384x1024xf32, #tpu.memory_space<hbm>>)
    %dma_start3A_35 = arith.constant 0 : i32
    %dma_start3A_36 = arith.constant 0 : i32
    %dma_start3A_37 = tpu.memref_slice %arg8[%dma_start3A_35, %dma_start3A_36] : memref<16384x128xf32, #tpu.memory_space<hbm>> -> memref<16384x128xf32, #tpu.memory_space<hbm>>
    tpu.enqueue_indirect_dma source(%arg11 : memref<32x128xf32, #tpu.memory_space<vmem>>) target(%dma_start3A_37 : memref<16384x128xf32, #tpu.memory_space<hbm>>) offsets(%arg10 : memref<32xi32, #tpu.memory_space<vmem>>) semaphore(%arg12 : memref<!tpu.dma_semaphore, #tpu.memory_space<semaphore_mem>>)
    %dma_wait3A_38 = arith.constant 0 : i32
    %dma_wait3A_39 = arith.constant 0 : i32
    %dma_wait3A_40 = tpu.memref_slice %arg8[%dma_wait3A_38, %dma_wait3A_39] : memref<16384x128xf32, #tpu.memory_space<hbm>> -> memref<16384x128xf32, #tpu.memory_space<hbm>>
    tpu.wait_indirect_dma semaphore(%arg12 : memref<!tpu.dma_semaphore, #tpu.memory_space<semaphore_mem>>) src(%arg11 : memref<32x128xf32, #tpu.memory_space<vmem>>) dst(%dma_wait3A_40 : memref<16384x128xf32, #tpu.memory_space<hbm>>)
    "tpu.region"() ({
      %run_scoped3A = tpu.sem_alloc : memref<!tpu.dma_semaphore, #tpu.memory_space<semaphore_mem>>
      %dma_start3A_53 = tpu.memref_slice %arg4[%add3A_28] : memref<2048xi32, #tpu.memory_space<hbm>> -> memref<32xi32, #tpu.memory_space<hbm>>
      %dma_start3A_54 = tpu.memref_slice %arg4[%add3A_28] : memref<2048xi32, #tpu.memory_space<hbm>> -> memref<32xi32, #tpu.memory_space<hbm>>
      tpu.enqueue_dma source(%dma_start3A_54 : memref<32xi32, #tpu.memory_space<hbm>>) target(%arg10 : memref<32xi32, #tpu.memory_space<vmem>>) target_semaphore(%run_scoped3A : memref<!tpu.dma_semaphore, #tpu.memory_space<semaphore_mem>>)
      %dma_wait3A_55 = tpu.memref_slice %arg4[%add3A_28] : memref<2048xi32, #tpu.memory_space<hbm>> -> memref<32xi32, #tpu.memory_space<hbm>>
      %dma_wait3A_56 = tpu.memref_slice %arg4[%add3A_28] : memref<2048xi32, #tpu.memory_space<hbm>> -> memref<32xi32, #tpu.memory_space<hbm>>
      tpu.wait_dma2 semaphore(%run_scoped3A : memref<!tpu.dma_semaphore, #tpu.memory_space<semaphore_mem>>) src(%dma_wait3A_56 : memref<32xi32, #tpu.memory_space<hbm>>) dst(%arg10 : memref<32xi32, #tpu.memory_space<vmem>>)
      tpu.yield
    }) : () -> ()
    "tpu.region"() ({
      %run_scoped3A = tpu.sem_alloc : memref<!tpu.dma_semaphore, #tpu.memory_space<semaphore_mem>>
      %dma_start3A_53 = arith.constant 0 : i32
      %dma_start3A_54 = tpu.memref_slice %arg6[%add3A_28, %dma_start3A_53] : memref<2048x128xf32, #tpu.memory_space<hbm>> -> memref<32x128xf32, #tpu.memory_space<hbm>>
      %dma_start3A_55 = arith.constant 0 : i32
      %dma_start3A_56 = tpu.memref_slice %arg6[%add3A_28, %dma_start3A_55] : memref<2048x128xf32, #tpu.memory_space<hbm>> -> memref<32x128xf32, #tpu.memory_space<hbm>>
      tpu.enqueue_dma source(%dma_start3A_56 : memref<32x128xf32, #tpu.memory_space<hbm>>) target(%arg11 : memref<32x128xf32, #tpu.memory_space<vmem>>) target_semaphore(%run_scoped3A : memref<!tpu.dma_semaphore, #tpu.memory_space<semaphore_mem>>)
      %dma_wait3A_57 = arith.constant 0 : i32
      %dma_wait3A_58 = tpu.memref_slice %arg6[%add3A_28, %dma_wait3A_57] : memref<2048x128xf32, #tpu.memory_space<hbm>> -> memref<32x128xf32, #tpu.memory_space<hbm>>
      %dma_wait3A_59 = arith.constant 0 : i32
      %dma_wait3A_60 = tpu.memref_slice %arg6[%add3A_28, %dma_wait3A_59] : memref<2048x128xf32, #tpu.memory_space<hbm>> -> memref<32x128xf32, #tpu.memory_space<hbm>>
      tpu.wait_dma2 semaphore(%run_scoped3A : memref<!tpu.dma_semaphore, #tpu.memory_space<semaphore_mem>>) src(%dma_wait3A_60 : memref<32x128xf32, #tpu.memory_space<hbm>>) dst(%arg11 : memref<32x128xf32, #tpu.memory_space<vmem>>)
      tpu.yield
    }) : () -> ()
    %dma_start3A_41 = arith.constant 0 : i32
    %dma_start3A_42 = arith.constant 0 : i32
    %dma_start3A_43 = tpu.memref_slice %arg7[%dma_start3A_41, %dma_start3A_42] : memref<16384x1024xf32, #tpu.memory_space<hbm>> -> memref<16384x1024xf32, #tpu.memory_space<hbm>>
    tpu.enqueue_indirect_dma source(%arg9 : memref<32x1024xf32, #tpu.memory_space<vmem>>) target(%dma_start3A_43 : memref<16384x1024xf32, #tpu.memory_space<hbm>>) offsets(%arg10 : memref<32xi32, #tpu.memory_space<vmem>>) semaphore(%arg12 : memref<!tpu.dma_semaphore, #tpu.memory_space<semaphore_mem>>)
    %dma_wait3A_44 = arith.constant 0 : i32
    %dma_wait3A_45 = arith.constant 0 : i32
    %dma_wait3A_46 = tpu.memref_slice %arg7[%dma_wait3A_44, %dma_wait3A_45] : memref<16384x1024xf32, #tpu.memory_space<hbm>> -> memref<16384x1024xf32, #tpu.memory_space<hbm>>
    tpu.wait_indirect_dma semaphore(%arg12 : memref<!tpu.dma_semaphore, #tpu.memory_space<semaphore_mem>>) src(%arg9 : memref<32x1024xf32, #tpu.memory_space<vmem>>) dst(%dma_wait3A_46 : memref<16384x1024xf32, #tpu.memory_space<hbm>>)
    %dma_start3A_47 = arith.constant 0 : i32
    %dma_start3A_48 = arith.constant 0 : i32
    %dma_start3A_49 = tpu.memref_slice %arg8[%dma_start3A_47, %dma_start3A_48] : memref<16384x128xf32, #tpu.memory_space<hbm>> -> memref<16384x128xf32, #tpu.memory_space<hbm>>
    tpu.enqueue_indirect_dma source(%arg11 : memref<32x128xf32, #tpu.memory_space<vmem>>) target(%dma_start3A_49 : memref<16384x128xf32, #tpu.memory_space<hbm>>) offsets(%arg10 : memref<32xi32, #tpu.memory_space<vmem>>) semaphore(%arg12 : memref<!tpu.dma_semaphore, #tpu.memory_space<semaphore_mem>>)
    %dma_wait3A_50 = arith.constant 0 : i32
    %dma_wait3A_51 = arith.constant 0 : i32
    %dma_wait3A_52 = tpu.memref_slice %arg8[%dma_wait3A_50, %dma_wait3A_51] : memref<16384x128xf32, #tpu.memory_space<hbm>> -> memref<16384x128xf32, #tpu.memory_space<hbm>>
    tpu.wait_indirect_dma semaphore(%arg12 : memref<!tpu.dma_semaphore, #tpu.memory_space<semaphore_mem>>) src(%arg11 : memref<32x128xf32, #tpu.memory_space<vmem>>) dst(%dma_wait3A_52 : memref<16384x128xf32, #tpu.memory_space<hbm>>)
    return
  }
}

#map = affine_map<(d0, d1) -> (0, 0)>
#map1 = affine_map<(d0, d1) -> (0)>
module attributes {stable_mosaic.version = 14 : i64} {
  func.func @_combine_body(%arg0: i32, %arg1: i32, %arg2: memref<16384x1024xf32, #tpu.memory_space<hbm>>, %arg3: memref<2048xi32, #tpu.memory_space<hbm>>, %arg4: memref<2048xi32, #tpu.memory_space<hbm>>, %arg5: memref<2048x1024xf32, #tpu.memory_space<hbm>>, %arg6: memref<32x1024xf32, #tpu.memory_space<vmem>>, %arg7: memref<32x1024xf32, #tpu.memory_space<vmem>>, %arg8: memref<32x1024xf32, #tpu.memory_space<vmem>>, %arg9: memref<32xi32, #tpu.memory_space<vmem>>, %arg10: memref<32xi32, #tpu.memory_space<vmem>>, %arg11: memref<!tpu.dma_semaphore, #tpu.memory_space<semaphore_mem>>) attributes {dimension_semantics = [#tpu.dimension_semantics<core_parallel>, #tpu.dimension_semantics<subcore_parallel>], iteration_bounds = array<i64: 2, 16>, scalar_prefetch = 0 : i64, scratch_operands = 6 : i64, tpu.core_type = #tpu.core_type<sc_vector_subcore>, window_params = [{transform_indices = #map}, {transform_indices = #map1}, {transform_indices = #map1}, {transform_indices = #map}]} {
    %mul3A = arith.constant 2 : i32
    %mul3A_0 = arith.muli %arg1, %mul3A : i32
    %add3A = arith.addi %mul3A_0, %arg0 : i32
    %mul3A_1 = arith.constant 64 : i32
    %mul3A_2 = arith.muli %add3A, %mul3A_1 : i32
    %add3A_3 = arith.constant 0 : i32
    %add3A_4 = arith.addi %mul3A_2, %add3A_3 : i32
    "tpu.region"() ({
      %run_scoped3A = tpu.sem_alloc : memref<!tpu.dma_semaphore, #tpu.memory_space<semaphore_mem>>
      %dma_start3A_40 = tpu.memref_slice %arg3[%add3A_4] : memref<2048xi32, #tpu.memory_space<hbm>> -> memref<32xi32, #tpu.memory_space<hbm>>
      %dma_start3A_41 = tpu.memref_slice %arg3[%add3A_4] : memref<2048xi32, #tpu.memory_space<hbm>> -> memref<32xi32, #tpu.memory_space<hbm>>
      tpu.enqueue_dma source(%dma_start3A_41 : memref<32xi32, #tpu.memory_space<hbm>>) target(%arg9 : memref<32xi32, #tpu.memory_space<vmem>>) target_semaphore(%run_scoped3A : memref<!tpu.dma_semaphore, #tpu.memory_space<semaphore_mem>>)
      %dma_wait3A_42 = tpu.memref_slice %arg3[%add3A_4] : memref<2048xi32, #tpu.memory_space<hbm>> -> memref<32xi32, #tpu.memory_space<hbm>>
      %dma_wait3A_43 = tpu.memref_slice %arg3[%add3A_4] : memref<2048xi32, #tpu.memory_space<hbm>> -> memref<32xi32, #tpu.memory_space<hbm>>
      tpu.wait_dma2 semaphore(%run_scoped3A : memref<!tpu.dma_semaphore, #tpu.memory_space<semaphore_mem>>) src(%dma_wait3A_43 : memref<32xi32, #tpu.memory_space<hbm>>) dst(%arg9 : memref<32xi32, #tpu.memory_space<vmem>>)
      tpu.yield
    }) : () -> ()
    "tpu.region"() ({
      %run_scoped3A = tpu.sem_alloc : memref<!tpu.dma_semaphore, #tpu.memory_space<semaphore_mem>>
      %dma_start3A_40 = tpu.memref_slice %arg4[%add3A_4] : memref<2048xi32, #tpu.memory_space<hbm>> -> memref<32xi32, #tpu.memory_space<hbm>>
      %dma_start3A_41 = tpu.memref_slice %arg4[%add3A_4] : memref<2048xi32, #tpu.memory_space<hbm>> -> memref<32xi32, #tpu.memory_space<hbm>>
      tpu.enqueue_dma source(%dma_start3A_41 : memref<32xi32, #tpu.memory_space<hbm>>) target(%arg10 : memref<32xi32, #tpu.memory_space<vmem>>) target_semaphore(%run_scoped3A : memref<!tpu.dma_semaphore, #tpu.memory_space<semaphore_mem>>)
      %dma_wait3A_42 = tpu.memref_slice %arg4[%add3A_4] : memref<2048xi32, #tpu.memory_space<hbm>> -> memref<32xi32, #tpu.memory_space<hbm>>
      %dma_wait3A_43 = tpu.memref_slice %arg4[%add3A_4] : memref<2048xi32, #tpu.memory_space<hbm>> -> memref<32xi32, #tpu.memory_space<hbm>>
      tpu.wait_dma2 semaphore(%run_scoped3A : memref<!tpu.dma_semaphore, #tpu.memory_space<semaphore_mem>>) src(%dma_wait3A_43 : memref<32xi32, #tpu.memory_space<hbm>>) dst(%arg10 : memref<32xi32, #tpu.memory_space<vmem>>)
      tpu.yield
    }) : () -> ()
    %dma_start3A = arith.constant 0 : i32
    %dma_start3A_5 = arith.constant 0 : i32
    %dma_start3A_6 = tpu.memref_slice %arg2[%dma_start3A, %dma_start3A_5] : memref<16384x1024xf32, #tpu.memory_space<hbm>> -> memref<16384x1024xf32, #tpu.memory_space<hbm>>
    tpu.enqueue_indirect_dma source(%dma_start3A_6 : memref<16384x1024xf32, #tpu.memory_space<hbm>>) target(%arg6 : memref<32x1024xf32, #tpu.memory_space<vmem>>) offsets(%arg9 : memref<32xi32, #tpu.memory_space<vmem>>) semaphore(%arg11 : memref<!tpu.dma_semaphore, #tpu.memory_space<semaphore_mem>>)
    %dma_wait3A = arith.constant 0 : i32
    %dma_wait3A_7 = arith.constant 0 : i32
    %dma_wait3A_8 = tpu.memref_slice %arg2[%dma_wait3A, %dma_wait3A_7] : memref<16384x1024xf32, #tpu.memory_space<hbm>> -> memref<16384x1024xf32, #tpu.memory_space<hbm>>
    tpu.wait_indirect_dma semaphore(%arg11 : memref<!tpu.dma_semaphore, #tpu.memory_space<semaphore_mem>>) src(%dma_wait3A_8 : memref<16384x1024xf32, #tpu.memory_space<hbm>>) dst(%arg6 : memref<32x1024xf32, #tpu.memory_space<vmem>>)
    %dma_start3A_9 = arith.constant 0 : i32
    %dma_start3A_10 = arith.constant 0 : i32
    %dma_start3A_11 = tpu.memref_slice %arg2[%dma_start3A_9, %dma_start3A_10] : memref<16384x1024xf32, #tpu.memory_space<hbm>> -> memref<16384x1024xf32, #tpu.memory_space<hbm>>
    tpu.enqueue_indirect_dma source(%dma_start3A_11 : memref<16384x1024xf32, #tpu.memory_space<hbm>>) target(%arg7 : memref<32x1024xf32, #tpu.memory_space<vmem>>) offsets(%arg10 : memref<32xi32, #tpu.memory_space<vmem>>) semaphore(%arg11 : memref<!tpu.dma_semaphore, #tpu.memory_space<semaphore_mem>>)
    %dma_wait3A_12 = arith.constant 0 : i32
    %dma_wait3A_13 = arith.constant 0 : i32
    %dma_wait3A_14 = tpu.memref_slice %arg2[%dma_wait3A_12, %dma_wait3A_13] : memref<16384x1024xf32, #tpu.memory_space<hbm>> -> memref<16384x1024xf32, #tpu.memory_space<hbm>>
    tpu.wait_indirect_dma semaphore(%arg11 : memref<!tpu.dma_semaphore, #tpu.memory_space<semaphore_mem>>) src(%dma_wait3A_14 : memref<16384x1024xf32, #tpu.memory_space<hbm>>) dst(%arg7 : memref<32x1024xf32, #tpu.memory_space<vmem>>)
    %scan3A = arith.constant 0 : i32
    %scan3A_15 = arith.constant 0 : i32
    %scan3A_16 = arith.constant 32 : i32
    %scan3A_17 = arith.addi %scan3A_15, %scan3A_16 : i32
    %scan3A_18 = arith.constant 1 : i32
    scf.for %scan3A_40 = %scan3A_15 to %scan3A_17 step %scan3A_18  : i32 {
      %get3A = arith.index_cast %scan3A_40 : i32 to index
      %get3A_41 = arith.constant 0 : index
      %get3A_42 = tpu.vector_load %arg6[%get3A, %get3A_41] {strides = array<i32>} : memref<32x1024xf32, #tpu.memory_space<vmem>>, vector<1x16xf32>,
      %get3A_43 = vector.shape_cast %get3A_42 : vector<1x16xf32> to vector<16xf32>
      %get3A_44 = arith.index_cast %scan3A_40 : i32 to index
      %get3A_45 = arith.constant 0 : index
      %get3A_46 = tpu.vector_load %arg7[%get3A_44, %get3A_45] {strides = array<i32>} : memref<32x1024xf32, #tpu.memory_space<vmem>>, vector<1x16xf32>,
      %get3A_47 = vector.shape_cast %get3A_46 : vector<1x16xf32> to vector<16xf32>
      %add3A_48 = arith.addf %get3A_43, %get3A_47 : vector<16xf32>
      %swap3A = arith.index_cast %scan3A_40 : i32 to index
      %swap3A_49 = arith.constant 0 : index
      %swap3A_50 = tpu.vector_load %arg8[%swap3A, %swap3A_49] {strides = array<i32>} : memref<32x1024xf32, #tpu.memory_space<vmem>>, vector<1x16xf32>,
      %swap3A_51 = vector.shape_cast %swap3A_50 : vector<1x16xf32> to vector<16xf32>
      %swap3A_52 = vector.shape_cast %add3A_48 : vector<16xf32> to vector<1x16xf32>
      tpu.vector_store %arg8[%swap3A, %swap3A_49], %swap3A_52 {strides = array<i32>} : memref<32x1024xf32, #tpu.memory_space<vmem>>, vector<1x16xf32>,
      %get3A_53 = arith.index_cast %scan3A_40 : i32 to index
      %get3A_54 = arith.constant 16 : index
      %get3A_55 = tpu.vector_load %arg6[%get3A_53, %get3A_54] {strides = array<i32>} : memref<32x1024xf32, #tpu.memory_space<vmem>>, vector<1x16xf32>,
      %get3A_56 = vector.shape_cast %get3A_55 : vector<1x16xf32> to vector<16xf32>
      %get3A_57 = arith.index_cast %scan3A_40 : i32 to index
      %get3A_58 = arith.constant 16 : index
      %get3A_59 = tpu.vector_load %arg7[%get3A_57, %get3A_58] {strides = array<i32>} : memref<32x1024xf32, #tpu.memory_space<vmem>>, vector<1x16xf32>,
      %get3A_60 = vector.shape_cast %get3A_59 : vector<1x16xf32> to vector<16xf32>
      %add3A_61 = arith.addf %get3A_56, %get3A_60 : vector<16xf32>
      %swap3A_62 = arith.index_cast %scan3A_40 : i32 to index
      %swap3A_63 = arith.constant 16 : index
      %swap3A_64 = tpu.vector_load %arg8[%swap3A_62, %swap3A_63] {strides = array<i32>} : memref<32x1024xf32, #tpu.memory_space<vmem>>, vector<1x16xf32>,
      %swap3A_65 = vector.shape_cast %swap3A_64 : vector<1x16xf32> to vector<16xf32>
      %swap3A_66 = vector.shape_cast %add3A_61 : vector<16xf32> to vector<1x16xf32>
      tpu.vector_store %arg8[%swap3A_62, %swap3A_63], %swap3A_66 {strides = array<i32>} : memref<32x1024xf32, #tpu.memory_space<vmem>>, vector<1x16xf32>,
      %get3A_67 = arith.index_cast %scan3A_40 : i32 to index
      %get3A_68 = arith.constant 32 : index
      %get3A_69 = tpu.vector_load %arg6[%get3A_67, %get3A_68] {strides = array<i32>} : memref<32x1024xf32, #tpu.memory_space<vmem>>, vector<1x16xf32>,
      %get3A_70 = vector.shape_cast %get3A_69 : vector<1x16xf32> to vector<16xf32>
      %get3A_71 = arith.index_cast %scan3A_40 : i32 to index
      %get3A_72 = arith.constant 32 : index
      %get3A_73 = tpu.vector_load %arg7[%get3A_71, %get3A_72] {strides = array<i32>} : memref<32x1024xf32, #tpu.memory_space<vmem>>, vector<1x16xf32>,
      %get3A_74 = vector.shape_cast %get3A_73 : vector<1x16xf32> to vector<16xf32>
      %add3A_75 = arith.addf %get3A_70, %get3A_74 : vector<16xf32>
      %swap3A_76 = arith.index_cast %scan3A_40 : i32 to index
      %swap3A_77 = arith.constant 32 : index
      %swap3A_78 = tpu.vector_load %arg8[%swap3A_76, %swap3A_77] {strides = array<i32>} : memref<32x1024xf32, #tpu.memory_space<vmem>>, vector<1x16xf32>,
      %swap3A_79 = vector.shape_cast %swap3A_78 : vector<1x16xf32> to vector<16xf32>
      %swap3A_80 = vector.shape_cast %add3A_75 : vector<16xf32> to vector<1x16xf32>
      tpu.vector_store %arg8[%swap3A_76, %swap3A_77], %swap3A_80 {strides = array<i32>} : memref<32x1024xf32, #tpu.memory_space<vmem>>, vector<1x16xf32>,
      %get3A_81 = arith.index_cast %scan3A_40 : i32 to index
      %get3A_82 = arith.constant 48 : index
      %get3A_83 = tpu.vector_load %arg6[%get3A_81, %get3A_82] {strides = array<i32>} : memref<32x1024xf32, #tpu.memory_space<vmem>>, vector<1x16xf32>,
      %get3A_84 = vector.shape_cast %get3A_83 : vector<1x16xf32> to vector<16xf32>
      %get3A_85 = arith.index_cast %scan3A_40 : i32 to index
      %get3A_86 = arith.constant 48 : index
      %get3A_87 = tpu.vector_load %arg7[%get3A_85, %get3A_86] {strides = array<i32>} : memref<32x1024xf32, #tpu.memory_space<vmem>>, vector<1x16xf32>,
      %get3A_88 = vector.shape_cast %get3A_87 : vector<1x16xf32> to vector<16xf32>
      %add3A_89 = arith.addf %get3A_84, %get3A_88 : vector<16xf32>
      %swap3A_90 = arith.index_cast %scan3A_40 : i32 to index
      %swap3A_91 = arith.constant 48 : index
      %swap3A_92 = tpu.vector_load %arg8[%swap3A_90, %swap3A_91] {strides = array<i32>} : memref<32x1024xf32, #tpu.memory_space<vmem>>, vector<1x16xf32>,
      %swap3A_93 = vector.shape_cast %swap3A_92 : vector<1x16xf32> to vector<16xf32>
      %swap3A_94 = vector.shape_cast %add3A_89 : vector<16xf32> to vector<1x16xf32>
      tpu.vector_store %arg8[%swap3A_90, %swap3A_91], %swap3A_94 {strides = array<i32>} : memref<32x1024xf32, #tpu.memory_space<vmem>>, vector<1x16xf32>,
      %get3A_95 = arith.index_cast %scan3A_40 : i32 to index
      %get3A_96 = arith.constant 64 : index
      %get3A_97 = tpu.vector_load %arg6[%get3A_95, %get3A_96] {strides = array<i32>} : memref<32x1024xf32, #tpu.memory_space<vmem>>, vector<1x16xf32>,
      %get3A_98 = vector.shape_cast %get3A_97 : vector<1x16xf32> to vector<16xf32>
      %get3A_99 = arith.index_cast %scan3A_40 : i32 to index
      %get3A_100 = arith.constant 64 : index
      %get3A_101 = tpu.vector_load %arg7[%get3A_99, %get3A_100] {strides = array<i32>} : memref<32x1024xf32, #tpu.memory_space<vmem>>, vector<1x16xf32>,
      %get3A_102 = vector.shape_cast %get3A_101 : vector<1x16xf32> to vector<16xf32>
      %add3A_103 = arith.addf %get3A_98, %get3A_102 : vector<16xf32>
      %swap3A_104 = arith.index_cast %scan3A_40 : i32 to index
      %swap3A_105 = arith.constant 64 : index
      %swap3A_106 = tpu.vector_load %arg8[%swap3A_104, %swap3A_105] {strides = array<i32>} : memref<32x1024xf32, #tpu.memory_space<vmem>>, vector<1x16xf32>,
      %swap3A_107 = vector.shape_cast %swap3A_106 : vector<1x16xf32> to vector<16xf32>
      %swap3A_108 = vector.shape_cast %add3A_103 : vector<16xf32> to vector<1x16xf32>
      tpu.vector_store %arg8[%swap3A_104, %swap3A_105], %swap3A_108 {strides = array<i32>} : memref<32x1024xf32, #tpu.memory_space<vmem>>, vector<1x16xf32>,
      %get3A_109 = arith.index_cast %scan3A_40 : i32 to index
      %get3A_110 = arith.constant 80 : index
      %get3A_111 = tpu.vector_load %arg6[%get3A_109, %get3A_110] {strides = array<i32>} : memref<32x1024xf32, #tpu.memory_space<vmem>>, vector<1x16xf32>,
      %get3A_112 = vector.shape_cast %get3A_111 : vector<1x16xf32> to vector<16xf32>
      %get3A_113 = arith.index_cast %scan3A_40 : i32 to index
      %get3A_114 = arith.constant 80 : index
      %get3A_115 = tpu.vector_load %arg7[%get3A_113, %get3A_114] {strides = array<i32>} : memref<32x1024xf32, #tpu.memory_space<vmem>>, vector<1x16xf32>,
      %get3A_116 = vector.shape_cast %get3A_115 : vector<1x16xf32> to vector<16xf32>
      %add3A_117 = arith.addf %get3A_112, %get3A_116 : vector<16xf32>
      %swap3A_118 = arith.index_cast %scan3A_40 : i32 to index
      %swap3A_119 = arith.constant 80 : index
      %swap3A_120 = tpu.vector_load %arg8[%swap3A_118, %swap3A_119] {strides = array<i32>} : memref<32x1024xf32, #tpu.memory_space<vmem>>, vector<1x16xf32>,
      %swap3A_121 = vector.shape_cast %swap3A_120 : vector<1x16xf32> to vector<16xf32>
      %swap3A_122 = vector.shape_cast %add3A_117 : vector<16xf32> to vector<1x16xf32>
      tpu.vector_store %arg8[%swap3A_118, %swap3A_119], %swap3A_122 {strides = array<i32>} : memref<32x1024xf32, #tpu.memory_space<vmem>>, vector<1x16xf32>,
      %get3A_123 = arith.index_cast %scan3A_40 : i32 to index
      %get3A_124 = arith.constant 96 : index
      %get3A_125 = tpu.vector_load %arg6[%get3A_123, %get3A_124] {strides = array<i32>} : memref<32x1024xf32, #tpu.memory_space<vmem>>, vector<1x16xf32>,
      %get3A_126 = vector.shape_cast %get3A_125 : vector<1x16xf32> to vector<16xf32>
      %get3A_127 = arith.index_cast %scan3A_40 : i32 to index
      %get3A_128 = arith.constant 96 : index
      %get3A_129 = tpu.vector_load %arg7[%get3A_127, %get3A_128] {strides = array<i32>} : memref<32x1024xf32, #tpu.memory_space<vmem>>, vector<1x16xf32>,
      %get3A_130 = vector.shape_cast %get3A_129 : vector<1x16xf32> to vector<16xf32>
      %add3A_131 = arith.addf %get3A_126, %get3A_130 : vector<16xf32>
      %swap3A_132 = arith.index_cast %scan3A_40 : i32 to index
      %swap3A_133 = arith.constant 96 : index
      %swap3A_134 = tpu.vector_load %arg8[%swap3A_132, %swap3A_133] {strides = array<i32>} : memref<32x1024xf32, #tpu.memory_space<vmem>>, vector<1x16xf32>,
      %swap3A_135 = vector.shape_cast %swap3A_134 : vector<1x16xf32> to vector<16xf32>
      %swap3A_136 = vector.shape_cast %add3A_131 : vector<16xf32> to vector<1x16xf32>
      tpu.vector_store %arg8[%swap3A_132, %swap3A_133], %swap3A_136 {strides = array<i32>} : memref<32x1024xf32, #tpu.memory_space<vmem>>, vector<1x16xf32>,
      %get3A_137 = arith.index_cast %scan3A_40 : i32 to index
      %get3A_138 = arith.constant 112 : index
      %get3A_139 = tpu.vector_load %arg6[%get3A_137, %get3A_138] {strides = array<i32>} : memref<32x1024xf32, #tpu.memory_space<vmem>>, vector<1x16xf32>,
      %get3A_140 = vector.shape_cast %get3A_139 : vector<1x16xf32> to vector<16xf32>
      %get3A_141 = arith.index_cast %scan3A_40 : i32 to index
      %get3A_142 = arith.constant 112 : index
      %get3A_143 = tpu.vector_load %arg7[%get3A_141, %get3A_142] {strides = array<i32>} : memref<32x1024xf32, #tpu.memory_space<vmem>>, vector<1x16xf32>,
      %get3A_144 = vector.shape_cast %get3A_143 : vector<1x16xf32> to vector<16xf32>
      %add3A_145 = arith.addf %get3A_140, %get3A_144 : vector<16xf32>
      %swap3A_146 = arith.index_cast %scan3A_40 : i32 to index
      %swap3A_147 = arith.constant 112 : index
      %swap3A_148 = tpu.vector_load %arg8[%swap3A_146, %swap3A_147] {strides = array<i32>} : memref<32x1024xf32, #tpu.memory_space<vmem>>, vector<1x16xf32>,
      %swap3A_149 = vector.shape_cast %swap3A_148 : vector<1x16xf32> to vector<16xf32>
      %swap3A_150 = vector.shape_cast %add3A_145 : vector<16xf32> to vector<1x16xf32>
      tpu.vector_store %arg8[%swap3A_146, %swap3A_147], %swap3A_150 {strides = array<i32>} : memref<32x1024xf32, #tpu.memory_space<vmem>>, vector<1x16xf32>,
      %get3A_151 = arith.index_cast %scan3A_40 : i32 to index
      %get3A_152 = arith.constant 128 : index
      %get3A_153 = tpu.vector_load %arg6[%get3A_151, %get3A_152] {strides = array<i32>} : memref<32x1024xf32, #tpu.memory_space<vmem>>, vector<1x16xf32>,
      %get3A_154 = vector.shape_cast %get3A_153 : vector<1x16xf32> to vector<16xf32>
      %get3A_155 = arith.index_cast %scan3A_40 : i32 to index
      %get3A_156 = arith.constant 128 : index
      %get3A_157 = tpu.vector_load %arg7[%get3A_155, %get3A_156] {strides = array<i32>} : memref<32x1024xf32, #tpu.memory_space<vmem>>, vector<1x16xf32>,
      %get3A_158 = vector.shape_cast %get3A_157 : vector<1x16xf32> to vector<16xf32>
      %add3A_159 = arith.addf %get3A_154, %get3A_158 : vector<16xf32>
      %swap3A_160 = arith.index_cast %scan3A_40 : i32 to index
      %swap3A_161 = arith.constant 128 : index
      %swap3A_162 = tpu.vector_load %arg8[%swap3A_160, %swap3A_161] {strides = array<i32>} : memref<32x1024xf32, #tpu.memory_space<vmem>>, vector<1x16xf32>,
      %swap3A_163 = vector.shape_cast %swap3A_162 : vector<1x16xf32> to vector<16xf32>
      %swap3A_164 = vector.shape_cast %add3A_159 : vector<16xf32> to vector<1x16xf32>
      tpu.vector_store %arg8[%swap3A_160, %swap3A_161], %swap3A_164 {strides = array<i32>} : memref<32x1024xf32, #tpu.memory_space<vmem>>, vector<1x16xf32>,
      %get3A_165 = arith.index_cast %scan3A_40 : i32 to index
      %get3A_166 = arith.constant 144 : index
      %get3A_167 = tpu.vector_load %arg6[%get3A_165, %get3A_166] {strides = array<i32>} : memref<32x1024xf32, #tpu.memory_space<vmem>>, vector<1x16xf32>,
      %get3A_168 = vector.shape_cast %get3A_167 : vector<1x16xf32> to vector<16xf32>
      %get3A_169 = arith.index_cast %scan3A_40 : i32 to index
      %get3A_170 = arith.constant 144 : index
      %get3A_171 = tpu.vector_load %arg7[%get3A_169, %get3A_170] {strides = array<i32>} : memref<32x1024xf32, #tpu.memory_space<vmem>>, vector<1x16xf32>,
      %get3A_172 = vector.shape_cast %get3A_171 : vector<1x16xf32> to vector<16xf32>
      %add3A_173 = arith.addf %get3A_168, %get3A_172 : vector<16xf32>
      %swap3A_174 = arith.index_cast %scan3A_40 : i32 to index
      %swap3A_175 = arith.constant 144 : index
      %swap3A_176 = tpu.vector_load %arg8[%swap3A_174, %swap3A_175] {strides = array<i32>} : memref<32x1024xf32, #tpu.memory_space<vmem>>, vector<1x16xf32>,
      %swap3A_177 = vector.shape_cast %swap3A_176 : vector<1x16xf32> to vector<16xf32>
      %swap3A_178 = vector.shape_cast %add3A_173 : vector<16xf32> to vector<1x16xf32>
      tpu.vector_store %arg8[%swap3A_174, %swap3A_175], %swap3A_178 {strides = array<i32>} : memref<32x1024xf32, #tpu.memory_space<vmem>>, vector<1x16xf32>,
      %get3A_179 = arith.index_cast %scan3A_40 : i32 to index
      %get3A_180 = arith.constant 160 : index
      %get3A_181 = tpu.vector_load %arg6[%get3A_179, %get3A_180] {strides = array<i32>} : memref<32x1024xf32, #tpu.memory_space<vmem>>, vector<1x16xf32>,
      %get3A_182 = vector.shape_cast %get3A_181 : vector<1x16xf32> to vector<16xf32>
      %get3A_183 = arith.index_cast %scan3A_40 : i32 to index
      %get3A_184 = arith.constant 160 : index
      %get3A_185 = tpu.vector_load %arg7[%get3A_183, %get3A_184] {strides = array<i32>} : memref<32x1024xf32, #tpu.memory_space<vmem>>, vector<1x16xf32>,
      %get3A_186 = vector.shape_cast %get3A_185 : vector<1x16xf32> to vector<16xf32>
      %add3A_187 = arith.addf %get3A_182, %get3A_186 : vector<16xf32>
      %swap3A_188 = arith.index_cast %scan3A_40 : i32 to index
      %swap3A_189 = arith.constant 160 : index
      %swap3A_190 = tpu.vector_load %arg8[%swap3A_188, %swap3A_189] {strides = array<i32>} : memref<32x1024xf32, #tpu.memory_space<vmem>>, vector<1x16xf32>,
      %swap3A_191 = vector.shape_cast %swap3A_190 : vector<1x16xf32> to vector<16xf32>
      %swap3A_192 = vector.shape_cast %add3A_187 : vector<16xf32> to vector<1x16xf32>
      tpu.vector_store %arg8[%swap3A_188, %swap3A_189], %swap3A_192 {strides = array<i32>} : memref<32x1024xf32, #tpu.memory_space<vmem>>, vector<1x16xf32>,
      %get3A_193 = arith.index_cast %scan3A_40 : i32 to index
      %get3A_194 = arith.constant 176 : index
      %get3A_195 = tpu.vector_load %arg6[%get3A_193, %get3A_194] {strides = array<i32>} : memref<32x1024xf32, #tpu.memory_space<vmem>>, vector<1x16xf32>,
      %get3A_196 = vector.shape_cast %get3A_195 : vector<1x16xf32> to vector<16xf32>
      %get3A_197 = arith.index_cast %scan3A_40 : i32 to index
      %get3A_198 = arith.constant 176 : index
      %get3A_199 = tpu.vector_load %arg7[%get3A_197, %get3A_198] {strides = array<i32>} : memref<32x1024xf32, #tpu.memory_space<vmem>>, vector<1x16xf32>,
      %get3A_200 = vector.shape_cast %get3A_199 : vector<1x16xf32> to vector<16xf32>
      %add3A_201 = arith.addf %get3A_196, %get3A_200 : vector<16xf32>
      %swap3A_202 = arith.index_cast %scan3A_40 : i32 to index
      %swap3A_203 = arith.constant 176 : index
      %swap3A_204 = tpu.vector_load %arg8[%swap3A_202, %swap3A_203] {strides = array<i32>} : memref<32x1024xf32, #tpu.memory_space<vmem>>, vector<1x16xf32>,
      %swap3A_205 = vector.shape_cast %swap3A_204 : vector<1x16xf32> to vector<16xf32>
      %swap3A_206 = vector.shape_cast %add3A_201 : vector<16xf32> to vector<1x16xf32>
      tpu.vector_store %arg8[%swap3A_202, %swap3A_203], %swap3A_206 {strides = array<i32>} : memref<32x1024xf32, #tpu.memory_space<vmem>>, vector<1x16xf32>,
      %get3A_207 = arith.index_cast %scan3A_40 : i32 to index
      %get3A_208 = arith.constant 192 : index
      %get3A_209 = tpu.vector_load %arg6[%get3A_207, %get3A_208] {strides = array<i32>} : memref<32x1024xf32, #tpu.memory_space<vmem>>, vector<1x16xf32>,
      %get3A_210 = vector.shape_cast %get3A_209 : vector<1x16xf32> to vector<16xf32>
      %get3A_211 = arith.index_cast %scan3A_40 : i32 to index
      %get3A_212 = arith.constant 192 : index
      %get3A_213 = tpu.vector_load %arg7[%get3A_211, %get3A_212] {strides = array<i32>} : memref<32x1024xf32, #tpu.memory_space<vmem>>, vector<1x16xf32>,
      %get3A_214 = vector.shape_cast %get3A_213 : vector<1x16xf32> to vector<16xf32>
      %add3A_215 = arith.addf %get3A_210, %get3A_214 : vector<16xf32>
      %swap3A_216 = arith.index_cast %scan3A_40 : i32 to index
      %swap3A_217 = arith.constant 192 : index
      %swap3A_218 = tpu.vector_load %arg8[%swap3A_216, %swap3A_217] {strides = array<i32>} : memref<32x1024xf32, #tpu.memory_space<vmem>>, vector<1x16xf32>,
      %swap3A_219 = vector.shape_cast %swap3A_218 : vector<1x16xf32> to vector<16xf32>
      %swap3A_220 = vector.shape_cast %add3A_215 : vector<16xf32> to vector<1x16xf32>
      tpu.vector_store %arg8[%swap3A_216, %swap3A_217], %swap3A_220 {strides = array<i32>} : memref<32x1024xf32, #tpu.memory_space<vmem>>, vector<1x16xf32>,
      %get3A_221 = arith.index_cast %scan3A_40 : i32 to index
      %get3A_222 = arith.constant 208 : index
      %get3A_223 = tpu.vector_load %arg6[%get3A_221, %get3A_222] {strides = array<i32>} : memref<32x1024xf32, #tpu.memory_space<vmem>>, vector<1x16xf32>,
      %get3A_224 = vector.shape_cast %get3A_223 : vector<1x16xf32> to vector<16xf32>
      %get3A_225 = arith.index_cast %scan3A_40 : i32 to index
      %get3A_226 = arith.constant 208 : index
      %get3A_227 = tpu.vector_load %arg7[%get3A_225, %get3A_226] {strides = array<i32>} : memref<32x1024xf32, #tpu.memory_space<vmem>>, vector<1x16xf32>,
      %get3A_228 = vector.shape_cast %get3A_227 : vector<1x16xf32> to vector<16xf32>
      %add3A_229 = arith.addf %get3A_224, %get3A_228 : vector<16xf32>
      %swap3A_230 = arith.index_cast %scan3A_40 : i32 to index
      %swap3A_231 = arith.constant 208 : index
      %swap3A_232 = tpu.vector_load %arg8[%swap3A_230, %swap3A_231] {strides = array<i32>} : memref<32x1024xf32, #tpu.memory_space<vmem>>, vector<1x16xf32>,
      %swap3A_233 = vector.shape_cast %swap3A_232 : vector<1x16xf32> to vector<16xf32>
      %swap3A_234 = vector.shape_cast %add3A_229 : vector<16xf32> to vector<1x16xf32>
      tpu.vector_store %arg8[%swap3A_230, %swap3A_231], %swap3A_234 {strides = array<i32>} : memref<32x1024xf32, #tpu.memory_space<vmem>>, vector<1x16xf32>,
      %get3A_235 = arith.index_cast %scan3A_40 : i32 to index
      %get3A_236 = arith.constant 224 : index
      %get3A_237 = tpu.vector_load %arg6[%get3A_235, %get3A_236] {strides = array<i32>} : memref<32x1024xf32, #tpu.memory_space<vmem>>, vector<1x16xf32>,
      %get3A_238 = vector.shape_cast %get3A_237 : vector<1x16xf32> to vector<16xf32>
      %get3A_239 = arith.index_cast %scan3A_40 : i32 to index
      %get3A_240 = arith.constant 224 : index
      %get3A_241 = tpu.vector_load %arg7[%get3A_239, %get3A_240] {strides = array<i32>} : memref<32x1024xf32, #tpu.memory_space<vmem>>, vector<1x16xf32>,
      %get3A_242 = vector.shape_cast %get3A_241 : vector<1x16xf32> to vector<16xf32>
      %add3A_243 = arith.addf %get3A_238, %get3A_242 : vector<16xf32>
      %swap3A_244 = arith.index_cast %scan3A_40 : i32 to index
      %swap3A_245 = arith.constant 224 : index
      %swap3A_246 = tpu.vector_load %arg8[%swap3A_244, %swap3A_245] {strides = array<i32>} : memref<32x1024xf32, #tpu.memory_space<vmem>>, vector<1x16xf32>,
      %swap3A_247 = vector.shape_cast %swap3A_246 : vector<1x16xf32> to vector<16xf32>
      %swap3A_248 = vector.shape_cast %add3A_243 : vector<16xf32> to vector<1x16xf32>
      tpu.vector_store %arg8[%swap3A_244, %swap3A_245], %swap3A_248 {strides = array<i32>} : memref<32x1024xf32, #tpu.memory_space<vmem>>, vector<1x16xf32>,
      %get3A_249 = arith.index_cast %scan3A_40 : i32 to index
      %get3A_250 = arith.constant 240 : index
      %get3A_251 = tpu.vector_load %arg6[%get3A_249, %get3A_250] {strides = array<i32>} : memref<32x1024xf32, #tpu.memory_space<vmem>>, vector<1x16xf32>,
      %get3A_252 = vector.shape_cast %get3A_251 : vector<1x16xf32> to vector<16xf32>
      %get3A_253 = arith.index_cast %scan3A_40 : i32 to index
      %get3A_254 = arith.constant 240 : index
      %get3A_255 = tpu.vector_load %arg7[%get3A_253, %get3A_254] {strides = array<i32>} : memref<32x1024xf32, #tpu.memory_space<vmem>>, vector<1x16xf32>,
      %get3A_256 = vector.shape_cast %get3A_255 : vector<1x16xf32> to vector<16xf32>
      %add3A_257 = arith.addf %get3A_252, %get3A_256 : vector<16xf32>
      %swap3A_258 = arith.index_cast %scan3A_40 : i32 to index
      %swap3A_259 = arith.constant 240 : index
      %swap3A_260 = tpu.vector_load %arg8[%swap3A_258, %swap3A_259] {strides = array<i32>} : memref<32x1024xf32, #tpu.memory_space<vmem>>, vector<1x16xf32>,
      %swap3A_261 = vector.shape_cast %swap3A_260 : vector<1x16xf32> to vector<16xf32>
      %swap3A_262 = vector.shape_cast %add3A_257 : vector<16xf32> to vector<1x16xf32>
      tpu.vector_store %arg8[%swap3A_258, %swap3A_259], %swap3A_262 {strides = array<i32>} : memref<32x1024xf32, #tpu.memory_space<vmem>>, vector<1x16xf32>,
      %get3A_263 = arith.index_cast %scan3A_40 : i32 to index
      %get3A_264 = arith.constant 256 : index
      %get3A_265 = tpu.vector_load %arg6[%get3A_263, %get3A_264] {strides = array<i32>} : memref<32x1024xf32, #tpu.memory_space<vmem>>, vector<1x16xf32>,
      %get3A_266 = vector.shape_cast %get3A_265 : vector<1x16xf32> to vector<16xf32>
      %get3A_267 = arith.index_cast %scan3A_40 : i32 to index
      %get3A_268 = arith.constant 256 : index
      %get3A_269 = tpu.vector_load %arg7[%get3A_267, %get3A_268] {strides = array<i32>} : memref<32x1024xf32, #tpu.memory_space<vmem>>, vector<1x16xf32>,
      %get3A_270 = vector.shape_cast %get3A_269 : vector<1x16xf32> to vector<16xf32>
      %add3A_271 = arith.addf %get3A_266, %get3A_270 : vector<16xf32>
      %swap3A_272 = arith.index_cast %scan3A_40 : i32 to index
      %swap3A_273 = arith.constant 256 : index
      %swap3A_274 = tpu.vector_load %arg8[%swap3A_272, %swap3A_273] {strides = array<i32>} : memref<32x1024xf32, #tpu.memory_space<vmem>>, vector<1x16xf32>,
      %swap3A_275 = vector.shape_cast %swap3A_274 : vector<1x16xf32> to vector<16xf32>
      %swap3A_276 = vector.shape_cast %add3A_271 : vector<16xf32> to vector<1x16xf32>
      tpu.vector_store %arg8[%swap3A_272, %swap3A_273], %swap3A_276 {strides = array<i32>} : memref<32x1024xf32, #tpu.memory_space<vmem>>, vector<1x16xf32>,
      %get3A_277 = arith.index_cast %scan3A_40 : i32 to index
      %get3A_278 = arith.constant 272 : index
      %get3A_279 = tpu.vector_load %arg6[%get3A_277, %get3A_278] {strides = array<i32>} : memref<32x1024xf32, #tpu.memory_space<vmem>>, vector<1x16xf32>,
      %get3A_280 = vector.shape_cast %get3A_279 : vector<1x16xf32> to vector<16xf32>
      %get3A_281 = arith.index_cast %scan3A_40 : i32 to index
      %get3A_282 = arith.constant 272 : index
      %get3A_283 = tpu.vector_load %arg7[%get3A_281, %get3A_282] {strides = array<i32>} : memref<32x1024xf32, #tpu.memory_space<vmem>>, vector<1x16xf32>,
      %get3A_284 = vector.shape_cast %get3A_283 : vector<1x16xf32> to vector<16xf32>
      %add3A_285 = arith.addf %get3A_280, %get3A_284 : vector<16xf32>
      %swap3A_286 = arith.index_cast %scan3A_40 : i32 to index
      %swap3A_287 = arith.constant 272 : index
      %swap3A_288 = tpu.vector_load %arg8[%swap3A_286, %swap3A_287] {strides = array<i32>} : memref<32x1024xf32, #tpu.memory_space<vmem>>, vector<1x16xf32>,
      %swap3A_289 = vector.shape_cast %swap3A_288 : vector<1x16xf32> to vector<16xf32>
      %swap3A_290 = vector.shape_cast %add3A_285 : vector<16xf32> to vector<1x16xf32>
      tpu.vector_store %arg8[%swap3A_286, %swap3A_287], %swap3A_290 {strides = array<i32>} : memref<32x1024xf32, #tpu.memory_space<vmem>>, vector<1x16xf32>,
      %get3A_291 = arith.index_cast %scan3A_40 : i32 to index
      %get3A_292 = arith.constant 288 : index
      %get3A_293 = tpu.vector_load %arg6[%get3A_291, %get3A_292] {strides = array<i32>} : memref<32x1024xf32, #tpu.memory_space<vmem>>, vector<1x16xf32>,
      %get3A_294 = vector.shape_cast %get3A_293 : vector<1x16xf32> to vector<16xf32>
      %get3A_295 = arith.index_cast %scan3A_40 : i32 to index
      %get3A_296 = arith.constant 288 : index
      %get3A_297 = tpu.vector_load %arg7[%get3A_295, %get3A_296] {strides = array<i32>} : memref<32x1024xf32, #tpu.memory_space<vmem>>, vector<1x16xf32>,
      %get3A_298 = vector.shape_cast %get3A_297 : vector<1x16xf32> to vector<16xf32>
      %add3A_299 = arith.addf %get3A_294, %get3A_298 : vector<16xf32>
      %swap3A_300 = arith.index_cast %scan3A_40 : i32 to index
      %swap3A_301 = arith.constant 288 : index
      %swap3A_302 = tpu.vector_load %arg8[%swap3A_300, %swap3A_301] {strides = array<i32>} : memref<32x1024xf32, #tpu.memory_space<vmem>>, vector<1x16xf32>,
      %swap3A_303 = vector.shape_cast %swap3A_302 : vector<1x16xf32> to vector<16xf32>
      %swap3A_304 = vector.shape_cast %add3A_299 : vector<16xf32> to vector<1x16xf32>
      tpu.vector_store %arg8[%swap3A_300, %swap3A_301], %swap3A_304 {strides = array<i32>} : memref<32x1024xf32, #tpu.memory_space<vmem>>, vector<1x16xf32>,
      %get3A_305 = arith.index_cast %scan3A_40 : i32 to index
      %get3A_306 = arith.constant 304 : index
      %get3A_307 = tpu.vector_load %arg6[%get3A_305, %get3A_306] {strides = array<i32>} : memref<32x1024xf32, #tpu.memory_space<vmem>>, vector<1x16xf32>,
      %get3A_308 = vector.shape_cast %get3A_307 : vector<1x16xf32> to vector<16xf32>
      %get3A_309 = arith.index_cast %scan3A_40 : i32 to index
      %get3A_310 = arith.constant 304 : index
      %get3A_311 = tpu.vector_load %arg7[%get3A_309, %get3A_310] {strides = array<i32>} : memref<32x1024xf32, #tpu.memory_space<vmem>>, vector<1x16xf32>,
      %get3A_312 = vector.shape_cast %get3A_311 : vector<1x16xf32> to vector<16xf32>
      %add3A_313 = arith.addf %get3A_308, %get3A_312 : vector<16xf32>
      %swap3A_314 = arith.index_cast %scan3A_40 : i32 to index
      %swap3A_315 = arith.constant 304 : index
      %swap3A_316 = tpu.vector_load %arg8[%swap3A_314, %swap3A_315] {strides = array<i32>} : memref<32x1024xf32, #tpu.memory_space<vmem>>, vector<1x16xf32>,
      %swap3A_317 = vector.shape_cast %swap3A_316 : vector<1x16xf32> to vector<16xf32>
      %swap3A_318 = vector.shape_cast %add3A_313 : vector<16xf32> to vector<1x16xf32>
      tpu.vector_store %arg8[%swap3A_314, %swap3A_315], %swap3A_318 {strides = array<i32>} : memref<32x1024xf32, #tpu.memory_space<vmem>>, vector<1x16xf32>,
      %get3A_319 = arith.index_cast %scan3A_40 : i32 to index
      %get3A_320 = arith.constant 320 : index
      %get3A_321 = tpu.vector_load %arg6[%get3A_319, %get3A_320] {strides = array<i32>} : memref<32x1024xf32, #tpu.memory_space<vmem>>, vector<1x16xf32>,
      %get3A_322 = vector.shape_cast %get3A_321 : vector<1x16xf32> to vector<16xf32>
      %get3A_323 = arith.index_cast %scan3A_40 : i32 to index
      %get3A_324 = arith.constant 320 : index
      %get3A_325 = tpu.vector_load %arg7[%get3A_323, %get3A_324] {strides = array<i32>} : memref<32x1024xf32, #tpu.memory_space<vmem>>, vector<1x16xf32>,
      %get3A_326 = vector.shape_cast %get3A_325 : vector<1x16xf32> to vector<16xf32>
      %add3A_327 = arith.addf %get3A_322, %get3A_326 : vector<16xf32>
      %swap3A_328 = arith.index_cast %scan3A_40 : i32 to index
      %swap3A_329 = arith.constant 320 : index
      %swap3A_330 = tpu.vector_load %arg8[%swap3A_328, %swap3A_329] {strides = array<i32>} : memref<32x1024xf32, #tpu.memory_space<vmem>>, vector<1x16xf32>,
      %swap3A_331 = vector.shape_cast %swap3A_330 : vector<1x16xf32> to vector<16xf32>
      %swap3A_332 = vector.shape_cast %add3A_327 : vector<16xf32> to vector<1x16xf32>
      tpu.vector_store %arg8[%swap3A_328, %swap3A_329], %swap3A_332 {strides = array<i32>} : memref<32x1024xf32, #tpu.memory_space<vmem>>, vector<1x16xf32>,
      %get3A_333 = arith.index_cast %scan3A_40 : i32 to index
      %get3A_334 = arith.constant 336 : index
      %get3A_335 = tpu.vector_load %arg6[%get3A_333, %get3A_334] {strides = array<i32>} : memref<32x1024xf32, #tpu.memory_space<vmem>>, vector<1x16xf32>,
      %get3A_336 = vector.shape_cast %get3A_335 : vector<1x16xf32> to vector<16xf32>
      %get3A_337 = arith.index_cast %scan3A_40 : i32 to index
      %get3A_338 = arith.constant 336 : index
      %get3A_339 = tpu.vector_load %arg7[%get3A_337, %get3A_338] {strides = array<i32>} : memref<32x1024xf32, #tpu.memory_space<vmem>>, vector<1x16xf32>,
      %get3A_340 = vector.shape_cast %get3A_339 : vector<1x16xf32> to vector<16xf32>
      %add3A_341 = arith.addf %get3A_336, %get3A_340 : vector<16xf32>
      %swap3A_342 = arith.index_cast %scan3A_40 : i32 to index
      %swap3A_343 = arith.constant 336 : index
      %swap3A_344 = tpu.vector_load %arg8[%swap3A_342, %swap3A_343] {strides = array<i32>} : memref<32x1024xf32, #tpu.memory_space<vmem>>, vector<1x16xf32>,
      %swap3A_345 = vector.shape_cast %swap3A_344 : vector<1x16xf32> to vector<16xf32>
      %swap3A_346 = vector.shape_cast %add3A_341 : vector<16xf32> to vector<1x16xf32>
      tpu.vector_store %arg8[%swap3A_342, %swap3A_343], %swap3A_346 {strides = array<i32>} : memref<32x1024xf32, #tpu.memory_space<vmem>>, vector<1x16xf32>,
      %get3A_347 = arith.index_cast %scan3A_40 : i32 to index
      %get3A_348 = arith.constant 352 : index
      %get3A_349 = tpu.vector_load %arg6[%get3A_347, %get3A_348] {strides = array<i32>} : memref<32x1024xf32, #tpu.memory_space<vmem>>, vector<1x16xf32>,
      %get3A_350 = vector.shape_cast %get3A_349 : vector<1x16xf32> to vector<16xf32>
      %get3A_351 = arith.index_cast %scan3A_40 : i32 to index
      %get3A_352 = arith.constant 352 : index
      %get3A_353 = tpu.vector_load %arg7[%get3A_351, %get3A_352] {strides = array<i32>} : memref<32x1024xf32, #tpu.memory_space<vmem>>, vector<1x16xf32>,
      %get3A_354 = vector.shape_cast %get3A_353 : vector<1x16xf32> to vector<16xf32>
      %add3A_355 = arith.addf %get3A_350, %get3A_354 : vector<16xf32>
      %swap3A_356 = arith.index_cast %scan3A_40 : i32 to index
      %swap3A_357 = arith.constant 352 : index
      %swap3A_358 = tpu.vector_load %arg8[%swap3A_356, %swap3A_357] {strides = array<i32>} : memref<32x1024xf32, #tpu.memory_space<vmem>>, vector<1x16xf32>,
      %swap3A_359 = vector.shape_cast %swap3A_358 : vector<1x16xf32> to vector<16xf32>
      %swap3A_360 = vector.shape_cast %add3A_355 : vector<16xf32> to vector<1x16xf32>
      tpu.vector_store %arg8[%swap3A_356, %swap3A_357], %swap3A_360 {strides = array<i32>} : memref<32x1024xf32, #tpu.memory_space<vmem>>, vector<1x16xf32>,
      %get3A_361 = arith.index_cast %scan3A_40 : i32 to index
      %get3A_362 = arith.constant 368 : index
      %get3A_363 = tpu.vector_load %arg6[%get3A_361, %get3A_362] {strides = array<i32>} : memref<32x1024xf32, #tpu.memory_space<vmem>>, vector<1x16xf32>,
      %get3A_364 = vector.shape_cast %get3A_363 : vector<1x16xf32> to vector<16xf32>
      %get3A_365 = arith.index_cast %scan3A_40 : i32 to index
      %get3A_366 = arith.constant 368 : index
      %get3A_367 = tpu.vector_load %arg7[%get3A_365, %get3A_366] {strides = array<i32>} : memref<32x1024xf32, #tpu.memory_space<vmem>>, vector<1x16xf32>,
      %get3A_368 = vector.shape_cast %get3A_367 : vector<1x16xf32> to vector<16xf32>
      %add3A_369 = arith.addf %get3A_364, %get3A_368 : vector<16xf32>
      %swap3A_370 = arith.index_cast %scan3A_40 : i32 to index
      %swap3A_371 = arith.constant 368 : index
      %swap3A_372 = tpu.vector_load %arg8[%swap3A_370, %swap3A_371] {strides = array<i32>} : memref<32x1024xf32, #tpu.memory_space<vmem>>, vector<1x16xf32>,
      %swap3A_373 = vector.shape_cast %swap3A_372 : vector<1x16xf32> to vector<16xf32>
      %swap3A_374 = vector.shape_cast %add3A_369 : vector<16xf32> to vector<1x16xf32>
      tpu.vector_store %arg8[%swap3A_370, %swap3A_371], %swap3A_374 {strides = array<i32>} : memref<32x1024xf32, #tpu.memory_space<vmem>>, vector<1x16xf32>,
      %get3A_375 = arith.index_cast %scan3A_40 : i32 to index
      %get3A_376 = arith.constant 384 : index
      %get3A_377 = tpu.vector_load %arg6[%get3A_375, %get3A_376] {strides = array<i32>} : memref<32x1024xf32, #tpu.memory_space<vmem>>, vector<1x16xf32>,
      %get3A_378 = vector.shape_cast %get3A_377 : vector<1x16xf32> to vector<16xf32>
      %get3A_379 = arith.index_cast %scan3A_40 : i32 to index
      %get3A_380 = arith.constant 384 : index
      %get3A_381 = tpu.vector_load %arg7[%get3A_379, %get3A_380] {strides = array<i32>} : memref<32x1024xf32, #tpu.memory_space<vmem>>, vector<1x16xf32>,
      %get3A_382 = vector.shape_cast %get3A_381 : vector<1x16xf32> to vector<16xf32>
      %add3A_383 = arith.addf %get3A_378, %get3A_382 : vector<16xf32>
      %swap3A_384 = arith.index_cast %scan3A_40 : i32 to index
      %swap3A_385 = arith.constant 384 : index
      %swap3A_386 = tpu.vector_load %arg8[%swap3A_384, %swap3A_385] {strides = array<i32>} : memref<32x1024xf32, #tpu.memory_space<vmem>>, vector<1x16xf32>,
      %swap3A_387 = vector.shape_cast %swap3A_386 : vector<1x16xf32> to vector<16xf32>
      %swap3A_388 = vector.shape_cast %add3A_383 : vector<16xf32> to vector<1x16xf32>
      tpu.vector_store %arg8[%swap3A_384, %swap3A_385], %swap3A_388 {strides = array<i32>} : memref<32x1024xf32, #tpu.memory_space<vmem>>, vector<1x16xf32>,
      %get3A_389 = arith.index_cast %scan3A_40 : i32 to index
      %get3A_390 = arith.constant 400 : index
      %get3A_391 = tpu.vector_load %arg6[%get3A_389, %get3A_390] {strides = array<i32>} : memref<32x1024xf32, #tpu.memory_space<vmem>>, vector<1x16xf32>,
      %get3A_392 = vector.shape_cast %get3A_391 : vector<1x16xf32> to vector<16xf32>
      %get3A_393 = arith.index_cast %scan3A_40 : i32 to index
      %get3A_394 = arith.constant 400 : index
      %get3A_395 = tpu.vector_load %arg7[%get3A_393, %get3A_394] {strides = array<i32>} : memref<32x1024xf32, #tpu.memory_space<vmem>>, vector<1x16xf32>,
      %get3A_396 = vector.shape_cast %get3A_395 : vector<1x16xf32> to vector<16xf32>
      %add3A_397 = arith.addf %get3A_392, %get3A_396 : vector<16xf32>
      %swap3A_398 = arith.index_cast %scan3A_40 : i32 to index
      %swap3A_399 = arith.constant 400 : index
      %swap3A_400 = tpu.vector_load %arg8[%swap3A_398, %swap3A_399] {strides = array<i32>} : memref<32x1024xf32, #tpu.memory_space<vmem>>, vector<1x16xf32>,
      %swap3A_401 = vector.shape_cast %swap3A_400 : vector<1x16xf32> to vector<16xf32>
      %swap3A_402 = vector.shape_cast %add3A_397 : vector<16xf32> to vector<1x16xf32>
      tpu.vector_store %arg8[%swap3A_398, %swap3A_399], %swap3A_402 {strides = array<i32>} : memref<32x1024xf32, #tpu.memory_space<vmem>>, vector<1x16xf32>,
      %get3A_403 = arith.index_cast %scan3A_40 : i32 to index
      %get3A_404 = arith.constant 416 : index
      %get3A_405 = tpu.vector_load %arg6[%get3A_403, %get3A_404] {strides = array<i32>} : memref<32x1024xf32, #tpu.memory_space<vmem>>, vector<1x16xf32>,
      %get3A_406 = vector.shape_cast %get3A_405 : vector<1x16xf32> to vector<16xf32>
      %get3A_407 = arith.index_cast %scan3A_40 : i32 to index
      %get3A_408 = arith.constant 416 : index
      %get3A_409 = tpu.vector_load %arg7[%get3A_407, %get3A_408] {strides = array<i32>} : memref<32x1024xf32, #tpu.memory_space<vmem>>, vector<1x16xf32>,
      %get3A_410 = vector.shape_cast %get3A_409 : vector<1x16xf32> to vector<16xf32>
      %add3A_411 = arith.addf %get3A_406, %get3A_410 : vector<16xf32>
      %swap3A_412 = arith.index_cast %scan3A_40 : i32 to index
      %swap3A_413 = arith.constant 416 : index
      %swap3A_414 = tpu.vector_load %arg8[%swap3A_412, %swap3A_413] {strides = array<i32>} : memref<32x1024xf32, #tpu.memory_space<vmem>>, vector<1x16xf32>,
      %swap3A_415 = vector.shape_cast %swap3A_414 : vector<1x16xf32> to vector<16xf32>
      %swap3A_416 = vector.shape_cast %add3A_411 : vector<16xf32> to vector<1x16xf32>
      tpu.vector_store %arg8[%swap3A_412, %swap3A_413], %swap3A_416 {strides = array<i32>} : memref<32x1024xf32, #tpu.memory_space<vmem>>, vector<1x16xf32>,
      %get3A_417 = arith.index_cast %scan3A_40 : i32 to index
      %get3A_418 = arith.constant 432 : index
      %get3A_419 = tpu.vector_load %arg6[%get3A_417, %get3A_418] {strides = array<i32>} : memref<32x1024xf32, #tpu.memory_space<vmem>>, vector<1x16xf32>,
      %get3A_420 = vector.shape_cast %get3A_419 : vector<1x16xf32> to vector<16xf32>
      %get3A_421 = arith.index_cast %scan3A_40 : i32 to index
      %get3A_422 = arith.constant 432 : index
      %get3A_423 = tpu.vector_load %arg7[%get3A_421, %get3A_422] {strides = array<i32>} : memref<32x1024xf32, #tpu.memory_space<vmem>>, vector<1x16xf32>,
      %get3A_424 = vector.shape_cast %get3A_423 : vector<1x16xf32> to vector<16xf32>
      %add3A_425 = arith.addf %get3A_420, %get3A_424 : vector<16xf32>
      %swap3A_426 = arith.index_cast %scan3A_40 : i32 to index
      %swap3A_427 = arith.constant 432 : index
      %swap3A_428 = tpu.vector_load %arg8[%swap3A_426, %swap3A_427] {strides = array<i32>} : memref<32x1024xf32, #tpu.memory_space<vmem>>, vector<1x16xf32>,
      %swap3A_429 = vector.shape_cast %swap3A_428 : vector<1x16xf32> to vector<16xf32>
      %swap3A_430 = vector.shape_cast %add3A_425 : vector<16xf32> to vector<1x16xf32>
      tpu.vector_store %arg8[%swap3A_426, %swap3A_427], %swap3A_430 {strides = array<i32>} : memref<32x1024xf32, #tpu.memory_space<vmem>>, vector<1x16xf32>,
      %get3A_431 = arith.index_cast %scan3A_40 : i32 to index
      %get3A_432 = arith.constant 448 : index
      %get3A_433 = tpu.vector_load %arg6[%get3A_431, %get3A_432] {strides = array<i32>} : memref<32x1024xf32, #tpu.memory_space<vmem>>, vector<1x16xf32>,
      %get3A_434 = vector.shape_cast %get3A_433 : vector<1x16xf32> to vector<16xf32>
      %get3A_435 = arith.index_cast %scan3A_40 : i32 to index
      %get3A_436 = arith.constant 448 : index
      %get3A_437 = tpu.vector_load %arg7[%get3A_435, %get3A_436] {strides = array<i32>} : memref<32x1024xf32, #tpu.memory_space<vmem>>, vector<1x16xf32>,
      %get3A_438 = vector.shape_cast %get3A_437 : vector<1x16xf32> to vector<16xf32>
      %add3A_439 = arith.addf %get3A_434, %get3A_438 : vector<16xf32>
      %swap3A_440 = arith.index_cast %scan3A_40 : i32 to index
      %swap3A_441 = arith.constant 448 : index
      %swap3A_442 = tpu.vector_load %arg8[%swap3A_440, %swap3A_441] {strides = array<i32>} : memref<32x1024xf32, #tpu.memory_space<vmem>>, vector<1x16xf32>,
      %swap3A_443 = vector.shape_cast %swap3A_442 : vector<1x16xf32> to vector<16xf32>
      %swap3A_444 = vector.shape_cast %add3A_439 : vector<16xf32> to vector<1x16xf32>
      tpu.vector_store %arg8[%swap3A_440, %swap3A_441], %swap3A_444 {strides = array<i32>} : memref<32x1024xf32, #tpu.memory_space<vmem>>, vector<1x16xf32>,
      %get3A_445 = arith.index_cast %scan3A_40 : i32 to index
      %get3A_446 = arith.constant 464 : index
      %get3A_447 = tpu.vector_load %arg6[%get3A_445, %get3A_446] {strides = array<i32>} : memref<32x1024xf32, #tpu.memory_space<vmem>>, vector<1x16xf32>,
      %get3A_448 = vector.shape_cast %get3A_447 : vector<1x16xf32> to vector<16xf32>
      %get3A_449 = arith.index_cast %scan3A_40 : i32 to index
      %get3A_450 = arith.constant 464 : index
      %get3A_451 = tpu.vector_load %arg7[%get3A_449, %get3A_450] {strides = array<i32>} : memref<32x1024xf32, #tpu.memory_space<vmem>>, vector<1x16xf32>,
      %get3A_452 = vector.shape_cast %get3A_451 : vector<1x16xf32> to vector<16xf32>
      %add3A_453 = arith.addf %get3A_448, %get3A_452 : vector<16xf32>
      %swap3A_454 = arith.index_cast %scan3A_40 : i32 to index
      %swap3A_455 = arith.constant 464 : index
      %swap3A_456 = tpu.vector_load %arg8[%swap3A_454, %swap3A_455] {strides = array<i32>} : memref<32x1024xf32, #tpu.memory_space<vmem>>, vector<1x16xf32>,
      %swap3A_457 = vector.shape_cast %swap3A_456 : vector<1x16xf32> to vector<16xf32>
      %swap3A_458 = vector.shape_cast %add3A_453 : vector<16xf32> to vector<1x16xf32>
      tpu.vector_store %arg8[%swap3A_454, %swap3A_455], %swap3A_458 {strides = array<i32>} : memref<32x1024xf32, #tpu.memory_space<vmem>>, vector<1x16xf32>,
      %get3A_459 = arith.index_cast %scan3A_40 : i32 to index
      %get3A_460 = arith.constant 480 : index
      %get3A_461 = tpu.vector_load %arg6[%get3A_459, %get3A_460] {strides = array<i32>} : memref<32x1024xf32, #tpu.memory_space<vmem>>, vector<1x16xf32>,
      %get3A_462 = vector.shape_cast %get3A_461 : vector<1x16xf32> to vector<16xf32>
      %get3A_463 = arith.index_cast %scan3A_40 : i32 to index
      %get3A_464 = arith.constant 480 : index
      %get3A_465 = tpu.vector_load %arg7[%get3A_463, %get3A_464] {strides = array<i32>} : memref<32x1024xf32, #tpu.memory_space<vmem>>, vector<1x16xf32>,
      %get3A_466 = vector.shape_cast %get3A_465 : vector<1x16xf32> to vector<16xf32>
      %add3A_467 = arith.addf %get3A_462, %get3A_466 : vector<16xf32>
      %swap3A_468 = arith.index_cast %scan3A_40 : i32 to index
      %swap3A_469 = arith.constant 480 : index
      %swap3A_470 = tpu.vector_load %arg8[%swap3A_468, %swap3A_469] {strides = array<i32>} : memref<32x1024xf32, #tpu.memory_space<vmem>>, vector<1x16xf32>,
      %swap3A_471 = vector.shape_cast %swap3A_470 : vector<1x16xf32> to vector<16xf32>
      %swap3A_472 = vector.shape_cast %add3A_467 : vector<16xf32> to vector<1x16xf32>
      tpu.vector_store %arg8[%swap3A_468, %swap3A_469], %swap3A_472 {strides = array<i32>} : memref<32x1024xf32, #tpu.memory_space<vmem>>, vector<1x16xf32>,
      %get3A_473 = arith.index_cast %scan3A_40 : i32 to index
      %get3A_474 = arith.constant 496 : index
      %get3A_475 = tpu.vector_load %arg6[%get3A_473, %get3A_474] {strides = array<i32>} : memref<32x1024xf32, #tpu.memory_space<vmem>>, vector<1x16xf32>,
      %get3A_476 = vector.shape_cast %get3A_475 : vector<1x16xf32> to vector<16xf32>
      %get3A_477 = arith.index_cast %scan3A_40 : i32 to index
      %get3A_478 = arith.constant 496 : index
      %get3A_479 = tpu.vector_load %arg7[%get3A_477, %get3A_478] {strides = array<i32>} : memref<32x1024xf32, #tpu.memory_space<vmem>>, vector<1x16xf32>,
      %get3A_480 = vector.shape_cast %get3A_479 : vector<1x16xf32> to vector<16xf32>
      %add3A_481 = arith.addf %get3A_476, %get3A_480 : vector<16xf32>
      %swap3A_482 = arith.index_cast %scan3A_40 : i32 to index
      %swap3A_483 = arith.constant 496 : index
      %swap3A_484 = tpu.vector_load %arg8[%swap3A_482, %swap3A_483] {strides = array<i32>} : memref<32x1024xf32, #tpu.memory_space<vmem>>, vector<1x16xf32>,
      %swap3A_485 = vector.shape_cast %swap3A_484 : vector<1x16xf32> to vector<16xf32>
      %swap3A_486 = vector.shape_cast %add3A_481 : vector<16xf32> to vector<1x16xf32>
      tpu.vector_store %arg8[%swap3A_482, %swap3A_483], %swap3A_486 {strides = array<i32>} : memref<32x1024xf32, #tpu.memory_space<vmem>>, vector<1x16xf32>,
      %get3A_487 = arith.index_cast %scan3A_40 : i32 to index
      %get3A_488 = arith.constant 512 : index
      %get3A_489 = tpu.vector_load %arg6[%get3A_487, %get3A_488] {strides = array<i32>} : memref<32x1024xf32, #tpu.memory_space<vmem>>, vector<1x16xf32>,
      %get3A_490 = vector.shape_cast %get3A_489 : vector<1x16xf32> to vector<16xf32>
      %get3A_491 = arith.index_cast %scan3A_40 : i32 to index
      %get3A_492 = arith.constant 512 : index
      %get3A_493 = tpu.vector_load %arg7[%get3A_491, %get3A_492] {strides = array<i32>} : memref<32x1024xf32, #tpu.memory_space<vmem>>, vector<1x16xf32>,
      %get3A_494 = vector.shape_cast %get3A_493 : vector<1x16xf32> to vector<16xf32>
      %add3A_495 = arith.addf %get3A_490, %get3A_494 : vector<16xf32>
      %swap3A_496 = arith.index_cast %scan3A_40 : i32 to index
      %swap3A_497 = arith.constant 512 : index
      %swap3A_498 = tpu.vector_load %arg8[%swap3A_496, %swap3A_497] {strides = array<i32>} : memref<32x1024xf32, #tpu.memory_space<vmem>>, vector<1x16xf32>,
      %swap3A_499 = vector.shape_cast %swap3A_498 : vector<1x16xf32> to vector<16xf32>
      %swap3A_500 = vector.shape_cast %add3A_495 : vector<16xf32> to vector<1x16xf32>
      tpu.vector_store %arg8[%swap3A_496, %swap3A_497], %swap3A_500 {strides = array<i32>} : memref<32x1024xf32, #tpu.memory_space<vmem>>, vector<1x16xf32>,
      %get3A_501 = arith.index_cast %scan3A_40 : i32 to index
      %get3A_502 = arith.constant 528 : index
      %get3A_503 = tpu.vector_load %arg6[%get3A_501, %get3A_502] {strides = array<i32>} : memref<32x1024xf32, #tpu.memory_space<vmem>>, vector<1x16xf32>,
      %get3A_504 = vector.shape_cast %get3A_503 : vector<1x16xf32> to vector<16xf32>
      %get3A_505 = arith.index_cast %scan3A_40 : i32 to index
      %get3A_506 = arith.constant 528 : index
      %get3A_507 = tpu.vector_load %arg7[%get3A_505, %get3A_506] {strides = array<i32>} : memref<32x1024xf32, #tpu.memory_space<vmem>>, vector<1x16xf32>,
      %get3A_508 = vector.shape_cast %get3A_507 : vector<1x16xf32> to vector<16xf32>
      %add3A_509 = arith.addf %get3A_504, %get3A_508 : vector<16xf32>
      %swap3A_510 = arith.index_cast %scan3A_40 : i32 to index
      %swap3A_511 = arith.constant 528 : index
      %swap3A_512 = tpu.vector_load %arg8[%swap3A_510, %swap3A_511] {strides = array<i32>} : memref<32x1024xf32, #tpu.memory_space<vmem>>, vector<1x16xf32>,
      %swap3A_513 = vector.shape_cast %swap3A_512 : vector<1x16xf32> to vector<16xf32>
      %swap3A_514 = vector.shape_cast %add3A_509 : vector<16xf32> to vector<1x16xf32>
      tpu.vector_store %arg8[%swap3A_510, %swap3A_511], %swap3A_514 {strides = array<i32>} : memref<32x1024xf32, #tpu.memory_space<vmem>>, vector<1x16xf32>,
      %get3A_515 = arith.index_cast %scan3A_40 : i32 to index
      %get3A_516 = arith.constant 544 : index
      %get3A_517 = tpu.vector_load %arg6[%get3A_515, %get3A_516] {strides = array<i32>} : memref<32x1024xf32, #tpu.memory_space<vmem>>, vector<1x16xf32>,
      %get3A_518 = vector.shape_cast %get3A_517 : vector<1x16xf32> to vector<16xf32>
      %get3A_519 = arith.index_cast %scan3A_40 : i32 to index
      %get3A_520 = arith.constant 544 : index
      %get3A_521 = tpu.vector_load %arg7[%get3A_519, %get3A_520] {strides = array<i32>} : memref<32x1024xf32, #tpu.memory_space<vmem>>, vector<1x16xf32>,
      %get3A_522 = vector.shape_cast %get3A_521 : vector<1x16xf32> to vector<16xf32>
      %add3A_523 = arith.addf %get3A_518, %get3A_522 : vector<16xf32>
      %swap3A_524 = arith.index_cast %scan3A_40 : i32 to index
      %swap3A_525 = arith.constant 544 : index
      %swap3A_526 = tpu.vector_load %arg8[%swap3A_524, %swap3A_525] {strides = array<i32>} : memref<32x1024xf32, #tpu.memory_space<vmem>>, vector<1x16xf32>,
      %swap3A_527 = vector.shape_cast %swap3A_526 : vector<1x16xf32> to vector<16xf32>
      %swap3A_528 = vector.shape_cast %add3A_523 : vector<16xf32> to vector<1x16xf32>
      tpu.vector_store %arg8[%swap3A_524, %swap3A_525], %swap3A_528 {strides = array<i32>} : memref<32x1024xf32, #tpu.memory_space<vmem>>, vector<1x16xf32>,
      %get3A_529 = arith.index_cast %scan3A_40 : i32 to index
      %get3A_530 = arith.constant 560 : index
      %get3A_531 = tpu.vector_load %arg6[%get3A_529, %get3A_530] {strides = array<i32>} : memref<32x1024xf32, #tpu.memory_space<vmem>>, vector<1x16xf32>,
      %get3A_532 = vector.shape_cast %get3A_531 : vector<1x16xf32> to vector<16xf32>
      %get3A_533 = arith.index_cast %scan3A_40 : i32 to index
      %get3A_534 = arith.constant 560 : index
      %get3A_535 = tpu.vector_load %arg7[%get3A_533, %get3A_534] {strides = array<i32>} : memref<32x1024xf32, #tpu.memory_space<vmem>>, vector<1x16xf32>,
      %get3A_536 = vector.shape_cast %get3A_535 : vector<1x16xf32> to vector<16xf32>
      %add3A_537 = arith.addf %get3A_532, %get3A_536 : vector<16xf32>
      %swap3A_538 = arith.index_cast %scan3A_40 : i32 to index
      %swap3A_539 = arith.constant 560 : index
      %swap3A_540 = tpu.vector_load %arg8[%swap3A_538, %swap3A_539] {strides = array<i32>} : memref<32x1024xf32, #tpu.memory_space<vmem>>, vector<1x16xf32>,
      %swap3A_541 = vector.shape_cast %swap3A_540 : vector<1x16xf32> to vector<16xf32>
      %swap3A_542 = vector.shape_cast %add3A_537 : vector<16xf32> to vector<1x16xf32>
      tpu.vector_store %arg8[%swap3A_538, %swap3A_539], %swap3A_542 {strides = array<i32>} : memref<32x1024xf32, #tpu.memory_space<vmem>>, vector<1x16xf32>,
      %get3A_543 = arith.index_cast %scan3A_40 : i32 to index
      %get3A_544 = arith.constant 576 : index
      %get3A_545 = tpu.vector_load %arg6[%get3A_543, %get3A_544] {strides = array<i32>} : memref<32x1024xf32, #tpu.memory_space<vmem>>, vector<1x16xf32>,
      %get3A_546 = vector.shape_cast %get3A_545 : vector<1x16xf32> to vector<16xf32>
      %get3A_547 = arith.index_cast %scan3A_40 : i32 to index
      %get3A_548 = arith.constant 576 : index
      %get3A_549 = tpu.vector_load %arg7[%get3A_547, %get3A_548] {strides = array<i32>} : memref<32x1024xf32, #tpu.memory_space<vmem>>, vector<1x16xf32>,
      %get3A_550 = vector.shape_cast %get3A_549 : vector<1x16xf32> to vector<16xf32>
      %add3A_551 = arith.addf %get3A_546, %get3A_550 : vector<16xf32>
      %swap3A_552 = arith.index_cast %scan3A_40 : i32 to index
      %swap3A_553 = arith.constant 576 : index
      %swap3A_554 = tpu.vector_load %arg8[%swap3A_552, %swap3A_553] {strides = array<i32>} : memref<32x1024xf32, #tpu.memory_space<vmem>>, vector<1x16xf32>,
      %swap3A_555 = vector.shape_cast %swap3A_554 : vector<1x16xf32> to vector<16xf32>
      %swap3A_556 = vector.shape_cast %add3A_551 : vector<16xf32> to vector<1x16xf32>
      tpu.vector_store %arg8[%swap3A_552, %swap3A_553], %swap3A_556 {strides = array<i32>} : memref<32x1024xf32, #tpu.memory_space<vmem>>, vector<1x16xf32>,
      %get3A_557 = arith.index_cast %scan3A_40 : i32 to index
      %get3A_558 = arith.constant 592 : index
      %get3A_559 = tpu.vector_load %arg6[%get3A_557, %get3A_558] {strides = array<i32>} : memref<32x1024xf32, #tpu.memory_space<vmem>>, vector<1x16xf32>,
      %get3A_560 = vector.shape_cast %get3A_559 : vector<1x16xf32> to vector<16xf32>
      %get3A_561 = arith.index_cast %scan3A_40 : i32 to index
      %get3A_562 = arith.constant 592 : index
      %get3A_563 = tpu.vector_load %arg7[%get3A_561, %get3A_562] {strides = array<i32>} : memref<32x1024xf32, #tpu.memory_space<vmem>>, vector<1x16xf32>,
      %get3A_564 = vector.shape_cast %get3A_563 : vector<1x16xf32> to vector<16xf32>
      %add3A_565 = arith.addf %get3A_560, %get3A_564 : vector<16xf32>
      %swap3A_566 = arith.index_cast %scan3A_40 : i32 to index
      %swap3A_567 = arith.constant 592 : index
      %swap3A_568 = tpu.vector_load %arg8[%swap3A_566, %swap3A_567] {strides = array<i32>} : memref<32x1024xf32, #tpu.memory_space<vmem>>, vector<1x16xf32>,
      %swap3A_569 = vector.shape_cast %swap3A_568 : vector<1x16xf32> to vector<16xf32>
      %swap3A_570 = vector.shape_cast %add3A_565 : vector<16xf32> to vector<1x16xf32>
      tpu.vector_store %arg8[%swap3A_566, %swap3A_567], %swap3A_570 {strides = array<i32>} : memref<32x1024xf32, #tpu.memory_space<vmem>>, vector<1x16xf32>,
      %get3A_571 = arith.index_cast %scan3A_40 : i32 to index
      %get3A_572 = arith.constant 608 : index
      %get3A_573 = tpu.vector_load %arg6[%get3A_571, %get3A_572] {strides = array<i32>} : memref<32x1024xf32, #tpu.memory_space<vmem>>, vector<1x16xf32>,
      %get3A_574 = vector.shape_cast %get3A_573 : vector<1x16xf32> to vector<16xf32>
      %get3A_575 = arith.index_cast %scan3A_40 : i32 to index
      %get3A_576 = arith.constant 608 : index
      %get3A_577 = tpu.vector_load %arg7[%get3A_575, %get3A_576] {strides = array<i32>} : memref<32x1024xf32, #tpu.memory_space<vmem>>, vector<1x16xf32>,
      %get3A_578 = vector.shape_cast %get3A_577 : vector<1x16xf32> to vector<16xf32>
      %add3A_579 = arith.addf %get3A_574, %get3A_578 : vector<16xf32>
      %swap3A_580 = arith.index_cast %scan3A_40 : i32 to index
      %swap3A_581 = arith.constant 608 : index
      %swap3A_582 = tpu.vector_load %arg8[%swap3A_580, %swap3A_581] {strides = array<i32>} : memref<32x1024xf32, #tpu.memory_space<vmem>>, vector<1x16xf32>,
      %swap3A_583 = vector.shape_cast %swap3A_582 : vector<1x16xf32> to vector<16xf32>
      %swap3A_584 = vector.shape_cast %add3A_579 : vector<16xf32> to vector<1x16xf32>
      tpu.vector_store %arg8[%swap3A_580, %swap3A_581], %swap3A_584 {strides = array<i32>} : memref<32x1024xf32, #tpu.memory_space<vmem>>, vector<1x16xf32>,
      %get3A_585 = arith.index_cast %scan3A_40 : i32 to index
      %get3A_586 = arith.constant 624 : index
      %get3A_587 = tpu.vector_load %arg6[%get3A_585, %get3A_586] {strides = array<i32>} : memref<32x1024xf32, #tpu.memory_space<vmem>>, vector<1x16xf32>,
      %get3A_588 = vector.shape_cast %get3A_587 : vector<1x16xf32> to vector<16xf32>
      %get3A_589 = arith.index_cast %scan3A_40 : i32 to index
      %get3A_590 = arith.constant 624 : index
      %get3A_591 = tpu.vector_load %arg7[%get3A_589, %get3A_590] {strides = array<i32>} : memref<32x1024xf32, #tpu.memory_space<vmem>>, vector<1x16xf32>,
      %get3A_592 = vector.shape_cast %get3A_591 : vector<1x16xf32> to vector<16xf32>
      %add3A_593 = arith.addf %get3A_588, %get3A_592 : vector<16xf32>
      %swap3A_594 = arith.index_cast %scan3A_40 : i32 to index
      %swap3A_595 = arith.constant 624 : index
      %swap3A_596 = tpu.vector_load %arg8[%swap3A_594, %swap3A_595] {strides = array<i32>} : memref<32x1024xf32, #tpu.memory_space<vmem>>, vector<1x16xf32>,
      %swap3A_597 = vector.shape_cast %swap3A_596 : vector<1x16xf32> to vector<16xf32>
      %swap3A_598 = vector.shape_cast %add3A_593 : vector<16xf32> to vector<1x16xf32>
      tpu.vector_store %arg8[%swap3A_594, %swap3A_595], %swap3A_598 {strides = array<i32>} : memref<32x1024xf32, #tpu.memory_space<vmem>>, vector<1x16xf32>,
      %get3A_599 = arith.index_cast %scan3A_40 : i32 to index
      %get3A_600 = arith.constant 640 : index
      %get3A_601 = tpu.vector_load %arg6[%get3A_599, %get3A_600] {strides = array<i32>} : memref<32x1024xf32, #tpu.memory_space<vmem>>, vector<1x16xf32>,
      %get3A_602 = vector.shape_cast %get3A_601 : vector<1x16xf32> to vector<16xf32>
      %get3A_603 = arith.index_cast %scan3A_40 : i32 to index
      %get3A_604 = arith.constant 640 : index
      %get3A_605 = tpu.vector_load %arg7[%get3A_603, %get3A_604] {strides = array<i32>} : memref<32x1024xf32, #tpu.memory_space<vmem>>, vector<1x16xf32>,
      %get3A_606 = vector.shape_cast %get3A_605 : vector<1x16xf32> to vector<16xf32>
      %add3A_607 = arith.addf %get3A_602, %get3A_606 : vector<16xf32>
      %swap3A_608 = arith.index_cast %scan3A_40 : i32 to index
      %swap3A_609 = arith.constant 640 : index
      %swap3A_610 = tpu.vector_load %arg8[%swap3A_608, %swap3A_609] {strides = array<i32>} : memref<32x1024xf32, #tpu.memory_space<vmem>>, vector<1x16xf32>,
      %swap3A_611 = vector.shape_cast %swap3A_610 : vector<1x16xf32> to vector<16xf32>
      %swap3A_612 = vector.shape_cast %add3A_607 : vector<16xf32> to vector<1x16xf32>
      tpu.vector_store %arg8[%swap3A_608, %swap3A_609], %swap3A_612 {strides = array<i32>} : memref<32x1024xf32, #tpu.memory_space<vmem>>, vector<1x16xf32>,
      %get3A_613 = arith.index_cast %scan3A_40 : i32 to index
      %get3A_614 = arith.constant 656 : index
      %get3A_615 = tpu.vector_load %arg6[%get3A_613, %get3A_614] {strides = array<i32>} : memref<32x1024xf32, #tpu.memory_space<vmem>>, vector<1x16xf32>,
      %get3A_616 = vector.shape_cast %get3A_615 : vector<1x16xf32> to vector<16xf32>
      %get3A_617 = arith.index_cast %scan3A_40 : i32 to index
      %get3A_618 = arith.constant 656 : index
      %get3A_619 = tpu.vector_load %arg7[%get3A_617, %get3A_618] {strides = array<i32>} : memref<32x1024xf32, #tpu.memory_space<vmem>>, vector<1x16xf32>,
      %get3A_620 = vector.shape_cast %get3A_619 : vector<1x16xf32> to vector<16xf32>
      %add3A_621 = arith.addf %get3A_616, %get3A_620 : vector<16xf32>
      %swap3A_622 = arith.index_cast %scan3A_40 : i32 to index
      %swap3A_623 = arith.constant 656 : index
      %swap3A_624 = tpu.vector_load %arg8[%swap3A_622, %swap3A_623] {strides = array<i32>} : memref<32x1024xf32, #tpu.memory_space<vmem>>, vector<1x16xf32>,
      %swap3A_625 = vector.shape_cast %swap3A_624 : vector<1x16xf32> to vector<16xf32>
      %swap3A_626 = vector.shape_cast %add3A_621 : vector<16xf32> to vector<1x16xf32>
      tpu.vector_store %arg8[%swap3A_622, %swap3A_623], %swap3A_626 {strides = array<i32>} : memref<32x1024xf32, #tpu.memory_space<vmem>>, vector<1x16xf32>,
      %get3A_627 = arith.index_cast %scan3A_40 : i32 to index
      %get3A_628 = arith.constant 672 : index
      %get3A_629 = tpu.vector_load %arg6[%get3A_627, %get3A_628] {strides = array<i32>} : memref<32x1024xf32, #tpu.memory_space<vmem>>, vector<1x16xf32>,
      %get3A_630 = vector.shape_cast %get3A_629 : vector<1x16xf32> to vector<16xf32>
      %get3A_631 = arith.index_cast %scan3A_40 : i32 to index
      %get3A_632 = arith.constant 672 : index
      %get3A_633 = tpu.vector_load %arg7[%get3A_631, %get3A_632] {strides = array<i32>} : memref<32x1024xf32, #tpu.memory_space<vmem>>, vector<1x16xf32>,
      %get3A_634 = vector.shape_cast %get3A_633 : vector<1x16xf32> to vector<16xf32>
      %add3A_635 = arith.addf %get3A_630, %get3A_634 : vector<16xf32>
      %swap3A_636 = arith.index_cast %scan3A_40 : i32 to index
      %swap3A_637 = arith.constant 672 : index
      %swap3A_638 = tpu.vector_load %arg8[%swap3A_636, %swap3A_637] {strides = array<i32>} : memref<32x1024xf32, #tpu.memory_space<vmem>>, vector<1x16xf32>,
      %swap3A_639 = vector.shape_cast %swap3A_638 : vector<1x16xf32> to vector<16xf32>
      %swap3A_640 = vector.shape_cast %add3A_635 : vector<16xf32> to vector<1x16xf32>
      tpu.vector_store %arg8[%swap3A_636, %swap3A_637], %swap3A_640 {strides = array<i32>} : memref<32x1024xf32, #tpu.memory_space<vmem>>, vector<1x16xf32>,
      %get3A_641 = arith.index_cast %scan3A_40 : i32 to index
      %get3A_642 = arith.constant 688 : index
      %get3A_643 = tpu.vector_load %arg6[%get3A_641, %get3A_642] {strides = array<i32>} : memref<32x1024xf32, #tpu.memory_space<vmem>>, vector<1x16xf32>,
      %get3A_644 = vector.shape_cast %get3A_643 : vector<1x16xf32> to vector<16xf32>
      %get3A_645 = arith.index_cast %scan3A_40 : i32 to index
      %get3A_646 = arith.constant 688 : index
      %get3A_647 = tpu.vector_load %arg7[%get3A_645, %get3A_646] {strides = array<i32>} : memref<32x1024xf32, #tpu.memory_space<vmem>>, vector<1x16xf32>,
      %get3A_648 = vector.shape_cast %get3A_647 : vector<1x16xf32> to vector<16xf32>
      %add3A_649 = arith.addf %get3A_644, %get3A_648 : vector<16xf32>
      %swap3A_650 = arith.index_cast %scan3A_40 : i32 to index
      %swap3A_651 = arith.constant 688 : index
      %swap3A_652 = tpu.vector_load %arg8[%swap3A_650, %swap3A_651] {strides = array<i32>} : memref<32x1024xf32, #tpu.memory_space<vmem>>, vector<1x16xf32>,
      %swap3A_653 = vector.shape_cast %swap3A_652 : vector<1x16xf32> to vector<16xf32>
      %swap3A_654 = vector.shape_cast %add3A_649 : vector<16xf32> to vector<1x16xf32>
      tpu.vector_store %arg8[%swap3A_650, %swap3A_651], %swap3A_654 {strides = array<i32>} : memref<32x1024xf32, #tpu.memory_space<vmem>>, vector<1x16xf32>,
      %get3A_655 = arith.index_cast %scan3A_40 : i32 to index
      %get3A_656 = arith.constant 704 : index
      %get3A_657 = tpu.vector_load %arg6[%get3A_655, %get3A_656] {strides = array<i32>} : memref<32x1024xf32, #tpu.memory_space<vmem>>, vector<1x16xf32>,
      %get3A_658 = vector.shape_cast %get3A_657 : vector<1x16xf32> to vector<16xf32>
      %get3A_659 = arith.index_cast %scan3A_40 : i32 to index
      %get3A_660 = arith.constant 704 : index
      %get3A_661 = tpu.vector_load %arg7[%get3A_659, %get3A_660] {strides = array<i32>} : memref<32x1024xf32, #tpu.memory_space<vmem>>, vector<1x16xf32>,
      %get3A_662 = vector.shape_cast %get3A_661 : vector<1x16xf32> to vector<16xf32>
      %add3A_663 = arith.addf %get3A_658, %get3A_662 : vector<16xf32>
      %swap3A_664 = arith.index_cast %scan3A_40 : i32 to index
      %swap3A_665 = arith.constant 704 : index
      %swap3A_666 = tpu.vector_load %arg8[%swap3A_664, %swap3A_665] {strides = array<i32>} : memref<32x1024xf32, #tpu.memory_space<vmem>>, vector<1x16xf32>,
      %swap3A_667 = vector.shape_cast %swap3A_666 : vector<1x16xf32> to vector<16xf32>
      %swap3A_668 = vector.shape_cast %add3A_663 : vector<16xf32> to vector<1x16xf32>
      tpu.vector_store %arg8[%swap3A_664, %swap3A_665], %swap3A_668 {strides = array<i32>} : memref<32x1024xf32, #tpu.memory_space<vmem>>, vector<1x16xf32>,
      %get3A_669 = arith.index_cast %scan3A_40 : i32 to index
      %get3A_670 = arith.constant 720 : index
      %get3A_671 = tpu.vector_load %arg6[%get3A_669, %get3A_670] {strides = array<i32>} : memref<32x1024xf32, #tpu.memory_space<vmem>>, vector<1x16xf32>,
      %get3A_672 = vector.shape_cast %get3A_671 : vector<1x16xf32> to vector<16xf32>
      %get3A_673 = arith.index_cast %scan3A_40 : i32 to index
      %get3A_674 = arith.constant 720 : index
      %get3A_675 = tpu.vector_load %arg7[%get3A_673, %get3A_674] {strides = array<i32>} : memref<32x1024xf32, #tpu.memory_space<vmem>>, vector<1x16xf32>,
      %get3A_676 = vector.shape_cast %get3A_675 : vector<1x16xf32> to vector<16xf32>
      %add3A_677 = arith.addf %get3A_672, %get3A_676 : vector<16xf32>
      %swap3A_678 = arith.index_cast %scan3A_40 : i32 to index
      %swap3A_679 = arith.constant 720 : index
      %swap3A_680 = tpu.vector_load %arg8[%swap3A_678, %swap3A_679] {strides = array<i32>} : memref<32x1024xf32, #tpu.memory_space<vmem>>, vector<1x16xf32>,
      %swap3A_681 = vector.shape_cast %swap3A_680 : vector<1x16xf32> to vector<16xf32>
      %swap3A_682 = vector.shape_cast %add3A_677 : vector<16xf32> to vector<1x16xf32>
      tpu.vector_store %arg8[%swap3A_678, %swap3A_679], %swap3A_682 {strides = array<i32>} : memref<32x1024xf32, #tpu.memory_space<vmem>>, vector<1x16xf32>,
      %get3A_683 = arith.index_cast %scan3A_40 : i32 to index
      %get3A_684 = arith.constant 736 : index
      %get3A_685 = tpu.vector_load %arg6[%get3A_683, %get3A_684] {strides = array<i32>} : memref<32x1024xf32, #tpu.memory_space<vmem>>, vector<1x16xf32>,
      %get3A_686 = vector.shape_cast %get3A_685 : vector<1x16xf32> to vector<16xf32>
      %get3A_687 = arith.index_cast %scan3A_40 : i32 to index
      %get3A_688 = arith.constant 736 : index
      %get3A_689 = tpu.vector_load %arg7[%get3A_687, %get3A_688] {strides = array<i32>} : memref<32x1024xf32, #tpu.memory_space<vmem>>, vector<1x16xf32>,
      %get3A_690 = vector.shape_cast %get3A_689 : vector<1x16xf32> to vector<16xf32>
      %add3A_691 = arith.addf %get3A_686, %get3A_690 : vector<16xf32>
      %swap3A_692 = arith.index_cast %scan3A_40 : i32 to index
      %swap3A_693 = arith.constant 736 : index
      %swap3A_694 = tpu.vector_load %arg8[%swap3A_692, %swap3A_693] {strides = array<i32>} : memref<32x1024xf32, #tpu.memory_space<vmem>>, vector<1x16xf32>,
      %swap3A_695 = vector.shape_cast %swap3A_694 : vector<1x16xf32> to vector<16xf32>
      %swap3A_696 = vector.shape_cast %add3A_691 : vector<16xf32> to vector<1x16xf32>
      tpu.vector_store %arg8[%swap3A_692, %swap3A_693], %swap3A_696 {strides = array<i32>} : memref<32x1024xf32, #tpu.memory_space<vmem>>, vector<1x16xf32>,
      %get3A_697 = arith.index_cast %scan3A_40 : i32 to index
      %get3A_698 = arith.constant 752 : index
      %get3A_699 = tpu.vector_load %arg6[%get3A_697, %get3A_698] {strides = array<i32>} : memref<32x1024xf32, #tpu.memory_space<vmem>>, vector<1x16xf32>,
      %get3A_700 = vector.shape_cast %get3A_699 : vector<1x16xf32> to vector<16xf32>
      %get3A_701 = arith.index_cast %scan3A_40 : i32 to index
      %get3A_702 = arith.constant 752 : index
      %get3A_703 = tpu.vector_load %arg7[%get3A_701, %get3A_702] {strides = array<i32>} : memref<32x1024xf32, #tpu.memory_space<vmem>>, vector<1x16xf32>,
      %get3A_704 = vector.shape_cast %get3A_703 : vector<1x16xf32> to vector<16xf32>
      %add3A_705 = arith.addf %get3A_700, %get3A_704 : vector<16xf32>
      %swap3A_706 = arith.index_cast %scan3A_40 : i32 to index
      %swap3A_707 = arith.constant 752 : index
      %swap3A_708 = tpu.vector_load %arg8[%swap3A_706, %swap3A_707] {strides = array<i32>} : memref<32x1024xf32, #tpu.memory_space<vmem>>, vector<1x16xf32>,
      %swap3A_709 = vector.shape_cast %swap3A_708 : vector<1x16xf32> to vector<16xf32>
      %swap3A_710 = vector.shape_cast %add3A_705 : vector<16xf32> to vector<1x16xf32>
      tpu.vector_store %arg8[%swap3A_706, %swap3A_707], %swap3A_710 {strides = array<i32>} : memref<32x1024xf32, #tpu.memory_space<vmem>>, vector<1x16xf32>,
      %get3A_711 = arith.index_cast %scan3A_40 : i32 to index
      %get3A_712 = arith.constant 768 : index
      %get3A_713 = tpu.vector_load %arg6[%get3A_711, %get3A_712] {strides = array<i32>} : memref<32x1024xf32, #tpu.memory_space<vmem>>, vector<1x16xf32>,
      %get3A_714 = vector.shape_cast %get3A_713 : vector<1x16xf32> to vector<16xf32>
      %get3A_715 = arith.index_cast %scan3A_40 : i32 to index
      %get3A_716 = arith.constant 768 : index
      %get3A_717 = tpu.vector_load %arg7[%get3A_715, %get3A_716] {strides = array<i32>} : memref<32x1024xf32, #tpu.memory_space<vmem>>, vector<1x16xf32>,
      %get3A_718 = vector.shape_cast %get3A_717 : vector<1x16xf32> to vector<16xf32>
      %add3A_719 = arith.addf %get3A_714, %get3A_718 : vector<16xf32>
      %swap3A_720 = arith.index_cast %scan3A_40 : i32 to index
      %swap3A_721 = arith.constant 768 : index
      %swap3A_722 = tpu.vector_load %arg8[%swap3A_720, %swap3A_721] {strides = array<i32>} : memref<32x1024xf32, #tpu.memory_space<vmem>>, vector<1x16xf32>,
      %swap3A_723 = vector.shape_cast %swap3A_722 : vector<1x16xf32> to vector<16xf32>
      %swap3A_724 = vector.shape_cast %add3A_719 : vector<16xf32> to vector<1x16xf32>
      tpu.vector_store %arg8[%swap3A_720, %swap3A_721], %swap3A_724 {strides = array<i32>} : memref<32x1024xf32, #tpu.memory_space<vmem>>, vector<1x16xf32>,
      %get3A_725 = arith.index_cast %scan3A_40 : i32 to index
      %get3A_726 = arith.constant 784 : index
      %get3A_727 = tpu.vector_load %arg6[%get3A_725, %get3A_726] {strides = array<i32>} : memref<32x1024xf32, #tpu.memory_space<vmem>>, vector<1x16xf32>,
      %get3A_728 = vector.shape_cast %get3A_727 : vector<1x16xf32> to vector<16xf32>
      %get3A_729 = arith.index_cast %scan3A_40 : i32 to index
      %get3A_730 = arith.constant 784 : index
      %get3A_731 = tpu.vector_load %arg7[%get3A_729, %get3A_730] {strides = array<i32>} : memref<32x1024xf32, #tpu.memory_space<vmem>>, vector<1x16xf32>,
      %get3A_732 = vector.shape_cast %get3A_731 : vector<1x16xf32> to vector<16xf32>
      %add3A_733 = arith.addf %get3A_728, %get3A_732 : vector<16xf32>
      %swap3A_734 = arith.index_cast %scan3A_40 : i32 to index
      %swap3A_735 = arith.constant 784 : index
      %swap3A_736 = tpu.vector_load %arg8[%swap3A_734, %swap3A_735] {strides = array<i32>} : memref<32x1024xf32, #tpu.memory_space<vmem>>, vector<1x16xf32>,
      %swap3A_737 = vector.shape_cast %swap3A_736 : vector<1x16xf32> to vector<16xf32>
      %swap3A_738 = vector.shape_cast %add3A_733 : vector<16xf32> to vector<1x16xf32>
      tpu.vector_store %arg8[%swap3A_734, %swap3A_735], %swap3A_738 {strides = array<i32>} : memref<32x1024xf32, #tpu.memory_space<vmem>>, vector<1x16xf32>,
      %get3A_739 = arith.index_cast %scan3A_40 : i32 to index
      %get3A_740 = arith.constant 800 : index
      %get3A_741 = tpu.vector_load %arg6[%get3A_739, %get3A_740] {strides = array<i32>} : memref<32x1024xf32, #tpu.memory_space<vmem>>, vector<1x16xf32>,
      %get3A_742 = vector.shape_cast %get3A_741 : vector<1x16xf32> to vector<16xf32>
      %get3A_743 = arith.index_cast %scan3A_40 : i32 to index
      %get3A_744 = arith.constant 800 : index
      %get3A_745 = tpu.vector_load %arg7[%get3A_743, %get3A_744] {strides = array<i32>} : memref<32x1024xf32, #tpu.memory_space<vmem>>, vector<1x16xf32>,
      %get3A_746 = vector.shape_cast %get3A_745 : vector<1x16xf32> to vector<16xf32>
      %add3A_747 = arith.addf %get3A_742, %get3A_746 : vector<16xf32>
      %swap3A_748 = arith.index_cast %scan3A_40 : i32 to index
      %swap3A_749 = arith.constant 800 : index
      %swap3A_750 = tpu.vector_load %arg8[%swap3A_748, %swap3A_749] {strides = array<i32>} : memref<32x1024xf32, #tpu.memory_space<vmem>>, vector<1x16xf32>,
      %swap3A_751 = vector.shape_cast %swap3A_750 : vector<1x16xf32> to vector<16xf32>
      %swap3A_752 = vector.shape_cast %add3A_747 : vector<16xf32> to vector<1x16xf32>
      tpu.vector_store %arg8[%swap3A_748, %swap3A_749], %swap3A_752 {strides = array<i32>} : memref<32x1024xf32, #tpu.memory_space<vmem>>, vector<1x16xf32>,
      %get3A_753 = arith.index_cast %scan3A_40 : i32 to index
      %get3A_754 = arith.constant 816 : index
      %get3A_755 = tpu.vector_load %arg6[%get3A_753, %get3A_754] {strides = array<i32>} : memref<32x1024xf32, #tpu.memory_space<vmem>>, vector<1x16xf32>,
      %get3A_756 = vector.shape_cast %get3A_755 : vector<1x16xf32> to vector<16xf32>
      %get3A_757 = arith.index_cast %scan3A_40 : i32 to index
      %get3A_758 = arith.constant 816 : index
      %get3A_759 = tpu.vector_load %arg7[%get3A_757, %get3A_758] {strides = array<i32>} : memref<32x1024xf32, #tpu.memory_space<vmem>>, vector<1x16xf32>,
      %get3A_760 = vector.shape_cast %get3A_759 : vector<1x16xf32> to vector<16xf32>
      %add3A_761 = arith.addf %get3A_756, %get3A_760 : vector<16xf32>
      %swap3A_762 = arith.index_cast %scan3A_40 : i32 to index
      %swap3A_763 = arith.constant 816 : index
      %swap3A_764 = tpu.vector_load %arg8[%swap3A_762, %swap3A_763] {strides = array<i32>} : memref<32x1024xf32, #tpu.memory_space<vmem>>, vector<1x16xf32>,
      %swap3A_765 = vector.shape_cast %swap3A_764 : vector<1x16xf32> to vector<16xf32>
      %swap3A_766 = vector.shape_cast %add3A_761 : vector<16xf32> to vector<1x16xf32>
      tpu.vector_store %arg8[%swap3A_762, %swap3A_763], %swap3A_766 {strides = array<i32>} : memref<32x1024xf32, #tpu.memory_space<vmem>>, vector<1x16xf32>,
      %get3A_767 = arith.index_cast %scan3A_40 : i32 to index
      %get3A_768 = arith.constant 832 : index
      %get3A_769 = tpu.vector_load %arg6[%get3A_767, %get3A_768] {strides = array<i32>} : memref<32x1024xf32, #tpu.memory_space<vmem>>, vector<1x16xf32>,
      %get3A_770 = vector.shape_cast %get3A_769 : vector<1x16xf32> to vector<16xf32>
      %get3A_771 = arith.index_cast %scan3A_40 : i32 to index
      %get3A_772 = arith.constant 832 : index
      %get3A_773 = tpu.vector_load %arg7[%get3A_771, %get3A_772] {strides = array<i32>} : memref<32x1024xf32, #tpu.memory_space<vmem>>, vector<1x16xf32>,
      %get3A_774 = vector.shape_cast %get3A_773 : vector<1x16xf32> to vector<16xf32>
      %add3A_775 = arith.addf %get3A_770, %get3A_774 : vector<16xf32>
      %swap3A_776 = arith.index_cast %scan3A_40 : i32 to index
      %swap3A_777 = arith.constant 832 : index
      %swap3A_778 = tpu.vector_load %arg8[%swap3A_776, %swap3A_777] {strides = array<i32>} : memref<32x1024xf32, #tpu.memory_space<vmem>>, vector<1x16xf32>,
      %swap3A_779 = vector.shape_cast %swap3A_778 : vector<1x16xf32> to vector<16xf32>
      %swap3A_780 = vector.shape_cast %add3A_775 : vector<16xf32> to vector<1x16xf32>
      tpu.vector_store %arg8[%swap3A_776, %swap3A_777], %swap3A_780 {strides = array<i32>} : memref<32x1024xf32, #tpu.memory_space<vmem>>, vector<1x16xf32>,
      %get3A_781 = arith.index_cast %scan3A_40 : i32 to index
      %get3A_782 = arith.constant 848 : index
      %get3A_783 = tpu.vector_load %arg6[%get3A_781, %get3A_782] {strides = array<i32>} : memref<32x1024xf32, #tpu.memory_space<vmem>>, vector<1x16xf32>,
      %get3A_784 = vector.shape_cast %get3A_783 : vector<1x16xf32> to vector<16xf32>
      %get3A_785 = arith.index_cast %scan3A_40 : i32 to index
      %get3A_786 = arith.constant 848 : index
      %get3A_787 = tpu.vector_load %arg7[%get3A_785, %get3A_786] {strides = array<i32>} : memref<32x1024xf32, #tpu.memory_space<vmem>>, vector<1x16xf32>,
      %get3A_788 = vector.shape_cast %get3A_787 : vector<1x16xf32> to vector<16xf32>
      %add3A_789 = arith.addf %get3A_784, %get3A_788 : vector<16xf32>
      %swap3A_790 = arith.index_cast %scan3A_40 : i32 to index
      %swap3A_791 = arith.constant 848 : index
      %swap3A_792 = tpu.vector_load %arg8[%swap3A_790, %swap3A_791] {strides = array<i32>} : memref<32x1024xf32, #tpu.memory_space<vmem>>, vector<1x16xf32>,
      %swap3A_793 = vector.shape_cast %swap3A_792 : vector<1x16xf32> to vector<16xf32>
      %swap3A_794 = vector.shape_cast %add3A_789 : vector<16xf32> to vector<1x16xf32>
      tpu.vector_store %arg8[%swap3A_790, %swap3A_791], %swap3A_794 {strides = array<i32>} : memref<32x1024xf32, #tpu.memory_space<vmem>>, vector<1x16xf32>,
      %get3A_795 = arith.index_cast %scan3A_40 : i32 to index
      %get3A_796 = arith.constant 864 : index
      %get3A_797 = tpu.vector_load %arg6[%get3A_795, %get3A_796] {strides = array<i32>} : memref<32x1024xf32, #tpu.memory_space<vmem>>, vector<1x16xf32>,
      %get3A_798 = vector.shape_cast %get3A_797 : vector<1x16xf32> to vector<16xf32>
      %get3A_799 = arith.index_cast %scan3A_40 : i32 to index
      %get3A_800 = arith.constant 864 : index
      %get3A_801 = tpu.vector_load %arg7[%get3A_799, %get3A_800] {strides = array<i32>} : memref<32x1024xf32, #tpu.memory_space<vmem>>, vector<1x16xf32>,
      %get3A_802 = vector.shape_cast %get3A_801 : vector<1x16xf32> to vector<16xf32>
      %add3A_803 = arith.addf %get3A_798, %get3A_802 : vector<16xf32>
      %swap3A_804 = arith.index_cast %scan3A_40 : i32 to index
      %swap3A_805 = arith.constant 864 : index
      %swap3A_806 = tpu.vector_load %arg8[%swap3A_804, %swap3A_805] {strides = array<i32>} : memref<32x1024xf32, #tpu.memory_space<vmem>>, vector<1x16xf32>,
      %swap3A_807 = vector.shape_cast %swap3A_806 : vector<1x16xf32> to vector<16xf32>
      %swap3A_808 = vector.shape_cast %add3A_803 : vector<16xf32> to vector<1x16xf32>
      tpu.vector_store %arg8[%swap3A_804, %swap3A_805], %swap3A_808 {strides = array<i32>} : memref<32x1024xf32, #tpu.memory_space<vmem>>, vector<1x16xf32>,
      %get3A_809 = arith.index_cast %scan3A_40 : i32 to index
      %get3A_810 = arith.constant 880 : index
      %get3A_811 = tpu.vector_load %arg6[%get3A_809, %get3A_810] {strides = array<i32>} : memref<32x1024xf32, #tpu.memory_space<vmem>>, vector<1x16xf32>,
      %get3A_812 = vector.shape_cast %get3A_811 : vector<1x16xf32> to vector<16xf32>
      %get3A_813 = arith.index_cast %scan3A_40 : i32 to index
      %get3A_814 = arith.constant 880 : index
      %get3A_815 = tpu.vector_load %arg7[%get3A_813, %get3A_814] {strides = array<i32>} : memref<32x1024xf32, #tpu.memory_space<vmem>>, vector<1x16xf32>,
      %get3A_816 = vector.shape_cast %get3A_815 : vector<1x16xf32> to vector<16xf32>
      %add3A_817 = arith.addf %get3A_812, %get3A_816 : vector<16xf32>
      %swap3A_818 = arith.index_cast %scan3A_40 : i32 to index
      %swap3A_819 = arith.constant 880 : index
      %swap3A_820 = tpu.vector_load %arg8[%swap3A_818, %swap3A_819] {strides = array<i32>} : memref<32x1024xf32, #tpu.memory_space<vmem>>, vector<1x16xf32>,
      %swap3A_821 = vector.shape_cast %swap3A_820 : vector<1x16xf32> to vector<16xf32>
      %swap3A_822 = vector.shape_cast %add3A_817 : vector<16xf32> to vector<1x16xf32>
      tpu.vector_store %arg8[%swap3A_818, %swap3A_819], %swap3A_822 {strides = array<i32>} : memref<32x1024xf32, #tpu.memory_space<vmem>>, vector<1x16xf32>,
      %get3A_823 = arith.index_cast %scan3A_40 : i32 to index
      %get3A_824 = arith.constant 896 : index
      %get3A_825 = tpu.vector_load %arg6[%get3A_823, %get3A_824] {strides = array<i32>} : memref<32x1024xf32, #tpu.memory_space<vmem>>, vector<1x16xf32>,
      %get3A_826 = vector.shape_cast %get3A_825 : vector<1x16xf32> to vector<16xf32>
      %get3A_827 = arith.index_cast %scan3A_40 : i32 to index
      %get3A_828 = arith.constant 896 : index
      %get3A_829 = tpu.vector_load %arg7[%get3A_827, %get3A_828] {strides = array<i32>} : memref<32x1024xf32, #tpu.memory_space<vmem>>, vector<1x16xf32>,
      %get3A_830 = vector.shape_cast %get3A_829 : vector<1x16xf32> to vector<16xf32>
      %add3A_831 = arith.addf %get3A_826, %get3A_830 : vector<16xf32>
      %swap3A_832 = arith.index_cast %scan3A_40 : i32 to index
      %swap3A_833 = arith.constant 896 : index
      %swap3A_834 = tpu.vector_load %arg8[%swap3A_832, %swap3A_833] {strides = array<i32>} : memref<32x1024xf32, #tpu.memory_space<vmem>>, vector<1x16xf32>,
      %swap3A_835 = vector.shape_cast %swap3A_834 : vector<1x16xf32> to vector<16xf32>
      %swap3A_836 = vector.shape_cast %add3A_831 : vector<16xf32> to vector<1x16xf32>
      tpu.vector_store %arg8[%swap3A_832, %swap3A_833], %swap3A_836 {strides = array<i32>} : memref<32x1024xf32, #tpu.memory_space<vmem>>, vector<1x16xf32>,
      %get3A_837 = arith.index_cast %scan3A_40 : i32 to index
      %get3A_838 = arith.constant 912 : index
      %get3A_839 = tpu.vector_load %arg6[%get3A_837, %get3A_838] {strides = array<i32>} : memref<32x1024xf32, #tpu.memory_space<vmem>>, vector<1x16xf32>,
      %get3A_840 = vector.shape_cast %get3A_839 : vector<1x16xf32> to vector<16xf32>
      %get3A_841 = arith.index_cast %scan3A_40 : i32 to index
      %get3A_842 = arith.constant 912 : index
      %get3A_843 = tpu.vector_load %arg7[%get3A_841, %get3A_842] {strides = array<i32>} : memref<32x1024xf32, #tpu.memory_space<vmem>>, vector<1x16xf32>,
      %get3A_844 = vector.shape_cast %get3A_843 : vector<1x16xf32> to vector<16xf32>
      %add3A_845 = arith.addf %get3A_840, %get3A_844 : vector<16xf32>
      %swap3A_846 = arith.index_cast %scan3A_40 : i32 to index
      %swap3A_847 = arith.constant 912 : index
      %swap3A_848 = tpu.vector_load %arg8[%swap3A_846, %swap3A_847] {strides = array<i32>} : memref<32x1024xf32, #tpu.memory_space<vmem>>, vector<1x16xf32>,
      %swap3A_849 = vector.shape_cast %swap3A_848 : vector<1x16xf32> to vector<16xf32>
      %swap3A_850 = vector.shape_cast %add3A_845 : vector<16xf32> to vector<1x16xf32>
      tpu.vector_store %arg8[%swap3A_846, %swap3A_847], %swap3A_850 {strides = array<i32>} : memref<32x1024xf32, #tpu.memory_space<vmem>>, vector<1x16xf32>,
      %get3A_851 = arith.index_cast %scan3A_40 : i32 to index
      %get3A_852 = arith.constant 928 : index
      %get3A_853 = tpu.vector_load %arg6[%get3A_851, %get3A_852] {strides = array<i32>} : memref<32x1024xf32, #tpu.memory_space<vmem>>, vector<1x16xf32>,
      %get3A_854 = vector.shape_cast %get3A_853 : vector<1x16xf32> to vector<16xf32>
      %get3A_855 = arith.index_cast %scan3A_40 : i32 to index
      %get3A_856 = arith.constant 928 : index
      %get3A_857 = tpu.vector_load %arg7[%get3A_855, %get3A_856] {strides = array<i32>} : memref<32x1024xf32, #tpu.memory_space<vmem>>, vector<1x16xf32>,
      %get3A_858 = vector.shape_cast %get3A_857 : vector<1x16xf32> to vector<16xf32>
      %add3A_859 = arith.addf %get3A_854, %get3A_858 : vector<16xf32>
      %swap3A_860 = arith.index_cast %scan3A_40 : i32 to index
      %swap3A_861 = arith.constant 928 : index
      %swap3A_862 = tpu.vector_load %arg8[%swap3A_860, %swap3A_861] {strides = array<i32>} : memref<32x1024xf32, #tpu.memory_space<vmem>>, vector<1x16xf32>,
      %swap3A_863 = vector.shape_cast %swap3A_862 : vector<1x16xf32> to vector<16xf32>
      %swap3A_864 = vector.shape_cast %add3A_859 : vector<16xf32> to vector<1x16xf32>
      tpu.vector_store %arg8[%swap3A_860, %swap3A_861], %swap3A_864 {strides = array<i32>} : memref<32x1024xf32, #tpu.memory_space<vmem>>, vector<1x16xf32>,
      %get3A_865 = arith.index_cast %scan3A_40 : i32 to index
      %get3A_866 = arith.constant 944 : index
      %get3A_867 = tpu.vector_load %arg6[%get3A_865, %get3A_866] {strides = array<i32>} : memref<32x1024xf32, #tpu.memory_space<vmem>>, vector<1x16xf32>,
      %get3A_868 = vector.shape_cast %get3A_867 : vector<1x16xf32> to vector<16xf32>
      %get3A_869 = arith.index_cast %scan3A_40 : i32 to index
      %get3A_870 = arith.constant 944 : index
      %get3A_871 = tpu.vector_load %arg7[%get3A_869, %get3A_870] {strides = array<i32>} : memref<32x1024xf32, #tpu.memory_space<vmem>>, vector<1x16xf32>,
      %get3A_872 = vector.shape_cast %get3A_871 : vector<1x16xf32> to vector<16xf32>
      %add3A_873 = arith.addf %get3A_868, %get3A_872 : vector<16xf32>
      %swap3A_874 = arith.index_cast %scan3A_40 : i32 to index
      %swap3A_875 = arith.constant 944 : index
      %swap3A_876 = tpu.vector_load %arg8[%swap3A_874, %swap3A_875] {strides = array<i32>} : memref<32x1024xf32, #tpu.memory_space<vmem>>, vector<1x16xf32>,
      %swap3A_877 = vector.shape_cast %swap3A_876 : vector<1x16xf32> to vector<16xf32>
      %swap3A_878 = vector.shape_cast %add3A_873 : vector<16xf32> to vector<1x16xf32>
      tpu.vector_store %arg8[%swap3A_874, %swap3A_875], %swap3A_878 {strides = array<i32>} : memref<32x1024xf32, #tpu.memory_space<vmem>>, vector<1x16xf32>,
      %get3A_879 = arith.index_cast %scan3A_40 : i32 to index
      %get3A_880 = arith.constant 960 : index
      %get3A_881 = tpu.vector_load %arg6[%get3A_879, %get3A_880] {strides = array<i32>} : memref<32x1024xf32, #tpu.memory_space<vmem>>, vector<1x16xf32>,
      %get3A_882 = vector.shape_cast %get3A_881 : vector<1x16xf32> to vector<16xf32>
      %get3A_883 = arith.index_cast %scan3A_40 : i32 to index
      %get3A_884 = arith.constant 960 : index
      %get3A_885 = tpu.vector_load %arg7[%get3A_883, %get3A_884] {strides = array<i32>} : memref<32x1024xf32, #tpu.memory_space<vmem>>, vector<1x16xf32>,
      %get3A_886 = vector.shape_cast %get3A_885 : vector<1x16xf32> to vector<16xf32>
      %add3A_887 = arith.addf %get3A_882, %get3A_886 : vector<16xf32>
      %swap3A_888 = arith.index_cast %scan3A_40 : i32 to index
      %swap3A_889 = arith.constant 960 : index
      %swap3A_890 = tpu.vector_load %arg8[%swap3A_888, %swap3A_889] {strides = array<i32>} : memref<32x1024xf32, #tpu.memory_space<vmem>>, vector<1x16xf32>,
      %swap3A_891 = vector.shape_cast %swap3A_890 : vector<1x16xf32> to vector<16xf32>
      %swap3A_892 = vector.shape_cast %add3A_887 : vector<16xf32> to vector<1x16xf32>
      tpu.vector_store %arg8[%swap3A_888, %swap3A_889], %swap3A_892 {strides = array<i32>} : memref<32x1024xf32, #tpu.memory_space<vmem>>, vector<1x16xf32>,
      %get3A_893 = arith.index_cast %scan3A_40 : i32 to index
      %get3A_894 = arith.constant 976 : index
      %get3A_895 = tpu.vector_load %arg6[%get3A_893, %get3A_894] {strides = array<i32>} : memref<32x1024xf32, #tpu.memory_space<vmem>>, vector<1x16xf32>,
      %get3A_896 = vector.shape_cast %get3A_895 : vector<1x16xf32> to vector<16xf32>
      %get3A_897 = arith.index_cast %scan3A_40 : i32 to index
      %get3A_898 = arith.constant 976 : index
      %get3A_899 = tpu.vector_load %arg7[%get3A_897, %get3A_898] {strides = array<i32>} : memref<32x1024xf32, #tpu.memory_space<vmem>>, vector<1x16xf32>,
      %get3A_900 = vector.shape_cast %get3A_899 : vector<1x16xf32> to vector<16xf32>
      %add3A_901 = arith.addf %get3A_896, %get3A_900 : vector<16xf32>
      %swap3A_902 = arith.index_cast %scan3A_40 : i32 to index
      %swap3A_903 = arith.constant 976 : index
      %swap3A_904 = tpu.vector_load %arg8[%swap3A_902, %swap3A_903] {strides = array<i32>} : memref<32x1024xf32, #tpu.memory_space<vmem>>, vector<1x16xf32>,
      %swap3A_905 = vector.shape_cast %swap3A_904 : vector<1x16xf32> to vector<16xf32>
      %swap3A_906 = vector.shape_cast %add3A_901 : vector<16xf32> to vector<1x16xf32>
      tpu.vector_store %arg8[%swap3A_902, %swap3A_903], %swap3A_906 {strides = array<i32>} : memref<32x1024xf32, #tpu.memory_space<vmem>>, vector<1x16xf32>,
      %get3A_907 = arith.index_cast %scan3A_40 : i32 to index
      %get3A_908 = arith.constant 992 : index
      %get3A_909 = tpu.vector_load %arg6[%get3A_907, %get3A_908] {strides = array<i32>} : memref<32x1024xf32, #tpu.memory_space<vmem>>, vector<1x16xf32>,
      %get3A_910 = vector.shape_cast %get3A_909 : vector<1x16xf32> to vector<16xf32>
      %get3A_911 = arith.index_cast %scan3A_40 : i32 to index
      %get3A_912 = arith.constant 992 : index
      %get3A_913 = tpu.vector_load %arg7[%get3A_911, %get3A_912] {strides = array<i32>} : memref<32x1024xf32, #tpu.memory_space<vmem>>, vector<1x16xf32>,
      %get3A_914 = vector.shape_cast %get3A_913 : vector<1x16xf32> to vector<16xf32>
      %add3A_915 = arith.addf %get3A_910, %get3A_914 : vector<16xf32>
      %swap3A_916 = arith.index_cast %scan3A_40 : i32 to index
      %swap3A_917 = arith.constant 992 : index
      %swap3A_918 = tpu.vector_load %arg8[%swap3A_916, %swap3A_917] {strides = array<i32>} : memref<32x1024xf32, #tpu.memory_space<vmem>>, vector<1x16xf32>,
      %swap3A_919 = vector.shape_cast %swap3A_918 : vector<1x16xf32> to vector<16xf32>
      %swap3A_920 = vector.shape_cast %add3A_915 : vector<16xf32> to vector<1x16xf32>
      tpu.vector_store %arg8[%swap3A_916, %swap3A_917], %swap3A_920 {strides = array<i32>} : memref<32x1024xf32, #tpu.memory_space<vmem>>, vector<1x16xf32>,
      %get3A_921 = arith.index_cast %scan3A_40 : i32 to index
      %get3A_922 = arith.constant 1008 : index
      %get3A_923 = tpu.vector_load %arg6[%get3A_921, %get3A_922] {strides = array<i32>} : memref<32x1024xf32, #tpu.memory_space<vmem>>, vector<1x16xf32>,
      %get3A_924 = vector.shape_cast %get3A_923 : vector<1x16xf32> to vector<16xf32>
      %get3A_925 = arith.index_cast %scan3A_40 : i32 to index
      %get3A_926 = arith.constant 1008 : index
      %get3A_927 = tpu.vector_load %arg7[%get3A_925, %get3A_926] {strides = array<i32>} : memref<32x1024xf32, #tpu.memory_space<vmem>>, vector<1x16xf32>,
      %get3A_928 = vector.shape_cast %get3A_927 : vector<1x16xf32> to vector<16xf32>
      %add3A_929 = arith.addf %get3A_924, %get3A_928 : vector<16xf32>
      %swap3A_930 = arith.index_cast %scan3A_40 : i32 to index
      %swap3A_931 = arith.constant 1008 : index
      %swap3A_932 = tpu.vector_load %arg8[%swap3A_930, %swap3A_931] {strides = array<i32>} : memref<32x1024xf32, #tpu.memory_space<vmem>>, vector<1x16xf32>,
      %swap3A_933 = vector.shape_cast %swap3A_932 : vector<1x16xf32> to vector<16xf32>
      %swap3A_934 = vector.shape_cast %add3A_929 : vector<16xf32> to vector<1x16xf32>
      tpu.vector_store %arg8[%swap3A_930, %swap3A_931], %swap3A_934 {strides = array<i32>} : memref<32x1024xf32, #tpu.memory_space<vmem>>, vector<1x16xf32>,
    }
    %scan3A_19 = arith.constant 32 : i32
    "tpu.region"() ({
      %run_scoped3A = tpu.sem_alloc : memref<!tpu.dma_semaphore, #tpu.memory_space<semaphore_mem>>
      %dma_start3A_40 = arith.constant 0 : i32
      %dma_start3A_41 = tpu.memref_slice %arg5[%add3A_4, %dma_start3A_40] : memref<2048x1024xf32, #tpu.memory_space<hbm>> -> memref<32x1024xf32, #tpu.memory_space<hbm>>
      %dma_start3A_42 = arith.constant 0 : i32
      %dma_start3A_43 = tpu.memref_slice %arg5[%add3A_4, %dma_start3A_42] : memref<2048x1024xf32, #tpu.memory_space<hbm>> -> memref<32x1024xf32, #tpu.memory_space<hbm>>
      tpu.enqueue_dma source(%arg8 : memref<32x1024xf32, #tpu.memory_space<vmem>>) target(%dma_start3A_43 : memref<32x1024xf32, #tpu.memory_space<hbm>>) target_semaphore(%run_scoped3A : memref<!tpu.dma_semaphore, #tpu.memory_space<semaphore_mem>>)
      %dma_wait3A_44 = arith.constant 0 : i32
      %dma_wait3A_45 = tpu.memref_slice %arg5[%add3A_4, %dma_wait3A_44] : memref<2048x1024xf32, #tpu.memory_space<hbm>> -> memref<32x1024xf32, #tpu.memory_space<hbm>>
      %dma_wait3A_46 = arith.constant 0 : i32
      %dma_wait3A_47 = tpu.memref_slice %arg5[%add3A_4, %dma_wait3A_46] : memref<2048x1024xf32, #tpu.memory_space<hbm>> -> memref<32x1024xf32, #tpu.memory_space<hbm>>
      tpu.wait_dma2 semaphore(%run_scoped3A : memref<!tpu.dma_semaphore, #tpu.memory_space<semaphore_mem>>) src(%arg8 : memref<32x1024xf32, #tpu.memory_space<vmem>>) dst(%dma_wait3A_47 : memref<32x1024xf32, #tpu.memory_space<hbm>>)
      tpu.yield
    }) : () -> ()
    %add3A_20 = arith.constant 32 : i32
    %add3A_21 = arith.addi %mul3A_2, %add3A_20 : i32
    "tpu.region"() ({
      %run_scoped3A = tpu.sem_alloc : memref<!tpu.dma_semaphore, #tpu.memory_space<semaphore_mem>>
      %dma_start3A_40 = tpu.memref_slice %arg3[%add3A_21] : memref<2048xi32, #tpu.memory_space<hbm>> -> memref<32xi32, #tpu.memory_space<hbm>>
      %dma_start3A_41 = tpu.memref_slice %arg3[%add3A_21] : memref<2048xi32, #tpu.memory_space<hbm>> -> memref<32xi32, #tpu.memory_space<hbm>>
      tpu.enqueue_dma source(%dma_start3A_41 : memref<32xi32, #tpu.memory_space<hbm>>) target(%arg9 : memref<32xi32, #tpu.memory_space<vmem>>) target_semaphore(%run_scoped3A : memref<!tpu.dma_semaphore, #tpu.memory_space<semaphore_mem>>)
      %dma_wait3A_42 = tpu.memref_slice %arg3[%add3A_21] : memref<2048xi32, #tpu.memory_space<hbm>> -> memref<32xi32, #tpu.memory_space<hbm>>
      %dma_wait3A_43 = tpu.memref_slice %arg3[%add3A_21] : memref<2048xi32, #tpu.memory_space<hbm>> -> memref<32xi32, #tpu.memory_space<hbm>>
      tpu.wait_dma2 semaphore(%run_scoped3A : memref<!tpu.dma_semaphore, #tpu.memory_space<semaphore_mem>>) src(%dma_wait3A_43 : memref<32xi32, #tpu.memory_space<hbm>>) dst(%arg9 : memref<32xi32, #tpu.memory_space<vmem>>)
      tpu.yield
    }) : () -> ()
    "tpu.region"() ({
      %run_scoped3A = tpu.sem_alloc : memref<!tpu.dma_semaphore, #tpu.memory_space<semaphore_mem>>
      %dma_start3A_40 = tpu.memref_slice %arg4[%add3A_21] : memref<2048xi32, #tpu.memory_space<hbm>> -> memref<32xi32, #tpu.memory_space<hbm>>
      %dma_start3A_41 = tpu.memref_slice %arg4[%add3A_21] : memref<2048xi32, #tpu.memory_space<hbm>> -> memref<32xi32, #tpu.memory_space<hbm>>
      tpu.enqueue_dma source(%dma_start3A_41 : memref<32xi32, #tpu.memory_space<hbm>>) target(%arg10 : memref<32xi32, #tpu.memory_space<vmem>>) target_semaphore(%run_scoped3A : memref<!tpu.dma_semaphore, #tpu.memory_space<semaphore_mem>>)
      %dma_wait3A_42 = tpu.memref_slice %arg4[%add3A_21] : memref<2048xi32, #tpu.memory_space<hbm>> -> memref<32xi32, #tpu.memory_space<hbm>>
      %dma_wait3A_43 = tpu.memref_slice %arg4[%add3A_21] : memref<2048xi32, #tpu.memory_space<hbm>> -> memref<32xi32, #tpu.memory_space<hbm>>
      tpu.wait_dma2 semaphore(%run_scoped3A : memref<!tpu.dma_semaphore, #tpu.memory_space<semaphore_mem>>) src(%dma_wait3A_43 : memref<32xi32, #tpu.memory_space<hbm>>) dst(%arg10 : memref<32xi32, #tpu.memory_space<vmem>>)
      tpu.yield
    }) : () -> ()
    %dma_start3A_22 = arith.constant 0 : i32
    %dma_start3A_23 = arith.constant 0 : i32
    %dma_start3A_24 = tpu.memref_slice %arg2[%dma_start3A_22, %dma_start3A_23] : memref<16384x1024xf32, #tpu.memory_space<hbm>> -> memref<16384x1024xf32, #tpu.memory_space<hbm>>
    tpu.enqueue_indirect_dma source(%dma_start3A_24 : memref<16384x1024xf32, #tpu.memory_space<hbm>>) target(%arg6 : memref<32x1024xf32, #tpu.memory_space<vmem>>) offsets(%arg9 : memref<32xi32, #tpu.memory_space<vmem>>) semaphore(%arg11 : memref<!tpu.dma_semaphore, #tpu.memory_space<semaphore_mem>>)
    %dma_wait3A_25 = arith.constant 0 : i32
    %dma_wait3A_26 = arith.constant 0 : i32
    %dma_wait3A_27 = tpu.memref_slice %arg2[%dma_wait3A_25, %dma_wait3A_26] : memref<16384x1024xf32, #tpu.memory_space<hbm>> -> memref<16384x1024xf32, #tpu.memory_space<hbm>>
    tpu.wait_indirect_dma semaphore(%arg11 : memref<!tpu.dma_semaphore, #tpu.memory_space<semaphore_mem>>) src(%dma_wait3A_27 : memref<16384x1024xf32, #tpu.memory_space<hbm>>) dst(%arg6 : memref<32x1024xf32, #tpu.memory_space<vmem>>)
    %dma_start3A_28 = arith.constant 0 : i32
    %dma_start3A_29 = arith.constant 0 : i32
    %dma_start3A_30 = tpu.memref_slice %arg2[%dma_start3A_28, %dma_start3A_29] : memref<16384x1024xf32, #tpu.memory_space<hbm>> -> memref<16384x1024xf32, #tpu.memory_space<hbm>>
    tpu.enqueue_indirect_dma source(%dma_start3A_30 : memref<16384x1024xf32, #tpu.memory_space<hbm>>) target(%arg7 : memref<32x1024xf32, #tpu.memory_space<vmem>>) offsets(%arg10 : memref<32xi32, #tpu.memory_space<vmem>>) semaphore(%arg11 : memref<!tpu.dma_semaphore, #tpu.memory_space<semaphore_mem>>)
    %dma_wait3A_31 = arith.constant 0 : i32
    %dma_wait3A_32 = arith.constant 0 : i32
    %dma_wait3A_33 = tpu.memref_slice %arg2[%dma_wait3A_31, %dma_wait3A_32] : memref<16384x1024xf32, #tpu.memory_space<hbm>> -> memref<16384x1024xf32, #tpu.memory_space<hbm>>
    tpu.wait_indirect_dma semaphore(%arg11 : memref<!tpu.dma_semaphore, #tpu.memory_space<semaphore_mem>>) src(%dma_wait3A_33 : memref<16384x1024xf32, #tpu.memory_space<hbm>>) dst(%arg7 : memref<32x1024xf32, #tpu.memory_space<vmem>>)
    %scan3A_34 = arith.constant 0 : i32
    %scan3A_35 = arith.constant 0 : i32
    %scan3A_36 = arith.constant 32 : i32
    %scan3A_37 = arith.addi %scan3A_35, %scan3A_36 : i32
    %scan3A_38 = arith.constant 1 : i32
    scf.for %scan3A_40 = %scan3A_35 to %scan3A_37 step %scan3A_38  : i32 {
      %get3A = arith.index_cast %scan3A_40 : i32 to index
      %get3A_41 = arith.constant 0 : index
      %get3A_42 = tpu.vector_load %arg6[%get3A, %get3A_41] {strides = array<i32>} : memref<32x1024xf32, #tpu.memory_space<vmem>>, vector<1x16xf32>,
      %get3A_43 = vector.shape_cast %get3A_42 : vector<1x16xf32> to vector<16xf32>
      %get3A_44 = arith.index_cast %scan3A_40 : i32 to index
      %get3A_45 = arith.constant 0 : index
      %get3A_46 = tpu.vector_load %arg7[%get3A_44, %get3A_45] {strides = array<i32>} : memref<32x1024xf32, #tpu.memory_space<vmem>>, vector<1x16xf32>,
      %get3A_47 = vector.shape_cast %get3A_46 : vector<1x16xf32> to vector<16xf32>
      %add3A_48 = arith.addf %get3A_43, %get3A_47 : vector<16xf32>
      %swap3A = arith.index_cast %scan3A_40 : i32 to index
      %swap3A_49 = arith.constant 0 : index
      %swap3A_50 = tpu.vector_load %arg8[%swap3A, %swap3A_49] {strides = array<i32>} : memref<32x1024xf32, #tpu.memory_space<vmem>>, vector<1x16xf32>,
      %swap3A_51 = vector.shape_cast %swap3A_50 : vector<1x16xf32> to vector<16xf32>
      %swap3A_52 = vector.shape_cast %add3A_48 : vector<16xf32> to vector<1x16xf32>
      tpu.vector_store %arg8[%swap3A, %swap3A_49], %swap3A_52 {strides = array<i32>} : memref<32x1024xf32, #tpu.memory_space<vmem>>, vector<1x16xf32>,
      %get3A_53 = arith.index_cast %scan3A_40 : i32 to index
      %get3A_54 = arith.constant 16 : index
      %get3A_55 = tpu.vector_load %arg6[%get3A_53, %get3A_54] {strides = array<i32>} : memref<32x1024xf32, #tpu.memory_space<vmem>>, vector<1x16xf32>,
      %get3A_56 = vector.shape_cast %get3A_55 : vector<1x16xf32> to vector<16xf32>
      %get3A_57 = arith.index_cast %scan3A_40 : i32 to index
      %get3A_58 = arith.constant 16 : index
      %get3A_59 = tpu.vector_load %arg7[%get3A_57, %get3A_58] {strides = array<i32>} : memref<32x1024xf32, #tpu.memory_space<vmem>>, vector<1x16xf32>,
      %get3A_60 = vector.shape_cast %get3A_59 : vector<1x16xf32> to vector<16xf32>
      %add3A_61 = arith.addf %get3A_56, %get3A_60 : vector<16xf32>
      %swap3A_62 = arith.index_cast %scan3A_40 : i32 to index
      %swap3A_63 = arith.constant 16 : index
      %swap3A_64 = tpu.vector_load %arg8[%swap3A_62, %swap3A_63] {strides = array<i32>} : memref<32x1024xf32, #tpu.memory_space<vmem>>, vector<1x16xf32>,
      %swap3A_65 = vector.shape_cast %swap3A_64 : vector<1x16xf32> to vector<16xf32>
      %swap3A_66 = vector.shape_cast %add3A_61 : vector<16xf32> to vector<1x16xf32>
      tpu.vector_store %arg8[%swap3A_62, %swap3A_63], %swap3A_66 {strides = array<i32>} : memref<32x1024xf32, #tpu.memory_space<vmem>>, vector<1x16xf32>,
      %get3A_67 = arith.index_cast %scan3A_40 : i32 to index
      %get3A_68 = arith.constant 32 : index
      %get3A_69 = tpu.vector_load %arg6[%get3A_67, %get3A_68] {strides = array<i32>} : memref<32x1024xf32, #tpu.memory_space<vmem>>, vector<1x16xf32>,
      %get3A_70 = vector.shape_cast %get3A_69 : vector<1x16xf32> to vector<16xf32>
      %get3A_71 = arith.index_cast %scan3A_40 : i32 to index
      %get3A_72 = arith.constant 32 : index
      %get3A_73 = tpu.vector_load %arg7[%get3A_71, %get3A_72] {strides = array<i32>} : memref<32x1024xf32, #tpu.memory_space<vmem>>, vector<1x16xf32>,
      %get3A_74 = vector.shape_cast %get3A_73 : vector<1x16xf32> to vector<16xf32>
      %add3A_75 = arith.addf %get3A_70, %get3A_74 : vector<16xf32>
      %swap3A_76 = arith.index_cast %scan3A_40 : i32 to index
      %swap3A_77 = arith.constant 32 : index
      %swap3A_78 = tpu.vector_load %arg8[%swap3A_76, %swap3A_77] {strides = array<i32>} : memref<32x1024xf32, #tpu.memory_space<vmem>>, vector<1x16xf32>,
      %swap3A_79 = vector.shape_cast %swap3A_78 : vector<1x16xf32> to vector<16xf32>
      %swap3A_80 = vector.shape_cast %add3A_75 : vector<16xf32> to vector<1x16xf32>
      tpu.vector_store %arg8[%swap3A_76, %swap3A_77], %swap3A_80 {strides = array<i32>} : memref<32x1024xf32, #tpu.memory_space<vmem>>, vector<1x16xf32>,
      %get3A_81 = arith.index_cast %scan3A_40 : i32 to index
      %get3A_82 = arith.constant 48 : index
      %get3A_83 = tpu.vector_load %arg6[%get3A_81, %get3A_82] {strides = array<i32>} : memref<32x1024xf32, #tpu.memory_space<vmem>>, vector<1x16xf32>,
      %get3A_84 = vector.shape_cast %get3A_83 : vector<1x16xf32> to vector<16xf32>
      %get3A_85 = arith.index_cast %scan3A_40 : i32 to index
      %get3A_86 = arith.constant 48 : index
      %get3A_87 = tpu.vector_load %arg7[%get3A_85, %get3A_86] {strides = array<i32>} : memref<32x1024xf32, #tpu.memory_space<vmem>>, vector<1x16xf32>,
      %get3A_88 = vector.shape_cast %get3A_87 : vector<1x16xf32> to vector<16xf32>
      %add3A_89 = arith.addf %get3A_84, %get3A_88 : vector<16xf32>
      %swap3A_90 = arith.index_cast %scan3A_40 : i32 to index
      %swap3A_91 = arith.constant 48 : index
      %swap3A_92 = tpu.vector_load %arg8[%swap3A_90, %swap3A_91] {strides = array<i32>} : memref<32x1024xf32, #tpu.memory_space<vmem>>, vector<1x16xf32>,
      %swap3A_93 = vector.shape_cast %swap3A_92 : vector<1x16xf32> to vector<16xf32>
      %swap3A_94 = vector.shape_cast %add3A_89 : vector<16xf32> to vector<1x16xf32>
      tpu.vector_store %arg8[%swap3A_90, %swap3A_91], %swap3A_94 {strides = array<i32>} : memref<32x1024xf32, #tpu.memory_space<vmem>>, vector<1x16xf32>,
      %get3A_95 = arith.index_cast %scan3A_40 : i32 to index
      %get3A_96 = arith.constant 64 : index
      %get3A_97 = tpu.vector_load %arg6[%get3A_95, %get3A_96] {strides = array<i32>} : memref<32x1024xf32, #tpu.memory_space<vmem>>, vector<1x16xf32>,
      %get3A_98 = vector.shape_cast %get3A_97 : vector<1x16xf32> to vector<16xf32>
      %get3A_99 = arith.index_cast %scan3A_40 : i32 to index
      %get3A_100 = arith.constant 64 : index
      %get3A_101 = tpu.vector_load %arg7[%get3A_99, %get3A_100] {strides = array<i32>} : memref<32x1024xf32, #tpu.memory_space<vmem>>, vector<1x16xf32>,
      %get3A_102 = vector.shape_cast %get3A_101 : vector<1x16xf32> to vector<16xf32>
      %add3A_103 = arith.addf %get3A_98, %get3A_102 : vector<16xf32>
      %swap3A_104 = arith.index_cast %scan3A_40 : i32 to index
      %swap3A_105 = arith.constant 64 : index
      %swap3A_106 = tpu.vector_load %arg8[%swap3A_104, %swap3A_105] {strides = array<i32>} : memref<32x1024xf32, #tpu.memory_space<vmem>>, vector<1x16xf32>,
      %swap3A_107 = vector.shape_cast %swap3A_106 : vector<1x16xf32> to vector<16xf32>
      %swap3A_108 = vector.shape_cast %add3A_103 : vector<16xf32> to vector<1x16xf32>
      tpu.vector_store %arg8[%swap3A_104, %swap3A_105], %swap3A_108 {strides = array<i32>} : memref<32x1024xf32, #tpu.memory_space<vmem>>, vector<1x16xf32>,
      %get3A_109 = arith.index_cast %scan3A_40 : i32 to index
      %get3A_110 = arith.constant 80 : index
      %get3A_111 = tpu.vector_load %arg6[%get3A_109, %get3A_110] {strides = array<i32>} : memref<32x1024xf32, #tpu.memory_space<vmem>>, vector<1x16xf32>,
      %get3A_112 = vector.shape_cast %get3A_111 : vector<1x16xf32> to vector<16xf32>
      %get3A_113 = arith.index_cast %scan3A_40 : i32 to index
      %get3A_114 = arith.constant 80 : index
      %get3A_115 = tpu.vector_load %arg7[%get3A_113, %get3A_114] {strides = array<i32>} : memref<32x1024xf32, #tpu.memory_space<vmem>>, vector<1x16xf32>,
      %get3A_116 = vector.shape_cast %get3A_115 : vector<1x16xf32> to vector<16xf32>
      %add3A_117 = arith.addf %get3A_112, %get3A_116 : vector<16xf32>
      %swap3A_118 = arith.index_cast %scan3A_40 : i32 to index
      %swap3A_119 = arith.constant 80 : index
      %swap3A_120 = tpu.vector_load %arg8[%swap3A_118, %swap3A_119] {strides = array<i32>} : memref<32x1024xf32, #tpu.memory_space<vmem>>, vector<1x16xf32>,
      %swap3A_121 = vector.shape_cast %swap3A_120 : vector<1x16xf32> to vector<16xf32>
      %swap3A_122 = vector.shape_cast %add3A_117 : vector<16xf32> to vector<1x16xf32>
      tpu.vector_store %arg8[%swap3A_118, %swap3A_119], %swap3A_122 {strides = array<i32>} : memref<32x1024xf32, #tpu.memory_space<vmem>>, vector<1x16xf32>,
      %get3A_123 = arith.index_cast %scan3A_40 : i32 to index
      %get3A_124 = arith.constant 96 : index
      %get3A_125 = tpu.vector_load %arg6[%get3A_123, %get3A_124] {strides = array<i32>} : memref<32x1024xf32, #tpu.memory_space<vmem>>, vector<1x16xf32>,
      %get3A_126 = vector.shape_cast %get3A_125 : vector<1x16xf32> to vector<16xf32>
      %get3A_127 = arith.index_cast %scan3A_40 : i32 to index
      %get3A_128 = arith.constant 96 : index
      %get3A_129 = tpu.vector_load %arg7[%get3A_127, %get3A_128] {strides = array<i32>} : memref<32x1024xf32, #tpu.memory_space<vmem>>, vector<1x16xf32>,
      %get3A_130 = vector.shape_cast %get3A_129 : vector<1x16xf32> to vector<16xf32>
      %add3A_131 = arith.addf %get3A_126, %get3A_130 : vector<16xf32>
      %swap3A_132 = arith.index_cast %scan3A_40 : i32 to index
      %swap3A_133 = arith.constant 96 : index
      %swap3A_134 = tpu.vector_load %arg8[%swap3A_132, %swap3A_133] {strides = array<i32>} : memref<32x1024xf32, #tpu.memory_space<vmem>>, vector<1x16xf32>,
      %swap3A_135 = vector.shape_cast %swap3A_134 : vector<1x16xf32> to vector<16xf32>
      %swap3A_136 = vector.shape_cast %add3A_131 : vector<16xf32> to vector<1x16xf32>
      tpu.vector_store %arg8[%swap3A_132, %swap3A_133], %swap3A_136 {strides = array<i32>} : memref<32x1024xf32, #tpu.memory_space<vmem>>, vector<1x16xf32>,
      %get3A_137 = arith.index_cast %scan3A_40 : i32 to index
      %get3A_138 = arith.constant 112 : index
      %get3A_139 = tpu.vector_load %arg6[%get3A_137, %get3A_138] {strides = array<i32>} : memref<32x1024xf32, #tpu.memory_space<vmem>>, vector<1x16xf32>,
      %get3A_140 = vector.shape_cast %get3A_139 : vector<1x16xf32> to vector<16xf32>
      %get3A_141 = arith.index_cast %scan3A_40 : i32 to index
      %get3A_142 = arith.constant 112 : index
      %get3A_143 = tpu.vector_load %arg7[%get3A_141, %get3A_142] {strides = array<i32>} : memref<32x1024xf32, #tpu.memory_space<vmem>>, vector<1x16xf32>,
      %get3A_144 = vector.shape_cast %get3A_143 : vector<1x16xf32> to vector<16xf32>
      %add3A_145 = arith.addf %get3A_140, %get3A_144 : vector<16xf32>
      %swap3A_146 = arith.index_cast %scan3A_40 : i32 to index
      %swap3A_147 = arith.constant 112 : index
      %swap3A_148 = tpu.vector_load %arg8[%swap3A_146, %swap3A_147] {strides = array<i32>} : memref<32x1024xf32, #tpu.memory_space<vmem>>, vector<1x16xf32>,
      %swap3A_149 = vector.shape_cast %swap3A_148 : vector<1x16xf32> to vector<16xf32>
      %swap3A_150 = vector.shape_cast %add3A_145 : vector<16xf32> to vector<1x16xf32>
      tpu.vector_store %arg8[%swap3A_146, %swap3A_147], %swap3A_150 {strides = array<i32>} : memref<32x1024xf32, #tpu.memory_space<vmem>>, vector<1x16xf32>,
      %get3A_151 = arith.index_cast %scan3A_40 : i32 to index
      %get3A_152 = arith.constant 128 : index
      %get3A_153 = tpu.vector_load %arg6[%get3A_151, %get3A_152] {strides = array<i32>} : memref<32x1024xf32, #tpu.memory_space<vmem>>, vector<1x16xf32>,
      %get3A_154 = vector.shape_cast %get3A_153 : vector<1x16xf32> to vector<16xf32>
      %get3A_155 = arith.index_cast %scan3A_40 : i32 to index
      %get3A_156 = arith.constant 128 : index
      %get3A_157 = tpu.vector_load %arg7[%get3A_155, %get3A_156] {strides = array<i32>} : memref<32x1024xf32, #tpu.memory_space<vmem>>, vector<1x16xf32>,
      %get3A_158 = vector.shape_cast %get3A_157 : vector<1x16xf32> to vector<16xf32>
      %add3A_159 = arith.addf %get3A_154, %get3A_158 : vector<16xf32>
      %swap3A_160 = arith.index_cast %scan3A_40 : i32 to index
      %swap3A_161 = arith.constant 128 : index
      %swap3A_162 = tpu.vector_load %arg8[%swap3A_160, %swap3A_161] {strides = array<i32>} : memref<32x1024xf32, #tpu.memory_space<vmem>>, vector<1x16xf32>,
      %swap3A_163 = vector.shape_cast %swap3A_162 : vector<1x16xf32> to vector<16xf32>
      %swap3A_164 = vector.shape_cast %add3A_159 : vector<16xf32> to vector<1x16xf32>
      tpu.vector_store %arg8[%swap3A_160, %swap3A_161], %swap3A_164 {strides = array<i32>} : memref<32x1024xf32, #tpu.memory_space<vmem>>, vector<1x16xf32>,
      %get3A_165 = arith.index_cast %scan3A_40 : i32 to index
      %get3A_166 = arith.constant 144 : index
      %get3A_167 = tpu.vector_load %arg6[%get3A_165, %get3A_166] {strides = array<i32>} : memref<32x1024xf32, #tpu.memory_space<vmem>>, vector<1x16xf32>,
      %get3A_168 = vector.shape_cast %get3A_167 : vector<1x16xf32> to vector<16xf32>
      %get3A_169 = arith.index_cast %scan3A_40 : i32 to index
      %get3A_170 = arith.constant 144 : index
      %get3A_171 = tpu.vector_load %arg7[%get3A_169, %get3A_170] {strides = array<i32>} : memref<32x1024xf32, #tpu.memory_space<vmem>>, vector<1x16xf32>,
      %get3A_172 = vector.shape_cast %get3A_171 : vector<1x16xf32> to vector<16xf32>
      %add3A_173 = arith.addf %get3A_168, %get3A_172 : vector<16xf32>
      %swap3A_174 = arith.index_cast %scan3A_40 : i32 to index
      %swap3A_175 = arith.constant 144 : index
      %swap3A_176 = tpu.vector_load %arg8[%swap3A_174, %swap3A_175] {strides = array<i32>} : memref<32x1024xf32, #tpu.memory_space<vmem>>, vector<1x16xf32>,
      %swap3A_177 = vector.shape_cast %swap3A_176 : vector<1x16xf32> to vector<16xf32>
      %swap3A_178 = vector.shape_cast %add3A_173 : vector<16xf32> to vector<1x16xf32>
      tpu.vector_store %arg8[%swap3A_174, %swap3A_175], %swap3A_178 {strides = array<i32>} : memref<32x1024xf32, #tpu.memory_space<vmem>>, vector<1x16xf32>,
      %get3A_179 = arith.index_cast %scan3A_40 : i32 to index
      %get3A_180 = arith.constant 160 : index
      %get3A_181 = tpu.vector_load %arg6[%get3A_179, %get3A_180] {strides = array<i32>} : memref<32x1024xf32, #tpu.memory_space<vmem>>, vector<1x16xf32>,
      %get3A_182 = vector.shape_cast %get3A_181 : vector<1x16xf32> to vector<16xf32>
      %get3A_183 = arith.index_cast %scan3A_40 : i32 to index
      %get3A_184 = arith.constant 160 : index
      %get3A_185 = tpu.vector_load %arg7[%get3A_183, %get3A_184] {strides = array<i32>} : memref<32x1024xf32, #tpu.memory_space<vmem>>, vector<1x16xf32>,
      %get3A_186 = vector.shape_cast %get3A_185 : vector<1x16xf32> to vector<16xf32>
      %add3A_187 = arith.addf %get3A_182, %get3A_186 : vector<16xf32>
      %swap3A_188 = arith.index_cast %scan3A_40 : i32 to index
      %swap3A_189 = arith.constant 160 : index
      %swap3A_190 = tpu.vector_load %arg8[%swap3A_188, %swap3A_189] {strides = array<i32>} : memref<32x1024xf32, #tpu.memory_space<vmem>>, vector<1x16xf32>,
      %swap3A_191 = vector.shape_cast %swap3A_190 : vector<1x16xf32> to vector<16xf32>
      %swap3A_192 = vector.shape_cast %add3A_187 : vector<16xf32> to vector<1x16xf32>
      tpu.vector_store %arg8[%swap3A_188, %swap3A_189], %swap3A_192 {strides = array<i32>} : memref<32x1024xf32, #tpu.memory_space<vmem>>, vector<1x16xf32>,
      %get3A_193 = arith.index_cast %scan3A_40 : i32 to index
      %get3A_194 = arith.constant 176 : index
      %get3A_195 = tpu.vector_load %arg6[%get3A_193, %get3A_194] {strides = array<i32>} : memref<32x1024xf32, #tpu.memory_space<vmem>>, vector<1x16xf32>,
      %get3A_196 = vector.shape_cast %get3A_195 : vector<1x16xf32> to vector<16xf32>
      %get3A_197 = arith.index_cast %scan3A_40 : i32 to index
      %get3A_198 = arith.constant 176 : index
      %get3A_199 = tpu.vector_load %arg7[%get3A_197, %get3A_198] {strides = array<i32>} : memref<32x1024xf32, #tpu.memory_space<vmem>>, vector<1x16xf32>,
      %get3A_200 = vector.shape_cast %get3A_199 : vector<1x16xf32> to vector<16xf32>
      %add3A_201 = arith.addf %get3A_196, %get3A_200 : vector<16xf32>
      %swap3A_202 = arith.index_cast %scan3A_40 : i32 to index
      %swap3A_203 = arith.constant 176 : index
      %swap3A_204 = tpu.vector_load %arg8[%swap3A_202, %swap3A_203] {strides = array<i32>} : memref<32x1024xf32, #tpu.memory_space<vmem>>, vector<1x16xf32>,
      %swap3A_205 = vector.shape_cast %swap3A_204 : vector<1x16xf32> to vector<16xf32>
      %swap3A_206 = vector.shape_cast %add3A_201 : vector<16xf32> to vector<1x16xf32>
      tpu.vector_store %arg8[%swap3A_202, %swap3A_203], %swap3A_206 {strides = array<i32>} : memref<32x1024xf32, #tpu.memory_space<vmem>>, vector<1x16xf32>,
      %get3A_207 = arith.index_cast %scan3A_40 : i32 to index
      %get3A_208 = arith.constant 192 : index
      %get3A_209 = tpu.vector_load %arg6[%get3A_207, %get3A_208] {strides = array<i32>} : memref<32x1024xf32, #tpu.memory_space<vmem>>, vector<1x16xf32>,
      %get3A_210 = vector.shape_cast %get3A_209 : vector<1x16xf32> to vector<16xf32>
      %get3A_211 = arith.index_cast %scan3A_40 : i32 to index
      %get3A_212 = arith.constant 192 : index
      %get3A_213 = tpu.vector_load %arg7[%get3A_211, %get3A_212] {strides = array<i32>} : memref<32x1024xf32, #tpu.memory_space<vmem>>, vector<1x16xf32>,
      %get3A_214 = vector.shape_cast %get3A_213 : vector<1x16xf32> to vector<16xf32>
      %add3A_215 = arith.addf %get3A_210, %get3A_214 : vector<16xf32>
      %swap3A_216 = arith.index_cast %scan3A_40 : i32 to index
      %swap3A_217 = arith.constant 192 : index
      %swap3A_218 = tpu.vector_load %arg8[%swap3A_216, %swap3A_217] {strides = array<i32>} : memref<32x1024xf32, #tpu.memory_space<vmem>>, vector<1x16xf32>,
      %swap3A_219 = vector.shape_cast %swap3A_218 : vector<1x16xf32> to vector<16xf32>
      %swap3A_220 = vector.shape_cast %add3A_215 : vector<16xf32> to vector<1x16xf32>
      tpu.vector_store %arg8[%swap3A_216, %swap3A_217], %swap3A_220 {strides = array<i32>} : memref<32x1024xf32, #tpu.memory_space<vmem>>, vector<1x16xf32>,
      %get3A_221 = arith.index_cast %scan3A_40 : i32 to index
      %get3A_222 = arith.constant 208 : index
      %get3A_223 = tpu.vector_load %arg6[%get3A_221, %get3A_222] {strides = array<i32>} : memref<32x1024xf32, #tpu.memory_space<vmem>>, vector<1x16xf32>,
      %get3A_224 = vector.shape_cast %get3A_223 : vector<1x16xf32> to vector<16xf32>
      %get3A_225 = arith.index_cast %scan3A_40 : i32 to index
      %get3A_226 = arith.constant 208 : index
      %get3A_227 = tpu.vector_load %arg7[%get3A_225, %get3A_226] {strides = array<i32>} : memref<32x1024xf32, #tpu.memory_space<vmem>>, vector<1x16xf32>,
      %get3A_228 = vector.shape_cast %get3A_227 : vector<1x16xf32> to vector<16xf32>
      %add3A_229 = arith.addf %get3A_224, %get3A_228 : vector<16xf32>
      %swap3A_230 = arith.index_cast %scan3A_40 : i32 to index
      %swap3A_231 = arith.constant 208 : index
      %swap3A_232 = tpu.vector_load %arg8[%swap3A_230, %swap3A_231] {strides = array<i32>} : memref<32x1024xf32, #tpu.memory_space<vmem>>, vector<1x16xf32>,
      %swap3A_233 = vector.shape_cast %swap3A_232 : vector<1x16xf32> to vector<16xf32>
      %swap3A_234 = vector.shape_cast %add3A_229 : vector<16xf32> to vector<1x16xf32>
      tpu.vector_store %arg8[%swap3A_230, %swap3A_231], %swap3A_234 {strides = array<i32>} : memref<32x1024xf32, #tpu.memory_space<vmem>>, vector<1x16xf32>,
      %get3A_235 = arith.index_cast %scan3A_40 : i32 to index
      %get3A_236 = arith.constant 224 : index
      %get3A_237 = tpu.vector_load %arg6[%get3A_235, %get3A_236] {strides = array<i32>} : memref<32x1024xf32, #tpu.memory_space<vmem>>, vector<1x16xf32>,
      %get3A_238 = vector.shape_cast %get3A_237 : vector<1x16xf32> to vector<16xf32>
      %get3A_239 = arith.index_cast %scan3A_40 : i32 to index
      %get3A_240 = arith.constant 224 : index
      %get3A_241 = tpu.vector_load %arg7[%get3A_239, %get3A_240] {strides = array<i32>} : memref<32x1024xf32, #tpu.memory_space<vmem>>, vector<1x16xf32>,
      %get3A_242 = vector.shape_cast %get3A_241 : vector<1x16xf32> to vector<16xf32>
      %add3A_243 = arith.addf %get3A_238, %get3A_242 : vector<16xf32>
      %swap3A_244 = arith.index_cast %scan3A_40 : i32 to index
      %swap3A_245 = arith.constant 224 : index
      %swap3A_246 = tpu.vector_load %arg8[%swap3A_244, %swap3A_245] {strides = array<i32>} : memref<32x1024xf32, #tpu.memory_space<vmem>>, vector<1x16xf32>,
      %swap3A_247 = vector.shape_cast %swap3A_246 : vector<1x16xf32> to vector<16xf32>
      %swap3A_248 = vector.shape_cast %add3A_243 : vector<16xf32> to vector<1x16xf32>
      tpu.vector_store %arg8[%swap3A_244, %swap3A_245], %swap3A_248 {strides = array<i32>} : memref<32x1024xf32, #tpu.memory_space<vmem>>, vector<1x16xf32>,
      %get3A_249 = arith.index_cast %scan3A_40 : i32 to index
      %get3A_250 = arith.constant 240 : index
      %get3A_251 = tpu.vector_load %arg6[%get3A_249, %get3A_250] {strides = array<i32>} : memref<32x1024xf32, #tpu.memory_space<vmem>>, vector<1x16xf32>,
      %get3A_252 = vector.shape_cast %get3A_251 : vector<1x16xf32> to vector<16xf32>
      %get3A_253 = arith.index_cast %scan3A_40 : i32 to index
      %get3A_254 = arith.constant 240 : index
      %get3A_255 = tpu.vector_load %arg7[%get3A_253, %get3A_254] {strides = array<i32>} : memref<32x1024xf32, #tpu.memory_space<vmem>>, vector<1x16xf32>,
      %get3A_256 = vector.shape_cast %get3A_255 : vector<1x16xf32> to vector<16xf32>
      %add3A_257 = arith.addf %get3A_252, %get3A_256 : vector<16xf32>
      %swap3A_258 = arith.index_cast %scan3A_40 : i32 to index
      %swap3A_259 = arith.constant 240 : index
      %swap3A_260 = tpu.vector_load %arg8[%swap3A_258, %swap3A_259] {strides = array<i32>} : memref<32x1024xf32, #tpu.memory_space<vmem>>, vector<1x16xf32>,
      %swap3A_261 = vector.shape_cast %swap3A_260 : vector<1x16xf32> to vector<16xf32>
      %swap3A_262 = vector.shape_cast %add3A_257 : vector<16xf32> to vector<1x16xf32>
      tpu.vector_store %arg8[%swap3A_258, %swap3A_259], %swap3A_262 {strides = array<i32>} : memref<32x1024xf32, #tpu.memory_space<vmem>>, vector<1x16xf32>,
      %get3A_263 = arith.index_cast %scan3A_40 : i32 to index
      %get3A_264 = arith.constant 256 : index
      %get3A_265 = tpu.vector_load %arg6[%get3A_263, %get3A_264] {strides = array<i32>} : memref<32x1024xf32, #tpu.memory_space<vmem>>, vector<1x16xf32>,
      %get3A_266 = vector.shape_cast %get3A_265 : vector<1x16xf32> to vector<16xf32>
      %get3A_267 = arith.index_cast %scan3A_40 : i32 to index
      %get3A_268 = arith.constant 256 : index
      %get3A_269 = tpu.vector_load %arg7[%get3A_267, %get3A_268] {strides = array<i32>} : memref<32x1024xf32, #tpu.memory_space<vmem>>, vector<1x16xf32>,
      %get3A_270 = vector.shape_cast %get3A_269 : vector<1x16xf32> to vector<16xf32>
      %add3A_271 = arith.addf %get3A_266, %get3A_270 : vector<16xf32>
      %swap3A_272 = arith.index_cast %scan3A_40 : i32 to index
      %swap3A_273 = arith.constant 256 : index
      %swap3A_274 = tpu.vector_load %arg8[%swap3A_272, %swap3A_273] {strides = array<i32>} : memref<32x1024xf32, #tpu.memory_space<vmem>>, vector<1x16xf32>,
      %swap3A_275 = vector.shape_cast %swap3A_274 : vector<1x16xf32> to vector<16xf32>
      %swap3A_276 = vector.shape_cast %add3A_271 : vector<16xf32> to vector<1x16xf32>
      tpu.vector_store %arg8[%swap3A_272, %swap3A_273], %swap3A_276 {strides = array<i32>} : memref<32x1024xf32, #tpu.memory_space<vmem>>, vector<1x16xf32>,
      %get3A_277 = arith.index_cast %scan3A_40 : i32 to index
      %get3A_278 = arith.constant 272 : index
      %get3A_279 = tpu.vector_load %arg6[%get3A_277, %get3A_278] {strides = array<i32>} : memref<32x1024xf32, #tpu.memory_space<vmem>>, vector<1x16xf32>,
      %get3A_280 = vector.shape_cast %get3A_279 : vector<1x16xf32> to vector<16xf32>
      %get3A_281 = arith.index_cast %scan3A_40 : i32 to index
      %get3A_282 = arith.constant 272 : index
      %get3A_283 = tpu.vector_load %arg7[%get3A_281, %get3A_282] {strides = array<i32>} : memref<32x1024xf32, #tpu.memory_space<vmem>>, vector<1x16xf32>,
      %get3A_284 = vector.shape_cast %get3A_283 : vector<1x16xf32> to vector<16xf32>
      %add3A_285 = arith.addf %get3A_280, %get3A_284 : vector<16xf32>
      %swap3A_286 = arith.index_cast %scan3A_40 : i32 to index
      %swap3A_287 = arith.constant 272 : index
      %swap3A_288 = tpu.vector_load %arg8[%swap3A_286, %swap3A_287] {strides = array<i32>} : memref<32x1024xf32, #tpu.memory_space<vmem>>, vector<1x16xf32>,
      %swap3A_289 = vector.shape_cast %swap3A_288 : vector<1x16xf32> to vector<16xf32>
      %swap3A_290 = vector.shape_cast %add3A_285 : vector<16xf32> to vector<1x16xf32>
      tpu.vector_store %arg8[%swap3A_286, %swap3A_287], %swap3A_290 {strides = array<i32>} : memref<32x1024xf32, #tpu.memory_space<vmem>>, vector<1x16xf32>,
      %get3A_291 = arith.index_cast %scan3A_40 : i32 to index
      %get3A_292 = arith.constant 288 : index
      %get3A_293 = tpu.vector_load %arg6[%get3A_291, %get3A_292] {strides = array<i32>} : memref<32x1024xf32, #tpu.memory_space<vmem>>, vector<1x16xf32>,
      %get3A_294 = vector.shape_cast %get3A_293 : vector<1x16xf32> to vector<16xf32>
      %get3A_295 = arith.index_cast %scan3A_40 : i32 to index
      %get3A_296 = arith.constant 288 : index
      %get3A_297 = tpu.vector_load %arg7[%get3A_295, %get3A_296] {strides = array<i32>} : memref<32x1024xf32, #tpu.memory_space<vmem>>, vector<1x16xf32>,
      %get3A_298 = vector.shape_cast %get3A_297 : vector<1x16xf32> to vector<16xf32>
      %add3A_299 = arith.addf %get3A_294, %get3A_298 : vector<16xf32>
      %swap3A_300 = arith.index_cast %scan3A_40 : i32 to index
      %swap3A_301 = arith.constant 288 : index
      %swap3A_302 = tpu.vector_load %arg8[%swap3A_300, %swap3A_301] {strides = array<i32>} : memref<32x1024xf32, #tpu.memory_space<vmem>>, vector<1x16xf32>,
      %swap3A_303 = vector.shape_cast %swap3A_302 : vector<1x16xf32> to vector<16xf32>
      %swap3A_304 = vector.shape_cast %add3A_299 : vector<16xf32> to vector<1x16xf32>
      tpu.vector_store %arg8[%swap3A_300, %swap3A_301], %swap3A_304 {strides = array<i32>} : memref<32x1024xf32, #tpu.memory_space<vmem>>, vector<1x16xf32>,
      %get3A_305 = arith.index_cast %scan3A_40 : i32 to index
      %get3A_306 = arith.constant 304 : index
      %get3A_307 = tpu.vector_load %arg6[%get3A_305, %get3A_306] {strides = array<i32>} : memref<32x1024xf32, #tpu.memory_space<vmem>>, vector<1x16xf32>,
      %get3A_308 = vector.shape_cast %get3A_307 : vector<1x16xf32> to vector<16xf32>
      %get3A_309 = arith.index_cast %scan3A_40 : i32 to index
      %get3A_310 = arith.constant 304 : index
      %get3A_311 = tpu.vector_load %arg7[%get3A_309, %get3A_310] {strides = array<i32>} : memref<32x1024xf32, #tpu.memory_space<vmem>>, vector<1x16xf32>,
      %get3A_312 = vector.shape_cast %get3A_311 : vector<1x16xf32> to vector<16xf32>
      %add3A_313 = arith.addf %get3A_308, %get3A_312 : vector<16xf32>
      %swap3A_314 = arith.index_cast %scan3A_40 : i32 to index
      %swap3A_315 = arith.constant 304 : index
      %swap3A_316 = tpu.vector_load %arg8[%swap3A_314, %swap3A_315] {strides = array<i32>} : memref<32x1024xf32, #tpu.memory_space<vmem>>, vector<1x16xf32>,
      %swap3A_317 = vector.shape_cast %swap3A_316 : vector<1x16xf32> to vector<16xf32>
      %swap3A_318 = vector.shape_cast %add3A_313 : vector<16xf32> to vector<1x16xf32>
      tpu.vector_store %arg8[%swap3A_314, %swap3A_315], %swap3A_318 {strides = array<i32>} : memref<32x1024xf32, #tpu.memory_space<vmem>>, vector<1x16xf32>,
      %get3A_319 = arith.index_cast %scan3A_40 : i32 to index
      %get3A_320 = arith.constant 320 : index
      %get3A_321 = tpu.vector_load %arg6[%get3A_319, %get3A_320] {strides = array<i32>} : memref<32x1024xf32, #tpu.memory_space<vmem>>, vector<1x16xf32>,
      %get3A_322 = vector.shape_cast %get3A_321 : vector<1x16xf32> to vector<16xf32>
      %get3A_323 = arith.index_cast %scan3A_40 : i32 to index
      %get3A_324 = arith.constant 320 : index
      %get3A_325 = tpu.vector_load %arg7[%get3A_323, %get3A_324] {strides = array<i32>} : memref<32x1024xf32, #tpu.memory_space<vmem>>, vector<1x16xf32>,
      %get3A_326 = vector.shape_cast %get3A_325 : vector<1x16xf32> to vector<16xf32>
      %add3A_327 = arith.addf %get3A_322, %get3A_326 : vector<16xf32>
      %swap3A_328 = arith.index_cast %scan3A_40 : i32 to index
      %swap3A_329 = arith.constant 320 : index
      %swap3A_330 = tpu.vector_load %arg8[%swap3A_328, %swap3A_329] {strides = array<i32>} : memref<32x1024xf32, #tpu.memory_space<vmem>>, vector<1x16xf32>,
      %swap3A_331 = vector.shape_cast %swap3A_330 : vector<1x16xf32> to vector<16xf32>
      %swap3A_332 = vector.shape_cast %add3A_327 : vector<16xf32> to vector<1x16xf32>
      tpu.vector_store %arg8[%swap3A_328, %swap3A_329], %swap3A_332 {strides = array<i32>} : memref<32x1024xf32, #tpu.memory_space<vmem>>, vector<1x16xf32>,
      %get3A_333 = arith.index_cast %scan3A_40 : i32 to index
      %get3A_334 = arith.constant 336 : index
      %get3A_335 = tpu.vector_load %arg6[%get3A_333, %get3A_334] {strides = array<i32>} : memref<32x1024xf32, #tpu.memory_space<vmem>>, vector<1x16xf32>,
      %get3A_336 = vector.shape_cast %get3A_335 : vector<1x16xf32> to vector<16xf32>
      %get3A_337 = arith.index_cast %scan3A_40 : i32 to index
      %get3A_338 = arith.constant 336 : index
      %get3A_339 = tpu.vector_load %arg7[%get3A_337, %get3A_338] {strides = array<i32>} : memref<32x1024xf32, #tpu.memory_space<vmem>>, vector<1x16xf32>,
      %get3A_340 = vector.shape_cast %get3A_339 : vector<1x16xf32> to vector<16xf32>
      %add3A_341 = arith.addf %get3A_336, %get3A_340 : vector<16xf32>
      %swap3A_342 = arith.index_cast %scan3A_40 : i32 to index
      %swap3A_343 = arith.constant 336 : index
      %swap3A_344 = tpu.vector_load %arg8[%swap3A_342, %swap3A_343] {strides = array<i32>} : memref<32x1024xf32, #tpu.memory_space<vmem>>, vector<1x16xf32>,
      %swap3A_345 = vector.shape_cast %swap3A_344 : vector<1x16xf32> to vector<16xf32>
      %swap3A_346 = vector.shape_cast %add3A_341 : vector<16xf32> to vector<1x16xf32>
      tpu.vector_store %arg8[%swap3A_342, %swap3A_343], %swap3A_346 {strides = array<i32>} : memref<32x1024xf32, #tpu.memory_space<vmem>>, vector<1x16xf32>,
      %get3A_347 = arith.index_cast %scan3A_40 : i32 to index
      %get3A_348 = arith.constant 352 : index
      %get3A_349 = tpu.vector_load %arg6[%get3A_347, %get3A_348] {strides = array<i32>} : memref<32x1024xf32, #tpu.memory_space<vmem>>, vector<1x16xf32>,
      %get3A_350 = vector.shape_cast %get3A_349 : vector<1x16xf32> to vector<16xf32>
      %get3A_351 = arith.index_cast %scan3A_40 : i32 to index
      %get3A_352 = arith.constant 352 : index
      %get3A_353 = tpu.vector_load %arg7[%get3A_351, %get3A_352] {strides = array<i32>} : memref<32x1024xf32, #tpu.memory_space<vmem>>, vector<1x16xf32>,
      %get3A_354 = vector.shape_cast %get3A_353 : vector<1x16xf32> to vector<16xf32>
      %add3A_355 = arith.addf %get3A_350, %get3A_354 : vector<16xf32>
      %swap3A_356 = arith.index_cast %scan3A_40 : i32 to index
      %swap3A_357 = arith.constant 352 : index
      %swap3A_358 = tpu.vector_load %arg8[%swap3A_356, %swap3A_357] {strides = array<i32>} : memref<32x1024xf32, #tpu.memory_space<vmem>>, vector<1x16xf32>,
      %swap3A_359 = vector.shape_cast %swap3A_358 : vector<1x16xf32> to vector<16xf32>
      %swap3A_360 = vector.shape_cast %add3A_355 : vector<16xf32> to vector<1x16xf32>
      tpu.vector_store %arg8[%swap3A_356, %swap3A_357], %swap3A_360 {strides = array<i32>} : memref<32x1024xf32, #tpu.memory_space<vmem>>, vector<1x16xf32>,
      %get3A_361 = arith.index_cast %scan3A_40 : i32 to index
      %get3A_362 = arith.constant 368 : index
      %get3A_363 = tpu.vector_load %arg6[%get3A_361, %get3A_362] {strides = array<i32>} : memref<32x1024xf32, #tpu.memory_space<vmem>>, vector<1x16xf32>,
      %get3A_364 = vector.shape_cast %get3A_363 : vector<1x16xf32> to vector<16xf32>
      %get3A_365 = arith.index_cast %scan3A_40 : i32 to index
      %get3A_366 = arith.constant 368 : index
      %get3A_367 = tpu.vector_load %arg7[%get3A_365, %get3A_366] {strides = array<i32>} : memref<32x1024xf32, #tpu.memory_space<vmem>>, vector<1x16xf32>,
      %get3A_368 = vector.shape_cast %get3A_367 : vector<1x16xf32> to vector<16xf32>
      %add3A_369 = arith.addf %get3A_364, %get3A_368 : vector<16xf32>
      %swap3A_370 = arith.index_cast %scan3A_40 : i32 to index
      %swap3A_371 = arith.constant 368 : index
      %swap3A_372 = tpu.vector_load %arg8[%swap3A_370, %swap3A_371] {strides = array<i32>} : memref<32x1024xf32, #tpu.memory_space<vmem>>, vector<1x16xf32>,
      %swap3A_373 = vector.shape_cast %swap3A_372 : vector<1x16xf32> to vector<16xf32>
      %swap3A_374 = vector.shape_cast %add3A_369 : vector<16xf32> to vector<1x16xf32>
      tpu.vector_store %arg8[%swap3A_370, %swap3A_371], %swap3A_374 {strides = array<i32>} : memref<32x1024xf32, #tpu.memory_space<vmem>>, vector<1x16xf32>,
      %get3A_375 = arith.index_cast %scan3A_40 : i32 to index
      %get3A_376 = arith.constant 384 : index
      %get3A_377 = tpu.vector_load %arg6[%get3A_375, %get3A_376] {strides = array<i32>} : memref<32x1024xf32, #tpu.memory_space<vmem>>, vector<1x16xf32>,
      %get3A_378 = vector.shape_cast %get3A_377 : vector<1x16xf32> to vector<16xf32>
      %get3A_379 = arith.index_cast %scan3A_40 : i32 to index
      %get3A_380 = arith.constant 384 : index
      %get3A_381 = tpu.vector_load %arg7[%get3A_379, %get3A_380] {strides = array<i32>} : memref<32x1024xf32, #tpu.memory_space<vmem>>, vector<1x16xf32>,
      %get3A_382 = vector.shape_cast %get3A_381 : vector<1x16xf32> to vector<16xf32>
      %add3A_383 = arith.addf %get3A_378, %get3A_382 : vector<16xf32>
      %swap3A_384 = arith.index_cast %scan3A_40 : i32 to index
      %swap3A_385 = arith.constant 384 : index
      %swap3A_386 = tpu.vector_load %arg8[%swap3A_384, %swap3A_385] {strides = array<i32>} : memref<32x1024xf32, #tpu.memory_space<vmem>>, vector<1x16xf32>,
      %swap3A_387 = vector.shape_cast %swap3A_386 : vector<1x16xf32> to vector<16xf32>
      %swap3A_388 = vector.shape_cast %add3A_383 : vector<16xf32> to vector<1x16xf32>
      tpu.vector_store %arg8[%swap3A_384, %swap3A_385], %swap3A_388 {strides = array<i32>} : memref<32x1024xf32, #tpu.memory_space<vmem>>, vector<1x16xf32>,
      %get3A_389 = arith.index_cast %scan3A_40 : i32 to index
      %get3A_390 = arith.constant 400 : index
      %get3A_391 = tpu.vector_load %arg6[%get3A_389, %get3A_390] {strides = array<i32>} : memref<32x1024xf32, #tpu.memory_space<vmem>>, vector<1x16xf32>,
      %get3A_392 = vector.shape_cast %get3A_391 : vector<1x16xf32> to vector<16xf32>
      %get3A_393 = arith.index_cast %scan3A_40 : i32 to index
      %get3A_394 = arith.constant 400 : index
      %get3A_395 = tpu.vector_load %arg7[%get3A_393, %get3A_394] {strides = array<i32>} : memref<32x1024xf32, #tpu.memory_space<vmem>>, vector<1x16xf32>,
      %get3A_396 = vector.shape_cast %get3A_395 : vector<1x16xf32> to vector<16xf32>
      %add3A_397 = arith.addf %get3A_392, %get3A_396 : vector<16xf32>
      %swap3A_398 = arith.index_cast %scan3A_40 : i32 to index
      %swap3A_399 = arith.constant 400 : index
      %swap3A_400 = tpu.vector_load %arg8[%swap3A_398, %swap3A_399] {strides = array<i32>} : memref<32x1024xf32, #tpu.memory_space<vmem>>, vector<1x16xf32>,
      %swap3A_401 = vector.shape_cast %swap3A_400 : vector<1x16xf32> to vector<16xf32>
      %swap3A_402 = vector.shape_cast %add3A_397 : vector<16xf32> to vector<1x16xf32>
      tpu.vector_store %arg8[%swap3A_398, %swap3A_399], %swap3A_402 {strides = array<i32>} : memref<32x1024xf32, #tpu.memory_space<vmem>>, vector<1x16xf32>,
      %get3A_403 = arith.index_cast %scan3A_40 : i32 to index
      %get3A_404 = arith.constant 416 : index
      %get3A_405 = tpu.vector_load %arg6[%get3A_403, %get3A_404] {strides = array<i32>} : memref<32x1024xf32, #tpu.memory_space<vmem>>, vector<1x16xf32>,
      %get3A_406 = vector.shape_cast %get3A_405 : vector<1x16xf32> to vector<16xf32>
      %get3A_407 = arith.index_cast %scan3A_40 : i32 to index
      %get3A_408 = arith.constant 416 : index
      %get3A_409 = tpu.vector_load %arg7[%get3A_407, %get3A_408] {strides = array<i32>} : memref<32x1024xf32, #tpu.memory_space<vmem>>, vector<1x16xf32>,
      %get3A_410 = vector.shape_cast %get3A_409 : vector<1x16xf32> to vector<16xf32>
      %add3A_411 = arith.addf %get3A_406, %get3A_410 : vector<16xf32>
      %swap3A_412 = arith.index_cast %scan3A_40 : i32 to index
      %swap3A_413 = arith.constant 416 : index
      %swap3A_414 = tpu.vector_load %arg8[%swap3A_412, %swap3A_413] {strides = array<i32>} : memref<32x1024xf32, #tpu.memory_space<vmem>>, vector<1x16xf32>,
      %swap3A_415 = vector.shape_cast %swap3A_414 : vector<1x16xf32> to vector<16xf32>
      %swap3A_416 = vector.shape_cast %add3A_411 : vector<16xf32> to vector<1x16xf32>
      tpu.vector_store %arg8[%swap3A_412, %swap3A_413], %swap3A_416 {strides = array<i32>} : memref<32x1024xf32, #tpu.memory_space<vmem>>, vector<1x16xf32>,
      %get3A_417 = arith.index_cast %scan3A_40 : i32 to index
      %get3A_418 = arith.constant 432 : index
      %get3A_419 = tpu.vector_load %arg6[%get3A_417, %get3A_418] {strides = array<i32>} : memref<32x1024xf32, #tpu.memory_space<vmem>>, vector<1x16xf32>,
      %get3A_420 = vector.shape_cast %get3A_419 : vector<1x16xf32> to vector<16xf32>
      %get3A_421 = arith.index_cast %scan3A_40 : i32 to index
      %get3A_422 = arith.constant 432 : index
      %get3A_423 = tpu.vector_load %arg7[%get3A_421, %get3A_422] {strides = array<i32>} : memref<32x1024xf32, #tpu.memory_space<vmem>>, vector<1x16xf32>,
      %get3A_424 = vector.shape_cast %get3A_423 : vector<1x16xf32> to vector<16xf32>
      %add3A_425 = arith.addf %get3A_420, %get3A_424 : vector<16xf32>
      %swap3A_426 = arith.index_cast %scan3A_40 : i32 to index
      %swap3A_427 = arith.constant 432 : index
      %swap3A_428 = tpu.vector_load %arg8[%swap3A_426, %swap3A_427] {strides = array<i32>} : memref<32x1024xf32, #tpu.memory_space<vmem>>, vector<1x16xf32>,
      %swap3A_429 = vector.shape_cast %swap3A_428 : vector<1x16xf32> to vector<16xf32>
      %swap3A_430 = vector.shape_cast %add3A_425 : vector<16xf32> to vector<1x16xf32>
      tpu.vector_store %arg8[%swap3A_426, %swap3A_427], %swap3A_430 {strides = array<i32>} : memref<32x1024xf32, #tpu.memory_space<vmem>>, vector<1x16xf32>,
      %get3A_431 = arith.index_cast %scan3A_40 : i32 to index
      %get3A_432 = arith.constant 448 : index
      %get3A_433 = tpu.vector_load %arg6[%get3A_431, %get3A_432] {strides = array<i32>} : memref<32x1024xf32, #tpu.memory_space<vmem>>, vector<1x16xf32>,
      %get3A_434 = vector.shape_cast %get3A_433 : vector<1x16xf32> to vector<16xf32>
      %get3A_435 = arith.index_cast %scan3A_40 : i32 to index
      %get3A_436 = arith.constant 448 : index
      %get3A_437 = tpu.vector_load %arg7[%get3A_435, %get3A_436] {strides = array<i32>} : memref<32x1024xf32, #tpu.memory_space<vmem>>, vector<1x16xf32>,
      %get3A_438 = vector.shape_cast %get3A_437 : vector<1x16xf32> to vector<16xf32>
      %add3A_439 = arith.addf %get3A_434, %get3A_438 : vector<16xf32>
      %swap3A_440 = arith.index_cast %scan3A_40 : i32 to index
      %swap3A_441 = arith.constant 448 : index
      %swap3A_442 = tpu.vector_load %arg8[%swap3A_440, %swap3A_441] {strides = array<i32>} : memref<32x1024xf32, #tpu.memory_space<vmem>>, vector<1x16xf32>,
      %swap3A_443 = vector.shape_cast %swap3A_442 : vector<1x16xf32> to vector<16xf32>
      %swap3A_444 = vector.shape_cast %add3A_439 : vector<16xf32> to vector<1x16xf32>
      tpu.vector_store %arg8[%swap3A_440, %swap3A_441], %swap3A_444 {strides = array<i32>} : memref<32x1024xf32, #tpu.memory_space<vmem>>, vector<1x16xf32>,
      %get3A_445 = arith.index_cast %scan3A_40 : i32 to index
      %get3A_446 = arith.constant 464 : index
      %get3A_447 = tpu.vector_load %arg6[%get3A_445, %get3A_446] {strides = array<i32>} : memref<32x1024xf32, #tpu.memory_space<vmem>>, vector<1x16xf32>,
      %get3A_448 = vector.shape_cast %get3A_447 : vector<1x16xf32> to vector<16xf32>
      %get3A_449 = arith.index_cast %scan3A_40 : i32 to index
      %get3A_450 = arith.constant 464 : index
      %get3A_451 = tpu.vector_load %arg7[%get3A_449, %get3A_450] {strides = array<i32>} : memref<32x1024xf32, #tpu.memory_space<vmem>>, vector<1x16xf32>,
      %get3A_452 = vector.shape_cast %get3A_451 : vector<1x16xf32> to vector<16xf32>
      %add3A_453 = arith.addf %get3A_448, %get3A_452 : vector<16xf32>
      %swap3A_454 = arith.index_cast %scan3A_40 : i32 to index
      %swap3A_455 = arith.constant 464 : index
      %swap3A_456 = tpu.vector_load %arg8[%swap3A_454, %swap3A_455] {strides = array<i32>} : memref<32x1024xf32, #tpu.memory_space<vmem>>, vector<1x16xf32>,
      %swap3A_457 = vector.shape_cast %swap3A_456 : vector<1x16xf32> to vector<16xf32>
      %swap3A_458 = vector.shape_cast %add3A_453 : vector<16xf32> to vector<1x16xf32>
      tpu.vector_store %arg8[%swap3A_454, %swap3A_455], %swap3A_458 {strides = array<i32>} : memref<32x1024xf32, #tpu.memory_space<vmem>>, vector<1x16xf32>,
      %get3A_459 = arith.index_cast %scan3A_40 : i32 to index
      %get3A_460 = arith.constant 480 : index
      %get3A_461 = tpu.vector_load %arg6[%get3A_459, %get3A_460] {strides = array<i32>} : memref<32x1024xf32, #tpu.memory_space<vmem>>, vector<1x16xf32>,
      %get3A_462 = vector.shape_cast %get3A_461 : vector<1x16xf32> to vector<16xf32>
      %get3A_463 = arith.index_cast %scan3A_40 : i32 to index
      %get3A_464 = arith.constant 480 : index
      %get3A_465 = tpu.vector_load %arg7[%get3A_463, %get3A_464] {strides = array<i32>} : memref<32x1024xf32, #tpu.memory_space<vmem>>, vector<1x16xf32>,
      %get3A_466 = vector.shape_cast %get3A_465 : vector<1x16xf32> to vector<16xf32>
      %add3A_467 = arith.addf %get3A_462, %get3A_466 : vector<16xf32>
      %swap3A_468 = arith.index_cast %scan3A_40 : i32 to index
      %swap3A_469 = arith.constant 480 : index
      %swap3A_470 = tpu.vector_load %arg8[%swap3A_468, %swap3A_469] {strides = array<i32>} : memref<32x1024xf32, #tpu.memory_space<vmem>>, vector<1x16xf32>,
      %swap3A_471 = vector.shape_cast %swap3A_470 : vector<1x16xf32> to vector<16xf32>
      %swap3A_472 = vector.shape_cast %add3A_467 : vector<16xf32> to vector<1x16xf32>
      tpu.vector_store %arg8[%swap3A_468, %swap3A_469], %swap3A_472 {strides = array<i32>} : memref<32x1024xf32, #tpu.memory_space<vmem>>, vector<1x16xf32>,
      %get3A_473 = arith.index_cast %scan3A_40 : i32 to index
      %get3A_474 = arith.constant 496 : index
      %get3A_475 = tpu.vector_load %arg6[%get3A_473, %get3A_474] {strides = array<i32>} : memref<32x1024xf32, #tpu.memory_space<vmem>>, vector<1x16xf32>,
      %get3A_476 = vector.shape_cast %get3A_475 : vector<1x16xf32> to vector<16xf32>
      %get3A_477 = arith.index_cast %scan3A_40 : i32 to index
      %get3A_478 = arith.constant 496 : index
      %get3A_479 = tpu.vector_load %arg7[%get3A_477, %get3A_478] {strides = array<i32>} : memref<32x1024xf32, #tpu.memory_space<vmem>>, vector<1x16xf32>,
      %get3A_480 = vector.shape_cast %get3A_479 : vector<1x16xf32> to vector<16xf32>
      %add3A_481 = arith.addf %get3A_476, %get3A_480 : vector<16xf32>
      %swap3A_482 = arith.index_cast %scan3A_40 : i32 to index
      %swap3A_483 = arith.constant 496 : index
      %swap3A_484 = tpu.vector_load %arg8[%swap3A_482, %swap3A_483] {strides = array<i32>} : memref<32x1024xf32, #tpu.memory_space<vmem>>, vector<1x16xf32>,
      %swap3A_485 = vector.shape_cast %swap3A_484 : vector<1x16xf32> to vector<16xf32>
      %swap3A_486 = vector.shape_cast %add3A_481 : vector<16xf32> to vector<1x16xf32>
      tpu.vector_store %arg8[%swap3A_482, %swap3A_483], %swap3A_486 {strides = array<i32>} : memref<32x1024xf32, #tpu.memory_space<vmem>>, vector<1x16xf32>,
      %get3A_487 = arith.index_cast %scan3A_40 : i32 to index
      %get3A_488 = arith.constant 512 : index
      %get3A_489 = tpu.vector_load %arg6[%get3A_487, %get3A_488] {strides = array<i32>} : memref<32x1024xf32, #tpu.memory_space<vmem>>, vector<1x16xf32>,
      %get3A_490 = vector.shape_cast %get3A_489 : vector<1x16xf32> to vector<16xf32>
      %get3A_491 = arith.index_cast %scan3A_40 : i32 to index
      %get3A_492 = arith.constant 512 : index
      %get3A_493 = tpu.vector_load %arg7[%get3A_491, %get3A_492] {strides = array<i32>} : memref<32x1024xf32, #tpu.memory_space<vmem>>, vector<1x16xf32>,
      %get3A_494 = vector.shape_cast %get3A_493 : vector<1x16xf32> to vector<16xf32>
      %add3A_495 = arith.addf %get3A_490, %get3A_494 : vector<16xf32>
      %swap3A_496 = arith.index_cast %scan3A_40 : i32 to index
      %swap3A_497 = arith.constant 512 : index
      %swap3A_498 = tpu.vector_load %arg8[%swap3A_496, %swap3A_497] {strides = array<i32>} : memref<32x1024xf32, #tpu.memory_space<vmem>>, vector<1x16xf32>,
      %swap3A_499 = vector.shape_cast %swap3A_498 : vector<1x16xf32> to vector<16xf32>
      %swap3A_500 = vector.shape_cast %add3A_495 : vector<16xf32> to vector<1x16xf32>
      tpu.vector_store %arg8[%swap3A_496, %swap3A_497], %swap3A_500 {strides = array<i32>} : memref<32x1024xf32, #tpu.memory_space<vmem>>, vector<1x16xf32>,
      %get3A_501 = arith.index_cast %scan3A_40 : i32 to index
      %get3A_502 = arith.constant 528 : index
      %get3A_503 = tpu.vector_load %arg6[%get3A_501, %get3A_502] {strides = array<i32>} : memref<32x1024xf32, #tpu.memory_space<vmem>>, vector<1x16xf32>,
      %get3A_504 = vector.shape_cast %get3A_503 : vector<1x16xf32> to vector<16xf32>
      %get3A_505 = arith.index_cast %scan3A_40 : i32 to index
      %get3A_506 = arith.constant 528 : index
      %get3A_507 = tpu.vector_load %arg7[%get3A_505, %get3A_506] {strides = array<i32>} : memref<32x1024xf32, #tpu.memory_space<vmem>>, vector<1x16xf32>,
      %get3A_508 = vector.shape_cast %get3A_507 : vector<1x16xf32> to vector<16xf32>
      %add3A_509 = arith.addf %get3A_504, %get3A_508 : vector<16xf32>
      %swap3A_510 = arith.index_cast %scan3A_40 : i32 to index
      %swap3A_511 = arith.constant 528 : index
      %swap3A_512 = tpu.vector_load %arg8[%swap3A_510, %swap3A_511] {strides = array<i32>} : memref<32x1024xf32, #tpu.memory_space<vmem>>, vector<1x16xf32>,
      %swap3A_513 = vector.shape_cast %swap3A_512 : vector<1x16xf32> to vector<16xf32>
      %swap3A_514 = vector.shape_cast %add3A_509 : vector<16xf32> to vector<1x16xf32>
      tpu.vector_store %arg8[%swap3A_510, %swap3A_511], %swap3A_514 {strides = array<i32>} : memref<32x1024xf32, #tpu.memory_space<vmem>>, vector<1x16xf32>,
      %get3A_515 = arith.index_cast %scan3A_40 : i32 to index
      %get3A_516 = arith.constant 544 : index
      %get3A_517 = tpu.vector_load %arg6[%get3A_515, %get3A_516] {strides = array<i32>} : memref<32x1024xf32, #tpu.memory_space<vmem>>, vector<1x16xf32>,
      %get3A_518 = vector.shape_cast %get3A_517 : vector<1x16xf32> to vector<16xf32>
      %get3A_519 = arith.index_cast %scan3A_40 : i32 to index
      %get3A_520 = arith.constant 544 : index
      %get3A_521 = tpu.vector_load %arg7[%get3A_519, %get3A_520] {strides = array<i32>} : memref<32x1024xf32, #tpu.memory_space<vmem>>, vector<1x16xf32>,
      %get3A_522 = vector.shape_cast %get3A_521 : vector<1x16xf32> to vector<16xf32>
      %add3A_523 = arith.addf %get3A_518, %get3A_522 : vector<16xf32>
      %swap3A_524 = arith.index_cast %scan3A_40 : i32 to index
      %swap3A_525 = arith.constant 544 : index
      %swap3A_526 = tpu.vector_load %arg8[%swap3A_524, %swap3A_525] {strides = array<i32>} : memref<32x1024xf32, #tpu.memory_space<vmem>>, vector<1x16xf32>,
      %swap3A_527 = vector.shape_cast %swap3A_526 : vector<1x16xf32> to vector<16xf32>
      %swap3A_528 = vector.shape_cast %add3A_523 : vector<16xf32> to vector<1x16xf32>
      tpu.vector_store %arg8[%swap3A_524, %swap3A_525], %swap3A_528 {strides = array<i32>} : memref<32x1024xf32, #tpu.memory_space<vmem>>, vector<1x16xf32>,
      %get3A_529 = arith.index_cast %scan3A_40 : i32 to index
      %get3A_530 = arith.constant 560 : index
      %get3A_531 = tpu.vector_load %arg6[%get3A_529, %get3A_530] {strides = array<i32>} : memref<32x1024xf32, #tpu.memory_space<vmem>>, vector<1x16xf32>,
      %get3A_532 = vector.shape_cast %get3A_531 : vector<1x16xf32> to vector<16xf32>
      %get3A_533 = arith.index_cast %scan3A_40 : i32 to index
      %get3A_534 = arith.constant 560 : index
      %get3A_535 = tpu.vector_load %arg7[%get3A_533, %get3A_534] {strides = array<i32>} : memref<32x1024xf32, #tpu.memory_space<vmem>>, vector<1x16xf32>,
      %get3A_536 = vector.shape_cast %get3A_535 : vector<1x16xf32> to vector<16xf32>
      %add3A_537 = arith.addf %get3A_532, %get3A_536 : vector<16xf32>
      %swap3A_538 = arith.index_cast %scan3A_40 : i32 to index
      %swap3A_539 = arith.constant 560 : index
      %swap3A_540 = tpu.vector_load %arg8[%swap3A_538, %swap3A_539] {strides = array<i32>} : memref<32x1024xf32, #tpu.memory_space<vmem>>, vector<1x16xf32>,
      %swap3A_541 = vector.shape_cast %swap3A_540 : vector<1x16xf32> to vector<16xf32>
      %swap3A_542 = vector.shape_cast %add3A_537 : vector<16xf32> to vector<1x16xf32>
      tpu.vector_store %arg8[%swap3A_538, %swap3A_539], %swap3A_542 {strides = array<i32>} : memref<32x1024xf32, #tpu.memory_space<vmem>>, vector<1x16xf32>,
      %get3A_543 = arith.index_cast %scan3A_40 : i32 to index
      %get3A_544 = arith.constant 576 : index
      %get3A_545 = tpu.vector_load %arg6[%get3A_543, %get3A_544] {strides = array<i32>} : memref<32x1024xf32, #tpu.memory_space<vmem>>, vector<1x16xf32>,
      %get3A_546 = vector.shape_cast %get3A_545 : vector<1x16xf32> to vector<16xf32>
      %get3A_547 = arith.index_cast %scan3A_40 : i32 to index
      %get3A_548 = arith.constant 576 : index
      %get3A_549 = tpu.vector_load %arg7[%get3A_547, %get3A_548] {strides = array<i32>} : memref<32x1024xf32, #tpu.memory_space<vmem>>, vector<1x16xf32>,
      %get3A_550 = vector.shape_cast %get3A_549 : vector<1x16xf32> to vector<16xf32>
      %add3A_551 = arith.addf %get3A_546, %get3A_550 : vector<16xf32>
      %swap3A_552 = arith.index_cast %scan3A_40 : i32 to index
      %swap3A_553 = arith.constant 576 : index
      %swap3A_554 = tpu.vector_load %arg8[%swap3A_552, %swap3A_553] {strides = array<i32>} : memref<32x1024xf32, #tpu.memory_space<vmem>>, vector<1x16xf32>,
      %swap3A_555 = vector.shape_cast %swap3A_554 : vector<1x16xf32> to vector<16xf32>
      %swap3A_556 = vector.shape_cast %add3A_551 : vector<16xf32> to vector<1x16xf32>
      tpu.vector_store %arg8[%swap3A_552, %swap3A_553], %swap3A_556 {strides = array<i32>} : memref<32x1024xf32, #tpu.memory_space<vmem>>, vector<1x16xf32>,
      %get3A_557 = arith.index_cast %scan3A_40 : i32 to index
      %get3A_558 = arith.constant 592 : index
      %get3A_559 = tpu.vector_load %arg6[%get3A_557, %get3A_558] {strides = array<i32>} : memref<32x1024xf32, #tpu.memory_space<vmem>>, vector<1x16xf32>,
      %get3A_560 = vector.shape_cast %get3A_559 : vector<1x16xf32> to vector<16xf32>
      %get3A_561 = arith.index_cast %scan3A_40 : i32 to index
      %get3A_562 = arith.constant 592 : index
      %get3A_563 = tpu.vector_load %arg7[%get3A_561, %get3A_562] {strides = array<i32>} : memref<32x1024xf32, #tpu.memory_space<vmem>>, vector<1x16xf32>,
      %get3A_564 = vector.shape_cast %get3A_563 : vector<1x16xf32> to vector<16xf32>
      %add3A_565 = arith.addf %get3A_560, %get3A_564 : vector<16xf32>
      %swap3A_566 = arith.index_cast %scan3A_40 : i32 to index
      %swap3A_567 = arith.constant 592 : index
      %swap3A_568 = tpu.vector_load %arg8[%swap3A_566, %swap3A_567] {strides = array<i32>} : memref<32x1024xf32, #tpu.memory_space<vmem>>, vector<1x16xf32>,
      %swap3A_569 = vector.shape_cast %swap3A_568 : vector<1x16xf32> to vector<16xf32>
      %swap3A_570 = vector.shape_cast %add3A_565 : vector<16xf32> to vector<1x16xf32>
      tpu.vector_store %arg8[%swap3A_566, %swap3A_567], %swap3A_570 {strides = array<i32>} : memref<32x1024xf32, #tpu.memory_space<vmem>>, vector<1x16xf32>,
      %get3A_571 = arith.index_cast %scan3A_40 : i32 to index
      %get3A_572 = arith.constant 608 : index
      %get3A_573 = tpu.vector_load %arg6[%get3A_571, %get3A_572] {strides = array<i32>} : memref<32x1024xf32, #tpu.memory_space<vmem>>, vector<1x16xf32>,
      %get3A_574 = vector.shape_cast %get3A_573 : vector<1x16xf32> to vector<16xf32>
      %get3A_575 = arith.index_cast %scan3A_40 : i32 to index
      %get3A_576 = arith.constant 608 : index
      %get3A_577 = tpu.vector_load %arg7[%get3A_575, %get3A_576] {strides = array<i32>} : memref<32x1024xf32, #tpu.memory_space<vmem>>, vector<1x16xf32>,
      %get3A_578 = vector.shape_cast %get3A_577 : vector<1x16xf32> to vector<16xf32>
      %add3A_579 = arith.addf %get3A_574, %get3A_578 : vector<16xf32>
      %swap3A_580 = arith.index_cast %scan3A_40 : i32 to index
      %swap3A_581 = arith.constant 608 : index
      %swap3A_582 = tpu.vector_load %arg8[%swap3A_580, %swap3A_581] {strides = array<i32>} : memref<32x1024xf32, #tpu.memory_space<vmem>>, vector<1x16xf32>,
      %swap3A_583 = vector.shape_cast %swap3A_582 : vector<1x16xf32> to vector<16xf32>
      %swap3A_584 = vector.shape_cast %add3A_579 : vector<16xf32> to vector<1x16xf32>
      tpu.vector_store %arg8[%swap3A_580, %swap3A_581], %swap3A_584 {strides = array<i32>} : memref<32x1024xf32, #tpu.memory_space<vmem>>, vector<1x16xf32>,
      %get3A_585 = arith.index_cast %scan3A_40 : i32 to index
      %get3A_586 = arith.constant 624 : index
      %get3A_587 = tpu.vector_load %arg6[%get3A_585, %get3A_586] {strides = array<i32>} : memref<32x1024xf32, #tpu.memory_space<vmem>>, vector<1x16xf32>,
      %get3A_588 = vector.shape_cast %get3A_587 : vector<1x16xf32> to vector<16xf32>
      %get3A_589 = arith.index_cast %scan3A_40 : i32 to index
      %get3A_590 = arith.constant 624 : index
      %get3A_591 = tpu.vector_load %arg7[%get3A_589, %get3A_590] {strides = array<i32>} : memref<32x1024xf32, #tpu.memory_space<vmem>>, vector<1x16xf32>,
      %get3A_592 = vector.shape_cast %get3A_591 : vector<1x16xf32> to vector<16xf32>
      %add3A_593 = arith.addf %get3A_588, %get3A_592 : vector<16xf32>
      %swap3A_594 = arith.index_cast %scan3A_40 : i32 to index
      %swap3A_595 = arith.constant 624 : index
      %swap3A_596 = tpu.vector_load %arg8[%swap3A_594, %swap3A_595] {strides = array<i32>} : memref<32x1024xf32, #tpu.memory_space<vmem>>, vector<1x16xf32>,
      %swap3A_597 = vector.shape_cast %swap3A_596 : vector<1x16xf32> to vector<16xf32>
      %swap3A_598 = vector.shape_cast %add3A_593 : vector<16xf32> to vector<1x16xf32>
      tpu.vector_store %arg8[%swap3A_594, %swap3A_595], %swap3A_598 {strides = array<i32>} : memref<32x1024xf32, #tpu.memory_space<vmem>>, vector<1x16xf32>,
      %get3A_599 = arith.index_cast %scan3A_40 : i32 to index
      %get3A_600 = arith.constant 640 : index
      %get3A_601 = tpu.vector_load %arg6[%get3A_599, %get3A_600] {strides = array<i32>} : memref<32x1024xf32, #tpu.memory_space<vmem>>, vector<1x16xf32>,
      %get3A_602 = vector.shape_cast %get3A_601 : vector<1x16xf32> to vector<16xf32>
      %get3A_603 = arith.index_cast %scan3A_40 : i32 to index
      %get3A_604 = arith.constant 640 : index
      %get3A_605 = tpu.vector_load %arg7[%get3A_603, %get3A_604] {strides = array<i32>} : memref<32x1024xf32, #tpu.memory_space<vmem>>, vector<1x16xf32>,
      %get3A_606 = vector.shape_cast %get3A_605 : vector<1x16xf32> to vector<16xf32>
      %add3A_607 = arith.addf %get3A_602, %get3A_606 : vector<16xf32>
      %swap3A_608 = arith.index_cast %scan3A_40 : i32 to index
      %swap3A_609 = arith.constant 640 : index
      %swap3A_610 = tpu.vector_load %arg8[%swap3A_608, %swap3A_609] {strides = array<i32>} : memref<32x1024xf32, #tpu.memory_space<vmem>>, vector<1x16xf32>,
      %swap3A_611 = vector.shape_cast %swap3A_610 : vector<1x16xf32> to vector<16xf32>
      %swap3A_612 = vector.shape_cast %add3A_607 : vector<16xf32> to vector<1x16xf32>
      tpu.vector_store %arg8[%swap3A_608, %swap3A_609], %swap3A_612 {strides = array<i32>} : memref<32x1024xf32, #tpu.memory_space<vmem>>, vector<1x16xf32>,
      %get3A_613 = arith.index_cast %scan3A_40 : i32 to index
      %get3A_614 = arith.constant 656 : index
      %get3A_615 = tpu.vector_load %arg6[%get3A_613, %get3A_614] {strides = array<i32>} : memref<32x1024xf32, #tpu.memory_space<vmem>>, vector<1x16xf32>,
      %get3A_616 = vector.shape_cast %get3A_615 : vector<1x16xf32> to vector<16xf32>
      %get3A_617 = arith.index_cast %scan3A_40 : i32 to index
      %get3A_618 = arith.constant 656 : index
      %get3A_619 = tpu.vector_load %arg7[%get3A_617, %get3A_618] {strides = array<i32>} : memref<32x1024xf32, #tpu.memory_space<vmem>>, vector<1x16xf32>,
      %get3A_620 = vector.shape_cast %get3A_619 : vector<1x16xf32> to vector<16xf32>
      %add3A_621 = arith.addf %get3A_616, %get3A_620 : vector<16xf32>
      %swap3A_622 = arith.index_cast %scan3A_40 : i32 to index
      %swap3A_623 = arith.constant 656 : index
      %swap3A_624 = tpu.vector_load %arg8[%swap3A_622, %swap3A_623] {strides = array<i32>} : memref<32x1024xf32, #tpu.memory_space<vmem>>, vector<1x16xf32>,
      %swap3A_625 = vector.shape_cast %swap3A_624 : vector<1x16xf32> to vector<16xf32>
      %swap3A_626 = vector.shape_cast %add3A_621 : vector<16xf32> to vector<1x16xf32>
      tpu.vector_store %arg8[%swap3A_622, %swap3A_623], %swap3A_626 {strides = array<i32>} : memref<32x1024xf32, #tpu.memory_space<vmem>>, vector<1x16xf32>,
      %get3A_627 = arith.index_cast %scan3A_40 : i32 to index
      %get3A_628 = arith.constant 672 : index
      %get3A_629 = tpu.vector_load %arg6[%get3A_627, %get3A_628] {strides = array<i32>} : memref<32x1024xf32, #tpu.memory_space<vmem>>, vector<1x16xf32>,
      %get3A_630 = vector.shape_cast %get3A_629 : vector<1x16xf32> to vector<16xf32>
      %get3A_631 = arith.index_cast %scan3A_40 : i32 to index
      %get3A_632 = arith.constant 672 : index
      %get3A_633 = tpu.vector_load %arg7[%get3A_631, %get3A_632] {strides = array<i32>} : memref<32x1024xf32, #tpu.memory_space<vmem>>, vector<1x16xf32>,
      %get3A_634 = vector.shape_cast %get3A_633 : vector<1x16xf32> to vector<16xf32>
      %add3A_635 = arith.addf %get3A_630, %get3A_634 : vector<16xf32>
      %swap3A_636 = arith.index_cast %scan3A_40 : i32 to index
      %swap3A_637 = arith.constant 672 : index
      %swap3A_638 = tpu.vector_load %arg8[%swap3A_636, %swap3A_637] {strides = array<i32>} : memref<32x1024xf32, #tpu.memory_space<vmem>>, vector<1x16xf32>,
      %swap3A_639 = vector.shape_cast %swap3A_638 : vector<1x16xf32> to vector<16xf32>
      %swap3A_640 = vector.shape_cast %add3A_635 : vector<16xf32> to vector<1x16xf32>
      tpu.vector_store %arg8[%swap3A_636, %swap3A_637], %swap3A_640 {strides = array<i32>} : memref<32x1024xf32, #tpu.memory_space<vmem>>, vector<1x16xf32>,
      %get3A_641 = arith.index_cast %scan3A_40 : i32 to index
      %get3A_642 = arith.constant 688 : index
      %get3A_643 = tpu.vector_load %arg6[%get3A_641, %get3A_642] {strides = array<i32>} : memref<32x1024xf32, #tpu.memory_space<vmem>>, vector<1x16xf32>,
      %get3A_644 = vector.shape_cast %get3A_643 : vector<1x16xf32> to vector<16xf32>
      %get3A_645 = arith.index_cast %scan3A_40 : i32 to index
      %get3A_646 = arith.constant 688 : index
      %get3A_647 = tpu.vector_load %arg7[%get3A_645, %get3A_646] {strides = array<i32>} : memref<32x1024xf32, #tpu.memory_space<vmem>>, vector<1x16xf32>,
      %get3A_648 = vector.shape_cast %get3A_647 : vector<1x16xf32> to vector<16xf32>
      %add3A_649 = arith.addf %get3A_644, %get3A_648 : vector<16xf32>
      %swap3A_650 = arith.index_cast %scan3A_40 : i32 to index
      %swap3A_651 = arith.constant 688 : index
      %swap3A_652 = tpu.vector_load %arg8[%swap3A_650, %swap3A_651] {strides = array<i32>} : memref<32x1024xf32, #tpu.memory_space<vmem>>, vector<1x16xf32>,
      %swap3A_653 = vector.shape_cast %swap3A_652 : vector<1x16xf32> to vector<16xf32>
      %swap3A_654 = vector.shape_cast %add3A_649 : vector<16xf32> to vector<1x16xf32>
      tpu.vector_store %arg8[%swap3A_650, %swap3A_651], %swap3A_654 {strides = array<i32>} : memref<32x1024xf32, #tpu.memory_space<vmem>>, vector<1x16xf32>,
      %get3A_655 = arith.index_cast %scan3A_40 : i32 to index
      %get3A_656 = arith.constant 704 : index
      %get3A_657 = tpu.vector_load %arg6[%get3A_655, %get3A_656] {strides = array<i32>} : memref<32x1024xf32, #tpu.memory_space<vmem>>, vector<1x16xf32>,
      %get3A_658 = vector.shape_cast %get3A_657 : vector<1x16xf32> to vector<16xf32>
      %get3A_659 = arith.index_cast %scan3A_40 : i32 to index
      %get3A_660 = arith.constant 704 : index
      %get3A_661 = tpu.vector_load %arg7[%get3A_659, %get3A_660] {strides = array<i32>} : memref<32x1024xf32, #tpu.memory_space<vmem>>, vector<1x16xf32>,
      %get3A_662 = vector.shape_cast %get3A_661 : vector<1x16xf32> to vector<16xf32>
      %add3A_663 = arith.addf %get3A_658, %get3A_662 : vector<16xf32>
      %swap3A_664 = arith.index_cast %scan3A_40 : i32 to index
      %swap3A_665 = arith.constant 704 : index
      %swap3A_666 = tpu.vector_load %arg8[%swap3A_664, %swap3A_665] {strides = array<i32>} : memref<32x1024xf32, #tpu.memory_space<vmem>>, vector<1x16xf32>,
      %swap3A_667 = vector.shape_cast %swap3A_666 : vector<1x16xf32> to vector<16xf32>
      %swap3A_668 = vector.shape_cast %add3A_663 : vector<16xf32> to vector<1x16xf32>
      tpu.vector_store %arg8[%swap3A_664, %swap3A_665], %swap3A_668 {strides = array<i32>} : memref<32x1024xf32, #tpu.memory_space<vmem>>, vector<1x16xf32>,
      %get3A_669 = arith.index_cast %scan3A_40 : i32 to index
      %get3A_670 = arith.constant 720 : index
      %get3A_671 = tpu.vector_load %arg6[%get3A_669, %get3A_670] {strides = array<i32>} : memref<32x1024xf32, #tpu.memory_space<vmem>>, vector<1x16xf32>,
      %get3A_672 = vector.shape_cast %get3A_671 : vector<1x16xf32> to vector<16xf32>
      %get3A_673 = arith.index_cast %scan3A_40 : i32 to index
      %get3A_674 = arith.constant 720 : index
      %get3A_675 = tpu.vector_load %arg7[%get3A_673, %get3A_674] {strides = array<i32>} : memref<32x1024xf32, #tpu.memory_space<vmem>>, vector<1x16xf32>,
      %get3A_676 = vector.shape_cast %get3A_675 : vector<1x16xf32> to vector<16xf32>
      %add3A_677 = arith.addf %get3A_672, %get3A_676 : vector<16xf32>
      %swap3A_678 = arith.index_cast %scan3A_40 : i32 to index
      %swap3A_679 = arith.constant 720 : index
      %swap3A_680 = tpu.vector_load %arg8[%swap3A_678, %swap3A_679] {strides = array<i32>} : memref<32x1024xf32, #tpu.memory_space<vmem>>, vector<1x16xf32>,
      %swap3A_681 = vector.shape_cast %swap3A_680 : vector<1x16xf32> to vector<16xf32>
      %swap3A_682 = vector.shape_cast %add3A_677 : vector<16xf32> to vector<1x16xf32>
      tpu.vector_store %arg8[%swap3A_678, %swap3A_679], %swap3A_682 {strides = array<i32>} : memref<32x1024xf32, #tpu.memory_space<vmem>>, vector<1x16xf32>,
      %get3A_683 = arith.index_cast %scan3A_40 : i32 to index
      %get3A_684 = arith.constant 736 : index
      %get3A_685 = tpu.vector_load %arg6[%get3A_683, %get3A_684] {strides = array<i32>} : memref<32x1024xf32, #tpu.memory_space<vmem>>, vector<1x16xf32>,
      %get3A_686 = vector.shape_cast %get3A_685 : vector<1x16xf32> to vector<16xf32>
      %get3A_687 = arith.index_cast %scan3A_40 : i32 to index
      %get3A_688 = arith.constant 736 : index
      %get3A_689 = tpu.vector_load %arg7[%get3A_687, %get3A_688] {strides = array<i32>} : memref<32x1024xf32, #tpu.memory_space<vmem>>, vector<1x16xf32>,
      %get3A_690 = vector.shape_cast %get3A_689 : vector<1x16xf32> to vector<16xf32>
      %add3A_691 = arith.addf %get3A_686, %get3A_690 : vector<16xf32>
      %swap3A_692 = arith.index_cast %scan3A_40 : i32 to index
      %swap3A_693 = arith.constant 736 : index
      %swap3A_694 = tpu.vector_load %arg8[%swap3A_692, %swap3A_693] {strides = array<i32>} : memref<32x1024xf32, #tpu.memory_space<vmem>>, vector<1x16xf32>,
      %swap3A_695 = vector.shape_cast %swap3A_694 : vector<1x16xf32> to vector<16xf32>
      %swap3A_696 = vector.shape_cast %add3A_691 : vector<16xf32> to vector<1x16xf32>
      tpu.vector_store %arg8[%swap3A_692, %swap3A_693], %swap3A_696 {strides = array<i32>} : memref<32x1024xf32, #tpu.memory_space<vmem>>, vector<1x16xf32>,
      %get3A_697 = arith.index_cast %scan3A_40 : i32 to index
      %get3A_698 = arith.constant 752 : index
      %get3A_699 = tpu.vector_load %arg6[%get3A_697, %get3A_698] {strides = array<i32>} : memref<32x1024xf32, #tpu.memory_space<vmem>>, vector<1x16xf32>,
      %get3A_700 = vector.shape_cast %get3A_699 : vector<1x16xf32> to vector<16xf32>
      %get3A_701 = arith.index_cast %scan3A_40 : i32 to index
      %get3A_702 = arith.constant 752 : index
      %get3A_703 = tpu.vector_load %arg7[%get3A_701, %get3A_702] {strides = array<i32>} : memref<32x1024xf32, #tpu.memory_space<vmem>>, vector<1x16xf32>,
      %get3A_704 = vector.shape_cast %get3A_703 : vector<1x16xf32> to vector<16xf32>
      %add3A_705 = arith.addf %get3A_700, %get3A_704 : vector<16xf32>
      %swap3A_706 = arith.index_cast %scan3A_40 : i32 to index
      %swap3A_707 = arith.constant 752 : index
      %swap3A_708 = tpu.vector_load %arg8[%swap3A_706, %swap3A_707] {strides = array<i32>} : memref<32x1024xf32, #tpu.memory_space<vmem>>, vector<1x16xf32>,
      %swap3A_709 = vector.shape_cast %swap3A_708 : vector<1x16xf32> to vector<16xf32>
      %swap3A_710 = vector.shape_cast %add3A_705 : vector<16xf32> to vector<1x16xf32>
      tpu.vector_store %arg8[%swap3A_706, %swap3A_707], %swap3A_710 {strides = array<i32>} : memref<32x1024xf32, #tpu.memory_space<vmem>>, vector<1x16xf32>,
      %get3A_711 = arith.index_cast %scan3A_40 : i32 to index
      %get3A_712 = arith.constant 768 : index
      %get3A_713 = tpu.vector_load %arg6[%get3A_711, %get3A_712] {strides = array<i32>} : memref<32x1024xf32, #tpu.memory_space<vmem>>, vector<1x16xf32>,
      %get3A_714 = vector.shape_cast %get3A_713 : vector<1x16xf32> to vector<16xf32>
      %get3A_715 = arith.index_cast %scan3A_40 : i32 to index
      %get3A_716 = arith.constant 768 : index
      %get3A_717 = tpu.vector_load %arg7[%get3A_715, %get3A_716] {strides = array<i32>} : memref<32x1024xf32, #tpu.memory_space<vmem>>, vector<1x16xf32>,
      %get3A_718 = vector.shape_cast %get3A_717 : vector<1x16xf32> to vector<16xf32>
      %add3A_719 = arith.addf %get3A_714, %get3A_718 : vector<16xf32>
      %swap3A_720 = arith.index_cast %scan3A_40 : i32 to index
      %swap3A_721 = arith.constant 768 : index
      %swap3A_722 = tpu.vector_load %arg8[%swap3A_720, %swap3A_721] {strides = array<i32>} : memref<32x1024xf32, #tpu.memory_space<vmem>>, vector<1x16xf32>,
      %swap3A_723 = vector.shape_cast %swap3A_722 : vector<1x16xf32> to vector<16xf32>
      %swap3A_724 = vector.shape_cast %add3A_719 : vector<16xf32> to vector<1x16xf32>
      tpu.vector_store %arg8[%swap3A_720, %swap3A_721], %swap3A_724 {strides = array<i32>} : memref<32x1024xf32, #tpu.memory_space<vmem>>, vector<1x16xf32>,
      %get3A_725 = arith.index_cast %scan3A_40 : i32 to index
      %get3A_726 = arith.constant 784 : index
      %get3A_727 = tpu.vector_load %arg6[%get3A_725, %get3A_726] {strides = array<i32>} : memref<32x1024xf32, #tpu.memory_space<vmem>>, vector<1x16xf32>,
      %get3A_728 = vector.shape_cast %get3A_727 : vector<1x16xf32> to vector<16xf32>
      %get3A_729 = arith.index_cast %scan3A_40 : i32 to index
      %get3A_730 = arith.constant 784 : index
      %get3A_731 = tpu.vector_load %arg7[%get3A_729, %get3A_730] {strides = array<i32>} : memref<32x1024xf32, #tpu.memory_space<vmem>>, vector<1x16xf32>,
      %get3A_732 = vector.shape_cast %get3A_731 : vector<1x16xf32> to vector<16xf32>
      %add3A_733 = arith.addf %get3A_728, %get3A_732 : vector<16xf32>
      %swap3A_734 = arith.index_cast %scan3A_40 : i32 to index
      %swap3A_735 = arith.constant 784 : index
      %swap3A_736 = tpu.vector_load %arg8[%swap3A_734, %swap3A_735] {strides = array<i32>} : memref<32x1024xf32, #tpu.memory_space<vmem>>, vector<1x16xf32>,
      %swap3A_737 = vector.shape_cast %swap3A_736 : vector<1x16xf32> to vector<16xf32>
      %swap3A_738 = vector.shape_cast %add3A_733 : vector<16xf32> to vector<1x16xf32>
      tpu.vector_store %arg8[%swap3A_734, %swap3A_735], %swap3A_738 {strides = array<i32>} : memref<32x1024xf32, #tpu.memory_space<vmem>>, vector<1x16xf32>,
      %get3A_739 = arith.index_cast %scan3A_40 : i32 to index
      %get3A_740 = arith.constant 800 : index
      %get3A_741 = tpu.vector_load %arg6[%get3A_739, %get3A_740] {strides = array<i32>} : memref<32x1024xf32, #tpu.memory_space<vmem>>, vector<1x16xf32>,
      %get3A_742 = vector.shape_cast %get3A_741 : vector<1x16xf32> to vector<16xf32>
      %get3A_743 = arith.index_cast %scan3A_40 : i32 to index
      %get3A_744 = arith.constant 800 : index
      %get3A_745 = tpu.vector_load %arg7[%get3A_743, %get3A_744] {strides = array<i32>} : memref<32x1024xf32, #tpu.memory_space<vmem>>, vector<1x16xf32>,
      %get3A_746 = vector.shape_cast %get3A_745 : vector<1x16xf32> to vector<16xf32>
      %add3A_747 = arith.addf %get3A_742, %get3A_746 : vector<16xf32>
      %swap3A_748 = arith.index_cast %scan3A_40 : i32 to index
      %swap3A_749 = arith.constant 800 : index
      %swap3A_750 = tpu.vector_load %arg8[%swap3A_748, %swap3A_749] {strides = array<i32>} : memref<32x1024xf32, #tpu.memory_space<vmem>>, vector<1x16xf32>,
      %swap3A_751 = vector.shape_cast %swap3A_750 : vector<1x16xf32> to vector<16xf32>
      %swap3A_752 = vector.shape_cast %add3A_747 : vector<16xf32> to vector<1x16xf32>
      tpu.vector_store %arg8[%swap3A_748, %swap3A_749], %swap3A_752 {strides = array<i32>} : memref<32x1024xf32, #tpu.memory_space<vmem>>, vector<1x16xf32>,
      %get3A_753 = arith.index_cast %scan3A_40 : i32 to index
      %get3A_754 = arith.constant 816 : index
      %get3A_755 = tpu.vector_load %arg6[%get3A_753, %get3A_754] {strides = array<i32>} : memref<32x1024xf32, #tpu.memory_space<vmem>>, vector<1x16xf32>,
      %get3A_756 = vector.shape_cast %get3A_755 : vector<1x16xf32> to vector<16xf32>
      %get3A_757 = arith.index_cast %scan3A_40 : i32 to index
      %get3A_758 = arith.constant 816 : index
      %get3A_759 = tpu.vector_load %arg7[%get3A_757, %get3A_758] {strides = array<i32>} : memref<32x1024xf32, #tpu.memory_space<vmem>>, vector<1x16xf32>,
      %get3A_760 = vector.shape_cast %get3A_759 : vector<1x16xf32> to vector<16xf32>
      %add3A_761 = arith.addf %get3A_756, %get3A_760 : vector<16xf32>
      %swap3A_762 = arith.index_cast %scan3A_40 : i32 to index
      %swap3A_763 = arith.constant 816 : index
      %swap3A_764 = tpu.vector_load %arg8[%swap3A_762, %swap3A_763] {strides = array<i32>} : memref<32x1024xf32, #tpu.memory_space<vmem>>, vector<1x16xf32>,
      %swap3A_765 = vector.shape_cast %swap3A_764 : vector<1x16xf32> to vector<16xf32>
      %swap3A_766 = vector.shape_cast %add3A_761 : vector<16xf32> to vector<1x16xf32>
      tpu.vector_store %arg8[%swap3A_762, %swap3A_763], %swap3A_766 {strides = array<i32>} : memref<32x1024xf32, #tpu.memory_space<vmem>>, vector<1x16xf32>,
      %get3A_767 = arith.index_cast %scan3A_40 : i32 to index
      %get3A_768 = arith.constant 832 : index
      %get3A_769 = tpu.vector_load %arg6[%get3A_767, %get3A_768] {strides = array<i32>} : memref<32x1024xf32, #tpu.memory_space<vmem>>, vector<1x16xf32>,
      %get3A_770 = vector.shape_cast %get3A_769 : vector<1x16xf32> to vector<16xf32>
      %get3A_771 = arith.index_cast %scan3A_40 : i32 to index
      %get3A_772 = arith.constant 832 : index
      %get3A_773 = tpu.vector_load %arg7[%get3A_771, %get3A_772] {strides = array<i32>} : memref<32x1024xf32, #tpu.memory_space<vmem>>, vector<1x16xf32>,
      %get3A_774 = vector.shape_cast %get3A_773 : vector<1x16xf32> to vector<16xf32>
      %add3A_775 = arith.addf %get3A_770, %get3A_774 : vector<16xf32>
      %swap3A_776 = arith.index_cast %scan3A_40 : i32 to index
      %swap3A_777 = arith.constant 832 : index
      %swap3A_778 = tpu.vector_load %arg8[%swap3A_776, %swap3A_777] {strides = array<i32>} : memref<32x1024xf32, #tpu.memory_space<vmem>>, vector<1x16xf32>,
      %swap3A_779 = vector.shape_cast %swap3A_778 : vector<1x16xf32> to vector<16xf32>
      %swap3A_780 = vector.shape_cast %add3A_775 : vector<16xf32> to vector<1x16xf32>
      tpu.vector_store %arg8[%swap3A_776, %swap3A_777], %swap3A_780 {strides = array<i32>} : memref<32x1024xf32, #tpu.memory_space<vmem>>, vector<1x16xf32>,
      %get3A_781 = arith.index_cast %scan3A_40 : i32 to index
      %get3A_782 = arith.constant 848 : index
      %get3A_783 = tpu.vector_load %arg6[%get3A_781, %get3A_782] {strides = array<i32>} : memref<32x1024xf32, #tpu.memory_space<vmem>>, vector<1x16xf32>,
      %get3A_784 = vector.shape_cast %get3A_783 : vector<1x16xf32> to vector<16xf32>
      %get3A_785 = arith.index_cast %scan3A_40 : i32 to index
      %get3A_786 = arith.constant 848 : index
      %get3A_787 = tpu.vector_load %arg7[%get3A_785, %get3A_786] {strides = array<i32>} : memref<32x1024xf32, #tpu.memory_space<vmem>>, vector<1x16xf32>,
      %get3A_788 = vector.shape_cast %get3A_787 : vector<1x16xf32> to vector<16xf32>
      %add3A_789 = arith.addf %get3A_784, %get3A_788 : vector<16xf32>
      %swap3A_790 = arith.index_cast %scan3A_40 : i32 to index
      %swap3A_791 = arith.constant 848 : index
      %swap3A_792 = tpu.vector_load %arg8[%swap3A_790, %swap3A_791] {strides = array<i32>} : memref<32x1024xf32, #tpu.memory_space<vmem>>, vector<1x16xf32>,
      %swap3A_793 = vector.shape_cast %swap3A_792 : vector<1x16xf32> to vector<16xf32>
      %swap3A_794 = vector.shape_cast %add3A_789 : vector<16xf32> to vector<1x16xf32>
      tpu.vector_store %arg8[%swap3A_790, %swap3A_791], %swap3A_794 {strides = array<i32>} : memref<32x1024xf32, #tpu.memory_space<vmem>>, vector<1x16xf32>,
      %get3A_795 = arith.index_cast %scan3A_40 : i32 to index
      %get3A_796 = arith.constant 864 : index
      %get3A_797 = tpu.vector_load %arg6[%get3A_795, %get3A_796] {strides = array<i32>} : memref<32x1024xf32, #tpu.memory_space<vmem>>, vector<1x16xf32>,
      %get3A_798 = vector.shape_cast %get3A_797 : vector<1x16xf32> to vector<16xf32>
      %get3A_799 = arith.index_cast %scan3A_40 : i32 to index
      %get3A_800 = arith.constant 864 : index
      %get3A_801 = tpu.vector_load %arg7[%get3A_799, %get3A_800] {strides = array<i32>} : memref<32x1024xf32, #tpu.memory_space<vmem>>, vector<1x16xf32>,
      %get3A_802 = vector.shape_cast %get3A_801 : vector<1x16xf32> to vector<16xf32>
      %add3A_803 = arith.addf %get3A_798, %get3A_802 : vector<16xf32>
      %swap3A_804 = arith.index_cast %scan3A_40 : i32 to index
      %swap3A_805 = arith.constant 864 : index
      %swap3A_806 = tpu.vector_load %arg8[%swap3A_804, %swap3A_805] {strides = array<i32>} : memref<32x1024xf32, #tpu.memory_space<vmem>>, vector<1x16xf32>,
      %swap3A_807 = vector.shape_cast %swap3A_806 : vector<1x16xf32> to vector<16xf32>
      %swap3A_808 = vector.shape_cast %add3A_803 : vector<16xf32> to vector<1x16xf32>
      tpu.vector_store %arg8[%swap3A_804, %swap3A_805], %swap3A_808 {strides = array<i32>} : memref<32x1024xf32, #tpu.memory_space<vmem>>, vector<1x16xf32>,
      %get3A_809 = arith.index_cast %scan3A_40 : i32 to index
      %get3A_810 = arith.constant 880 : index
      %get3A_811 = tpu.vector_load %arg6[%get3A_809, %get3A_810] {strides = array<i32>} : memref<32x1024xf32, #tpu.memory_space<vmem>>, vector<1x16xf32>,
      %get3A_812 = vector.shape_cast %get3A_811 : vector<1x16xf32> to vector<16xf32>
      %get3A_813 = arith.index_cast %scan3A_40 : i32 to index
      %get3A_814 = arith.constant 880 : index
      %get3A_815 = tpu.vector_load %arg7[%get3A_813, %get3A_814] {strides = array<i32>} : memref<32x1024xf32, #tpu.memory_space<vmem>>, vector<1x16xf32>,
      %get3A_816 = vector.shape_cast %get3A_815 : vector<1x16xf32> to vector<16xf32>
      %add3A_817 = arith.addf %get3A_812, %get3A_816 : vector<16xf32>
      %swap3A_818 = arith.index_cast %scan3A_40 : i32 to index
      %swap3A_819 = arith.constant 880 : index
      %swap3A_820 = tpu.vector_load %arg8[%swap3A_818, %swap3A_819] {strides = array<i32>} : memref<32x1024xf32, #tpu.memory_space<vmem>>, vector<1x16xf32>,
      %swap3A_821 = vector.shape_cast %swap3A_820 : vector<1x16xf32> to vector<16xf32>
      %swap3A_822 = vector.shape_cast %add3A_817 : vector<16xf32> to vector<1x16xf32>
      tpu.vector_store %arg8[%swap3A_818, %swap3A_819], %swap3A_822 {strides = array<i32>} : memref<32x1024xf32, #tpu.memory_space<vmem>>, vector<1x16xf32>,
      %get3A_823 = arith.index_cast %scan3A_40 : i32 to index
      %get3A_824 = arith.constant 896 : index
      %get3A_825 = tpu.vector_load %arg6[%get3A_823, %get3A_824] {strides = array<i32>} : memref<32x1024xf32, #tpu.memory_space<vmem>>, vector<1x16xf32>,
      %get3A_826 = vector.shape_cast %get3A_825 : vector<1x16xf32> to vector<16xf32>
      %get3A_827 = arith.index_cast %scan3A_40 : i32 to index
      %get3A_828 = arith.constant 896 : index
      %get3A_829 = tpu.vector_load %arg7[%get3A_827, %get3A_828] {strides = array<i32>} : memref<32x1024xf32, #tpu.memory_space<vmem>>, vector<1x16xf32>,
      %get3A_830 = vector.shape_cast %get3A_829 : vector<1x16xf32> to vector<16xf32>
      %add3A_831 = arith.addf %get3A_826, %get3A_830 : vector<16xf32>
      %swap3A_832 = arith.index_cast %scan3A_40 : i32 to index
      %swap3A_833 = arith.constant 896 : index
      %swap3A_834 = tpu.vector_load %arg8[%swap3A_832, %swap3A_833] {strides = array<i32>} : memref<32x1024xf32, #tpu.memory_space<vmem>>, vector<1x16xf32>,
      %swap3A_835 = vector.shape_cast %swap3A_834 : vector<1x16xf32> to vector<16xf32>
      %swap3A_836 = vector.shape_cast %add3A_831 : vector<16xf32> to vector<1x16xf32>
      tpu.vector_store %arg8[%swap3A_832, %swap3A_833], %swap3A_836 {strides = array<i32>} : memref<32x1024xf32, #tpu.memory_space<vmem>>, vector<1x16xf32>,
      %get3A_837 = arith.index_cast %scan3A_40 : i32 to index
      %get3A_838 = arith.constant 912 : index
      %get3A_839 = tpu.vector_load %arg6[%get3A_837, %get3A_838] {strides = array<i32>} : memref<32x1024xf32, #tpu.memory_space<vmem>>, vector<1x16xf32>,
      %get3A_840 = vector.shape_cast %get3A_839 : vector<1x16xf32> to vector<16xf32>
      %get3A_841 = arith.index_cast %scan3A_40 : i32 to index
      %get3A_842 = arith.constant 912 : index
      %get3A_843 = tpu.vector_load %arg7[%get3A_841, %get3A_842] {strides = array<i32>} : memref<32x1024xf32, #tpu.memory_space<vmem>>, vector<1x16xf32>,
      %get3A_844 = vector.shape_cast %get3A_843 : vector<1x16xf32> to vector<16xf32>
      %add3A_845 = arith.addf %get3A_840, %get3A_844 : vector<16xf32>
      %swap3A_846 = arith.index_cast %scan3A_40 : i32 to index
      %swap3A_847 = arith.constant 912 : index
      %swap3A_848 = tpu.vector_load %arg8[%swap3A_846, %swap3A_847] {strides = array<i32>} : memref<32x1024xf32, #tpu.memory_space<vmem>>, vector<1x16xf32>,
      %swap3A_849 = vector.shape_cast %swap3A_848 : vector<1x16xf32> to vector<16xf32>
      %swap3A_850 = vector.shape_cast %add3A_845 : vector<16xf32> to vector<1x16xf32>
      tpu.vector_store %arg8[%swap3A_846, %swap3A_847], %swap3A_850 {strides = array<i32>} : memref<32x1024xf32, #tpu.memory_space<vmem>>, vector<1x16xf32>,
      %get3A_851 = arith.index_cast %scan3A_40 : i32 to index
      %get3A_852 = arith.constant 928 : index
      %get3A_853 = tpu.vector_load %arg6[%get3A_851, %get3A_852] {strides = array<i32>} : memref<32x1024xf32, #tpu.memory_space<vmem>>, vector<1x16xf32>,
      %get3A_854 = vector.shape_cast %get3A_853 : vector<1x16xf32> to vector<16xf32>
      %get3A_855 = arith.index_cast %scan3A_40 : i32 to index
      %get3A_856 = arith.constant 928 : index
      %get3A_857 = tpu.vector_load %arg7[%get3A_855, %get3A_856] {strides = array<i32>} : memref<32x1024xf32, #tpu.memory_space<vmem>>, vector<1x16xf32>,
      %get3A_858 = vector.shape_cast %get3A_857 : vector<1x16xf32> to vector<16xf32>
      %add3A_859 = arith.addf %get3A_854, %get3A_858 : vector<16xf32>
      %swap3A_860 = arith.index_cast %scan3A_40 : i32 to index
      %swap3A_861 = arith.constant 928 : index
      %swap3A_862 = tpu.vector_load %arg8[%swap3A_860, %swap3A_861] {strides = array<i32>} : memref<32x1024xf32, #tpu.memory_space<vmem>>, vector<1x16xf32>,
      %swap3A_863 = vector.shape_cast %swap3A_862 : vector<1x16xf32> to vector<16xf32>
      %swap3A_864 = vector.shape_cast %add3A_859 : vector<16xf32> to vector<1x16xf32>
      tpu.vector_store %arg8[%swap3A_860, %swap3A_861], %swap3A_864 {strides = array<i32>} : memref<32x1024xf32, #tpu.memory_space<vmem>>, vector<1x16xf32>,
      %get3A_865 = arith.index_cast %scan3A_40 : i32 to index
      %get3A_866 = arith.constant 944 : index
      %get3A_867 = tpu.vector_load %arg6[%get3A_865, %get3A_866] {strides = array<i32>} : memref<32x1024xf32, #tpu.memory_space<vmem>>, vector<1x16xf32>,
      %get3A_868 = vector.shape_cast %get3A_867 : vector<1x16xf32> to vector<16xf32>
      %get3A_869 = arith.index_cast %scan3A_40 : i32 to index
      %get3A_870 = arith.constant 944 : index
      %get3A_871 = tpu.vector_load %arg7[%get3A_869, %get3A_870] {strides = array<i32>} : memref<32x1024xf32, #tpu.memory_space<vmem>>, vector<1x16xf32>,
      %get3A_872 = vector.shape_cast %get3A_871 : vector<1x16xf32> to vector<16xf32>
      %add3A_873 = arith.addf %get3A_868, %get3A_872 : vector<16xf32>
      %swap3A_874 = arith.index_cast %scan3A_40 : i32 to index
      %swap3A_875 = arith.constant 944 : index
      %swap3A_876 = tpu.vector_load %arg8[%swap3A_874, %swap3A_875] {strides = array<i32>} : memref<32x1024xf32, #tpu.memory_space<vmem>>, vector<1x16xf32>,
      %swap3A_877 = vector.shape_cast %swap3A_876 : vector<1x16xf32> to vector<16xf32>
      %swap3A_878 = vector.shape_cast %add3A_873 : vector<16xf32> to vector<1x16xf32>
      tpu.vector_store %arg8[%swap3A_874, %swap3A_875], %swap3A_878 {strides = array<i32>} : memref<32x1024xf32, #tpu.memory_space<vmem>>, vector<1x16xf32>,
      %get3A_879 = arith.index_cast %scan3A_40 : i32 to index
      %get3A_880 = arith.constant 960 : index
      %get3A_881 = tpu.vector_load %arg6[%get3A_879, %get3A_880] {strides = array<i32>} : memref<32x1024xf32, #tpu.memory_space<vmem>>, vector<1x16xf32>,
      %get3A_882 = vector.shape_cast %get3A_881 : vector<1x16xf32> to vector<16xf32>
      %get3A_883 = arith.index_cast %scan3A_40 : i32 to index
      %get3A_884 = arith.constant 960 : index
      %get3A_885 = tpu.vector_load %arg7[%get3A_883, %get3A_884] {strides = array<i32>} : memref<32x1024xf32, #tpu.memory_space<vmem>>, vector<1x16xf32>,
      %get3A_886 = vector.shape_cast %get3A_885 : vector<1x16xf32> to vector<16xf32>
      %add3A_887 = arith.addf %get3A_882, %get3A_886 : vector<16xf32>
      %swap3A_888 = arith.index_cast %scan3A_40 : i32 to index
      %swap3A_889 = arith.constant 960 : index
      %swap3A_890 = tpu.vector_load %arg8[%swap3A_888, %swap3A_889] {strides = array<i32>} : memref<32x1024xf32, #tpu.memory_space<vmem>>, vector<1x16xf32>,
      %swap3A_891 = vector.shape_cast %swap3A_890 : vector<1x16xf32> to vector<16xf32>
      %swap3A_892 = vector.shape_cast %add3A_887 : vector<16xf32> to vector<1x16xf32>
      tpu.vector_store %arg8[%swap3A_888, %swap3A_889], %swap3A_892 {strides = array<i32>} : memref<32x1024xf32, #tpu.memory_space<vmem>>, vector<1x16xf32>,
      %get3A_893 = arith.index_cast %scan3A_40 : i32 to index
      %get3A_894 = arith.constant 976 : index
      %get3A_895 = tpu.vector_load %arg6[%get3A_893, %get3A_894] {strides = array<i32>} : memref<32x1024xf32, #tpu.memory_space<vmem>>, vector<1x16xf32>,
      %get3A_896 = vector.shape_cast %get3A_895 : vector<1x16xf32> to vector<16xf32>
      %get3A_897 = arith.index_cast %scan3A_40 : i32 to index
      %get3A_898 = arith.constant 976 : index
      %get3A_899 = tpu.vector_load %arg7[%get3A_897, %get3A_898] {strides = array<i32>} : memref<32x1024xf32, #tpu.memory_space<vmem>>, vector<1x16xf32>,
      %get3A_900 = vector.shape_cast %get3A_899 : vector<1x16xf32> to vector<16xf32>
      %add3A_901 = arith.addf %get3A_896, %get3A_900 : vector<16xf32>
      %swap3A_902 = arith.index_cast %scan3A_40 : i32 to index
      %swap3A_903 = arith.constant 976 : index
      %swap3A_904 = tpu.vector_load %arg8[%swap3A_902, %swap3A_903] {strides = array<i32>} : memref<32x1024xf32, #tpu.memory_space<vmem>>, vector<1x16xf32>,
      %swap3A_905 = vector.shape_cast %swap3A_904 : vector<1x16xf32> to vector<16xf32>
      %swap3A_906 = vector.shape_cast %add3A_901 : vector<16xf32> to vector<1x16xf32>
      tpu.vector_store %arg8[%swap3A_902, %swap3A_903], %swap3A_906 {strides = array<i32>} : memref<32x1024xf32, #tpu.memory_space<vmem>>, vector<1x16xf32>,
      %get3A_907 = arith.index_cast %scan3A_40 : i32 to index
      %get3A_908 = arith.constant 992 : index
      %get3A_909 = tpu.vector_load %arg6[%get3A_907, %get3A_908] {strides = array<i32>} : memref<32x1024xf32, #tpu.memory_space<vmem>>, vector<1x16xf32>,
      %get3A_910 = vector.shape_cast %get3A_909 : vector<1x16xf32> to vector<16xf32>
      %get3A_911 = arith.index_cast %scan3A_40 : i32 to index
      %get3A_912 = arith.constant 992 : index
      %get3A_913 = tpu.vector_load %arg7[%get3A_911, %get3A_912] {strides = array<i32>} : memref<32x1024xf32, #tpu.memory_space<vmem>>, vector<1x16xf32>,
      %get3A_914 = vector.shape_cast %get3A_913 : vector<1x16xf32> to vector<16xf32>
      %add3A_915 = arith.addf %get3A_910, %get3A_914 : vector<16xf32>
      %swap3A_916 = arith.index_cast %scan3A_40 : i32 to index
      %swap3A_917 = arith.constant 992 : index
      %swap3A_918 = tpu.vector_load %arg8[%swap3A_916, %swap3A_917] {strides = array<i32>} : memref<32x1024xf32, #tpu.memory_space<vmem>>, vector<1x16xf32>,
      %swap3A_919 = vector.shape_cast %swap3A_918 : vector<1x16xf32> to vector<16xf32>
      %swap3A_920 = vector.shape_cast %add3A_915 : vector<16xf32> to vector<1x16xf32>
      tpu.vector_store %arg8[%swap3A_916, %swap3A_917], %swap3A_920 {strides = array<i32>} : memref<32x1024xf32, #tpu.memory_space<vmem>>, vector<1x16xf32>,
      %get3A_921 = arith.index_cast %scan3A_40 : i32 to index
      %get3A_922 = arith.constant 1008 : index
      %get3A_923 = tpu.vector_load %arg6[%get3A_921, %get3A_922] {strides = array<i32>} : memref<32x1024xf32, #tpu.memory_space<vmem>>, vector<1x16xf32>,
      %get3A_924 = vector.shape_cast %get3A_923 : vector<1x16xf32> to vector<16xf32>
      %get3A_925 = arith.index_cast %scan3A_40 : i32 to index
      %get3A_926 = arith.constant 1008 : index
      %get3A_927 = tpu.vector_load %arg7[%get3A_925, %get3A_926] {strides = array<i32>} : memref<32x1024xf32, #tpu.memory_space<vmem>>, vector<1x16xf32>,
      %get3A_928 = vector.shape_cast %get3A_927 : vector<1x16xf32> to vector<16xf32>
      %add3A_929 = arith.addf %get3A_924, %get3A_928 : vector<16xf32>
      %swap3A_930 = arith.index_cast %scan3A_40 : i32 to index
      %swap3A_931 = arith.constant 1008 : index
      %swap3A_932 = tpu.vector_load %arg8[%swap3A_930, %swap3A_931] {strides = array<i32>} : memref<32x1024xf32, #tpu.memory_space<vmem>>, vector<1x16xf32>,
      %swap3A_933 = vector.shape_cast %swap3A_932 : vector<1x16xf32> to vector<16xf32>
      %swap3A_934 = vector.shape_cast %add3A_929 : vector<16xf32> to vector<1x16xf32>
      tpu.vector_store %arg8[%swap3A_930, %swap3A_931], %swap3A_934 {strides = array<i32>} : memref<32x1024xf32, #tpu.memory_space<vmem>>, vector<1x16xf32>,
    }
    %scan3A_39 = arith.constant 32 : i32
    "tpu.region"() ({
      %run_scoped3A = tpu.sem_alloc : memref<!tpu.dma_semaphore, #tpu.memory_space<semaphore_mem>>
      %dma_start3A_40 = arith.constant 0 : i32
      %dma_start3A_41 = tpu.memref_slice %arg5[%add3A_21, %dma_start3A_40] : memref<2048x1024xf32, #tpu.memory_space<hbm>> -> memref<32x1024xf32, #tpu.memory_space<hbm>>
      %dma_start3A_42 = arith.constant 0 : i32
      %dma_start3A_43 = tpu.memref_slice %arg5[%add3A_21, %dma_start3A_42] : memref<2048x1024xf32, #tpu.memory_space<hbm>> -> memref<32x1024xf32, #tpu.memory_space<hbm>>
      tpu.enqueue_dma source(%arg8 : memref<32x1024xf32, #tpu.memory_space<vmem>>) target(%dma_start3A_43 : memref<32x1024xf32, #tpu.memory_space<hbm>>) target_semaphore(%run_scoped3A : memref<!tpu.dma_semaphore, #tpu.memory_space<semaphore_mem>>)
      %dma_wait3A_44 = arith.constant 0 : i32
      %dma_wait3A_45 = tpu.memref_slice %arg5[%add3A_21, %dma_wait3A_44] : memref<2048x1024xf32, #tpu.memory_space<hbm>> -> memref<32x1024xf32, #tpu.memory_space<hbm>>
      %dma_wait3A_46 = arith.constant 0 : i32
      %dma_wait3A_47 = tpu.memref_slice %arg5[%add3A_21, %dma_wait3A_46] : memref<2048x1024xf32, #tpu.memory_space<hbm>> -> memref<32x1024xf32, #tpu.memory_space<hbm>>
      tpu.wait_dma2 semaphore(%run_scoped3A : memref<!tpu.dma_semaphore, #tpu.memory_space<semaphore_mem>>) src(%arg8 : memref<32x1024xf32, #tpu.memory_space<vmem>>) dst(%dma_wait3A_47 : memref<32x1024xf32, #tpu.memory_space<hbm>>)
      tpu.yield
    }) : () -> ()
    return
  }
}

module attributes {stable_mosaic.version = 14 : i64} {
  func.func @_mm_body(%arg0: i32, %arg1: memref<24xi32, #tpu.memory_space<smem>>, %arg2: memref<24xi32, #tpu.memory_space<smem>>, %arg3: memref<24xi32, #tpu.memory_space<smem>>, %arg4: memref<256x1024xf32, #tpu.memory_space<vmem>>, %arg5: memref<256x128xf32, #tpu.memory_space<vmem>>, %arg6: memref<1x1024x2048xf32, #tpu.memory_space<vmem>>, %arg7: memref<1x1x2048xf32, #tpu.memory_space<vmem>>, %arg8: memref<1x1x2048xf32, #tpu.memory_space<vmem>>, %arg9: memref<1x1x2048xf32, #tpu.memory_space<vmem>>, %arg10: memref<1x2048x1024xf32, #tpu.memory_space<vmem>>, %arg11: memref<1x1x1024xf32, #tpu.memory_space<vmem>>, %arg12: memref<256x1024xf32, #tpu.memory_space<vmem>>, %arg13: memref<1024x2048xbf16, #tpu.memory_space<vmem>>, %arg14: memref<2048x1024xbf16, #tpu.memory_space<vmem>>) attributes {dimension_semantics = [#tpu.dimension_semantics<arbitrary>], iteration_bounds = array<i64: 24>, scalar_prefetch = 3 : i64, scratch_operands = 2 : i64, tpu.core_type = #tpu.core_type<tc>, window_params = [{transform_indices = @transform_0, window_bounds = array<i64: 256, 1024>}, {transform_indices = @transform_1, window_bounds = array<i64: 256, 128>}, {transform_indices = @transform_2, window_bounds = array<i64: 1, 1024, 2048>}, {transform_indices = @transform_3, window_bounds = array<i64: 1, 1, 2048>}, {transform_indices = @transform_4, window_bounds = array<i64: 1, 1, 2048>}, {transform_indices = @transform_5, window_bounds = array<i64: 1, 1, 2048>}, {transform_indices = @transform_6, window_bounds = array<i64: 1, 2048, 1024>}, {transform_indices = @transform_7, window_bounds = array<i64: 1, 1, 1024>}, {transform_indices = @transform_8, window_bounds = array<i64: 256, 1024>}]} {
    %get3A = arith.index_cast %arg0 : i32 to index
    %get3A_0 = memref.load %arg2[%get3A] : memref<24xi32, #tpu.memory_space<smem>>
    %eq3A = arith.constant 0 : i32
    %eq3A_1 = arith.cmpi eq, %get3A_0, %eq3A : i32
    %convert_element_type3A = arith.extui %eq3A_1 : i1 to i32
    %cond3A = arith.constant 0 : i32
    %cond3A_2 = arith.cmpi ne, %convert_element_type3A, %cond3A : i32
    scf.if %cond3A_2 {
      %get3A_10 = arith.constant 0 : index
      %get3A_11 = arith.constant 0 : index
      %get3A_12 = arith.constant 0 : index
      %get3A_13 = vector.load %arg6[%get3A_10, %get3A_11, %get3A_12] : memref<1x1024x2048xf32, #tpu.memory_space<vmem>>, vector<1x1024x2048xf32>
      %get3A_14 = vector.shape_cast %get3A_13 : vector<1x1024x2048xf32> to vector<1024x2048xf32>
      %convert_element_type3A_15 = arith.truncf %get3A_14 : vector<1024x2048xf32> to vector<1024x2048xbf16>
      %swap3A = arith.constant 0 : index
      %swap3A_16 = arith.constant 0 : index
      %swap3A_17 = vector.load %arg13[%swap3A, %swap3A_16] : memref<1024x2048xbf16, #tpu.memory_space<vmem>>, vector<1024x2048xbf16>
      tpu.vector_store %arg13[%swap3A, %swap3A_16], %convert_element_type3A_15 {strides = array<i32>} : memref<1024x2048xbf16, #tpu.memory_space<vmem>>, vector<1024x2048xbf16>,
      %get3A_18 = arith.constant 0 : index
      %get3A_19 = arith.constant 0 : index
      %get3A_20 = arith.constant 0 : index
      %get3A_21 = vector.load %arg10[%get3A_18, %get3A_19, %get3A_20] : memref<1x2048x1024xf32, #tpu.memory_space<vmem>>, vector<1x2048x1024xf32>
      %get3A_22 = vector.shape_cast %get3A_21 : vector<1x2048x1024xf32> to vector<2048x1024xf32>
      %convert_element_type3A_23 = arith.truncf %get3A_22 : vector<2048x1024xf32> to vector<2048x1024xbf16>
      %swap3A_24 = arith.constant 0 : index
      %swap3A_25 = arith.constant 0 : index
      %swap3A_26 = vector.load %arg14[%swap3A_24, %swap3A_25] : memref<2048x1024xbf16, #tpu.memory_space<vmem>>, vector<2048x1024xbf16>
      tpu.vector_store %arg14[%swap3A_24, %swap3A_25], %convert_element_type3A_23 {strides = array<i32>} : memref<2048x1024xbf16, #tpu.memory_space<vmem>>, vector<2048x1024xbf16>,
    } else {
    }
    %get3A_3 = arith.index_cast %arg0 : i32 to index
    %get3A_4 = memref.load %arg3[%get3A_3] : memref<24xi32, #tpu.memory_space<smem>>
    %eq3A_5 = arith.constant 1 : i32
    %eq3A_6 = arith.cmpi eq, %get3A_4, %eq3A_5 : i32
    %convert_element_type3A_7 = arith.extui %eq3A_6 : i1 to i32
    %cond3A_8 = arith.constant 0 : i32
    %cond3A_9 = arith.cmpi ne, %convert_element_type3A_7, %cond3A_8 : i32
    scf.if %cond3A_9 {
      %get3A_10 = arith.constant 0 : index
      %get3A_11 = arith.constant 0 : index
      %get3A_12 = vector.load %arg4[%get3A_10, %get3A_11] : memref<256x1024xf32, #tpu.memory_space<vmem>>, vector<256x1024xf32>
      %convert_element_type3A_13 = arith.truncf %get3A_12 : vector<256x1024xf32> to vector<256x1024xbf16>
      %get3A_14 = arith.constant 0 : index
      %get3A_15 = arith.constant 0 : index
      %get3A_16 = vector.load %arg13[%get3A_14, %get3A_15] : memref<1024x2048xbf16, #tpu.memory_space<vmem>>, vector<1024x2048xbf16>
      %dot_general3A = arith.constant dense<0.000000e+00> : vector<256x2048xf32>
      %dot_general3A_17 = tpu.matmul %convert_element_type3A_13, %get3A_16, %dot_general3A {dimension_numbers = #tpu.dot_dimension_numbers<[1], [0], [0], [1], [0, 0, 1, 1], [], []>, transpose_lhs_hint = false} : vector<256x1024xbf16>, vector<1024x2048xbf16>, vector<256x2048xf32> -> vector<256x2048xf32>
      %get3A_18 = arith.constant 0 : index
      %get3A_19 = arith.constant 0 : index
      %get3A_20 = arith.constant 0 : index
      %get3A_21 = vector.load %arg7[%get3A_18, %get3A_19, %get3A_20] : memref<1x1x2048xf32, #tpu.memory_space<vmem>>, vector<1x1x2048xf32>
      %get3A_22 = vector.shape_cast %get3A_21 : vector<1x1x2048xf32> to vector<1x2048xf32>
      %add3A = vector.broadcast %get3A_22 : vector<1x2048xf32> to vector<256x2048xf32>
      %add3A_23 = arith.addf %dot_general3A_17, %add3A : vector<256x2048xf32>
      %reduce_sum3A = arith.constant dense<0.000000e+00> : vector<256xf32>
      %reduce_sum3A_24 = vector.multi_reduction <add>, %add3A_23, %reduce_sum3A [1] : vector<256x2048xf32> to vector<256xf32>
      %broadcast_in_dim3A = vector.shape_cast %reduce_sum3A_24 : vector<256xf32> to vector<256x1xf32>
      %div3A = arith.constant 2.048000e+03 : f32
      %div3A_25 = vector.broadcast %div3A : f32 to vector<256x1xf32>
      %div3A_26 = arith.divf %broadcast_in_dim3A, %div3A_25 : vector<256x1xf32>
      %sub3A = vector.broadcast %div3A_26 : vector<256x1xf32> to vector<256x2048xf32>
      %sub3A_27 = arith.subf %add3A_23, %sub3A : vector<256x2048xf32>
      %mul3A = arith.mulf %sub3A_27, %sub3A_27 : vector<256x2048xf32>
      %reduce_sum3A_28 = arith.constant dense<0.000000e+00> : vector<256xf32>
      %reduce_sum3A_29 = vector.multi_reduction <add>, %mul3A, %reduce_sum3A_28 [1] : vector<256x2048xf32> to vector<256xf32>
      %broadcast_in_dim3A_30 = vector.shape_cast %reduce_sum3A_29 : vector<256xf32> to vector<256x1xf32>
      %div3A_31 = arith.constant 2.048000e+03 : f32
      %div3A_32 = vector.broadcast %div3A_31 : f32 to vector<256x1xf32>
      %div3A_33 = arith.divf %broadcast_in_dim3A_30, %div3A_32 : vector<256x1xf32>
      %add3A_34 = arith.constant 9.99999974E-6 : f32
      %add3A_35 = vector.broadcast %add3A_34 : f32 to vector<256x1xf32>
      %add3A_36 = arith.addf %div3A_33, %add3A_35 : vector<256x1xf32>
      %rsqrt3A = math.rsqrt %add3A_36 : vector<256x1xf32>
      %mul3A_37 = vector.broadcast %rsqrt3A : vector<256x1xf32> to vector<256x2048xf32>
      %mul3A_38 = arith.mulf %sub3A_27, %mul3A_37 : vector<256x2048xf32>
      %get3A_39 = arith.constant 0 : index
      %get3A_40 = arith.constant 0 : index
      %get3A_41 = arith.constant 0 : index
      %get3A_42 = vector.load %arg8[%get3A_39, %get3A_40, %get3A_41] : memref<1x1x2048xf32, #tpu.memory_space<vmem>>, vector<1x1x2048xf32>
      %get3A_43 = vector.shape_cast %get3A_42 : vector<1x1x2048xf32> to vector<1x2048xf32>
      %mul3A_44 = vector.broadcast %get3A_43 : vector<1x2048xf32> to vector<256x2048xf32>
      %mul3A_45 = arith.mulf %mul3A_38, %mul3A_44 : vector<256x2048xf32>
      %get3A_46 = arith.constant 0 : index
      %get3A_47 = arith.constant 0 : index
      %get3A_48 = arith.constant 0 : index
      %get3A_49 = vector.load %arg9[%get3A_46, %get3A_47, %get3A_48] : memref<1x1x2048xf32, #tpu.memory_space<vmem>>, vector<1x1x2048xf32>
      %get3A_50 = vector.shape_cast %get3A_49 : vector<1x1x2048xf32> to vector<1x2048xf32>
      %add3A_51 = vector.broadcast %get3A_50 : vector<1x2048xf32> to vector<256x2048xf32>
      %add3A_52 = arith.addf %mul3A_45, %add3A_51 : vector<256x2048xf32>
      %mul3A_53 = arith.constant 5.000000e-01 : f32
      %mul3A_54 = vector.broadcast %mul3A_53 : f32 to vector<256x2048xf32>
      %mul3A_55 = arith.mulf %mul3A_54, %add3A_52 : vector<256x2048xf32>
      %div3A_56 = arith.constant 1.41421354 : f32
      %div3A_57 = vector.broadcast %div3A_56 : f32 to vector<256x2048xf32>
      %div3A_58 = arith.divf %add3A_52, %div3A_57 : vector<256x2048xf32>
      %erf3A = math.erf %div3A_58 : vector<256x2048xf32>
      %add3A_59 = arith.constant 1.000000e+00 : f32
      %add3A_60 = vector.broadcast %add3A_59 : f32 to vector<256x2048xf32>
      %add3A_61 = arith.addf %add3A_60, %erf3A : vector<256x2048xf32>
      %mul3A_62 = arith.mulf %mul3A_55, %add3A_61 : vector<256x2048xf32>
      %convert_element_type3A_63 = arith.truncf %mul3A_62 : vector<256x2048xf32> to vector<256x2048xbf16>
      %get3A_64 = arith.constant 0 : index
      %get3A_65 = arith.constant 0 : index
      %get3A_66 = vector.load %arg14[%get3A_64, %get3A_65] : memref<2048x1024xbf16, #tpu.memory_space<vmem>>, vector<2048x1024xbf16>
      %dot_general3A_67 = arith.constant dense<0.000000e+00> : vector<256x1024xf32>
      %dot_general3A_68 = tpu.matmul %convert_element_type3A_63, %get3A_66, %dot_general3A_67 {dimension_numbers = #tpu.dot_dimension_numbers<[1], [0], [0], [1], [0, 0, 1, 1], [], []>, transpose_lhs_hint = false} : vector<256x2048xbf16>, vector<2048x1024xbf16>, vector<256x1024xf32> -> vector<256x1024xf32>
      %get3A_69 = arith.constant 0 : index
      %get3A_70 = arith.constant 0 : index
      %get3A_71 = arith.constant 0 : index
      %get3A_72 = vector.load %arg11[%get3A_69, %get3A_70, %get3A_71] : memref<1x1x1024xf32, #tpu.memory_space<vmem>>, vector<1x1x1024xf32>
      %get3A_73 = vector.shape_cast %get3A_72 : vector<1x1x1024xf32> to vector<1x1024xf32>
      %add3A_74 = vector.broadcast %get3A_73 : vector<1x1024xf32> to vector<256x1024xf32>
      %add3A_75 = arith.addf %dot_general3A_68, %add3A_74 : vector<256x1024xf32>
      %get3A_76 = arith.constant 0 : index
      %get3A_77 = arith.constant 0 : index
      %get3A_78 = vector.load %arg5[%get3A_76, %get3A_77] : memref<256x128xf32, #tpu.memory_space<vmem>>, vector<256x1xf32>
      %mul3A_79 = vector.broadcast %get3A_78 : vector<256x1xf32> to vector<256x1024xf32>
      %mul3A_80 = arith.mulf %add3A_75, %mul3A_79 : vector<256x1024xf32>
      %swap3A = arith.constant 0 : index
      %swap3A_81 = arith.constant 0 : index
      %swap3A_82 = vector.load %arg12[%swap3A, %swap3A_81] : memref<256x1024xf32, #tpu.memory_space<vmem>>, vector<256x1024xf32>
      tpu.vector_store %arg12[%swap3A, %swap3A_81], %mul3A_80 {strides = array<i32>} : memref<256x1024xf32, #tpu.memory_space<vmem>>, vector<256x1024xf32>,
    } else {
    }
    return
  }
  func.func @transform_0(%arg0: i32, %arg1: memref<24xi32, #tpu.memory_space<smem>>, %arg2: memref<24xi32, #tpu.memory_space<smem>>, %arg3: memref<24xi32, #tpu.memory_space<smem>>) -> (i32, i32) {
    %get3A = arith.index_cast %arg0 : i32 to index
    %get3A_0 = memref.load %arg1[%get3A] : memref<24xi32, #tpu.memory_space<smem>>
    %mul3A = arith.constant 8 : i32
    %mul3A_1 = arith.muli %get3A_0, %mul3A : i32
    %get3A_2 = arith.index_cast %arg0 : i32 to index
    %get3A_3 = memref.load %arg2[%get3A_2] : memref<24xi32, #tpu.memory_space<smem>>
    %add3A = arith.addi %mul3A_1, %get3A_3 : i32
    %c0_i32 = arith.constant 0 : i32
    %c0_i32_4 = arith.constant 0 : i32
    return %add3A, %c0_i32 : i32, i32
  }
  func.func @transform_1(%arg0: i32, %arg1: memref<24xi32, #tpu.memory_space<smem>>, %arg2: memref<24xi32, #tpu.memory_space<smem>>, %arg3: memref<24xi32, #tpu.memory_space<smem>>) -> (i32, i32) {
    %get3A = arith.index_cast %arg0 : i32 to index
    %get3A_0 = memref.load %arg1[%get3A] : memref<24xi32, #tpu.memory_space<smem>>
    %mul3A = arith.constant 8 : i32
    %mul3A_1 = arith.muli %get3A_0, %mul3A : i32
    %get3A_2 = arith.index_cast %arg0 : i32 to index
    %get3A_3 = memref.load %arg2[%get3A_2] : memref<24xi32, #tpu.memory_space<smem>>
    %add3A = arith.addi %mul3A_1, %get3A_3 : i32
    %c0_i32 = arith.constant 0 : i32
    %c0_i32_4 = arith.constant 0 : i32
    return %add3A, %c0_i32 : i32, i32
  }
  func.func @transform_2(%arg0: i32, %arg1: memref<24xi32, #tpu.memory_space<smem>>, %arg2: memref<24xi32, #tpu.memory_space<smem>>, %arg3: memref<24xi32, #tpu.memory_space<smem>>) -> (i32, i32, i32) {
    %get3A = arith.index_cast %arg0 : i32 to index
    %get3A_0 = memref.load %arg1[%get3A] : memref<24xi32, #tpu.memory_space<smem>>
    %c0_i32 = arith.constant 0 : i32
    %c0_i32_1 = arith.constant 0 : i32
    %c0_i32_2 = arith.constant 0 : i32
    return %get3A_0, %c0_i32, %c0_i32_1 : i32, i32, i32
  }
  func.func @transform_3(%arg0: i32, %arg1: memref<24xi32, #tpu.memory_space<smem>>, %arg2: memref<24xi32, #tpu.memory_space<smem>>, %arg3: memref<24xi32, #tpu.memory_space<smem>>) -> (i32, i32, i32) {
    %get3A = arith.index_cast %arg0 : i32 to index
    %get3A_0 = memref.load %arg1[%get3A] : memref<24xi32, #tpu.memory_space<smem>>
    %c0_i32 = arith.constant 0 : i32
    %c0_i32_1 = arith.constant 0 : i32
    %c0_i32_2 = arith.constant 0 : i32
    return %get3A_0, %c0_i32, %c0_i32_1 : i32, i32, i32
  }
  func.func @transform_4(%arg0: i32, %arg1: memref<24xi32, #tpu.memory_space<smem>>, %arg2: memref<24xi32, #tpu.memory_space<smem>>, %arg3: memref<24xi32, #tpu.memory_space<smem>>) -> (i32, i32, i32) {
    %get3A = arith.index_cast %arg0 : i32 to index
    %get3A_0 = memref.load %arg1[%get3A] : memref<24xi32, #tpu.memory_space<smem>>
    %c0_i32 = arith.constant 0 : i32
    %c0_i32_1 = arith.constant 0 : i32
    %c0_i32_2 = arith.constant 0 : i32
    return %get3A_0, %c0_i32, %c0_i32_1 : i32, i32, i32
  }
  func.func @transform_5(%arg0: i32, %arg1: memref<24xi32, #tpu.memory_space<smem>>, %arg2: memref<24xi32, #tpu.memory_space<smem>>, %arg3: memref<24xi32, #tpu.memory_space<smem>>) -> (i32, i32, i32) {
    %get3A = arith.index_cast %arg0 : i32 to index
    %get3A_0 = memref.load %arg1[%get3A] : memref<24xi32, #tpu.memory_space<smem>>
    %c0_i32 = arith.constant 0 : i32
    %c0_i32_1 = arith.constant 0 : i32
    %c0_i32_2 = arith.constant 0 : i32
    return %get3A_0, %c0_i32, %c0_i32_1 : i32, i32, i32
  }
  func.func @transform_6(%arg0: i32, %arg1: memref<24xi32, #tpu.memory_space<smem>>, %arg2: memref<24xi32, #tpu.memory_space<smem>>, %arg3: memref<24xi32, #tpu.memory_space<smem>>) -> (i32, i32, i32) {
    %get3A = arith.index_cast %arg0 : i32 to index
    %get3A_0 = memref.load %arg1[%get3A] : memref<24xi32, #tpu.memory_space<smem>>
    %c0_i32 = arith.constant 0 : i32
    %c0_i32_1 = arith.constant 0 : i32
    %c0_i32_2 = arith.constant 0 : i32
    return %get3A_0, %c0_i32, %c0_i32_1 : i32, i32, i32
  }
  func.func @transform_7(%arg0: i32, %arg1: memref<24xi32, #tpu.memory_space<smem>>, %arg2: memref<24xi32, #tpu.memory_space<smem>>, %arg3: memref<24xi32, #tpu.memory_space<smem>>) -> (i32, i32, i32) {
    %get3A = arith.index_cast %arg0 : i32 to index
    %get3A_0 = memref.load %arg1[%get3A] : memref<24xi32, #tpu.memory_space<smem>>
    %c0_i32 = arith.constant 0 : i32
    %c0_i32_1 = arith.constant 0 : i32
    %c0_i32_2 = arith.constant 0 : i32
    return %get3A_0, %c0_i32, %c0_i32_1 : i32, i32, i32
  }
  func.func @transform_8(%arg0: i32, %arg1: memref<24xi32, #tpu.memory_space<smem>>, %arg2: memref<24xi32, #tpu.memory_space<smem>>, %arg3: memref<24xi32, #tpu.memory_space<smem>>) -> (i32, i32) {
    %get3A = arith.index_cast %arg0 : i32 to index
    %get3A_0 = memref.load %arg1[%get3A] : memref<24xi32, #tpu.memory_space<smem>>
    %mul3A = arith.constant 8 : i32
    %mul3A_1 = arith.muli %get3A_0, %mul3A : i32
    %get3A_2 = arith.index_cast %arg0 : i32 to index
    %get3A_3 = memref.load %arg2[%get3A_2] : memref<24xi32, #tpu.memory_space<smem>>
    %add3A = arith.addi %mul3A_1, %get3A_3 : i32
    %c0_i32 = arith.constant 0 : i32
    %c0_i32_4 = arith.constant 0 : i32
    return %add3A, %c0_i32 : i32, i32
  }
}

module attributes {stable_mosaic.version = 14 : i64} {
  func.func @_ln_body(%arg0: i32, %arg1: memref<256x1024xf32, #tpu.memory_space<vmem>>, %arg2: memref<1x1024xf32, #tpu.memory_space<vmem>>, %arg3: memref<1x1024xf32, #tpu.memory_space<vmem>>, %arg4: memref<256x1024xf32, #tpu.memory_space<vmem>>) attributes {dimension_semantics = [#tpu.dimension_semantics<arbitrary>], iteration_bounds = array<i64: 8>, scalar_prefetch = 0 : i64, scratch_operands = 0 : i64, tpu.core_type = #tpu.core_type<tc>, window_params = [{transform_indices = @transform_0, window_bounds = array<i64: 256, 1024>}, {pipeline_mode = #tpu.pipeline_mode<synchronous>, transform_indices = @transform_1, window_bounds = array<i64: 1, 1024>}, {pipeline_mode = #tpu.pipeline_mode<synchronous>, transform_indices = @transform_2, window_bounds = array<i64: 1, 1024>}, {transform_indices = @transform_3, window_bounds = array<i64: 256, 1024>}]} {
    %get3A = arith.constant 0 : index
    %get3A_0 = arith.constant 0 : index
    %get3A_1 = vector.load %arg1[%get3A, %get3A_0] : memref<256x1024xf32, #tpu.memory_space<vmem>>, vector<256x1024xf32>
    %reduce_sum3A = arith.constant dense<0.000000e+00> : vector<256xf32>
    %reduce_sum3A_2 = vector.multi_reduction <add>, %get3A_1, %reduce_sum3A [1] : vector<256x1024xf32> to vector<256xf32>
    %broadcast_in_dim3A = vector.shape_cast %reduce_sum3A_2 : vector<256xf32> to vector<256x1xf32>
    %div3A = arith.constant 1.024000e+03 : f32
    %div3A_3 = vector.broadcast %div3A : f32 to vector<256x1xf32>
    %div3A_4 = arith.divf %broadcast_in_dim3A, %div3A_3 : vector<256x1xf32>
    %sub3A = vector.broadcast %div3A_4 : vector<256x1xf32> to vector<256x1024xf32>
    %sub3A_5 = arith.subf %get3A_1, %sub3A : vector<256x1024xf32>
    %mul3A = arith.mulf %sub3A_5, %sub3A_5 : vector<256x1024xf32>
    %reduce_sum3A_6 = arith.constant dense<0.000000e+00> : vector<256xf32>
    %reduce_sum3A_7 = vector.multi_reduction <add>, %mul3A, %reduce_sum3A_6 [1] : vector<256x1024xf32> to vector<256xf32>
    %broadcast_in_dim3A_8 = vector.shape_cast %reduce_sum3A_7 : vector<256xf32> to vector<256x1xf32>
    %div3A_9 = arith.constant 1.024000e+03 : f32
    %div3A_10 = vector.broadcast %div3A_9 : f32 to vector<256x1xf32>
    %div3A_11 = arith.divf %broadcast_in_dim3A_8, %div3A_10 : vector<256x1xf32>
    %add3A = arith.constant 9.99999974E-6 : f32
    %add3A_12 = vector.broadcast %add3A : f32 to vector<256x1xf32>
    %add3A_13 = arith.addf %div3A_11, %add3A_12 : vector<256x1xf32>
    %rsqrt3A = math.rsqrt %add3A_13 : vector<256x1xf32>
    %mul3A_14 = vector.broadcast %rsqrt3A : vector<256x1xf32> to vector<256x1024xf32>
    %mul3A_15 = arith.mulf %sub3A_5, %mul3A_14 : vector<256x1024xf32>
    %get3A_16 = arith.constant 0 : index
    %get3A_17 = arith.constant 0 : index
    %get3A_18 = vector.load %arg2[%get3A_16, %get3A_17] : memref<1x1024xf32, #tpu.memory_space<vmem>>, vector<1x1024xf32>
    %mul3A_19 = vector.broadcast %get3A_18 : vector<1x1024xf32> to vector<256x1024xf32>
    %mul3A_20 = arith.mulf %mul3A_15, %mul3A_19 : vector<256x1024xf32>
    %get3A_21 = arith.constant 0 : index
    %get3A_22 = arith.constant 0 : index
    %get3A_23 = vector.load %arg3[%get3A_21, %get3A_22] : memref<1x1024xf32, #tpu.memory_space<vmem>>, vector<1x1024xf32>
    %add3A_24 = vector.broadcast %get3A_23 : vector<1x1024xf32> to vector<256x1024xf32>
    %add3A_25 = arith.addf %mul3A_20, %add3A_24 : vector<256x1024xf32>
    %swap3A = arith.constant 0 : index
    %swap3A_26 = arith.constant 0 : index
    %swap3A_27 = vector.load %arg4[%swap3A, %swap3A_26] : memref<256x1024xf32, #tpu.memory_space<vmem>>, vector<256x1024xf32>
    tpu.vector_store %arg4[%swap3A, %swap3A_26], %add3A_25 {strides = array<i32>} : memref<256x1024xf32, #tpu.memory_space<vmem>>, vector<256x1024xf32>,
    return
  }
  func.func @transform_0(%arg0: i32) -> (i32, i32) {
    %c0_i32 = arith.constant 0 : i32
    %c0_i32_0 = arith.constant 0 : i32
    return %arg0, %c0_i32 : i32, i32
  }
  func.func @transform_1(%arg0: i32) -> (i32, i32) {
    %c0_i32 = arith.constant 0 : i32
    %c0_i32_0 = arith.constant 0 : i32
    %c0_i32_1 = arith.constant 0 : i32
    return %c0_i32, %c0_i32_0 : i32, i32
  }
  func.func @transform_2(%arg0: i32) -> (i32, i32) {
    %c0_i32 = arith.constant 0 : i32
    %c0_i32_0 = arith.constant 0 : i32
    %c0_i32_1 = arith.constant 0 : i32
    return %c0_i32, %c0_i32_0 : i32, i32
  }
  func.func @transform_3(%arg0: i32) -> (i32, i32) {
    %c0_i32 = arith.constant 0 : i32
    %c0_i32_0 = arith.constant 0 : i32
    return %arg0, %c0_i32 : i32, i32
  }
}

module attributes {stable_mosaic.version = 14 : i64} {
  func.func @_router_body(%arg0: memref<2048x1024xf32, #tpu.memory_space<vmem>>, %arg1: memref<1024x8xf32, #tpu.memory_space<vmem>>, %arg2: memref<1x8xf32, #tpu.memory_space<vmem>>, %arg3: memref<1x1xf32, #tpu.memory_space<vmem>>, %arg4: memref<2048x128xf32, #tpu.memory_space<vmem>>, %arg5: memref<2048x128xf32, #tpu.memory_space<vmem>>, %arg6: memref<2048xi32, #tpu.memory_space<vmem>>, %arg7: memref<2048xi32, #tpu.memory_space<vmem>>, %arg8: memref<1x24xi32, #tpu.memory_space<vmem>>, %arg9: memref<1x24xi32, #tpu.memory_space<vmem>>, %arg10: memref<1x24xi32, #tpu.memory_space<vmem>>) attributes {dimension_semantics = [], scalar_prefetch = 0 : i64, scratch_operands = 0 : i64, tpu.core_type = #tpu.core_type<tc>} {
    %get3A = arith.constant 0 : index
    %get3A_0 = arith.constant 0 : index
    %get3A_1 = vector.load %arg0[%get3A, %get3A_0] : memref<2048x1024xf32, #tpu.memory_space<vmem>>, vector<2048x1024xf32>
    %get3A_2 = arith.constant 0 : index
    %get3A_3 = arith.constant 0 : index
    %get3A_4 = vector.load %arg1[%get3A_2, %get3A_3] : memref<1024x8xf32, #tpu.memory_space<vmem>>, vector<1024x8xf32>
    %dot_general3A = arith.constant dense<0.000000e+00> : vector<2048x8xf32>
    %dot_general3A_5 = tpu.matmul %get3A_1, %get3A_4, %dot_general3A {dimension_numbers = #tpu.dot_dimension_numbers<[1], [0], [0], [1], [0, 0, 1, 1], [], []>, transpose_lhs_hint = false} : vector<2048x1024xf32>, vector<1024x8xf32>, vector<2048x8xf32> -> vector<2048x8xf32>
    %get3A_6 = arith.constant 0 : index
    %get3A_7 = arith.constant 0 : index
    %get3A_8 = vector.load %arg2[%get3A_6, %get3A_7] : memref<1x8xf32, #tpu.memory_space<vmem>>, vector<1x8xf32>
    %add3A = vector.broadcast %get3A_8 : vector<1x8xf32> to vector<2048x8xf32>
    %add3A_9 = arith.addf %dot_general3A_5, %add3A : vector<2048x8xf32>
    %reduce_max3A = arith.constant dense<0xFF800000> : vector<2048xf32>
    %reduce_max3A_10 = vector.multi_reduction <maximumf>, %add3A_9, %reduce_max3A [1] : vector<2048x8xf32> to vector<2048xf32>
    %broadcast_in_dim3A = vector.shape_cast %reduce_max3A_10 : vector<2048xf32> to vector<2048x1xf32>
    %sub3A = vector.broadcast %broadcast_in_dim3A : vector<2048x1xf32> to vector<2048x8xf32>
    %sub3A_11 = arith.subf %add3A_9, %sub3A : vector<2048x8xf32>
    %exp3A = math.exp %sub3A_11 : vector<2048x8xf32>
    %reduce_sum3A = arith.constant dense<0.000000e+00> : vector<2048xf32>
    %reduce_sum3A_12 = vector.multi_reduction <add>, %exp3A, %reduce_sum3A [1] : vector<2048x8xf32> to vector<2048xf32>
    %broadcast_in_dim3A_13 = vector.shape_cast %reduce_sum3A_12 : vector<2048xf32> to vector<2048x1xf32>
    %div3A = vector.broadcast %broadcast_in_dim3A_13 : vector<2048x1xf32> to vector<2048x8xf32>
    %div3A_14 = arith.divf %exp3A, %div3A : vector<2048x8xf32>
    %iota3A = tpu.iota {dimensions = array<i32: 1>} : vector<2048x8xi32>
    %reduce_max3A_15 = arith.constant dense<0xFF800000> : vector<2048xf32>
    %reduce_max3A_16 = vector.multi_reduction <maximumf>, %div3A_14, %reduce_max3A_15 [1] : vector<2048x8xf32> to vector<2048xf32>
    %broadcast_in_dim3A_17 = vector.shape_cast %reduce_max3A_16 : vector<2048xf32> to vector<2048x1xf32>
    %argmax3A = tpu.reduce_index %div3A_14 {axis = 1 : i32, kind = #tpu.reduction_kind<arg_max>} : vector<2048x8xf32> -> vector<2048xi32>
    %broadcast_in_dim3A_18 = vector.shape_cast %argmax3A : vector<2048xi32> to vector<2048x1xi32>
    %eq3A = vector.broadcast %broadcast_in_dim3A_18 : vector<2048x1xi32> to vector<2048x8xi32>
    %eq3A_19 = arith.cmpi eq, %iota3A, %eq3A : vector<2048x8xi32>
    %jit3A = arith.constant -1.000000e+00 : f32
    %broadcast_in_dim3A_20 = vector.broadcast %jit3A : f32 to vector<2048x8xf32>
    %select_n3A = arith.select %eq3A_19, %broadcast_in_dim3A_20, %div3A_14 : vector<2048x8xi1>, vector<2048x8xf32>
    %reduce_max3A_21 = arith.constant dense<0xFF800000> : vector<2048xf32>
    %reduce_max3A_22 = vector.multi_reduction <maximumf>, %select_n3A, %reduce_max3A_21 [1] : vector<2048x8xf32> to vector<2048xf32>
    %broadcast_in_dim3A_23 = vector.shape_cast %reduce_max3A_22 : vector<2048xf32> to vector<2048x1xf32>
    %argmax3A_24 = tpu.reduce_index %select_n3A {axis = 1 : i32, kind = #tpu.reduction_kind<arg_max>} : vector<2048x8xf32> -> vector<2048xi32>
    %broadcast_in_dim3A_25 = vector.shape_cast %argmax3A_24 : vector<2048xi32> to vector<2048x1xi32>
    %add3A_26 = arith.addf %broadcast_in_dim3A_17, %broadcast_in_dim3A_23 : vector<2048x1xf32>
    %div3A_27 = arith.divf %broadcast_in_dim3A_17, %add3A_26 : vector<2048x1xf32>
    %div3A_28 = arith.divf %broadcast_in_dim3A_23, %add3A_26 : vector<2048x1xf32>
    %eq3A_29 = vector.broadcast %broadcast_in_dim3A_18 : vector<2048x1xi32> to vector<2048x8xi32>
    %eq3A_30 = arith.cmpi eq, %iota3A, %eq3A_29 : vector<2048x8xi32>
    %convert_element_type3A = arith.extui %eq3A_30 : vector<2048x8xi1> to vector<2048x8xi32>
    %convert_element_type3A_31 = arith.sitofp %convert_element_type3A : vector<2048x8xi32> to vector<2048x8xf32>
    %eq3A_32 = vector.broadcast %broadcast_in_dim3A_25 : vector<2048x1xi32> to vector<2048x8xi32>
    %eq3A_33 = arith.cmpi eq, %iota3A, %eq3A_32 : vector<2048x8xi32>
    %convert_element_type3A_34 = arith.extui %eq3A_33 : vector<2048x8xi1> to vector<2048x8xi32>
    %convert_element_type3A_35 = arith.sitofp %convert_element_type3A_34 : vector<2048x8xi32> to vector<2048x8xf32>
    %add3A_36 = arith.addf %convert_element_type3A_31, %convert_element_type3A_35 : vector<2048x8xf32>
    %broadcast_in_dim3A_37 = arith.constant 0.000000e+00 : f32
    %broadcast_in_dim3A_38 = vector.broadcast %broadcast_in_dim3A_37 : f32 to vector<1x8xf32>
    %slice3A = vector.extract_strided_slice %add3A_36 {offsets = [0, 0], sizes = [2047, 8], strides = [1, 1]} : vector<2048x8xf32> to vector<2047x8xf32>
    %concatenate3A = tpu.concatenate %broadcast_in_dim3A_38, %slice3A in 0 : vector<1x8xf32>, vector<2047x8xf32> -> vector<2048x8xf32>
    %add3A_39 = arith.addf %add3A_36, %concatenate3A : vector<2048x8xf32>
    %broadcast_in_dim3A_40 = arith.constant 0.000000e+00 : f32
    %broadcast_in_dim3A_41 = vector.broadcast %broadcast_in_dim3A_40 : f32 to vector<2x8xf32>
    %slice3A_42 = vector.extract_strided_slice %add3A_39 {offsets = [0, 0], sizes = [2046, 8], strides = [1, 1]} : vector<2048x8xf32> to vector<2046x8xf32>
    %concatenate3A_43 = tpu.concatenate %broadcast_in_dim3A_41, %slice3A_42 in 0 : vector<2x8xf32>, vector<2046x8xf32> -> vector<2048x8xf32>
    %add3A_44 = arith.addf %add3A_39, %concatenate3A_43 : vector<2048x8xf32>
    %broadcast_in_dim3A_45 = arith.constant 0.000000e+00 : f32
    %broadcast_in_dim3A_46 = vector.broadcast %broadcast_in_dim3A_45 : f32 to vector<4x8xf32>
    %slice3A_47 = vector.extract_strided_slice %add3A_44 {offsets = [0, 0], sizes = [2044, 8], strides = [1, 1]} : vector<2048x8xf32> to vector<2044x8xf32>
    %concatenate3A_48 = tpu.concatenate %broadcast_in_dim3A_46, %slice3A_47 in 0 : vector<4x8xf32>, vector<2044x8xf32> -> vector<2048x8xf32>
    %add3A_49 = arith.addf %add3A_44, %concatenate3A_48 : vector<2048x8xf32>
    %broadcast_in_dim3A_50 = arith.constant 0.000000e+00 : f32
    %broadcast_in_dim3A_51 = vector.broadcast %broadcast_in_dim3A_50 : f32 to vector<8x8xf32>
    %slice3A_52 = vector.extract_strided_slice %add3A_49 {offsets = [0, 0], sizes = [2040, 8], strides = [1, 1]} : vector<2048x8xf32> to vector<2040x8xf32>
    %concatenate3A_53 = tpu.concatenate %broadcast_in_dim3A_51, %slice3A_52 in 0 : vector<8x8xf32>, vector<2040x8xf32> -> vector<2048x8xf32>
    %add3A_54 = arith.addf %add3A_49, %concatenate3A_53 : vector<2048x8xf32>
    %broadcast_in_dim3A_55 = arith.constant 0.000000e+00 : f32
    %broadcast_in_dim3A_56 = vector.broadcast %broadcast_in_dim3A_55 : f32 to vector<16x8xf32>
    %slice3A_57 = vector.extract_strided_slice %add3A_54 {offsets = [0, 0], sizes = [2032, 8], strides = [1, 1]} : vector<2048x8xf32> to vector<2032x8xf32>
    %concatenate3A_58 = tpu.concatenate %broadcast_in_dim3A_56, %slice3A_57 in 0 : vector<16x8xf32>, vector<2032x8xf32> -> vector<2048x8xf32>
    %add3A_59 = arith.addf %add3A_54, %concatenate3A_58 : vector<2048x8xf32>
    %broadcast_in_dim3A_60 = arith.constant 0.000000e+00 : f32
    %broadcast_in_dim3A_61 = vector.broadcast %broadcast_in_dim3A_60 : f32 to vector<32x8xf32>
    %slice3A_62 = vector.extract_strided_slice %add3A_59 {offsets = [0, 0], sizes = [2016, 8], strides = [1, 1]} : vector<2048x8xf32> to vector<2016x8xf32>
    %concatenate3A_63 = tpu.concatenate %broadcast_in_dim3A_61, %slice3A_62 in 0 : vector<32x8xf32>, vector<2016x8xf32> -> vector<2048x8xf32>
    %add3A_64 = arith.addf %add3A_59, %concatenate3A_63 : vector<2048x8xf32>
    %broadcast_in_dim3A_65 = arith.constant 0.000000e+00 : f32
    %broadcast_in_dim3A_66 = vector.broadcast %broadcast_in_dim3A_65 : f32 to vector<64x8xf32>
    %slice3A_67 = vector.extract_strided_slice %add3A_64 {offsets = [0, 0], sizes = [1984, 8], strides = [1, 1]} : vector<2048x8xf32> to vector<1984x8xf32>
    %concatenate3A_68 = tpu.concatenate %broadcast_in_dim3A_66, %slice3A_67 in 0 : vector<64x8xf32>, vector<1984x8xf32> -> vector<2048x8xf32>
    %add3A_69 = arith.addf %add3A_64, %concatenate3A_68 : vector<2048x8xf32>
    %broadcast_in_dim3A_70 = arith.constant 0.000000e+00 : f32
    %broadcast_in_dim3A_71 = vector.broadcast %broadcast_in_dim3A_70 : f32 to vector<128x8xf32>
    %slice3A_72 = vector.extract_strided_slice %add3A_69 {offsets = [0, 0], sizes = [1920, 8], strides = [1, 1]} : vector<2048x8xf32> to vector<1920x8xf32>
    %concatenate3A_73 = tpu.concatenate %broadcast_in_dim3A_71, %slice3A_72 in 0 : vector<128x8xf32>, vector<1920x8xf32> -> vector<2048x8xf32>
    %add3A_74 = arith.addf %add3A_69, %concatenate3A_73 : vector<2048x8xf32>
    %broadcast_in_dim3A_75 = arith.constant 0.000000e+00 : f32
    %broadcast_in_dim3A_76 = vector.broadcast %broadcast_in_dim3A_75 : f32 to vector<256x8xf32>
    %slice3A_77 = vector.extract_strided_slice %add3A_74 {offsets = [0, 0], sizes = [1792, 8], strides = [1, 1]} : vector<2048x8xf32> to vector<1792x8xf32>
    %concatenate3A_78 = tpu.concatenate %broadcast_in_dim3A_76, %slice3A_77 in 0 : vector<256x8xf32>, vector<1792x8xf32> -> vector<2048x8xf32>
    %add3A_79 = arith.addf %add3A_74, %concatenate3A_78 : vector<2048x8xf32>
    %broadcast_in_dim3A_80 = arith.constant 0.000000e+00 : f32
    %broadcast_in_dim3A_81 = vector.broadcast %broadcast_in_dim3A_80 : f32 to vector<512x8xf32>
    %slice3A_82 = vector.extract_strided_slice %add3A_79 {offsets = [0, 0], sizes = [1536, 8], strides = [1, 1]} : vector<2048x8xf32> to vector<1536x8xf32>
    %concatenate3A_83 = tpu.concatenate %broadcast_in_dim3A_81, %slice3A_82 in 0 : vector<512x8xf32>, vector<1536x8xf32> -> vector<2048x8xf32>
    %add3A_84 = arith.addf %add3A_79, %concatenate3A_83 : vector<2048x8xf32>
    %broadcast_in_dim3A_85 = arith.constant 0.000000e+00 : f32
    %broadcast_in_dim3A_86 = vector.broadcast %broadcast_in_dim3A_85 : f32 to vector<1024x8xf32>
    %slice3A_87 = vector.extract_strided_slice %add3A_84 {offsets = [0, 0], sizes = [1024, 8], strides = [1, 1]} : vector<2048x8xf32> to vector<1024x8xf32>
    %concatenate3A_88 = tpu.concatenate %broadcast_in_dim3A_86, %slice3A_87 in 0 : vector<1024x8xf32>, vector<1024x8xf32> -> vector<2048x8xf32>
    %add3A_89 = arith.addf %add3A_84, %concatenate3A_88 : vector<2048x8xf32>
    %sub3A_90 = arith.subf %add3A_89, %add3A_36 : vector<2048x8xf32>
    %mul3A = arith.mulf %sub3A_90, %convert_element_type3A_31 : vector<2048x8xf32>
    %reduce_sum3A_91 = arith.constant dense<0.000000e+00> : vector<2048xf32>
    %reduce_sum3A_92 = vector.multi_reduction <add>, %mul3A, %reduce_sum3A_91 [1] : vector<2048x8xf32> to vector<2048xf32>
    %broadcast_in_dim3A_93 = vector.shape_cast %reduce_sum3A_92 : vector<2048xf32> to vector<2048x1xf32>
    %mul3A_94 = arith.mulf %sub3A_90, %convert_element_type3A_35 : vector<2048x8xf32>
    %reduce_sum3A_95 = arith.constant dense<0.000000e+00> : vector<2048xf32>
    %reduce_sum3A_96 = vector.multi_reduction <add>, %mul3A_94, %reduce_sum3A_95 [1] : vector<2048x8xf32> to vector<2048xf32>
    %broadcast_in_dim3A_97 = vector.shape_cast %reduce_sum3A_96 : vector<2048xf32> to vector<2048x1xf32>
    %mul3A_98 = arith.constant 2048 : i32
    %mul3A_99 = vector.broadcast %mul3A_98 : i32 to vector<2048x1xi32>
    %mul3A_100 = arith.muli %broadcast_in_dim3A_18, %mul3A_99 : vector<2048x1xi32>
    %convert_element_type3A_101 = arith.fptosi %broadcast_in_dim3A_93 : vector<2048x1xf32> to vector<2048x1xi32>
    %add3A_102 = arith.addi %mul3A_100, %convert_element_type3A_101 : vector<2048x1xi32>
    %reshape3A = vector.shape_cast %add3A_102 : vector<2048x1xi32> to vector<2048xi32>
    %swap3A = arith.constant 0 : index
    %swap3A_103 = vector.load %arg6[%swap3A] : memref<2048xi32, #tpu.memory_space<vmem>>, vector<2048xi32>
    tpu.vector_store %arg6[%swap3A], %reshape3A {strides = array<i32>} : memref<2048xi32, #tpu.memory_space<vmem>>, vector<2048xi32>,
    %mul3A_104 = arith.constant 2048 : i32
    %mul3A_105 = vector.broadcast %mul3A_104 : i32 to vector<2048x1xi32>
    %mul3A_106 = arith.muli %broadcast_in_dim3A_25, %mul3A_105 : vector<2048x1xi32>
    %convert_element_type3A_107 = arith.fptosi %broadcast_in_dim3A_97 : vector<2048x1xf32> to vector<2048x1xi32>
    %add3A_108 = arith.addi %mul3A_106, %convert_element_type3A_107 : vector<2048x1xi32>
    %reshape3A_109 = vector.shape_cast %add3A_108 : vector<2048x1xi32> to vector<2048xi32>
    %swap3A_110 = arith.constant 0 : index
    %swap3A_111 = vector.load %arg7[%swap3A_110] : memref<2048xi32, #tpu.memory_space<vmem>>, vector<2048xi32>
    tpu.vector_store %arg7[%swap3A_110], %reshape3A_109 {strides = array<i32>} : memref<2048xi32, #tpu.memory_space<vmem>>, vector<2048xi32>,
    %broadcast_in_dim3A_112 = vector.shape_cast %div3A_27 : vector<2048x1xf32> to vector<2048x1xf32>
    %broadcast_in_dim3A_113 = vector.broadcast %broadcast_in_dim3A_112 : vector<2048x1xf32> to vector<2048x128xf32>
    %swap3A_114 = arith.constant 0 : index
    %swap3A_115 = arith.constant 0 : index
    %swap3A_116 = vector.load %arg4[%swap3A_114, %swap3A_115] : memref<2048x128xf32, #tpu.memory_space<vmem>>, vector<2048x128xf32>
    tpu.vector_store %arg4[%swap3A_114, %swap3A_115], %broadcast_in_dim3A_113 {strides = array<i32>} : memref<2048x128xf32, #tpu.memory_space<vmem>>, vector<2048x128xf32>,
    %broadcast_in_dim3A_117 = vector.shape_cast %div3A_28 : vector<2048x1xf32> to vector<2048x1xf32>
    %broadcast_in_dim3A_118 = vector.broadcast %broadcast_in_dim3A_117 : vector<2048x1xf32> to vector<2048x128xf32>
    %swap3A_119 = arith.constant 0 : index
    %swap3A_120 = arith.constant 0 : index
    %swap3A_121 = vector.load %arg5[%swap3A_119, %swap3A_120] : memref<2048x128xf32, #tpu.memory_space<vmem>>, vector<2048x128xf32>
    tpu.vector_store %arg5[%swap3A_119, %swap3A_120], %broadcast_in_dim3A_118 {strides = array<i32>} : memref<2048x128xf32, #tpu.memory_space<vmem>>, vector<2048x128xf32>,
    %reduce_sum3A_122 = arith.constant dense<0.000000e+00> : vector<8xf32>
    %reduce_sum3A_123 = vector.multi_reduction <add>, %add3A_36, %reduce_sum3A_122 [0] : vector<2048x8xf32> to vector<8xf32>
    %broadcast_in_dim3A_124 = vector.shape_cast %reduce_sum3A_123 : vector<8xf32> to vector<1x8xf32>
    %convert_element_type3A_125 = arith.fptosi %broadcast_in_dim3A_124 : vector<1x8xf32> to vector<1x8xi32>
    %add3A_126 = arith.constant 256 : i32
    %add3A_127 = vector.broadcast %add3A_126 : i32 to vector<1x8xi32>
    %add3A_128 = arith.addi %convert_element_type3A_125, %add3A_127 : vector<1x8xi32>
    %sub3A_129 = arith.constant 1 : i32
    %sub3A_130 = vector.broadcast %sub3A_129 : i32 to vector<1x8xi32>
    %sub3A_131 = arith.subi %add3A_128, %sub3A_130 : vector<1x8xi32>
    %jit3A_132 = arith.constant 256 : i32
    %div3A_133 = vector.broadcast %jit3A_132 : i32 to vector<1x8xi32>
    %div3A_134 = arith.divsi %sub3A_131, %div3A_133 : vector<1x8xi32>
    %sign3A = arith.constant 0 : i32
    %sign3A_135 = vector.broadcast %sign3A : i32 to vector<1x8xi32>
    %sign3A_136 = arith.cmpi sgt, %sub3A_131, %sign3A_135 : vector<1x8xi32>
    %sign3A_137 = arith.extui %sign3A_136 : vector<1x8xi1> to vector<1x8xi32>
    %sign3A_138 = arith.constant 0 : i32
    %sign3A_139 = vector.broadcast %sign3A_138 : i32 to vector<1x8xi32>
    %sign3A_140 = arith.cmpi slt, %sub3A_131, %sign3A_139 : vector<1x8xi32>
    %sign3A_141 = arith.extui %sign3A_140 : vector<1x8xi1> to vector<1x8xi32>
    %sign3A_142 = arith.subi %sign3A_137, %sign3A_141 : vector<1x8xi32>
    %sign3A_143 = arith.constant 0 : i32
    %sign3A_144 = arith.cmpi sgt, %jit3A_132, %sign3A_143 : i32
    %sign3A_145 = arith.extui %sign3A_144 : i1 to i32
    %sign3A_146 = arith.constant 0 : i32
    %sign3A_147 = arith.cmpi slt, %jit3A_132, %sign3A_146 : i32
    %sign3A_148 = arith.extui %sign3A_147 : i1 to i32
    %sign3A_149 = arith.subi %sign3A_145, %sign3A_148 : i32
    %ne3A = vector.broadcast %sign3A_149 : i32 to vector<1x8xi32>
    %ne3A_150 = arith.cmpi ne, %sign3A_142, %ne3A : vector<1x8xi32>
    %rem3A = vector.broadcast %jit3A_132 : i32 to vector<1x8xi32>
    %rem3A_151 = arith.remsi %sub3A_131, %rem3A : vector<1x8xi32>
    %ne3A_152 = arith.constant 0 : i32
    %ne3A_153 = vector.broadcast %ne3A_152 : i32 to vector<1x8xi32>
    %ne3A_154 = arith.cmpi ne, %rem3A_151, %ne3A_153 : vector<1x8xi32>
    %and3A = arith.andi %ne3A_150, %ne3A_154 : vector<1x8xi1>
    %sub3A_155 = arith.constant 1 : i32
    %sub3A_156 = vector.broadcast %sub3A_155 : i32 to vector<1x8xi32>
    %sub3A_157 = arith.subi %div3A_134, %sub3A_156 : vector<1x8xi32>
    %select_n3A_158 = arith.select %and3A, %sub3A_157, %div3A_134 : vector<1x8xi1>, vector<1x8xi32>
    %broadcast_in_dim3A_159 = arith.constant 0 : i32
    %broadcast_in_dim3A_160 = vector.broadcast %broadcast_in_dim3A_159 : i32 to vector<1x1xi32>
    %slice3A_161 = vector.extract_strided_slice %select_n3A_158 {offsets = [0, 0], sizes = [1, 7], strides = [1, 1]} : vector<1x8xi32> to vector<1x7xi32>
    %concatenate3A_162 = tpu.concatenate %broadcast_in_dim3A_160, %slice3A_161 in 1 : vector<1x1xi32>, vector<1x7xi32> -> vector<1x8xi32>
    %add3A_163 = arith.addi %select_n3A_158, %concatenate3A_162 : vector<1x8xi32>
    %broadcast_in_dim3A_164 = arith.constant 0 : i32
    %broadcast_in_dim3A_165 = vector.broadcast %broadcast_in_dim3A_164 : i32 to vector<1x2xi32>
    %slice3A_166 = vector.extract_strided_slice %add3A_163 {offsets = [0, 0], sizes = [1, 6], strides = [1, 1]} : vector<1x8xi32> to vector<1x6xi32>
    %concatenate3A_167 = tpu.concatenate %broadcast_in_dim3A_165, %slice3A_166 in 1 : vector<1x2xi32>, vector<1x6xi32> -> vector<1x8xi32>
    %add3A_168 = arith.addi %add3A_163, %concatenate3A_167 : vector<1x8xi32>
    %broadcast_in_dim3A_169 = arith.constant 0 : i32
    %broadcast_in_dim3A_170 = vector.broadcast %broadcast_in_dim3A_169 : i32 to vector<1x4xi32>
    %slice3A_171 = vector.extract_strided_slice %add3A_168 {offsets = [0, 0], sizes = [1, 4], strides = [1, 1]} : vector<1x8xi32> to vector<1x4xi32>
    %concatenate3A_172 = tpu.concatenate %broadcast_in_dim3A_170, %slice3A_171 in 1 : vector<1x4xi32>, vector<1x4xi32> -> vector<1x8xi32>
    %add3A_173 = arith.addi %add3A_168, %concatenate3A_172 : vector<1x8xi32>
    %sub3A_174 = arith.subi %add3A_173, %select_n3A_158 : vector<1x8xi32>
    %iota3A_175 = tpu.iota {dimensions = array<i32: 0>} : vector<24x8xi32>
    %squeeze3A = vector.shape_cast %add3A_173 : vector<1x8xi32> to vector<8xi32>
    %broadcast_in_dim3A_176 = vector.shape_cast %squeeze3A : vector<8xi32> to vector<1x8xi32>
    %ge3A = vector.broadcast %broadcast_in_dim3A_176 : vector<1x8xi32> to vector<24x8xi32>
    %ge3A_177 = arith.cmpi sge, %iota3A_175, %ge3A : vector<24x8xi32>
    %convert_element_type3A_178 = arith.extui %ge3A_177 : vector<24x8xi1> to vector<24x8xi32>
    %reduce_sum3A_179 = arith.constant dense<0> : vector<24xi32>
    %reduce_sum3A_180 = vector.multi_reduction <add>, %convert_element_type3A_178, %reduce_sum3A_179 [1] : vector<24x8xi32> to vector<24xi32>
    %broadcast_in_dim3A_181 = vector.shape_cast %reduce_sum3A_180 : vector<24xi32> to vector<24x1xi32>
    %lt3A = arith.constant 8 : i32
    %lt3A_182 = vector.broadcast %lt3A : i32 to vector<24x1xi32>
    %lt3A_183 = arith.cmpi slt, %broadcast_in_dim3A_181, %lt3A_182 : vector<24x1xi32>
    %convert_element_type3A_184 = arith.extui %lt3A_183 : vector<24x1xi1> to vector<24x1xi32>
    %min3A = arith.constant 7 : i32
    %min3A_185 = vector.broadcast %min3A : i32 to vector<24x1xi32>
    %min3A_186 = arith.minsi %broadcast_in_dim3A_181, %min3A_185 : vector<24x1xi32>
    %iota3A_187 = tpu.iota {dimensions = array<i32: 1>} : vector<24x8xi32>
    %eq3A_188 = vector.broadcast %min3A_186 : vector<24x1xi32> to vector<24x8xi32>
    %eq3A_189 = arith.cmpi eq, %iota3A_187, %eq3A_188 : vector<24x8xi32>
    %squeeze3A_190 = vector.shape_cast %sub3A_174 : vector<1x8xi32> to vector<8xi32>
    %broadcast_in_dim3A_191 = vector.shape_cast %squeeze3A_190 : vector<8xi32> to vector<1x8xi32>
    %convert_element_type3A_192 = arith.extui %eq3A_189 : vector<24x8xi1> to vector<24x8xi32>
    %mul3A_193 = vector.broadcast %broadcast_in_dim3A_191 : vector<1x8xi32> to vector<24x8xi32>
    %mul3A_194 = arith.muli %mul3A_193, %convert_element_type3A_192 : vector<24x8xi32>
    %reduce_sum3A_195 = arith.constant dense<0> : vector<24xi32>
    %reduce_sum3A_196 = vector.multi_reduction <add>, %mul3A_194, %reduce_sum3A_195 [1] : vector<24x8xi32> to vector<24xi32>
    %broadcast_in_dim3A_197 = vector.shape_cast %reduce_sum3A_196 : vector<24xi32> to vector<24x1xi32>
    %squeeze3A_198 = vector.shape_cast %select_n3A_158 : vector<1x8xi32> to vector<8xi32>
    %broadcast_in_dim3A_199 = vector.shape_cast %squeeze3A_198 : vector<8xi32> to vector<1x8xi32>
    %convert_element_type3A_200 = arith.extui %eq3A_189 : vector<24x8xi1> to vector<24x8xi32>
    %mul3A_201 = vector.broadcast %broadcast_in_dim3A_199 : vector<1x8xi32> to vector<24x8xi32>
    %mul3A_202 = arith.muli %mul3A_201, %convert_element_type3A_200 : vector<24x8xi32>
    %reduce_sum3A_203 = arith.constant dense<0> : vector<24xi32>
    %reduce_sum3A_204 = vector.multi_reduction <add>, %mul3A_202, %reduce_sum3A_203 [1] : vector<24x8xi32> to vector<24xi32>
    %broadcast_in_dim3A_205 = vector.shape_cast %reduce_sum3A_204 : vector<24xi32> to vector<24x1xi32>
    %iota3A_206 = tpu.iota {dimensions = array<i32: 0>} : vector<24x1xi32>
    %sub3A_207 = arith.subi %iota3A_206, %broadcast_in_dim3A_197 : vector<24x1xi32>
    %eq3A_208 = arith.constant 1 : i32
    %eq3A_209 = vector.broadcast %eq3A_208 : i32 to vector<24x1xi32>
    %eq3A_210 = arith.cmpi eq, %convert_element_type3A_184, %eq3A_209 : vector<24x1xi32>
    %sub3A_211 = arith.constant 1 : i32
    %sub3A_212 = vector.broadcast %sub3A_211 : i32 to vector<24x1xi32>
    %sub3A_213 = arith.subi %broadcast_in_dim3A_205, %sub3A_212 : vector<24x1xi32>
    %max3A = arith.constant 0 : i32
    %max3A_214 = vector.broadcast %max3A : i32 to vector<24x1xi32>
    %max3A_215 = arith.maxsi %sub3A_213, %max3A_214 : vector<24x1xi32>
    %select_n3A_216 = arith.select %eq3A_210, %sub3A_207, %max3A_215 : vector<24x1xi1>, vector<24x1xi32>
    %reshape3A_217 = vector.shape_cast %min3A_186 : vector<24x1xi32> to vector<1x24xi32>
    %swap3A_218 = arith.constant 0 : index
    %swap3A_219 = arith.constant 0 : index
    %swap3A_220 = vector.load %arg8[%swap3A_218, %swap3A_219] : memref<1x24xi32, #tpu.memory_space<vmem>>, vector<1x24xi32>
    tpu.vector_store %arg8[%swap3A_218, %swap3A_219], %reshape3A_217 {strides = array<i32>} : memref<1x24xi32, #tpu.memory_space<vmem>>, vector<1x24xi32>,
    %reshape3A_221 = vector.shape_cast %select_n3A_216 : vector<24x1xi32> to vector<1x24xi32>
    %swap3A_222 = arith.constant 0 : index
    %swap3A_223 = arith.constant 0 : index
    %swap3A_224 = vector.load %arg9[%swap3A_222, %swap3A_223] : memref<1x24xi32, #tpu.memory_space<vmem>>, vector<1x24xi32>
    tpu.vector_store %arg9[%swap3A_222, %swap3A_223], %reshape3A_221 {strides = array<i32>} : memref<1x24xi32, #tpu.memory_space<vmem>>, vector<1x24xi32>,
    %reshape3A_225 = vector.shape_cast %convert_element_type3A_184 : vector<24x1xi32> to vector<1x24xi32>
    %swap3A_226 = arith.constant 0 : index
    %swap3A_227 = arith.constant 0 : index
    %swap3A_228 = vector.load %arg10[%swap3A_226, %swap3A_227] : memref<1x24xi32, #tpu.memory_space<vmem>>, vector<1x24xi32>
    tpu.vector_store %arg10[%swap3A_226, %swap3A_227], %reshape3A_225 {strides = array<i32>} : memref<1x24xi32, #tpu.memory_space<vmem>>, vector<1x24xi32>,
    %reduce_sum3A_229 = arith.constant dense<0.000000e+00> : vector<8xf32>
    %reduce_sum3A_230 = vector.multi_reduction <add>, %div3A_14, %reduce_sum3A_229 [0] : vector<2048x8xf32> to vector<8xf32>
    %broadcast_in_dim3A_231 = vector.shape_cast %reduce_sum3A_230 : vector<8xf32> to vector<1x8xf32>
    %reduce_sum3A_232 = vector.shape_cast %broadcast_in_dim3A_231 : vector<1x8xf32> to vector<1x1x8xf32>
    %reduce_sum3A_233 = arith.constant dense<0.000000e+00> : vector<1xf32>
    %reduce_sum3A_234 = vector.multi_reduction <add>, %reduce_sum3A_232, %reduce_sum3A_233 [1, 2] : vector<1x1x8xf32> to vector<1xf32>
    %reduce_sum3A_235 = vector.shape_cast %reduce_sum3A_234 : vector<1xf32> to vector<1x1x1xf32>
    %reduce_sum3A_236 = vector.extract %reduce_sum3A_235[0, 0, 0] : f32 from vector<1x1x1xf32>
    %div3A_237 = arith.constant 8.000000e+00 : f32
    %div3A_238 = arith.divf %reduce_sum3A_236, %div3A_237 : f32
    %sub3A_239 = vector.broadcast %div3A_238 : f32 to vector<1x8xf32>
    %sub3A_240 = arith.subf %broadcast_in_dim3A_231, %sub3A_239 : vector<1x8xf32>
    %integer_pow3A = arith.mulf %sub3A_240, %sub3A_240 : vector<1x8xf32>
    %reduce_sum3A_241 = vector.shape_cast %integer_pow3A : vector<1x8xf32> to vector<1x1x8xf32>
    %reduce_sum3A_242 = arith.constant dense<0.000000e+00> : vector<1xf32>
    %reduce_sum3A_243 = vector.multi_reduction <add>, %reduce_sum3A_241, %reduce_sum3A_242 [1, 2] : vector<1x1x8xf32> to vector<1xf32>
    %reduce_sum3A_244 = vector.shape_cast %reduce_sum3A_243 : vector<1xf32> to vector<1x1x1xf32>
    %reduce_sum3A_245 = vector.extract %reduce_sum3A_244[0, 0, 0] : f32 from vector<1x1x1xf32>
    %div3A_246 = arith.constant 7.000000e+00 : f32
    %div3A_247 = arith.divf %reduce_sum3A_245, %div3A_246 : f32
    %sqrt3A = math.sqrt %div3A_247 : f32
    %add3A_248 = arith.constant 9.99999997E-7 : f32
    %add3A_249 = arith.addf %div3A_238, %add3A_248 : f32
    %div3A_250 = arith.divf %sqrt3A, %add3A_249 : f32
    %integer_pow3A_251 = arith.mulf %div3A_250, %div3A_250 : f32
    %reduce_sum3A_252 = arith.constant dense<0.000000e+00> : vector<8xf32>
    %reduce_sum3A_253 = vector.multi_reduction <add>, %add3A_36, %reduce_sum3A_252 [0] : vector<2048x8xf32> to vector<8xf32>
    %broadcast_in_dim3A_254 = vector.shape_cast %reduce_sum3A_253 : vector<8xf32> to vector<1x8xf32>
    %div3A_255 = arith.constant 2.048000e+03 : f32
    %div3A_256 = vector.broadcast %div3A_255 : f32 to vector<1x8xf32>
    %div3A_257 = arith.divf %broadcast_in_dim3A_254, %div3A_256 : vector<1x8xf32>
    %reduce_sum3A_258 = vector.shape_cast %div3A_257 : vector<1x8xf32> to vector<1x1x8xf32>
    %reduce_sum3A_259 = arith.constant dense<0.000000e+00> : vector<1xf32>
    %reduce_sum3A_260 = vector.multi_reduction <add>, %reduce_sum3A_258, %reduce_sum3A_259 [1, 2] : vector<1x1x8xf32> to vector<1xf32>
    %reduce_sum3A_261 = vector.shape_cast %reduce_sum3A_260 : vector<1xf32> to vector<1x1x1xf32>
    %reduce_sum3A_262 = vector.extract %reduce_sum3A_261[0, 0, 0] : f32 from vector<1x1x1xf32>
    %div3A_263 = arith.constant 8.000000e+00 : f32
    %div3A_264 = arith.divf %reduce_sum3A_262, %div3A_263 : f32
    %sub3A_265 = vector.broadcast %div3A_264 : f32 to vector<1x8xf32>
    %sub3A_266 = arith.subf %div3A_257, %sub3A_265 : vector<1x8xf32>
    %integer_pow3A_267 = arith.mulf %sub3A_266, %sub3A_266 : vector<1x8xf32>
    %reduce_sum3A_268 = vector.shape_cast %integer_pow3A_267 : vector<1x8xf32> to vector<1x1x8xf32>
    %reduce_sum3A_269 = arith.constant dense<0.000000e+00> : vector<1xf32>
    %reduce_sum3A_270 = vector.multi_reduction <add>, %reduce_sum3A_268, %reduce_sum3A_269 [1, 2] : vector<1x1x8xf32> to vector<1xf32>
    %reduce_sum3A_271 = vector.shape_cast %reduce_sum3A_270 : vector<1xf32> to vector<1x1x1xf32>
    %reduce_sum3A_272 = vector.extract %reduce_sum3A_271[0, 0, 0] : f32 from vector<1x1x1xf32>
    %div3A_273 = arith.constant 7.000000e+00 : f32
    %div3A_274 = arith.divf %reduce_sum3A_272, %div3A_273 : f32
    %sqrt3A_275 = math.sqrt %div3A_274 : f32
    %add3A_276 = arith.constant 9.99999997E-7 : f32
    %add3A_277 = arith.addf %div3A_264, %add3A_276 : f32
    %div3A_278 = arith.divf %sqrt3A_275, %add3A_277 : f32
    %integer_pow3A_279 = arith.mulf %div3A_278, %div3A_278 : f32
    %add3A_280 = arith.addf %integer_pow3A_251, %integer_pow3A_279 : f32
    %broadcast_in_dim3A_281 = vector.broadcast %add3A_280 : f32 to vector<1x1xf32>
    %swap3A_282 = arith.constant 0 : index
    %swap3A_283 = arith.constant 0 : index
    %swap3A_284 = vector.load %arg3[%swap3A_282, %swap3A_283] : memref<1x1xf32, #tpu.memory_space<vmem>>, vector<1x1xf32>
    tpu.vector_store %arg3[%swap3A_282, %swap3A_283], %broadcast_in_dim3A_281 {strides = array<i32>} : memref<1x1xf32, #tpu.memory_space<vmem>>, vector<1x1xf32>,
    return
  }
}

</mosaic_0001>

<sc_bundles>
// kernel: kernel.10.cloned.1.call-start
scs
__scs_entry_jumppad:
0x0: {  	(pc) =	sbr.rel $0x88, $3  }
0x1: {  	(tag) =	ssettag $0x0;
	lr =	simm.s32 $0x1  }
0x2: {  	[smem:$0x3F96] =	sst lr;
	_ =	strace $0xD0000000  }
0x3: {  	_ = 	snop  }
0x4: {  	_ = 	snop  }
0x5: {  	_ = 	snop  }
0x6: {  	_ = 	snop  }
0x7: {  	_ = 	snop  }
__scs_overlays_trampoline_lowered:
0x8: {  	[smem:$0x3FA5] =	sst s0  }
0x9: {  	[smem:$0x3FA6] =	sst s1  }
0xa: {  	[smem:$0x3FA7] =	sst s2  }
0xb: {  	[smem:$0x3FA8] =	sst s3  }
0xc: {  	[smem:$0x3FA9] =	sst s4  }
0xd: {  	[smem:$0x3FAA] =	sst s5  }
0xe: {  	[smem:$0x3FAB] =	sst s6  }
0xf: {  	[smem:$0x3FAC] =	sst s7  }
0x10: {  	[smem:$0x3FAD] =	sst s8  }
0x11: {  	[smem:$0x3FAE] =	sst s9;
	s0 =	simm.s32 @!p0 $0x0  }
0x12: {  	s1 =	sld [smem:$0x3F94];
	s0 =	simm.s32 @p0 $0x1  }
0x13: {  	[smem:$0x3FAF] =	sst s0;
	s0 =	simm.s32 @!p1 $0x0  }
0x14: {  	s2 =	sld [smem:$0x3F93];
	s0 =	simm.s32 @p1 $0x1  }
0x15: {  	[smem:$0x3FB0] =	sst s0;
	s0 =	simm.s32 @!p2 $0x0  }
0x16: {  	s3 =	sld [smem:$0x3FDB];
	s0 =	simm.s32 @p2 $0x1  }
0x17: {  	s4 =	simm.s32 $0x1BF5;
	[smem:$0x3FB2] =	sst s0  }
0x18: {  	s0 =	sld [smem:$0x3F95];
	_ =	swait.ge [sflag:s4], $0x0  }
0x19: {  	s7 =	sld [smem:$0x3F96]  }
0x1a: {  	s8 =	sadd.s32 $0xFFFFE003, lr  }
0x1b: {  	s9 =	sadd.s32 $0xFFFFFEF7, lr;
	s5 =	simm.s32 $0xFFFFFFFF;
	p2 =	slt.u32 s8, $0xFFFFF086  }
0x1c: {  	p1 =	slt.u32 s9, $0xF7A;
	s5 =	simm.s32 @!p2 $0x0  }
0x1d: {  	s5 =	simm.s32 @p1 $0x1;
	p0 =	seq.s32 s7, s2  }
0x1e: {  	s7 =	smul.u32 @!p0 $0xF7A, s2;
	p2 =	seq.s32 @!p0 s5, $0x0  }
0x1f: {  	s9 =	smul.u32 $0xF7A, s1;
	s8 =	simm.s32 @!p0 $0x1BF5;
	p2 =	por !p2, p0  }
0x20: {  	[sflag:s8] =	ssyncset.s32 @!p0 $0xFFFFF086;
	s6 =	sadd.s32 @!p0 s3, s7;
	s7 =	simm.s32 @!p0 $0x108  }
0x21: {  	s3 =	sadd.s32 s3, s9;
	s6 =	sadd.s32 @!p0 $0x88, s6;
	s7 =	simm.s32 @p2 $0x1082  }
0x22: {  	[simem:s7], [sflag:s8] =	dma.local @!p0 [hbm:s6], $0xF7A  }
0x23: {  	s9 =	sor.u32 $0xD0000000, s2;
	s6 =	simm.s32 $0x108;
	_ =	swait.ge @!p0 [sflag:s8], $0x0  }
0x24: {  	s3 =	sadd.s32 $0x88, s3;
	s6 =	simm.s32 @!p1 $0x1082;
	[sflag:s4] =	ssyncset.s32 $0xFFFFF086  }
0x25: {  	[simem:s6], [sflag:s4] =	dma.local [hbm:s3], $0xF7A  }
0x26: {  	[smem:$0x3F96] =	sst s1;
	(tag) =	ssettag s2;
	_ =	strace s9  }
0x27: {  	s1 =	sld [smem:$0x3FA6]  }
0x28: {  	s2 =	sld [smem:$0x3FA7]  }
0x29: {  	s4 =	sld [smem:$0x3FA9]  }
0x2a: {  	p0 =	seq.s32 s5, $0x0;
	s5 =	sld [smem:$0x3FAA]  }
0x2b: {  	s6 =	sld [smem:$0x3FAB]  }
0x2c: {  	s7 =	sld [smem:$0x3FAC]  }
0x2d: {  	s3 =	simm.s32 $0x108;
	s8 =	sld [smem:$0x3FAD]  }
0x2e: {  	s3 =	simm.s32 @!p0 $0x1082;
	s9 =	sld [smem:$0x3FAE]  }
0x2f: {  	lr =	sadd.s32 s0, s3;
	s0 =	sld [smem:$0x3FA5]  }
0x30: {  	s3 =	sld [smem:$0x3FA8]  }
0x31: {  	[smem:$0x3FB1] =	sst s10  }
0x32: {  	s10 =	sld [smem:$0x3FAF];
	_ =	sdelay $0x3  }
0x33: {  	p0 =	seq.s32 s10, $0x1;
	s10 =	sld [smem:$0x3FB1];
	_ =	sdelay $0x3  }
0x34: {  	[smem:$0x3FB1] =	sst s10  }
0x35: {  	s10 =	sld [smem:$0x3FB0];
	_ =	sdelay $0x3  }
0x36: {  	p1 =	seq.s32 s10, $0x1;
	s10 =	sld [smem:$0x3FB1];
	_ =	sdelay $0x3  }
0x37: {  	[smem:$0x3FB1] =	sst s10  }
0x38: {  	s10 =	sld [smem:$0x3FB2]  }
0x39: {  	_ = 	snop;
	(pc) =	sbr.ind lr, $3  }
0x3a: {  	_ = 	snop  }
0x3b: {  	_ = 	snop  }
0x3c: {  	p2 =	seq.s32 s10, $0x1;
	s10 =	sld [smem:$0x3FB1]  }
0x3d: {  	_ =	shalt  }
0x3e: {  	_ =	shalt  }
0x3f: {  	_ =	shalt  }
0x40: {  	_ =	shalt  }
0x41: {  	_ =	shalt  }
0x42: {  	_ =	shalt  }
0x43: {  	_ =	shalt  }
0x44: {  	_ =	shalt  }
0x45: {  	_ =	shalt  }
0x46: {  	_ =	shalt  }
0x47: {  	_ =	shalt  }
0x48: {  	_ =	shalt  }
0x49: {  	_ =	shalt  }
0x4a: {  	_ =	shalt  }
0x4b: {  	_ =	shalt  }
0x4c: {  	_ =	shalt  }
0x4d: {  	_ =	shalt  }
0x4e: {  	_ =	shalt  }
0x4f: {  	_ =	shalt  }
0x50: {  	_ =	shalt  }
0x51: {  	_ =	shalt  }
0x52: {  	_ =	shalt  }
0x53: {  	_ =	shalt  }
0x54: {  	_ =	shalt  }
0x55: {  	_ =	shalt  }
0x56: {  	_ =	shalt  }
0x57: {  	_ =	shalt  }
0x58: {  	_ =	shalt  }
0x59: {  	_ =	shalt  }
0x5a: {  	_ =	shalt  }
0x5b: {  	_ =	shalt  }
0x5c: {  	_ =	shalt  }
0x5d: {  	_ =	shalt  }
0x5e: {  	_ =	shalt  }
0x5f: {  	_ =	shalt  }
0x60: {  	_ =	shalt  }
0x61: {  	_ =	shalt  }
0x62: {  	_ =	shalt  }
0x63: {  	_ =	shalt  }
0x64: {  	_ =	shalt  }
0x65: {  	_ =	shalt  }
0x66: {  	_ =	shalt  }
0x67: {  	_ =	shalt  }
0x68: {  	_ =	shalt  }
0x69: {  	_ =	shalt  }
0x6a: {  	_ =	shalt  }
0x6b: {  	_ =	shalt  }
0x6c: {  	_ =	shalt  }
0x6d: {  	_ =	shalt  }
0x6e: {  	_ =	shalt  }
0x6f: {  	_ =	shalt  }
0x70: {  	_ =	shalt  }
0x71: {  	_ =	shalt  }
0x72: {  	_ =	shalt  }
0x73: {  	_ =	shalt  }
0x74: {  	_ =	shalt  }
0x75: {  	_ =	shalt  }
0x76: {  	_ =	shalt  }
0x77: {  	_ =	shalt  }
0x78: {  	_ =	shalt  }
0x79: {  	_ =	shalt  }
0x7a: {  	_ =	shalt  }
0x7b: {  	_ =	shalt  }
0x7c: {  	_ =	shalt  }
0x7d: {  	_ =	shalt  }
0x7e: {  	_ =	shalt  }
0x7f: {  	_ =	shalt  }
0x80: {  	_ =	shalt  }
0x81: {  	_ =	shalt  }
0x82: {  	_ =	shalt  }
0x83: {  	_ =	shalt  }
0x84: {  	_ =	shalt  }
0x85: {  	_ =	shalt  }
0x86: {  	_ =	shalt  }
0x87: {  	_ =	shalt  }
.Lfunc_end0:
.L_simem_size_0:
called_computation.1_lowered:
.L_overlay_start_0:
0x88: {  	s2 =	sld [smem:$0x3FD9]  }
0x89: {  	s3 =	sld [smem:$0x3FFE];
	_ =	sdelay $0x1  }
0x8a: {  	s1 =	srdreg.scid  }
0x8b: {  	s0 =	sand.u32 $0x1, s1  }
0x8c: {  	s14 =	sshll.u32 s0, $0xA;
	s2 =	sadd.s32 s3, s2  }
0x8d: {  	s2 =	sadd.s32 s2, s14  }
0x8e: {  	[smem:$0x3FBD] =	sst s2  }
0x8f: {  	_ = 	snop  }
0x90: {  	s2 =	sld [smem:$0x3FD0];
	_ =	sdelay $0x2  }
0x91: {  	s15 =	simm.s32 $0xA;
	s4 =	simm.s32 $0x10  }
0x92: {  	[smem:s4], [sflag:s15] =	dma.local [hbm:s2], $0x1  }
0x93: {  	_ =	swait.eq [sflag:s15], $0x1  }
0x94: {  	[sflag:s15] =	ssyncset.done $0x0  }
0x95: {  	[sflag:s15] =	ssyncadd.s32 $0xFFFFFFFF  }
0x96: {  	s16 =	sld [smem:$0x10];
	(tm) =	ssettm $0x1  }
0x97: {  	s17 =	sld [smem:$0x3FFB];
	_ =	sdelay $0x3  }
0x98: {  	_ =	strace s17  }
0x99: {  	s3 =	sld [smem:$0x3FFC];
	_ =	sdelay $0x3  }
0x9a: {  	_ =	strace s3  }
0x9b: {  	s3 =	sld [smem:$0x3FFD];
	_ =	sdelay $0x3  }
0x9c: {  	_ =	strace s3  }
0x9d: {  	_ =	strace $0x8FFFFFFF  }
0x9e: {  	s18 =	sld [smem:$0x3FDB];
	_ =	sdelay $0x1  }
0x9f: {  	s19 =	simm.s32 $_scs_section_size  }
0xa0: {  	s5 =	simm.s32 $_size__tile_overlayer_lowered;
	s6 =	simm.s32 $_tile_overlayer_lowered  }
0xa1: {  	s22 =	simm.s32 $0x1BFF;
	s21 =	sshll.u32 s6, $0x1;
	s3 =	sadd.s32 s19, s18  }
0xa2: {  	s7 =	simm.s32 $0x0;
	s20 =	sshll.u32 s5, $0x1;
	s5 =	sadd.s32 s21, s3  }
0xa3: {  	[timem:s7], [sflag:s22] =	dma.local [hbm:s5], s20  }
0xa4: {  	_ =	swait.ge [sflag:s22], s20  }
0xa5: {  	s4 =	ssub.s32 $0x0, s20;
	[sflag:s22] =	ssyncset.done $0x0  }
0xa6: {  	[sflag:s22] =	ssyncadd.s32 s4;
	_ =	sdelay $0x1  }
0xa7: {  	s23 =	simm.s32 $0x1B8B  }
0xa8: {  	_ =	swait.ge [sflag:s23], $0x1  }
0xa9: {  	[sflag:s23] =	ssyncset.done $0x0  }
0xaa: {  	s25 =	simm.s32 $0x1B8E;
	s24 =	sld [smem:$0x3FFE];
	[sflag:s23] =	ssyncadd.s32 $0xFFFFFFFF  }
0xab: {  	s26 =	simm.s32 $execute0_lowered;
	[smem:$0x3FD2] =	sst s25  }
0xac: {  	s5 =	sshll.u32 s26, $0x1;
	_ =	strace $0x80000049;
	[dreg:$0x1] =	wrdreg $0xFFFFFFFF  }
0xad: {  	s28 =	simm.s32 $_size_execute0_lowered;
	s3 =	sadd.s32 s3, s5;
	[dreg:$0x0] =	wrdreg $0x0  }
0xae: {  	s5 =	sshll.u32 s28, $0x1;
	[dreg:$0x2] =	wrdreg s3  }
0xaf: {  	[dreg:$0x3] =	wrdreg s5  }
0xb0: {  	[dreg:$0x4] =	wrdreg $0xC0  }
0xb1: {  	_ =	task [dreg:s7], $0x5FFFF  }
0xb2: {  	[dreg:$0x1] =	wrdreg $0xFFFFFFFF  }
0xb3: {  	[dreg:$0x0] =	wrdreg $0x60  }
0xb4: {  	[dreg:$0x2] =	wrdreg s24  }
0xb5: {  	[dreg:$0x3] =	wrdreg s16  }
0xb6: {  	[dreg:$0x4] =	wrdreg $0x9  }
0xb7: {  	_ =	task.clear_ibuf [dreg:s7], $0x5FFFF;
	_ =	strace $0x90000049  }
0xb8: {  	s29 =	simm.s32 $0x9;
	_ =	strace $0x8000004B  }
0xb9: {  	_ =	swait.ge [sflag:s29], $0x1  }
0xba: {  	[sflag:s29] =	ssyncadd.s32 $0xFFFFFFFF  }
0xbb: {  	_ =	strace $0x9000004B  }
0xbc: {  	_ =	sfence  }
0xbd: {  	s30 =	sld [smem:$0x0];
	_ =	sdelay $0x2  }
0xbe: {  	s31 =	sshll.u32 s1, $0xD;
	s1 =	sshrl.u32 s1, $0x2  }
0xbf: {  	s3 =	sand.u32 $0x4000, s31;
	s1 =	sadd.s32 s1, s30  }
0xc0: {  	s0 =	sor.u32 s3, s0;
	s1 =	sshll.u32 s1, $0x11  }
0xc1: {  	s0 =	sor.u32 s1, s0  }
0xc2: {  	s0 =	sadd.s32 $0x8F2B, s0  }
0xc3: {  	[sflag:s0] =	ssyncadd.remote.s32 $0x1  }
0xc4: {  	_ =	sfence.sel $0xFFFF  }
0xc5: {  	[dreg:$0x0] =	wrdreg $0xFFFFFFFF;
	(pc) =	sbr.abs _section_cstart, $3  }
0xc6: {  	[dreg:$0x1] =	wrdreg $0xFFFFFFFF  }
0xc7: {  	_ =	task.clear_ibuf [dreg:s7], $0x2FFFF;
	_ =	strace $0x9FFFFFFF  }
0xc8: {  	(tm) =	ssettm $0x7FFFFFFF  }
0xc9: {  	_ =	shalt  }
tec
execute0_lowered:
.L_overlay_start_1:
0x0: {  	(tag) =	ssettag $0x1  }
0x1: {  	s0 =	rddreg [dreg:$0x0]  }
0x2: {  	s2 =	rddreg [dreg:$0x1]  }
0x3: {  	s1 =	simm.s32 $0x0;
	s4 =	srdreg.scid;
	s6 =	stileid.u32  }
0x4: {  	s15 =	simm.s32 $0x2;
	s14 =	simm.s32 $0x9000;
	s16 =	simm.s32 $0x9800  }
0x5: {  	s17 =	simm.s32 $0xA000;
	s18 =	simm.s32 $0xA800;
	s19 =	simm.s32 $0xB000  }
0x6: {  	s20 =	simm.s32 $0xC000;
	s21 =	simm.s32 $0xC800;
	s22 =	simm.s32 $0xD800  }
0x7: {  	s23 =	simm.s32 $0xE800;
	s24 =	simm.s32 $0xF000;
	s12 =	simm.s32 $0xF800  }
0x8: {  	s25 =	simm.s32 $0x10000;
	s13 =	simm.s32 $0x0;
	[smem:$0x7FF] =	sst s1  }
0x9: {  	s3 =	sadd.s32 $0x214C00, s0;
	s4 =	sand.u32 $0x1, s4;
	s6 =	sshll.u32 s6, $0x7  }
0xa: {  	s9 =	sadd.s32 $0x12600, s0;
	s10 =	sadd.s32 $0x12800, s0;
	s5 =	ssub.s32 $0x2, s4  }
0xb: {  	s8 =	sadd.s32 $0x214F00, s0;
	s4 =	sshll.u32 s4, $0x6;
	s7 =	sshrl.u32 s5, $0x1  }
0xc: {  	_ =	strace $0x8000004A;
	s4 =	sor.u32 s4, s6;
	s5 =	ssub.s32 s5, s7  }
0xd: {  	s6 =	sshrl.u32 s4, $0x3;
	s7 =	sadd.s32 $0x214E00, s0;
	s11 =	sshll.u32 s4, $0x7  }
0xe: {  	s4 =	sor.u32 $0x20, s4;
	s26 =	sadd.s32 s9, s6;
	s6 =	sadd.s32 s10, s6  }
0xf: {  	s28 =	sadd.s32 s2, s11;
	s29 =	sshrl.u32 s4, $0x3;
	[dreg:$0x3] =	wrdreg s26  }
0x10: {  	s30 =	sshll.u32 s4, $0x7;
	s31 =	smax.u32 s5, $0x1;
	[dreg:$0x4] =	wrdreg s6  }
0x11: {  	s4 =	simm.s32 $0x8000;
	s5 =	simm.s32 $0x8800;
	[dreg:$0x5] =	wrdreg s28  }
0x12: {  	s11 =	simm.s32 $0xE000;
	s9 =	sadd.s32 s9, s29;
	[dreg:$0x9] =	wrdreg s31  }
0x13: {  	v2 =	vlaneseq.u32;
	s6 =	sadd.s32 $0x214D00, s0;
	s0 =	sadd.s32 s10, s29;
	[dreg:$0x6] =	wrdreg s9  }
0x14: {  	vm0 =	vmmov $0xffff;
	v1 =	vshrl.u32 v2, $0x3;
	s10 =	simm.s32 $0xD000;
	[dreg:$0x7] =	wrdreg s0;
	s0 =	sadd.s32 s2, s30  }
0x15: {  	v0 =	vand.u32 $0x7, v2;
	v2 =	vor.u32 $0x8, v2;
	v1 =	vmul.u32 $0x8, v1;
	s2 =	simm.s32 $0x1;
	s9 =	simm.s32 $0xB800;
	[dreg:$0x8] =	wrdreg s0  }
.LBB2_1:
0x16: {  	s0 =	rddreg [dreg:$0x3];
	s26 =	simm.s32 $0x18000  }
0x17: {  	[tilespmem:s26], [sflag:$0x2] =	stream.linear.gather [hbm4b:s0+s1], $0x20, $0x38;
	[tilespmem:$0x18100] =	vst v63  }
0x18: {  	_ =	swait.ge [sflag:s15], $0x20  }
0x19: {  	[sflag:s15] =	ssyncset.done $0x0  }
0x1a: {  	s31 =	simm.s32 $0x18080;
	s26 =	rddreg [dreg:$0x4];
	[sflag:s15] =	ssyncadd.s32 $0xFFFFFFE0  }
0x1b: {  	[tilespmem:s31], [sflag:$0x2] =	stream.linear.gather [hbm4b:s26+s1], $0x20, $0x38;
	[tilespmem:$0x18100] =	vst v63  }
0x1c: {  	_ =	swait.ge [sflag:s15], $0x20  }
0x1d: {  	[sflag:s15] =	ssyncset.done $0x0  }
0x1e: {  	[sflag:s15] =	ssyncadd.s32 $0xFFFFFFE0  }
0x1f: {  	v3 =	vld [tilespmem:$0x18000];
	_ =	sdelay $0x4  }
0x20: {  	v4 =	vshll.u32 v3, $0x3  }
0x21: {  	v3 =	vand.u32 $0x7, v3;
	v4 =	vand.u32 $0xFFFFFFC0, v4  }
0x22: {  	v3 =	vor.u32 v3, v4  }
0x23: {  	v4 =	vperm.xlane v3, v0;
	_ =	sdelay $0x1  }
0x24: {  	v4 =	vadd.s32 v1, v4;
	_ =	sdelay $0x4  }
0x25: {  	[tilespmem:s1], [sflag:$0x1] =	stream.indirect_vreg.gather [hbm4b:s3+s1], $0x80, v4, vm0, $0xb8;
	[tilespmem:$0x18100] =	vst v63  }
0x26: {  	s31 =	simm.s32 $0x800;
	v3 =	vperm.xlane v3, v2  }
0x27: {  	[tilespmem:s31], [sflag:$0x1] =	stream.indirect_vreg.gather [hbm4b:s6+s1], $0x80, v4, vm0, $0xb8;
	[tilespmem:$0x18100] =	vst v63  }
0x28: {  	s26 =	simm.s32 $0x1000;
	v3 =	vadd.s32 v1, v3  }
0x29: {  	[tilespmem:s26], [sflag:$0x1] =	stream.indirect_vreg.gather [hbm4b:s7+s1], $0x80, v4, vm0, $0xb8;
	[tilespmem:$0x18100] =	vst v63  }
0x2a: {  	s31 =	simm.s32 $0x1800  }
0x2b: {  	[tilespmem:s31], [sflag:$0x1] =	stream.indirect_vreg.gather [hbm4b:s8+s1], $0x80, v4, vm0, $0xb8;
	[tilespmem:$0x18100] =	vst v63  }
0x2c: {  	s26 =	simm.s32 $0x2000  }
0x2d: {  	[tilespmem:s26], [sflag:$0x1] =	stream.indirect_vreg.gather [hbm4b:s3+s1], $0x80, v3, vm0, $0xb8;
	[tilespmem:$0x18100] =	vst v63  }
0x2e: {  	s31 =	simm.s32 $0x2800  }
0x2f: {  	[tilespmem:s31], [sflag:$0x1] =	stream.indirect_vreg.gather [hbm4b:s6+s1], $0x80, v3, vm0, $0xb8;
	[tilespmem:$0x18100] =	vst v63  }
0x30: {  	s26 =	simm.s32 $0x3000  }
0x31: {  	[tilespmem:s26], [sflag:$0x1] =	stream.indirect_vreg.gather [hbm4b:s7+s1], $0x80, v3, vm0, $0xb8;
	[tilespmem:$0x18100] =	vst v63  }
0x32: {  	s31 =	simm.s32 $0x3800  }
0x33: {  	[tilespmem:s31], [sflag:$0x1] =	stream.indirect_vreg.gather [hbm4b:s8+s1], $0x80, v3, vm0, $0xb8;
	[tilespmem:$0x18100] =	vst v63  }
0x34: {  	v3 =	vld [tilespmem:$0x18010];
	_ =	sdelay $0x4  }
0x35: {  	v61 =	vshll.u32 v3, $0x3  }
0x36: {  	v3 =	vand.u32 $0x7, v3;
	v4 =	vand.u32 $0xFFFFFFC0, v61  }
0x37: {  	v3 =	vor.u32 v3, v4  }
0x38: {  	v4 =	vperm.xlane v3, v0;
	_ =	sdelay $0x1  }
0x39: {  	v4 =	vadd.s32 v1, v4;
	_ =	sdelay $0x3  }
0x3a: {  	s26 =	simm.s32 $0x4000  }
0x3b: {  	[tilespmem:s26], [sflag:$0x1] =	stream.indirect_vreg.gather [hbm4b:s3+s1], $0x80, v4, vm0, $0xb8;
	[tilespmem:$0x18100] =	vst v63  }
0x3c: {  	s31 =	simm.s32 $0x4800;
	v3 =	vperm.xlane v3, v2  }
0x3d: {  	[tilespmem:s31], [sflag:$0x1] =	stream.indirect_vreg.gather [hbm4b:s6+s1], $0x80, v4, vm0, $0xb8;
	[tilespmem:$0x18100] =	vst v63  }
0x3e: {  	v3 =	vadd.s32 v1, v3;
	s26 =	simm.s32 $0x5000  }
0x3f: {  	[tilespmem:s26], [sflag:$0x1] =	stream.indirect_vreg.gather [hbm4b:s7+s1], $0x80, v4, vm0, $0xb8;
	[tilespmem:$0x18100] =	vst v63  }
0x40: {  	s31 =	simm.s32 $0x5800  }
0x41: {  	[tilespmem:s31], [sflag:$0x1] =	stream.indirect_vreg.gather [hbm4b:s8+s1], $0x80, v4, vm0, $0xb8;
	[tilespmem:$0x18100] =	vst v63  }
0x42: {  	s26 =	simm.s32 $0x6000  }
0x43: {  	[tilespmem:s26], [sflag:$0x1] =	stream.indirect_vreg.gather [hbm4b:s3+s1], $0x80, v3, vm0, $0xb8;
	[tilespmem:$0x18100] =	vst v63  }
0x44: {  	s31 =	simm.s32 $0x6800  }
0x45: {  	[tilespmem:s31], [sflag:$0x1] =	stream.indirect_vreg.gather [hbm4b:s6+s1], $0x80, v3, vm0, $0xb8;
	[tilespmem:$0x18100] =	vst v63  }
0x46: {  	s26 =	simm.s32 $0x7000  }
0x47: {  	[tilespmem:s26], [sflag:$0x1] =	stream.indirect_vreg.gather [hbm4b:s7+s1], $0x80, v3, vm0, $0xb8;
	[tilespmem:$0x18100] =	vst v63  }
0x48: {  	s31 =	simm.s32 $0x7800  }
0x49: {  	[tilespmem:s31], [sflag:$0x1] =	stream.indirect_vreg.gather [hbm4b:s8+s1], $0x80, v3, vm0, $0xb8;
	[tilespmem:$0x18100] =	vst v63  }
0x4a: {  	_ =	swait.ge [sflag:s2], $0x8000  }
0x4b: {  	[sflag:s2] =	ssyncset.done $0x0  }
0x4c: {  	[sflag:s2] =	ssyncadd.s32 $0xFFFF8000  }
0x4d: {  	v3 =	vld [tilespmem:$0x18080];
	_ =	sdelay $0x4  }
0x4e: {  	v62 =	vshll.u32 v3, $0x3  }
0x4f: {  	v3 =	vand.u32 $0x7, v3;
	v4 =	vand.u32 $0xFFFFFFC0, v62  }
0x50: {  	v3 =	vor.u32 v3, v4  }
0x51: {  	v4 =	vperm.xlane v3, v0;
	_ =	sdelay $0x1  }
0x52: {  	v4 =	vadd.s32 v1, v4;
	_ =	sdelay $0x4  }
0x53: {  	[tilespmem:s4], [sflag:$0x1] =	stream.indirect_vreg.gather [hbm4b:s3+s1], $0x80, v4, vm0, $0xb8;
	[tilespmem:$0x18100] =	vst v63  }
0x54: {  	v3 =	vperm.xlane v3, v2  }
0x55: {  	[tilespmem:s5], [sflag:$0x1] =	stream.indirect_vreg.gather [hbm4b:s6+s1], $0x80, v4, vm0, $0xb8;
	[tilespmem:$0x18100] =	vst v63  }
0x56: {  	v3 =	vadd.s32 v1, v3  }
0x57: {  	[tilespmem:s14], [sflag:$0x1] =	stream.indirect_vreg.gather [hbm4b:s7+s1], $0x80, v4, vm0, $0xb8;
	[tilespmem:$0x18100] =	vst v63  }
0x58: {  	_ = 	snop  }
0x59: {  	[tilespmem:s16], [sflag:$0x1] =	stream.indirect_vreg.gather [hbm4b:s8+s1], $0x80, v4, vm0, $0xb8;
	[tilespmem:$0x18100] =	vst v63  }
0x5a: {  	_ = 	snop  }
0x5b: {  	[tilespmem:s17], [sflag:$0x1] =	stream.indirect_vreg.gather [hbm4b:s3+s1], $0x80, v3, vm0, $0xb8;
	[tilespmem:$0x18100] =	vst v63  }
0x5c: {  	_ = 	snop  }
0x5d: {  	[tilespmem:s18], [sflag:$0x1] =	stream.indirect_vreg.gather [hbm4b:s6+s1], $0x80, v3, vm0, $0xb8;
	[tilespmem:$0x18100] =	vst v63  }
0x5e: {  	_ = 	snop  }
0x5f: {  	[tilespmem:s19], [sflag:$0x1] =	stream.indirect_vreg.gather [hbm4b:s7+s1], $0x80, v3, vm0, $0xb8;
	[tilespmem:$0x18100] =	vst v63  }
0x60: {  	_ = 	snop  }
0x61: {  	[tilespmem:s9], [sflag:$0x1] =	stream.indirect_vreg.gather [hbm4b:s8+s1], $0x80, v3, vm0, $0xb8;
	[tilespmem:$0x18100] =	vst v63  }
0x62: {  	v3 =	vld [tilespmem:$0x18090];
	_ =	sdelay $0x4  }
0x63: {  	v63 =	vshll.u32 v3, $0x3  }
0x64: {  	v3 =	vand.u32 $0x7, v3;
	v4 =	vand.u32 $0xFFFFFFC0, v63  }
0x65: {  	v3 =	vor.u32 v3, v4  }
0x66: {  	v4 =	vperm.xlane v3, v0;
	_ =	sdelay $0x1  }
0x67: {  	v4 =	vadd.s32 v1, v4;
	_ =	sdelay $0x4  }
0x68: {  	[tilespmem:s20], [sflag:$0x1] =	stream.indirect_vreg.gather [hbm4b:s3+s1], $0x80, v4, vm0, $0xb8;
	[tilespmem:$0x18100] =	vst v63  }
0x69: {  	v3 =	vperm.xlane v3, v2  }
0x6a: {  	[tilespmem:s21], [sflag:$0x1] =	stream.indirect_vreg.gather [hbm4b:s6+s1], $0x80, v4, vm0, $0xb8;
	[tilespmem:$0x18100] =	vst v63  }
0x6b: {  	v3 =	vadd.s32 v1, v3  }
0x6c: {  	[tilespmem:s10], [sflag:$0x1] =	stream.indirect_vreg.gather [hbm4b:s7+s1], $0x80, v4, vm0, $0xb8;
	[tilespmem:$0x18100] =	vst v63  }
0x6d: {  	_ = 	snop  }
0x6e: {  	[tilespmem:s22], [sflag:$0x1] =	stream.indirect_vreg.gather [hbm4b:s8+s1], $0x80, v4, vm0, $0xb8;
	[tilespmem:$0x18100] =	vst v63  }
0x6f: {  	_ = 	snop  }
0x70: {  	[tilespmem:s11], [sflag:$0x1] =	stream.indirect_vreg.gather [hbm4b:s3+s1], $0x80, v3, vm0, $0xb8;
	[tilespmem:$0x18100] =	vst v63  }
0x71: {  	_ = 	snop  }
0x72: {  	[tilespmem:s23], [sflag:$0x1] =	stream.indirect_vreg.gather [hbm4b:s6+s1], $0x80, v3, vm0, $0xb8;
	[tilespmem:$0x18100] =	vst v63  }
0x73: {  	_ = 	snop  }
0x74: {  	[tilespmem:s24], [sflag:$0x1] =	stream.indirect_vreg.gather [hbm4b:s7+s1], $0x80, v3, vm0, $0xb8;
	[tilespmem:$0x18100] =	vst v63  }
0x75: {  	_ = 	snop  }
0x76: {  	[tilespmem:s12], [sflag:$0x1] =	stream.indirect_vreg.gather [hbm4b:s8+s1], $0x80, v3, vm0, $0xb8;
	[tilespmem:$0x18100] =	vst v63  }
0x77: {  	_ =	swait.ge [sflag:s2], $0x8000  }
0x78: {  	s28 =	simm.s32 $0x0;
	s29 =	simm.s32 $0x0;
	[sflag:s2] =	ssyncset.done $0x0  }
0x79: {  	s30 =	simm.s32 $0x0;
	s26 =	simm.s32 $0xFFFF8000;
	[sflag:s2] =	ssyncadd.s32 $0xFFFF8000  }
.LBB2_2:
0x7a: {  	s31 =	sadd.s32 $0x8000, s26  }
0x7b: {  	s0 =	sand.u32 $0x380, s30;
	s31 =	sand.u32 $0x6000, s31  }
0x7c: {  	s31 =	sor.u32 s0, s31  }
0x7d: {  	v3 =	vld [tilespmem:s31+$0x0]  }
0x7e: {  	v4 =	vld [tilespmem:s31+$0x8000]  }
0x7f: {  	v5 =	vld [tilespmem:s31+$0x10]  }
0x80: {  	v6 =	vld [tilespmem:s31+$0x8010]  }
0x81: {  	v7 =	vld [tilespmem:s31+$0x20]  }
0x82: {  	v8 =	vld [tilespmem:s31+$0x8020]  }
0x83: {  	v9 =	vld [tilespmem:s31+$0x30]  }
0x84: {  	v10 =	vld [tilespmem:s31+$0x8030]  }
0x85: {  	v11 =	vld [tilespmem:s31+$0x40]  }
0x86: {  	v12 =	vld [tilespmem:s31+$0x8040]  }
0x87: {  	v13 =	vld [tilespmem:s31+$0x50]  }
0x88: {  	v14 =	vld [tilespmem:s31+$0x8050]  }
0x89: {  	v15 =	vld [tilespmem:s31+$0x60]  }
0x8a: {  	v16 =	vld [tilespmem:s31+$0x8060]  }
0x8b: {  	v17 =	vld [tilespmem:s31+$0x70]  }
0x8c: {  	v18 =	vld [tilespmem:s31+$0x8070]  }
0x8d: {  	v19 =	vld [tilespmem:s31+$0x400]  }
0x8e: {  	v20 =	vld [tilespmem:s31+$0x8400]  }
0x8f: {  	v21 =	vld [tilespmem:s31+$0x410]  }
0x90: {  	v22 =	vld [tilespmem:s31+$0x8410]  }
0x91: {  	v23 =	vld [tilespmem:s31+$0x420]  }
0x92: {  	v24 =	vld [tilespmem:s31+$0x8420]  }
0x93: {  	v25 =	vld [tilespmem:s31+$0x430]  }
0x94: {  	v26 =	vld [tilespmem:s31+$0x8430]  }
0x95: {  	v27 =	vld [tilespmem:s31+$0x440]  }
0x96: {  	v28 =	vld [tilespmem:s31+$0x8440]  }
0x97: {  	v29 =	vld [tilespmem:s31+$0x450]  }
0x98: {  	v30 =	vld [tilespmem:s31+$0x8450]  }
0x99: {  	v31 =	vld [tilespmem:s31+$0x460]  }
0x9a: {  	v32 =	vld [tilespmem:s31+$0x8460]  }
0x9b: {  	v33 =	vld [tilespmem:s31+$0x470]  }
0x9c: {  	v34 =	vld [tilespmem:s31+$0x8470]  }
0x9d: {  	v35 =	vld [tilespmem:s31+$0x800]  }
0x9e: {  	v36 =	vld [tilespmem:s31+$0x8800]  }
0x9f: {  	v37 =	vld [tilespmem:s31+$0x810]  }
0xa0: {  	v38 =	vld [tilespmem:s31+$0x8810]  }
0xa1: {  	v39 =	vld [tilespmem:s31+$0x820]  }
0xa2: {  	v40 =	vld [tilespmem:s31+$0x8820]  }
0xa3: {  	v41 =	vld [tilespmem:s31+$0x830]  }
0xa4: {  	v42 =	vld [tilespmem:s31+$0x8830]  }
0xa5: {  	v43 =	vld [tilespmem:s31+$0x840]  }
0xa6: {  	v44 =	vld [tilespmem:s31+$0x8840]  }
0xa7: {  	v45 =	vld [tilespmem:s31+$0x850]  }
0xa8: {  	v46 =	vld [tilespmem:s31+$0x8850]  }
0xa9: {  	v47 =	vld [tilespmem:s31+$0x860]  }
0xaa: {  	v48 =	vld [tilespmem:s31+$0x8860]  }
0xab: {  	v49 =	vld [tilespmem:s31+$0x870]  }
0xac: {  	v50 =	vld [tilespmem:s31+$0x8870]  }
0xad: {  	v51 =	vld [tilespmem:s31+$0xC00]  }
0xae: {  	v52 =	vld [tilespmem:s31+$0x8C00]  }
0xaf: {  	v53 =	vld [tilespmem:s31+$0xC10]  }
0xb0: {  	v54 =	vld [tilespmem:s31+$0x8C10]  }
0xb1: {  	v55 =	vld [tilespmem:s31+$0xC20]  }
0xb2: {  	v56 =	vld [tilespmem:s31+$0x8C20]  }
0xb3: {  	v57 =	vld [tilespmem:s31+$0xC30]  }
0xb4: {  	v58 =	vld [tilespmem:s31+$0x8C30]  }
0xb5: {  	v59 =	vld [tilespmem:s31+$0xC40]  }
0xb6: {  	v60 =	vld [tilespmem:s31+$0x8C40]  }
0xb7: {  	v61 =	vld [tilespmem:s31+$0xC50]  }
0xb8: {  	v62 =	vld [tilespmem:s31+$0x8C50]  }
0xb9: {  	v63 =	vld [tilespmem:s31+$0xC60]  }
0xba: {  	v3 =	vadd.f32 v4, v3;
	v4 =	vld [tilespmem:s31+$0x8C60]  }
0xbb: {  	v5 =	vadd.f32 v6, v5;
	v6 =	vld [tilespmem:s31+$0xC70]  }
0xbc: {  	v14 =	vadd.f32 v14, v13;
	v13 =	vld [tilespmem:s31+$0x9020];
	[tilespmem:s31+$0x10000] =	vst v3  }
0xbd: {  	v18 =	vadd.f32 v18, v17;
	v17 =	vld [tilespmem:s31+$0x9040];
	v3 =	vadd.f32 v8, v7;
	[tilespmem:s31+$0x10010] =	vst v5  }
0xbe: {  	v22 =	vadd.f32 v22, v21;
	v21 =	vld [tilespmem:s31+$0x9060];
	[tilespmem:s31+$0x10050] =	vst v14  }
0xbf: {  	v7 =	vld [tilespmem:s31+$0x8C70];
	[tilespmem:s31+$0x10020] =	vst v3;
	v3 =	vadd.f32 v12, v11  }
0xc0: {  	v8 =	vld [tilespmem:s31+$0x1000];
	[tilespmem:s31+$0x10070] =	vst v18  }
0xc1: {  	v5 =	vadd.f32 v10, v9;
	v9 =	vld [tilespmem:s31+$0x9000];
	[tilespmem:s31+$0x10040] =	vst v3;
	v3 =	vadd.f32 v16, v15  }
0xc2: {  	v26 =	vadd.f32 v26, v25;
	v10 =	vld [tilespmem:s31+$0x1010];
	[tilespmem:s31+$0x10410] =	vst v22  }
0xc3: {  	v14 =	vld [tilespmem:s31+$0x1030];
	[tilespmem:s31+$0x10060] =	vst v3;
	v3 =	vadd.f32 v20, v19  }
0xc4: {  	v30 =	vadd.f32 v30, v29;
	[tilespmem:s31+$0x10430] =	vst v26;
	v18 =	vld [tilespmem:s31+$0x1050]  }
0xc5: {  	v19 =	vld [tilespmem:s31+$0x9050];
	[tilespmem:s31+$0x10400] =	vst v3;
	v3 =	vadd.f32 v24, v23  }
0xc6: {  	v34 =	vadd.f32 v34, v33;
	[tilespmem:s31+$0x10450] =	vst v30;
	v22 =	vld [tilespmem:s31+$0x1070]  }
0xc7: {  	v11 =	vld [tilespmem:s31+$0x9010];
	[tilespmem:s31+$0x10420] =	vst v3;
	v3 =	vadd.f32 v28, v27  }
0xc8: {  	[tilespmem:s31+$0x10470] =	vst v34;
	v12 =	vld [tilespmem:s31+$0x1020]  }
0xc9: {  	v15 =	vld [tilespmem:s31+$0x9030];
	[tilespmem:s31+$0x10440] =	vst v3;
	v3 =	vadd.f32 v32, v31  }
0xca: {  	[tilespmem:s31+$0x10030] =	vst v5;
	v16 =	vld [tilespmem:s31+$0x1040];
	v19 =	vadd.f32 v19, v18  }
0xcb: {  	v20 =	vld [tilespmem:s31+$0x1060];
	[tilespmem:s31+$0x10460] =	vst v3;
	v3 =	vadd.f32 v36, v35  }
0xcc: {  	v24 =	vld [tilespmem:s31+$0x1400];
	[tilespmem:s31+$0x11050] =	vst v19;
	v36 =	vadd.f32 v38, v37  }
0xcd: {  	v37 =	vld [tilespmem:s31+$0x9070];
	[tilespmem:s31+$0x10800] =	vst v3;
	v3 =	vadd.f32 v40, v39  }
0xce: {  	v38 =	vadd.f32 v42, v41;
	v41 =	vld [tilespmem:s31+$0x1410];
	[tilespmem:s31+$0x10810] =	vst v36  }
0xcf: {  	v42 =	vld [tilespmem:s31+$0x9410];
	[tilespmem:s31+$0x10820] =	vst v3;
	v3 =	vadd.f32 v44, v43  }
0xd0: {  	v35 =	vld [tilespmem:s31+$0x1810];
	[tilespmem:s31+$0x10830] =	vst v38;
	v40 =	vadd.f32 v46, v45  }
0xd1: {  	v39 =	vld [tilespmem:s31+$0x9400];
	[tilespmem:s31+$0x10840] =	vst v3;
	v3 =	vadd.f32 v48, v47  }
0xd2: {  	v45 =	vld [tilespmem:s31+$0x9420];
	v46 =	vadd.f32 v54, v53;
	[tilespmem:s31+$0x10850] =	vst v40  }
0xd3: {  	v53 =	vld [tilespmem:s31+$0x1450];
	[tilespmem:s31+$0x10860] =	vst v3;
	v3 =	vadd.f32 v52, v51  }
0xd4: {  	v54 =	vld [tilespmem:s31+$0x9450];
	v43 =	vadd.f32 v50, v49;
	[tilespmem:s31+$0x10C10] =	vst v46  }
0xd5: {  	v36 =	vld [tilespmem:s31+$0x9810];
	[tilespmem:s31+$0x10C00] =	vst v3;
	v3 =	vadd.f32 v56, v55  }
0xd6: {  	v38 =	vld [tilespmem:s31+$0x1820];
	v49 =	vadd.f32 v58, v57;
	[tilespmem:s31+$0x10870] =	vst v43  }
0xd7: {  	v44 =	vld [tilespmem:s31+$0x1420];
	[tilespmem:s31+$0x10C20] =	vst v3;
	v3 =	vadd.f32 v60, v59  }
0xd8: {  	v50 =	vld [tilespmem:s31+$0x1440];
	v58 =	vadd.f32 v11, v10;
	[tilespmem:s31+$0x10C30] =	vst v49  }
0xd9: {  	v57 =	vld [tilespmem:s31+$0x9460];
	[tilespmem:s31+$0x10C40] =	vst v3;
	v3 =	vadd.f32 v4, v63  }
0xda: {  	v46 =	vld [tilespmem:s31+$0x1850];
	v37 =	vadd.f32 v37, v22;
	[tilespmem:s31+$0x11010] =	vst v58  }
0xdb: {  	v40 =	vadd.f32 v42, v41;
	v41 =	vld [tilespmem:s31+$0x1830];
	[tilespmem:s31+$0x10C60] =	vst v3;
	v3 =	vadd.f32 v9, v8  }
0xdc: {  	v42 =	vld [tilespmem:s31+$0x9830];
	[tilespmem:s31+$0x11070] =	vst v37  }
0xdd: {  	v47 =	vld [tilespmem:s31+$0x1430];
	[tilespmem:s31+$0x11000] =	vst v3;
	v3 =	vadd.f32 v13, v12  }
0xde: {  	v48 =	vld [tilespmem:s31+$0x9430];
	[tilespmem:s31+$0x11410] =	vst v40;
	v52 =	vadd.f32 v62, v61  }
0xdf: {  	v49 =	vld [tilespmem:s31+$0x1860];
	[tilespmem:s31+$0x11020] =	vst v3;
	v3 =	vadd.f32 v17, v16  }
0xe0: {  	v51 =	vld [tilespmem:s31+$0x9440];
	v61 =	vadd.f32 v15, v14;
	[tilespmem:s31+$0x10C50] =	vst v52  }
0xe1: {  	v62 =	vld [tilespmem:s31+$0x1800];
	[tilespmem:s31+$0x11040] =	vst v3;
	v3 =	vadd.f32 v21, v20  }
0xe2: {  	v55 =	vadd.f32 v7, v6;
	v56 =	vld [tilespmem:s31+$0x1460];
	[tilespmem:s31+$0x11030] =	vst v61  }
0xe3: {  	v52 =	vld [tilespmem:s31+$0x1870];
	[tilespmem:s31+$0x11060] =	vst v3;
	v3 =	vadd.f32 v39, v24  }
0xe4: {  	v43 =	vadd.f32 v48, v47;
	v47 =	vld [tilespmem:s31+$0x9850];
	[tilespmem:s31+$0x10C70] =	vst v55  }
0xe5: {  	v59 =	vld [tilespmem:s31+$0x1470];
	[tilespmem:s31+$0x11400] =	vst v3;
	v3 =	vadd.f32 v45, v44  }
0xe6: {  	[tilespmem:s31+$0x11430] =	vst v43;
	v63 =	vld [tilespmem:s31+$0x9800];
	v4 =	vadd.f32 v54, v53  }
0xe7: {  	v60 =	vld [tilespmem:s31+$0x9470];
	[tilespmem:s31+$0x11420] =	vst v3;
	v3 =	vadd.f32 v51, v50  }
0xe8: {  	v54 =	vadd.f32 v42, v41;
	[tilespmem:s31+$0x11450] =	vst v4;
	v39 =	vld [tilespmem:s31+$0x9820]  }
0xe9: {  	v44 =	vld [tilespmem:s31+$0x1840];
	[tilespmem:s31+$0x11440] =	vst v3;
	v3 =	vadd.f32 v57, v56  }
0xea: {  	[tilespmem:s31+$0x11830] =	vst v54;
	v55 =	vadd.f32 v47, v46;
	v45 =	vld [tilespmem:s31+$0x9840]  }
0xeb: {  	v53 =	vld [tilespmem:s31+$0x9870];
	[tilespmem:s31+$0x11460] =	vst v3;
	v3 =	vadd.f32 v63, v62  }
0xec: {  	v48 =	vadd.f32 v60, v59;
	[tilespmem:s31+$0x11850] =	vst v55;
	v50 =	vld [tilespmem:s31+$0x9860]  }
0xed: {  	[tilespmem:s31+$0x11800] =	vst v3;
	v3 =	vadd.f32 v39, v38  }
0xee: {  	[tilespmem:s31+$0x11470] =	vst v48;
	v51 =	vadd.f32 v36, v35  }
0xef: {  	[tilespmem:s31+$0x11820] =	vst v3;
	v3 =	vadd.f32 v45, v44  }
0xf0: {  	s0 =	sand.u32 $0x7, s28;
	[tilespmem:s31+$0x11810] =	vst v51;
	v56 =	vadd.f32 v53, v52  }
0xf1: {  	s0 =	sshll.u32 s0, $0x7;
	[tilespmem:s31+$0x11840] =	vst v3;
	v3 =	vadd.f32 v50, v49  }
0xf2: {  	s0 =	sadd.s32 s0, s29;
	[tilespmem:s31+$0x11870] =	vst v56  }
0xf3: {  	[tilespmem:s31+$0x11860] =	vst v3;
	s31 =	sor.u32 $0x1C00, s0  }
0xf4: {  	v3 =	vld [tilespmem:s31+$0x0]  }
0xf5: {  	v4 =	vld [tilespmem:s31+$0x8000];
	_ =	sdelay $0x4  }
0xf6: {  	v3 =	vadd.f32 v4, v3;
	_ =	sdelay $0x1  }
0xf7: {  	[tilespmem:s31+$0x10000] =	vst v3;
	s31 =	sor.u32 $0x1C10, s0  }
0xf8: {  	v3 =	vld [tilespmem:s31+$0x0]  }
0xf9: {  	v57 =	vld [tilespmem:s31+$0x8000];
	_ =	sdelay $0x4  }
0xfa: {  	v3 =	vadd.f32 v57, v3;
	_ =	sdelay $0x1  }
0xfb: {  	[tilespmem:s31+$0x10000] =	vst v3;
	s31 =	sor.u32 $0x1C20, s0  }
0xfc: {  	v3 =	vld [tilespmem:s31+$0x0]  }
0xfd: {  	v58 =	vld [tilespmem:s31+$0x8000];
	_ =	sdelay $0x4  }
0xfe: {  	v3 =	vadd.f32 v58, v3;
	_ =	sdelay $0x1  }
0xff: {  	[tilespmem:s31+$0x10000] =	vst v3;
	s31 =	sor.u32 $0x1C30, s0  }
0x100: {  	v3 =	vld [tilespmem:s31+$0x0]  }
0x101: {  	v59 =	vld [tilespmem:s31+$0x8000];
	_ =	sdelay $0x4  }
0x102: {  	v3 =	vadd.f32 v59, v3;
	_ =	sdelay $0x1  }
0x103: {  	[tilespmem:s31+$0x10000] =	vst v3;
	s31 =	sor.u32 $0x1C40, s0  }
0x104: {  	v3 =	vld [tilespmem:s31+$0x0]  }
0x105: {  	v60 =	vld [tilespmem:s31+$0x8000];
	_ =	sdelay $0x4  }
0x106: {  	v3 =	vadd.f32 v60, v3;
	_ =	sdelay $0x1  }
0x107: {  	[tilespmem:s31+$0x10000] =	vst v3;
	s31 =	sor.u32 $0x1C50, s0  }
0x108: {  	v3 =	vld [tilespmem:s31+$0x0]  }
0x109: {  	v61 =	vld [tilespmem:s31+$0x8000];
	_ =	sdelay $0x4  }
0x10a: {  	v3 =	vadd.f32 v61, v3;
	_ =	sdelay $0x1  }
0x10b: {  	[tilespmem:s31+$0x10000] =	vst v3;
	s31 =	sor.u32 $0x1C60, s0  }
0x10c: {  	v3 =	vld [tilespmem:s31+$0x0]  }
0x10d: {  	v62 =	vld [tilespmem:s31+$0x8000];
	_ =	sdelay $0x4  }
0x10e: {  	v3 =	vadd.f32 v62, v3;
	_ =	sdelay $0x1  }
0x10f: {  	s0 =	sor.u32 $0x1C70, s0;
	[tilespmem:s31+$0x10000] =	vst v3  }
0x110: {  	v3 =	vld [tilespmem:s0+$0x0]  }
0x111: {  	v63 =	vld [tilespmem:s0+$0x8000];
	_ =	sdelay $0x1  }
0x112: {  	p0 =	sne.s32 s30, $0xF80  }
.Ltmp0:
0x113: {  	_ = 	snop;
	(pc) =	sbr.rel @p0 .LBB2_2-.Ltmp0, $4  }
0x114: {  	_ = 	snop  }
0x115: {  	v3 =	vadd.f32 v63, v3  }
0x116: {  	s26 =	sadd.s32 $0x400, s26  }
0x117: {  	s30 =	sadd.s32 $0x80, s30;
	s28 =	sadd.s32 $0x1, s28;
	s29 =	sadd.s32 $0x400, s29;
	[tilespmem:s0+$0x10000] =	vst v3  }
0x118: {  	s26 =	simm.s32 $0x0;
	s0 =	rddreg [dreg:$0x5]  }
0x119: {  	[hbm4b:s0+s26] =	stream.linear.scatter [tilespmem:s25], [sflag:$0x2], $0x8000, $0x38;
	[tilespmem:$0x18100] =	vst v63  }
0x11a: {  	_ =	swait.ge [sflag:s15], $0x8000  }
0x11b: {  	[sflag:s15] =	ssyncset.done $0x0  }
0x11c: {  	s28 =	simm.s32 $0x18000;
	s31 =	rddreg [dreg:$0x6];
	[sflag:s15] =	ssyncadd.s32 $0xFFFF8000  }
0x11d: {  	[tilespmem:s28], [sflag:$0x2] =	stream.linear.gather [hbm4b:s31+s26], $0x20, $0x38;
	[tilespmem:$0x18100] =	vst v63  }
0x11e: {  	_ =	swait.ge [sflag:s15], $0x20  }
0x11f: {  	[sflag:s15] =	ssyncset.done $0x0  }
0x120: {  	s28 =	simm.s32 $0x18080;
	s31 =	rddreg [dreg:$0x7];
	[sflag:s15] =	ssyncadd.s32 $0xFFFFFFE0  }
0x121: {  	[tilespmem:s28], [sflag:$0x2] =	stream.linear.gather [hbm4b:s31+s26], $0x20, $0x38;
	[tilespmem:$0x18100] =	vst v63  }
0x122: {  	_ =	swait.ge [sflag:s15], $0x20  }
0x123: {  	[sflag:s15] =	ssyncset.done $0x0  }
0x124: {  	[sflag:s15] =	ssyncadd.s32 $0xFFFFFFE0  }
0x125: {  	v3 =	vld [tilespmem:$0x18000];
	_ =	sdelay $0x4  }
0x126: {  	v4 =	vshll.u32 v3, $0x3  }
0x127: {  	v3 =	vand.u32 $0x7, v3;
	v4 =	vand.u32 $0xFFFFFFC0, v4  }
0x128: {  	v3 =	vor.u32 v3, v4  }
0x129: {  	v4 =	vperm.xlane v3, v0;
	_ =	sdelay $0x1  }
0x12a: {  	v4 =	vadd.s32 v1, v4;
	_ =	sdelay $0x4  }
0x12b: {  	[tilespmem:s26], [sflag:$0x1] =	stream.indirect_vreg.gather [hbm4b:s3+s26], $0x80, v4, vm0, $0xb8;
	[tilespmem:$0x18100] =	vst v63  }
0x12c: {  	s31 =	simm.s32 $0x800;
	v3 =	vperm.xlane v3, v2  }
0x12d: {  	[tilespmem:s31], [sflag:$0x1] =	stream.indirect_vreg.gather [hbm4b:s6+s26], $0x80, v4, vm0, $0xb8;
	[tilespmem:$0x18100] =	vst v63  }
0x12e: {  	v3 =	vadd.s32 v1, v3;
	s31 =	simm.s32 $0x1000  }
0x12f: {  	[tilespmem:s31], [sflag:$0x1] =	stream.indirect_vreg.gather [hbm4b:s7+s26], $0x80, v4, vm0, $0xb8;
	[tilespmem:$0x18100] =	vst v63  }
0x130: {  	s31 =	simm.s32 $0x1800  }
0x131: {  	[tilespmem:s31], [sflag:$0x1] =	stream.indirect_vreg.gather [hbm4b:s8+s26], $0x80, v4, vm0, $0xb8;
	[tilespmem:$0x18100] =	vst v63  }
0x132: {  	s31 =	simm.s32 $0x2000  }
0x133: {  	[tilespmem:s31], [sflag:$0x1] =	stream.indirect_vreg.gather [hbm4b:s3+s26], $0x80, v3, vm0, $0xb8;
	[tilespmem:$0x18100] =	vst v63  }
0x134: {  	s31 =	simm.s32 $0x2800  }
0x135: {  	[tilespmem:s31], [sflag:$0x1] =	stream.indirect_vreg.gather [hbm4b:s6+s26], $0x80, v3, vm0, $0xb8;
	[tilespmem:$0x18100] =	vst v63  }
0x136: {  	s31 =	simm.s32 $0x3000  }
0x137: {  	[tilespmem:s31], [sflag:$0x1] =	stream.indirect_vreg.gather [hbm4b:s7+s26], $0x80, v3, vm0, $0xb8;
	[tilespmem:$0x18100] =	vst v63  }
0x138: {  	s31 =	simm.s32 $0x3800  }
0x139: {  	[tilespmem:s31], [sflag:$0x1] =	stream.indirect_vreg.gather [hbm4b:s8+s26], $0x80, v3, vm0, $0xb8;
	[tilespmem:$0x18100] =	vst v63  }
0x13a: {  	v3 =	vld [tilespmem:$0x18010];
	_ =	sdelay $0x4  }
0x13b: {  	v61 =	vshll.u32 v3, $0x3  }
0x13c: {  	v3 =	vand.u32 $0x7, v3;
	v4 =	vand.u32 $0xFFFFFFC0, v61  }
0x13d: {  	v3 =	vor.u32 v3, v4  }
0x13e: {  	v4 =	vperm.xlane v3, v0;
	_ =	sdelay $0x1  }
0x13f: {  	v4 =	vadd.s32 v1, v4;
	_ =	sdelay $0x3  }
0x140: {  	s31 =	simm.s32 $0x4000  }
0x141: {  	[tilespmem:s31], [sflag:$0x1] =	stream.indirect_vreg.gather [hbm4b:s3+s26], $0x80, v4, vm0, $0xb8;
	[tilespmem:$0x18100] =	vst v63  }
0x142: {  	v3 =	vperm.xlane v3, v2;
	s31 =	simm.s32 $0x4800  }
0x143: {  	[tilespmem:s31], [sflag:$0x1] =	stream.indirect_vreg.gather [hbm4b:s6+s26], $0x80, v4, vm0, $0xb8;
	[tilespmem:$0x18100] =	vst v63  }
0x144: {  	v3 =	vadd.s32 v1, v3;
	s31 =	simm.s32 $0x5000  }
0x145: {  	[tilespmem:s31], [sflag:$0x1] =	stream.indirect_vreg.gather [hbm4b:s7+s26], $0x80, v4, vm0, $0xb8;
	[tilespmem:$0x18100] =	vst v63  }
0x146: {  	s31 =	simm.s32 $0x5800  }
0x147: {  	[tilespmem:s31], [sflag:$0x1] =	stream.indirect_vreg.gather [hbm4b:s8+s26], $0x80, v4, vm0, $0xb8;
	[tilespmem:$0x18100] =	vst v63  }
0x148: {  	s31 =	simm.s32 $0x6000  }
0x149: {  	[tilespmem:s31], [sflag:$0x1] =	stream.indirect_vreg.gather [hbm4b:s3+s26], $0x80, v3, vm0, $0xb8;
	[tilespmem:$0x18100] =	vst v63  }
0x14a: {  	s31 =	simm.s32 $0x6800  }
0x14b: {  	[tilespmem:s31], [sflag:$0x1] =	stream.indirect_vreg.gather [hbm4b:s6+s26], $0x80, v3, vm0, $0xb8;
	[tilespmem:$0x18100] =	vst v63  }
0x14c: {  	s31 =	simm.s32 $0x7000  }
0x14d: {  	[tilespmem:s31], [sflag:$0x1] =	stream.indirect_vreg.gather [hbm4b:s7+s26], $0x80, v3, vm0, $0xb8;
	[tilespmem:$0x18100] =	vst v63  }
0x14e: {  	s31 =	simm.s32 $0x7800  }
0x14f: {  	[tilespmem:s31], [sflag:$0x1] =	stream.indirect_vreg.gather [hbm4b:s8+s26], $0x80, v3, vm0, $0xb8;
	[tilespmem:$0x18100] =	vst v63  }
0x150: {  	_ =	swait.ge [sflag:s2], $0x8000  }
0x151: {  	[sflag:s2] =	ssyncset.done $0x0  }
0x152: {  	[sflag:s2] =	ssyncadd.s32 $0xFFFF8000  }
0x153: {  	v3 =	vld [tilespmem:$0x18080];
	_ =	sdelay $0x4  }
0x154: {  	v62 =	vshll.u32 v3, $0x3  }
0x155: {  	v3 =	vand.u32 $0x7, v3;
	v4 =	vand.u32 $0xFFFFFFC0, v62  }
0x156: {  	v3 =	vor.u32 v3, v4  }
0x157: {  	v4 =	vperm.xlane v3, v0;
	_ =	sdelay $0x1  }
0x158: {  	v4 =	vadd.s32 v1, v4;
	_ =	sdelay $0x4  }
0x159: {  	[tilespmem:s4], [sflag:$0x1] =	stream.indirect_vreg.gather [hbm4b:s3+s26], $0x80, v4, vm0, $0xb8;
	[tilespmem:$0x18100] =	vst v63  }
0x15a: {  	v3 =	vperm.xlane v3, v2  }
0x15b: {  	[tilespmem:s5], [sflag:$0x1] =	stream.indirect_vreg.gather [hbm4b:s6+s26], $0x80, v4, vm0, $0xb8;
	[tilespmem:$0x18100] =	vst v63  }
0x15c: {  	v3 =	vadd.s32 v1, v3  }
0x15d: {  	[tilespmem:s14], [sflag:$0x1] =	stream.indirect_vreg.gather [hbm4b:s7+s26], $0x80, v4, vm0, $0xb8;
	[tilespmem:$0x18100] =	vst v63  }
0x15e: {  	_ = 	snop  }
0x15f: {  	[tilespmem:s16], [sflag:$0x1] =	stream.indirect_vreg.gather [hbm4b:s8+s26], $0x80, v4, vm0, $0xb8;
	[tilespmem:$0x18100] =	vst v63  }
0x160: {  	_ = 	snop  }
0x161: {  	[tilespmem:s17], [sflag:$0x1] =	stream.indirect_vreg.gather [hbm4b:s3+s26], $0x80, v3, vm0, $0xb8;
	[tilespmem:$0x18100] =	vst v63  }
0x162: {  	_ = 	snop  }
0x163: {  	[tilespmem:s18], [sflag:$0x1] =	stream.indirect_vreg.gather [hbm4b:s6+s26], $0x80, v3, vm0, $0xb8;
	[tilespmem:$0x18100] =	vst v63  }
0x164: {  	_ = 	snop  }
0x165: {  	[tilespmem:s19], [sflag:$0x1] =	stream.indirect_vreg.gather [hbm4b:s7+s26], $0x80, v3, vm0, $0xb8;
	[tilespmem:$0x18100] =	vst v63  }
0x166: {  	_ = 	snop  }
0x167: {  	[tilespmem:s9], [sflag:$0x1] =	stream.indirect_vreg.gather [hbm4b:s8+s26], $0x80, v3, vm0, $0xb8;
	[tilespmem:$0x18100] =	vst v63  }
0x168: {  	v3 =	vld [tilespmem:$0x18090];
	_ =	sdelay $0x4  }
0x169: {  	v63 =	vshll.u32 v3, $0x3  }
0x16a: {  	v3 =	vand.u32 $0x7, v3;
	v4 =	vand.u32 $0xFFFFFFC0, v63  }
0x16b: {  	v3 =	vor.u32 v3, v4  }
0x16c: {  	v4 =	vperm.xlane v3, v0;
	_ =	sdelay $0x1  }
0x16d: {  	v4 =	vadd.s32 v1, v4;
	_ =	sdelay $0x4  }
0x16e: {  	[tilespmem:s20], [sflag:$0x1] =	stream.indirect_vreg.gather [hbm4b:s3+s26], $0x80, v4, vm0, $0xb8;
	[tilespmem:$0x18100] =	vst v63  }
0x16f: {  	v3 =	vperm.xlane v3, v2  }
0x170: {  	[tilespmem:s21], [sflag:$0x1] =	stream.indirect_vreg.gather [hbm4b:s6+s26], $0x80, v4, vm0, $0xb8;
	[tilespmem:$0x18100] =	vst v63  }
0x171: {  	v3 =	vadd.s32 v1, v3  }
0x172: {  	[tilespmem:s10], [sflag:$0x1] =	stream.indirect_vreg.gather [hbm4b:s7+s26], $0x80, v4, vm0, $0xb8;
	[tilespmem:$0x18100] =	vst v63  }
0x173: {  	_ = 	snop  }
0x174: {  	[tilespmem:s22], [sflag:$0x1] =	stream.indirect_vreg.gather [hbm4b:s8+s26], $0x80, v4, vm0, $0xb8;
	[tilespmem:$0x18100] =	vst v63  }
0x175: {  	_ = 	snop  }
0x176: {  	[tilespmem:s11], [sflag:$0x1] =	stream.indirect_vreg.gather [hbm4b:s3+s26], $0x80, v3, vm0, $0xb8;
	[tilespmem:$0x18100] =	vst v63  }
0x177: {  	_ = 	snop  }
0x178: {  	[tilespmem:s23], [sflag:$0x1] =	stream.indirect_vreg.gather [hbm4b:s6+s26], $0x80, v3, vm0, $0xb8;
	[tilespmem:$0x18100] =	vst v63  }
0x179: {  	_ = 	snop  }
0x17a: {  	[tilespmem:s24], [sflag:$0x1] =	stream.indirect_vreg.gather [hbm4b:s7+s26], $0x80, v3, vm0, $0xb8;
	[tilespmem:$0x18100] =	vst v63  }
0x17b: {  	_ = 	snop  }
0x17c: {  	[tilespmem:s12], [sflag:$0x1] =	stream.indirect_vreg.gather [hbm4b:s8+s26], $0x80, v3, vm0, $0xb8;
	[tilespmem:$0x18100] =	vst v63  }
0x17d: {  	_ =	swait.ge [sflag:s2], $0x8000  }
0x17e: {  	s29 =	simm.s32 $0x0;
	[sflag:s2] =	ssyncset.done $0x0  }
0x17f: {  	s30 =	simm.s32 $0x0;
	s28 =	simm.s32 $0xFFFF8000;
	[sflag:s2] =	ssyncadd.s32 $0xFFFF8000  }
.LBB2_4:
0x180: {  	s0 =	sadd.s32 $0x8000, s28  }
0x181: {  	s31 =	sand.u32 $0x380, s30;
	s0 =	sand.u32 $0x6000, s0  }
0x182: {  	s31 =	sor.u32 s31, s0  }
0x183: {  	v3 =	vld [tilespmem:s31+$0x0]  }
0x184: {  	v4 =	vld [tilespmem:s31+$0x8000]  }
0x185: {  	v5 =	vld [tilespmem:s31+$0x10]  }
0x186: {  	v6 =	vld [tilespmem:s31+$0x8010]  }
0x187: {  	v7 =	vld [tilespmem:s31+$0x20]  }
0x188: {  	v8 =	vld [tilespmem:s31+$0x8020]  }
0x189: {  	v9 =	vld [tilespmem:s31+$0x30]  }
0x18a: {  	v10 =	vld [tilespmem:s31+$0x8030]  }
0x18b: {  	v11 =	vld [tilespmem:s31+$0x40]  }
0x18c: {  	v12 =	vld [tilespmem:s31+$0x8040]  }
0x18d: {  	v13 =	vld [tilespmem:s31+$0x50]  }
0x18e: {  	v14 =	vld [tilespmem:s31+$0x8050]  }
0x18f: {  	v15 =	vld [tilespmem:s31+$0x60]  }
0x190: {  	v16 =	vld [tilespmem:s31+$0x8060]  }
0x191: {  	v17 =	vld [tilespmem:s31+$0x70]  }
0x192: {  	v18 =	vld [tilespmem:s31+$0x8070]  }
0x193: {  	v19 =	vld [tilespmem:s31+$0x400]  }
0x194: {  	v20 =	vld [tilespmem:s31+$0x8400]  }
0x195: {  	v21 =	vld [tilespmem:s31+$0x410]  }
0x196: {  	v22 =	vld [tilespmem:s31+$0x8410]  }
0x197: {  	v23 =	vld [tilespmem:s31+$0x420]  }
0x198: {  	v24 =	vld [tilespmem:s31+$0x8420]  }
0x199: {  	v25 =	vld [tilespmem:s31+$0x430]  }
0x19a: {  	v26 =	vld [tilespmem:s31+$0x8430]  }
0x19b: {  	v27 =	vld [tilespmem:s31+$0x440]  }
0x19c: {  	v28 =	vld [tilespmem:s31+$0x8440]  }
0x19d: {  	v29 =	vld [tilespmem:s31+$0x450]  }
0x19e: {  	v30 =	vld [tilespmem:s31+$0x8450]  }
0x19f: {  	v31 =	vld [tilespmem:s31+$0x460]  }
0x1a0: {  	v32 =	vld [tilespmem:s31+$0x8460]  }
0x1a1: {  	v33 =	vld [tilespmem:s31+$0x470]  }
0x1a2: {  	v34 =	vld [tilespmem:s31+$0x8470]  }
0x1a3: {  	v35 =	vld [tilespmem:s31+$0x800]  }
0x1a4: {  	v36 =	vld [tilespmem:s31+$0x8800]  }
0x1a5: {  	v37 =	vld [tilespmem:s31+$0x810]  }
0x1a6: {  	v38 =	vld [tilespmem:s31+$0x8810]  }
0x1a7: {  	v39 =	vld [tilespmem:s31+$0x820]  }
0x1a8: {  	v40 =	vld [tilespmem:s31+$0x8820]  }
0x1a9: {  	v41 =	vld [tilespmem:s31+$0x830]  }
0x1aa: {  	v42 =	vld [tilespmem:s31+$0x8830]  }
0x1ab: {  	v43 =	vld [tilespmem:s31+$0x840]  }
0x1ac: {  	v44 =	vld [tilespmem:s31+$0x8840]  }
0x1ad: {  	v45 =	vld [tilespmem:s31+$0x850]  }
0x1ae: {  	v46 =	vld [tilespmem:s31+$0x8850]  }
0x1af: {  	v47 =	vld [tilespmem:s31+$0x860]  }
0x1b0: {  	v48 =	vld [tilespmem:s31+$0x8860]  }
0x1b1: {  	v49 =	vld [tilespmem:s31+$0x870]  }
0x1b2: {  	v50 =	vld [tilespmem:s31+$0x8870]  }
0x1b3: {  	v51 =	vld [tilespmem:s31+$0xC00]  }
0x1b4: {  	v52 =	vld [tilespmem:s31+$0x8C00]  }
0x1b5: {  	v53 =	vld [tilespmem:s31+$0xC10]  }
0x1b6: {  	v54 =	vld [tilespmem:s31+$0x8C10]  }
0x1b7: {  	v55 =	vld [tilespmem:s31+$0xC20]  }
0x1b8: {  	v56 =	vld [tilespmem:s31+$0x8C20]  }
0x1b9: {  	v57 =	vld [tilespmem:s31+$0xC30]  }
0x1ba: {  	v58 =	vld [tilespmem:s31+$0x8C30]  }
0x1bb: {  	v59 =	vld [tilespmem:s31+$0xC40]  }
0x1bc: {  	v60 =	vld [tilespmem:s31+$0x8C40]  }
0x1bd: {  	v61 =	vld [tilespmem:s31+$0xC50]  }
0x1be: {  	v62 =	vld [tilespmem:s31+$0x8C50]  }
0x1bf: {  	v63 =	vld [tilespmem:s31+$0xC60]  }
0x1c0: {  	v3 =	vadd.f32 v4, v3;
	v4 =	vld [tilespmem:s31+$0x8C60]  }
0x1c1: {  	v5 =	vadd.f32 v6, v5;
	v6 =	vld [tilespmem:s31+$0xC70]  }
0x1c2: {  	v14 =	vadd.f32 v14, v13;
	v13 =	vld [tilespmem:s31+$0x9020];
	[tilespmem:s31+$0x10000] =	vst v3  }
0x1c3: {  	v18 =	vadd.f32 v18, v17;
	v17 =	vld [tilespmem:s31+$0x9040];
	v3 =	vadd.f32 v8, v7;
	[tilespmem:s31+$0x10010] =	vst v5  }
0x1c4: {  	v22 =	vadd.f32 v22, v21;
	v21 =	vld [tilespmem:s31+$0x9060];
	[tilespmem:s31+$0x10050] =	vst v14  }
0x1c5: {  	v7 =	vld [tilespmem:s31+$0x8C70];
	[tilespmem:s31+$0x10020] =	vst v3;
	v3 =	vadd.f32 v12, v11  }
0x1c6: {  	v8 =	vld [tilespmem:s31+$0x1000];
	[tilespmem:s31+$0x10070] =	vst v18  }
0x1c7: {  	v5 =	vadd.f32 v10, v9;
	v9 =	vld [tilespmem:s31+$0x9000];
	[tilespmem:s31+$0x10040] =	vst v3;
	v3 =	vadd.f32 v16, v15  }
0x1c8: {  	v26 =	vadd.f32 v26, v25;
	v10 =	vld [tilespmem:s31+$0x1010];
	[tilespmem:s31+$0x10410] =	vst v22  }
0x1c9: {  	v14 =	vld [tilespmem:s31+$0x1030];
	[tilespmem:s31+$0x10060] =	vst v3;
	v3 =	vadd.f32 v20, v19  }
0x1ca: {  	v30 =	vadd.f32 v30, v29;
	[tilespmem:s31+$0x10430] =	vst v26;
	v18 =	vld [tilespmem:s31+$0x1050]  }
0x1cb: {  	v19 =	vld [tilespmem:s31+$0x9050];
	[tilespmem:s31+$0x10400] =	vst v3;
	v3 =	vadd.f32 v24, v23  }
0x1cc: {  	v34 =	vadd.f32 v34, v33;
	[tilespmem:s31+$0x10450] =	vst v30;
	v22 =	vld [tilespmem:s31+$0x1070]  }
0x1cd: {  	v11 =	vld [tilespmem:s31+$0x9010];
	[tilespmem:s31+$0x10420] =	vst v3;
	v3 =	vadd.f32 v28, v27  }
0x1ce: {  	[tilespmem:s31+$0x10470] =	vst v34;
	v12 =	vld [tilespmem:s31+$0x1020]  }
0x1cf: {  	v15 =	vld [tilespmem:s31+$0x9030];
	[tilespmem:s31+$0x10440] =	vst v3;
	v3 =	vadd.f32 v32, v31  }
0x1d0: {  	[tilespmem:s31+$0x10030] =	vst v5;
	v16 =	vld [tilespmem:s31+$0x1040];
	v19 =	vadd.f32 v19, v18  }
0x1d1: {  	v20 =	vld [tilespmem:s31+$0x1060];
	[tilespmem:s31+$0x10460] =	vst v3;
	v3 =	vadd.f32 v36, v35  }
0x1d2: {  	v24 =	vld [tilespmem:s31+$0x1400];
	[tilespmem:s31+$0x11050] =	vst v19;
	v36 =	vadd.f32 v38, v37  }
0x1d3: {  	v37 =	vld [tilespmem:s31+$0x9070];
	[tilespmem:s31+$0x10800] =	vst v3;
	v3 =	vadd.f32 v40, v39  }
0x1d4: {  	v38 =	vadd.f32 v42, v41;
	v41 =	vld [tilespmem:s31+$0x1410];
	[tilespmem:s31+$0x10810] =	vst v36  }
0x1d5: {  	v42 =	vld [tilespmem:s31+$0x9410];
	[tilespmem:s31+$0x10820] =	vst v3;
	v3 =	vadd.f32 v44, v43  }
0x1d6: {  	v35 =	vld [tilespmem:s31+$0x1810];
	[tilespmem:s31+$0x10830] =	vst v38;
	v40 =	vadd.f32 v46, v45  }
0x1d7: {  	v39 =	vld [tilespmem:s31+$0x9400];
	[tilespmem:s31+$0x10840] =	vst v3;
	v3 =	vadd.f32 v48, v47  }
0x1d8: {  	v45 =	vld [tilespmem:s31+$0x9420];
	v46 =	vadd.f32 v54, v53;
	[tilespmem:s31+$0x10850] =	vst v40  }
0x1d9: {  	v53 =	vld [tilespmem:s31+$0x1450];
	[tilespmem:s31+$0x10860] =	vst v3;
	v3 =	vadd.f32 v52, v51  }
0x1da: {  	v54 =	vld [tilespmem:s31+$0x9450];
	v43 =	vadd.f32 v50, v49;
	[tilespmem:s31+$0x10C10] =	vst v46  }
0x1db: {  	v36 =	vld [tilespmem:s31+$0x9810];
	[tilespmem:s31+$0x10C00] =	vst v3;
	v3 =	vadd.f32 v56, v55  }
0x1dc: {  	v38 =	vld [tilespmem:s31+$0x1820];
	v49 =	vadd.f32 v58, v57;
	[tilespmem:s31+$0x10870] =	vst v43  }
0x1dd: {  	v44 =	vld [tilespmem:s31+$0x1420];
	[tilespmem:s31+$0x10C20] =	vst v3;
	v3 =	vadd.f32 v60, v59  }
0x1de: {  	v50 =	vld [tilespmem:s31+$0x1440];
	v58 =	vadd.f32 v11, v10;
	[tilespmem:s31+$0x10C30] =	vst v49  }
0x1df: {  	v57 =	vld [tilespmem:s31+$0x9460];
	[tilespmem:s31+$0x10C40] =	vst v3;
	v3 =	vadd.f32 v4, v63  }
0x1e0: {  	v46 =	vld [tilespmem:s31+$0x1850];
	v37 =	vadd.f32 v37, v22;
	[tilespmem:s31+$0x11010] =	vst v58  }
0x1e1: {  	v40 =	vadd.f32 v42, v41;
	v41 =	vld [tilespmem:s31+$0x1830];
	[tilespmem:s31+$0x10C60] =	vst v3;
	v3 =	vadd.f32 v9, v8  }
0x1e2: {  	v42 =	vld [tilespmem:s31+$0x9830];
	[tilespmem:s31+$0x11070] =	vst v37  }
0x1e3: {  	v47 =	vld [tilespmem:s31+$0x1430];
	[tilespmem:s31+$0x11000] =	vst v3;
	v3 =	vadd.f32 v13, v12  }
0x1e4: {  	v48 =	vld [tilespmem:s31+$0x9430];
	[tilespmem:s31+$0x11410] =	vst v40;
	v52 =	vadd.f32 v62, v61  }
0x1e5: {  	v49 =	vld [tilespmem:s31+$0x1860];
	[tilespmem:s31+$0x11020] =	vst v3;
	v3 =	vadd.f32 v17, v16  }
0x1e6: {  	v51 =	vld [tilespmem:s31+$0x9440];
	v61 =	vadd.f32 v15, v14;
	[tilespmem:s31+$0x10C50] =	vst v52  }
0x1e7: {  	v62 =	vld [tilespmem:s31+$0x1800];
	[tilespmem:s31+$0x11040] =	vst v3;
	v3 =	vadd.f32 v21, v20  }
0x1e8: {  	v55 =	vadd.f32 v7, v6;
	v56 =	vld [tilespmem:s31+$0x1460];
	[tilespmem:s31+$0x11030] =	vst v61  }
0x1e9: {  	v52 =	vld [tilespmem:s31+$0x1870];
	[tilespmem:s31+$0x11060] =	vst v3;
	v3 =	vadd.f32 v39, v24  }
0x1ea: {  	v43 =	vadd.f32 v48, v47;
	v47 =	vld [tilespmem:s31+$0x9850];
	[tilespmem:s31+$0x10C70] =	vst v55  }
0x1eb: {  	v59 =	vld [tilespmem:s31+$0x1470];
	[tilespmem:s31+$0x11400] =	vst v3;
	v3 =	vadd.f32 v45, v44  }
0x1ec: {  	[tilespmem:s31+$0x11430] =	vst v43;
	v63 =	vld [tilespmem:s31+$0x9800];
	v4 =	vadd.f32 v54, v53  }
0x1ed: {  	v60 =	vld [tilespmem:s31+$0x9470];
	[tilespmem:s31+$0x11420] =	vst v3;
	v3 =	vadd.f32 v51, v50  }
0x1ee: {  	v54 =	vadd.f32 v42, v41;
	[tilespmem:s31+$0x11450] =	vst v4;
	v39 =	vld [tilespmem:s31+$0x9820]  }
0x1ef: {  	v44 =	vld [tilespmem:s31+$0x1840];
	[tilespmem:s31+$0x11440] =	vst v3;
	v3 =	vadd.f32 v57, v56  }
0x1f0: {  	[tilespmem:s31+$0x11830] =	vst v54;
	v55 =	vadd.f32 v47, v46;
	v45 =	vld [tilespmem:s31+$0x9840]  }
0x1f1: {  	v53 =	vld [tilespmem:s31+$0x9870];
	[tilespmem:s31+$0x11460] =	vst v3;
	v3 =	vadd.f32 v63, v62  }
0x1f2: {  	v48 =	vadd.f32 v60, v59;
	[tilespmem:s31+$0x11850] =	vst v55;
	v50 =	vld [tilespmem:s31+$0x9860]  }
0x1f3: {  	[tilespmem:s31+$0x11800] =	vst v3;
	v3 =	vadd.f32 v39, v38  }
0x1f4: {  	[tilespmem:s31+$0x11470] =	vst v48;
	v51 =	vadd.f32 v36, v35  }
0x1f5: {  	[tilespmem:s31+$0x11820] =	vst v3;
	v3 =	vadd.f32 v45, v44  }
0x1f6: {  	s0 =	sand.u32 $0x7, s26;
	[tilespmem:s31+$0x11810] =	vst v51;
	v56 =	vadd.f32 v53, v52  }
0x1f7: {  	s0 =	sshll.u32 s0, $0x7;
	[tilespmem:s31+$0x11840] =	vst v3;
	v3 =	vadd.f32 v50, v49  }
0x1f8: {  	s0 =	sadd.s32 s0, s29;
	[tilespmem:s31+$0x11870] =	vst v56  }
0x1f9: {  	[tilespmem:s31+$0x11860] =	vst v3;
	s31 =	sor.u32 $0x1C00, s0  }
0x1fa: {  	v3 =	vld [tilespmem:s31+$0x0]  }
0x1fb: {  	v4 =	vld [tilespmem:s31+$0x8000];
	_ =	sdelay $0x4  }
0x1fc: {  	v3 =	vadd.f32 v4, v3;
	_ =	sdelay $0x1  }
0x1fd: {  	[tilespmem:s31+$0x10000] =	vst v3;
	s31 =	sor.u32 $0x1C10, s0  }
0x1fe: {  	v3 =	vld [tilespmem:s31+$0x0]  }
0x1ff: {  	v57 =	vld [tilespmem:s31+$0x8000];
	_ =	sdelay $0x4  }
0x200: {  	v3 =	vadd.f32 v57, v3;
	_ =	sdelay $0x1  }
0x201: {  	[tilespmem:s31+$0x10000] =	vst v3;
	s31 =	sor.u32 $0x1C20, s0  }
0x202: {  	v3 =	vld [tilespmem:s31+$0x0]  }
0x203: {  	v58 =	vld [tilespmem:s31+$0x8000];
	_ =	sdelay $0x4  }
0x204: {  	v3 =	vadd.f32 v58, v3;
	_ =	sdelay $0x1  }
0x205: {  	[tilespmem:s31+$0x10000] =	vst v3;
	s31 =	sor.u32 $0x1C30, s0  }
0x206: {  	v3 =	vld [tilespmem:s31+$0x0]  }
0x207: {  	v59 =	vld [tilespmem:s31+$0x8000];
	_ =	sdelay $0x4  }
0x208: {  	v3 =	vadd.f32 v59, v3;
	_ =	sdelay $0x1  }
0x209: {  	[tilespmem:s31+$0x10000] =	vst v3;
	s31 =	sor.u32 $0x1C40, s0  }
0x20a: {  	v3 =	vld [tilespmem:s31+$0x0]  }
0x20b: {  	v60 =	vld [tilespmem:s31+$0x8000];
	_ =	sdelay $0x4  }
0x20c: {  	v3 =	vadd.f32 v60, v3;
	_ =	sdelay $0x1  }
0x20d: {  	[tilespmem:s31+$0x10000] =	vst v3;
	s31 =	sor.u32 $0x1C50, s0  }
0x20e: {  	v3 =	vld [tilespmem:s31+$0x0]  }
0x20f: {  	v61 =	vld [tilespmem:s31+$0x8000];
	_ =	sdelay $0x4  }
0x210: {  	v3 =	vadd.f32 v61, v3;
	_ =	sdelay $0x1  }
0x211: {  	[tilespmem:s31+$0x10000] =	vst v3;
	s31 =	sor.u32 $0x1C60, s0  }
0x212: {  	v3 =	vld [tilespmem:s31+$0x0]  }
0x213: {  	v62 =	vld [tilespmem:s31+$0x8000];
	_ =	sdelay $0x4  }
0x214: {  	v3 =	vadd.f32 v62, v3;
	_ =	sdelay $0x1  }
0x215: {  	s0 =	sor.u32 $0x1C70, s0;
	[tilespmem:s31+$0x10000] =	vst v3  }
0x216: {  	v3 =	vld [tilespmem:s0+$0x0]  }
0x217: {  	v63 =	vld [tilespmem:s0+$0x8000];
	_ =	sdelay $0x1  }
0x218: {  	p0 =	sne.s32 s30, $0xF80  }
.Ltmp1:
0x219: {  	_ = 	snop;
	(pc) =	sbr.rel @p0 .LBB2_4-.Ltmp1, $4  }
0x21a: {  	_ = 	snop  }
0x21b: {  	v3 =	vadd.f32 v63, v3  }
0x21c: {  	s28 =	sadd.s32 $0x400, s28  }
0x21d: {  	s30 =	sadd.s32 $0x80, s30;
	s26 =	sadd.s32 $0x1, s26;
	s29 =	sadd.s32 $0x400, s29;
	[tilespmem:s0+$0x10000] =	vst v3  }
0x21e: {  	s0 =	rddreg [dreg:$0x8]  }
0x21f: {  	[hbm4b:s0+s1] =	stream.linear.scatter [tilespmem:s25], [sflag:$0x2], $0x8000, $0x38;
	[tilespmem:$0x18100] =	vst v63  }
0x220: {  	_ =	swait.ge [sflag:s15], $0x8000  }
0x221: {  	s13 =	sadd.s32 $0x1, s13;
	s31 =	rddreg [dreg:$0x9]  }
0x222: {  	p0 =	sne.s32 s13, s31  }
.Ltmp2:
0x223: {  	_ = 	snop;
	(pc) =	sbr.rel @p0 .LBB2_1-.Ltmp2, $3  }
0x224: {  	_ =	sdelay $0x1  }
0x225: {  	[sflag:s15] =	ssyncset.done $0x0  }
0x226: {  	[sflag:s15] =	ssyncadd.s32 $0xFFFF8000  }
0x227: {  	_ =	sfence.sel $0x180000  }
0x228: {  	[bflag:$0x0] =	sbarrier.arrive $0xFFFF  }
0x229: {  	_ =	strace $0x9000004A  }
0x22a: {  	s0 =	stileid.u32;
	[bflag:$0x2] =	sbarrier.arrive $0xFFFF  }
0x22b: {  	p0 =	sne.s32 s0, $0x0;
	s0 =	rddreg [dreg:$0x2]  }
0x22c: {  	s0 =	sadd.s32 @!p0 $0x100000, s0  }
0x22d: {  	[sflag:s0] =	ssyncadd.tile.s32 @!p0 $0x1;
	_ =	shalt  }
.Lfunc_end2:
_tile_overlayer_lowered:
.L_overlay_start_2:
0x22e: {  	(tag) =	ssettag $0x2  }
0x22f: {  	s0 =	rddreg [dreg:$0x0];
	s2 =	stileid.u32  }
0x230: {  	s1 =	rddreg [dreg:$0x1];
	p0 =	sne.s32 s2, $0x0  }
0x231: {  	s3 =	rddreg [dreg:$0x2];
	[bflag:$0x3] =	sbarrier.arrive $0xFFFF;
	s2 =	simm.s32 @!p0 $0x1C02  }
0x232: {  	[timem:s3], [sflag:s2] =	dma.local @!p0 [hbm:s0], s1  }
0x233: {  	s0 =	simm.s32 @!p0 $0x2  }
0x234: {  	_ =	swait.ge @!p0 [sflag:s0], s1  }
0x235: {  	s1 =	ssub.s32 @!p0 $0x0, s1;
	[sflag:s0] =	ssyncset.done @!p0 $0x0  }
0x236: {  	[sflag:s0] =	ssyncadd.s32 @!p0 s1  }
0x237: {  	[bflag:$0x3] =	sbarrier.arrive $0xFFFF  }
0x238: {  	_ =	shalt  }

// kernel: kernel.7.cloned.1.call-start
scs
__scs_entry_jumppad:
0x0: {  	(pc) =	sbr.rel $0x88, $3  }
0x1: {  	(tag) =	ssettag $0x0;
	lr =	simm.s32 $0x1  }
0x2: {  	[smem:$0x3F96] =	sst lr;
	_ =	strace $0xD0000000  }
0x3: {  	_ = 	snop  }
0x4: {  	_ = 	snop  }
0x5: {  	_ = 	snop  }
0x6: {  	_ = 	snop  }
0x7: {  	_ = 	snop  }
__scs_overlays_trampoline_lowered:
0x8: {  	[smem:$0x3FA5] =	sst s0  }
0x9: {  	[smem:$0x3FA6] =	sst s1  }
0xa: {  	[smem:$0x3FA7] =	sst s2  }
0xb: {  	[smem:$0x3FA8] =	sst s3  }
0xc: {  	[smem:$0x3FA9] =	sst s4  }
0xd: {  	[smem:$0x3FAA] =	sst s5  }
0xe: {  	[smem:$0x3FAB] =	sst s6  }
0xf: {  	[smem:$0x3FAC] =	sst s7  }
0x10: {  	[smem:$0x3FAD] =	sst s8  }
0x11: {  	[smem:$0x3FAE] =	sst s9;
	s0 =	simm.s32 @!p0 $0x0  }
0x12: {  	s1 =	sld [smem:$0x3F94];
	s0 =	simm.s32 @p0 $0x1  }
0x13: {  	[smem:$0x3FAF] =	sst s0;
	s0 =	simm.s32 @!p1 $0x0  }
0x14: {  	s2 =	sld [smem:$0x3F93];
	s0 =	simm.s32 @p1 $0x1  }
0x15: {  	[smem:$0x3FB0] =	sst s0;
	s0 =	simm.s32 @!p2 $0x0  }
0x16: {  	s3 =	sld [smem:$0x3FDB];
	s0 =	simm.s32 @p2 $0x1  }
0x17: {  	s4 =	simm.s32 $0x1BF5;
	[smem:$0x3FB2] =	sst s0  }
0x18: {  	s0 =	sld [smem:$0x3F95];
	_ =	swait.ge [sflag:s4], $0x0  }
0x19: {  	s7 =	sld [smem:$0x3F96]  }
0x1a: {  	s8 =	sadd.s32 $0xFFFFE003, lr  }
0x1b: {  	s9 =	sadd.s32 $0xFFFFFEF7, lr;
	s5 =	simm.s32 $0xFFFFFFFF;
	p2 =	slt.u32 s8, $0xFFFFF086  }
0x1c: {  	p1 =	slt.u32 s9, $0xF7A;
	s5 =	simm.s32 @!p2 $0x0  }
0x1d: {  	s5 =	simm.s32 @p1 $0x1;
	p0 =	seq.s32 s7, s2  }
0x1e: {  	s7 =	smul.u32 @!p0 $0xF7A, s2;
	p2 =	seq.s32 @!p0 s5, $0x0  }
0x1f: {  	s9 =	smul.u32 $0xF7A, s1;
	s8 =	simm.s32 @!p0 $0x1BF5;
	p2 =	por !p2, p0  }
0x20: {  	[sflag:s8] =	ssyncset.s32 @!p0 $0xFFFFF086;
	s6 =	sadd.s32 @!p0 s3, s7;
	s7 =	simm.s32 @!p0 $0x108  }
0x21: {  	s3 =	sadd.s32 s3, s9;
	s6 =	sadd.s32 @!p0 $0x88, s6;
	s7 =	simm.s32 @p2 $0x1082  }
0x22: {  	[simem:s7], [sflag:s8] =	dma.local @!p0 [hbm:s6], $0xF7A  }
0x23: {  	s9 =	sor.u32 $0xD0000000, s2;
	s6 =	simm.s32 $0x108;
	_ =	swait.ge @!p0 [sflag:s8], $0x0  }
0x24: {  	s3 =	sadd.s32 $0x88, s3;
	s6 =	simm.s32 @!p1 $0x1082;
	[sflag:s4] =	ssyncset.s32 $0xFFFFF086  }
0x25: {  	[simem:s6], [sflag:s4] =	dma.local [hbm:s3], $0xF7A  }
0x26: {  	[smem:$0x3F96] =	sst s1;
	(tag) =	ssettag s2;
	_ =	strace s9  }
0x27: {  	s1 =	sld [smem:$0x3FA6]  }
0x28: {  	s2 =	sld [smem:$0x3FA7]  }
0x29: {  	s4 =	sld [smem:$0x3FA9]  }
0x2a: {  	p0 =	seq.s32 s5, $0x0;
	s5 =	sld [smem:$0x3FAA]  }
0x2b: {  	s6 =	sld [smem:$0x3FAB]  }
0x2c: {  	s7 =	sld [smem:$0x3FAC]  }
0x2d: {  	s3 =	simm.s32 $0x108;
	s8 =	sld [smem:$0x3FAD]  }
0x2e: {  	s3 =	simm.s32 @!p0 $0x1082;
	s9 =	sld [smem:$0x3FAE]  }
0x2f: {  	lr =	sadd.s32 s0, s3;
	s0 =	sld [smem:$0x3FA5]  }
0x30: {  	s3 =	sld [smem:$0x3FA8]  }
0x31: {  	[smem:$0x3FB1] =	sst s10  }
0x32: {  	s10 =	sld [smem:$0x3FAF];
	_ =	sdelay $0x3  }
0x33: {  	p0 =	seq.s32 s10, $0x1;
	s10 =	sld [smem:$0x3FB1];
	_ =	sdelay $0x3  }
0x34: {  	[smem:$0x3FB1] =	sst s10  }
0x35: {  	s10 =	sld [smem:$0x3FB0];
	_ =	sdelay $0x3  }
0x36: {  	p1 =	seq.s32 s10, $0x1;
	s10 =	sld [smem:$0x3FB1];
	_ =	sdelay $0x3  }
0x37: {  	[smem:$0x3FB1] =	sst s10  }
0x38: {  	s10 =	sld [smem:$0x3FB2]  }
0x39: {  	_ = 	snop;
	(pc) =	sbr.ind lr, $3  }
0x3a: {  	_ = 	snop  }
0x3b: {  	_ = 	snop  }
0x3c: {  	p2 =	seq.s32 s10, $0x1;
	s10 =	sld [smem:$0x3FB1]  }
0x3d: {  	_ =	shalt  }
0x3e: {  	_ =	shalt  }
0x3f: {  	_ =	shalt  }
0x40: {  	_ =	shalt  }
0x41: {  	_ =	shalt  }
0x42: {  	_ =	shalt  }
0x43: {  	_ =	shalt  }
0x44: {  	_ =	shalt  }
0x45: {  	_ =	shalt  }
0x46: {  	_ =	shalt  }
0x47: {  	_ =	shalt  }
0x48: {  	_ =	shalt  }
0x49: {  	_ =	shalt  }
0x4a: {  	_ =	shalt  }
0x4b: {  	_ =	shalt  }
0x4c: {  	_ =	shalt  }
0x4d: {  	_ =	shalt  }
0x4e: {  	_ =	shalt  }
0x4f: {  	_ =	shalt  }
0x50: {  	_ =	shalt  }
0x51: {  	_ =	shalt  }
0x52: {  	_ =	shalt  }
0x53: {  	_ =	shalt  }
0x54: {  	_ =	shalt  }
0x55: {  	_ =	shalt  }
0x56: {  	_ =	shalt  }
0x57: {  	_ =	shalt  }
0x58: {  	_ =	shalt  }
0x59: {  	_ =	shalt  }
0x5a: {  	_ =	shalt  }
0x5b: {  	_ =	shalt  }
0x5c: {  	_ =	shalt  }
0x5d: {  	_ =	shalt  }
0x5e: {  	_ =	shalt  }
0x5f: {  	_ =	shalt  }
0x60: {  	_ =	shalt  }
0x61: {  	_ =	shalt  }
0x62: {  	_ =	shalt  }
0x63: {  	_ =	shalt  }
0x64: {  	_ =	shalt  }
0x65: {  	_ =	shalt  }
0x66: {  	_ =	shalt  }
0x67: {  	_ =	shalt  }
0x68: {  	_ =	shalt  }
0x69: {  	_ =	shalt  }
0x6a: {  	_ =	shalt  }
0x6b: {  	_ =	shalt  }
0x6c: {  	_ =	shalt  }
0x6d: {  	_ =	shalt  }
0x6e: {  	_ =	shalt  }
0x6f: {  	_ =	shalt  }
0x70: {  	_ =	shalt  }
0x71: {  	_ =	shalt  }
0x72: {  	_ =	shalt  }
0x73: {  	_ =	shalt  }
0x74: {  	_ =	shalt  }
0x75: {  	_ =	shalt  }
0x76: {  	_ =	shalt  }
0x77: {  	_ =	shalt  }
0x78: {  	_ =	shalt  }
0x79: {  	_ =	shalt  }
0x7a: {  	_ =	shalt  }
0x7b: {  	_ =	shalt  }
0x7c: {  	_ =	shalt  }
0x7d: {  	_ =	shalt  }
0x7e: {  	_ =	shalt  }
0x7f: {  	_ =	shalt  }
0x80: {  	_ =	shalt  }
0x81: {  	_ =	shalt  }
0x82: {  	_ =	shalt  }
0x83: {  	_ =	shalt  }
0x84: {  	_ =	shalt  }
0x85: {  	_ =	shalt  }
0x86: {  	_ =	shalt  }
0x87: {  	_ =	shalt  }
.Lfunc_end0:
.L_simem_size_0:
called_computation_lowered:
.L_overlay_start_0:
0x88: {  	s2 =	sld [smem:$0x3FD9]  }
0x89: {  	s3 =	sld [smem:$0x3FFE];
	_ =	sdelay $0x1  }
0x8a: {  	s1 =	srdreg.scid  }
0x8b: {  	s0 =	sand.u32 $0x1, s1  }
0x8c: {  	s14 =	sshll.u32 s0, $0xA;
	s2 =	sadd.s32 s3, s2  }
0x8d: {  	s2 =	sadd.s32 s2, s14  }
0x8e: {  	[smem:$0x3FBD] =	sst s2  }
0x8f: {  	_ = 	snop  }
0x90: {  	s2 =	sld [smem:$0x3FD0];
	_ =	sdelay $0x2  }
0x91: {  	s4 =	simm.s32 $0xA;
	s5 =	simm.s32 $0x10;
	s15 =	sld [smem:$0x3FC9]  }
0x92: {  	[smem:s5], [sflag:s4] =	dma.local [hbm:s2], $0x1  }
0x93: {  	_ =	swait.eq [sflag:s4], $0x1  }
0x94: {  	[sflag:s4] =	ssyncset.done $0x0  }
0x95: {  	[sflag:s4] =	ssyncadd.s32 $0xFFFFFFFF  }
0x96: {  	s16 =	sld [smem:$0x10];
	(tm) =	ssettm $0x1  }
0x97: {  	s17 =	sld [smem:$0x3FFB];
	_ =	sdelay $0x3  }
0x98: {  	_ =	strace s17  }
0x99: {  	s4 =	sld [smem:$0x3FFC];
	_ =	sdelay $0x3  }
0x9a: {  	_ =	strace s4  }
0x9b: {  	s4 =	sld [smem:$0x3FFD];
	_ =	sdelay $0x3  }
0x9c: {  	_ =	strace s4  }
0x9d: {  	_ =	strace $0x8FFFFFFF  }
0x9e: {  	s18 =	sld [smem:$0x3FDB];
	_ =	sdelay $0x1  }
0x9f: {  	s19 =	simm.s32 $_scs_section_size  }
0xa0: {  	s6 =	simm.s32 $_size__tile_overlayer_lowered;
	s7 =	simm.s32 $_tile_overlayer_lowered  }
0xa1: {  	s22 =	simm.s32 $0x1BFF;
	s21 =	sshll.u32 s7, $0x1;
	s4 =	sadd.s32 s19, s18  }
0xa2: {  	s8 =	simm.s32 $0x0;
	s20 =	sshll.u32 s6, $0x1;
	s6 =	sadd.s32 s21, s4  }
0xa3: {  	[timem:s8], [sflag:s22] =	dma.local [hbm:s6], s20  }
0xa4: {  	_ =	swait.ge [sflag:s22], s20  }
0xa5: {  	s5 =	ssub.s32 $0x0, s20;
	[sflag:s22] =	ssyncset.done $0x0  }
0xa6: {  	[sflag:s22] =	ssyncadd.s32 s5;
	_ =	sdelay $0x1  }
0xa7: {  	s23 =	simm.s32 $0x1B8B  }
0xa8: {  	_ =	swait.ge [sflag:s23], $0x1  }
0xa9: {  	[sflag:s23] =	ssyncset.done $0x0  }
0xaa: {  	s25 =	simm.s32 $0x1B8E;
	s24 =	sld [smem:$0x3FFE];
	[sflag:s23] =	ssyncadd.s32 $0xFFFFFFFF  }
0xab: {  	s26 =	simm.s32 $execute0_lowered;
	[smem:$0x3FD2] =	sst s25  }
0xac: {  	s6 =	sshll.u32 s26, $0x1;
	_ =	strace $0x80000046;
	[dreg:$0x1] =	wrdreg $0xFFFFFFFF  }
0xad: {  	s28 =	simm.s32 $_size_execute0_lowered;
	s4 =	sadd.s32 s4, s6;
	[dreg:$0x0] =	wrdreg $0x0  }
0xae: {  	s6 =	sshll.u32 s28, $0x1;
	[dreg:$0x2] =	wrdreg s4  }
0xaf: {  	[dreg:$0x3] =	wrdreg s6  }
0xb0: {  	[dreg:$0x4] =	wrdreg $0xC0  }
0xb1: {  	_ =	task [dreg:s8], $0x5FFFF  }
0xb2: {  	[dreg:$0x1] =	wrdreg $0xFFFFFFFF  }
0xb3: {  	[dreg:$0x0] =	wrdreg $0x60  }
0xb4: {  	[dreg:$0x2] =	wrdreg s15  }
0xb5: {  	[dreg:$0x3] =	wrdreg s24  }
0xb6: {  	[dreg:$0x4] =	wrdreg s16  }
0xb7: {  	[dreg:$0x5] =	wrdreg $0x9  }
0xb8: {  	_ =	task.clear_ibuf [dreg:s8], $0x6FFFF;
	_ =	strace $0x90000046  }
0xb9: {  	s29 =	simm.s32 $0x9;
	_ =	strace $0x80000048  }
0xba: {  	_ =	swait.ge [sflag:s29], $0x1  }
0xbb: {  	[sflag:s29] =	ssyncadd.s32 $0xFFFFFFFF  }
0xbc: {  	_ =	strace $0x90000048  }
0xbd: {  	_ =	sfence  }
0xbe: {  	s30 =	sld [smem:$0x0];
	_ =	sdelay $0x2  }
0xbf: {  	s31 =	sshll.u32 s1, $0xD;
	s1 =	sshrl.u32 s1, $0x2  }
0xc0: {  	s3 =	sand.u32 $0x4000, s31;
	s1 =	sadd.s32 s1, s30  }
0xc1: {  	s0 =	sor.u32 s3, s0;
	s1 =	sshll.u32 s1, $0x11  }
0xc2: {  	s0 =	sor.u32 s1, s0  }
0xc3: {  	s0 =	sadd.s32 $0x8F2B, s0  }
0xc4: {  	[sflag:s0] =	ssyncadd.remote.s32 $0x1  }
0xc5: {  	_ =	sfence.sel $0xFFFF  }
0xc6: {  	[dreg:$0x0] =	wrdreg $0xFFFFFFFF;
	(pc) =	sbr.abs _section_cstart, $3  }
0xc7: {  	[dreg:$0x1] =	wrdreg $0xFFFFFFFF  }
0xc8: {  	_ =	task.clear_ibuf [dreg:s8], $0x2FFFF;
	_ =	strace $0x9FFFFFFF  }
0xc9: {  	(tm) =	ssettm $0x7FFFFFFF  }
tec
execute0_lowered:
.L_overlay_start_1:
0x0: {  	(tag) =	ssettag $0x1  }
0x1: {  	s0 =	rddreg [dreg:$0x0]  }
0x2: {  	s7 =	rddreg [dreg:$0x1]  }
0x3: {  	s1 =	rddreg [dreg:$0x2];
	s3 =	simm.s32 $0x0;
	s4 =	srdreg.scid  }
0x4: {  	s2 =	stileid.u32;
	s16 =	simm.s32 $0x1000;
	s17 =	simm.s32 $0x1800  }
0x5: {  	s28 =	simm.s32 $0x6800;
	s29 =	simm.s32 $0x7000;
	s30 =	simm.s32 $0x7800  }
0x6: {  	s31 =	simm.s32 $0x1;
	[smem:$0x7FF] =	sst s3;
	s4 =	sand.u32 $0x1, s4  }
0x7: {  	s5 =	sshll.u32 s2, $0x7;
	s8 =	sadd.s32 $0x12600, s7;
	s9 =	sadd.s32 $0x12800, s7  }
0x8: {  	s10 =	sadd.s32 $0x2600, s7;
	s11 =	sadd.s32 $0xA600, s7;
	s6 =	sshll.u32 s4, $0x6  }
0x9: {  	_ =	strace $0x80000047;
	s12 =	ssub.s32 $0x2, s4;
	s6 =	sor.u32 s6, s5  }
0xa: {  	s4 =	sadd.s32 $0x13000, s7;
	s20 =	sshrl.u32 s12, $0x1;
	s5 =	sshll.u32 s6, $0x7  }
0xb: {  	s13 =	sshrl.u32 s6, $0x3;
	s14 =	sshll.u32 s6, $0x4;
	s12 =	ssub.s32 s12, s20  }
0xc: {  	s21 =	sor.u32 $0x20, s6;
	s6 =	sadd.s32 $0x13200, s7;
	s20 =	simm.s32 $0x3000  }
0xd: {  	s18 =	sadd.s32 s0, s5;
	s19 =	sadd.s32 s8, s13;
	s15 =	sadd.s32 s10, s14  }
0xe: {  	s5 =	sadd.s32 $0x13100, s7;
	s13 =	sadd.s32 s9, s13;
	[dreg:$0x4] =	wrdreg s18  }
0xf: {  	s22 =	sadd.s32 s11, s14;
	s23 =	sshll.u32 s21, $0x7;
	[dreg:$0x5] =	wrdreg s19  }
0x10: {  	s24 =	sshrl.u32 s21, $0x3;
	s7 =	sadd.s32 $0x13300, s7;
	[dreg:$0x6] =	wrdreg s15  }
0x11: {  	s26 =	sshll.u32 s21, $0x4;
	s14 =	simm.s32 $0x8080;
	[dreg:$0x7] =	wrdreg s13  }
0x12: {  	s21 =	simm.s32 $0x3800;
	[dreg:$0x8] =	wrdreg s22;
	s0 =	sadd.s32 s0, s23  }
0x13: {  	s25 =	sadd.s32 s8, s24;
	s8 =	sadd.s32 s10, s26;
	s9 =	sadd.s32 s9, s24  }
0x14: {  	s10 =	sadd.s32 s11, s26;
	s11 =	smax.u32 s12, $0x1;
	s12 =	simm.s32 $0x2  }
0x15: {  	s13 =	simm.s32 $0x8000;
	s15 =	simm.s32 $0x800;
	s18 =	simm.s32 $0x2000  }
0x16: {  	v2 =	vlaneseq.u32;
	s19 =	simm.s32 $0x2800;
	s22 =	simm.s32 $0x4000;
	s23 =	simm.s32 $0x4800  }
0x17: {  	vm0 =	vmmov $0xffff;
	v1 =	vshrl.u32 v2, $0x3;
	s24 =	simm.s32 $0x5000;
	s26 =	simm.s32 $0x6000;
	[dreg:$0x9] =	wrdreg s0  }
0x18: {  	v0 =	vand.u32 $0x7, v2;
	v2 =	vor.u32 $0x8, v2;
	v1 =	vmul.u32 $0x8, v1;
	[dreg:$0xa] =	wrdreg s25;
	s25 =	simm.s32 $0x5800;
	s0 =	simm.s32 $0x20  }
.LBB2_1:
0x19: {  	s2 =	rddreg [dreg:$0x4]  }
0x1a: {  	[tilespmem:s3], [sflag:$0x2] =	stream.linear.gather [hbm4b:s2+s3], $0x8000, $0x38;
	[tilespmem:$0x9080] =	vst v63  }
0x1b: {  	_ =	swait.ge [sflag:s12], $0x8000  }
0x1c: {  	[sflag:s12] =	ssyncset.done $0x0  }
0x1d: {  	s2 =	rddreg [dreg:$0x5];
	[sflag:s12] =	ssyncadd.s32 $0xFFFF8000  }
0x1e: {  	[tilespmem:s13], [sflag:$0x2] =	stream.linear.gather [hbm4b:s2+s3], $0x20, $0x38;
	[tilespmem:$0x9080] =	vst v63  }
0x1f: {  	_ =	swait.ge [sflag:s12], $0x20  }
0x20: {  	[sflag:s12] =	ssyncset.done $0x0  }
0x21: {  	s2 =	rddreg [dreg:$0x6];
	[sflag:s12] =	ssyncadd.s32 $0xFFFFFFE0  }
0x22: {  	[tilespmem:s14], [sflag:$0x2] =	stream.linear.gather [hbm4b:s2+s3], $0x1000, $0x38;
	[tilespmem:$0x9080] =	vst v63  }
0x23: {  	_ =	swait.ge [sflag:s12], $0x1000  }
0x24: {  	[sflag:s12] =	ssyncset.done $0x0  }
0x25: {  	[sflag:s12] =	ssyncadd.s32 $0xFFFFF000  }
0x26: {  	v3 =	vld [tilespmem:$0x8000];
	_ =	sdelay $0x4  }
0x27: {  	v4 =	vshll.u32 v3, $0x3  }
0x28: {  	v3 =	vand.u32 $0x7, v3;
	v4 =	vand.u32 $0xFFFFFFC0, v4  }
0x29: {  	v3 =	vor.u32 v3, v4  }
0x2a: {  	v4 =	vperm.xlane v3, v0;
	_ =	sdelay $0x1  }
0x2b: {  	v4 =	vadd.s32 v1, v4;
	_ =	sdelay $0x4  }
0x2c: {  	[hbm4b:s4+s3] =	stream.indirect_vreg.scatter [tilespmem:s3], [sflag:$0x1], $0x80, v4, vm0, $0xb8;
	[tilespmem:$0x9080] =	vst v63  }
0x2d: {  	v3 =	vperm.xlane v3, v2  }
0x2e: {  	[hbm4b:s5+s3] =	stream.indirect_vreg.scatter [tilespmem:s15], [sflag:$0x1], $0x80, v4, vm0, $0xb8;
	[tilespmem:$0x9080] =	vst v63  }
0x2f: {  	v3 =	vadd.s32 v1, v3  }
0x30: {  	[hbm4b:s6+s3] =	stream.indirect_vreg.scatter [tilespmem:s16], [sflag:$0x1], $0x80, v4, vm0, $0xb8;
	[tilespmem:$0x9080] =	vst v63  }
0x31: {  	_ = 	snop  }
0x32: {  	[hbm4b:s7+s3] =	stream.indirect_vreg.scatter [tilespmem:s17], [sflag:$0x1], $0x80, v4, vm0, $0xb8;
	[tilespmem:$0x9080] =	vst v63  }
0x33: {  	_ = 	snop  }
0x34: {  	[hbm4b:s4+s3] =	stream.indirect_vreg.scatter [tilespmem:s18], [sflag:$0x1], $0x80, v3, vm0, $0xb8;
	[tilespmem:$0x9080] =	vst v63  }
0x35: {  	_ = 	snop  }
0x36: {  	[hbm4b:s5+s3] =	stream.indirect_vreg.scatter [tilespmem:s19], [sflag:$0x1], $0x80, v3, vm0, $0xb8;
	[tilespmem:$0x9080] =	vst v63  }
0x37: {  	_ = 	snop  }
0x38: {  	[hbm4b:s6+s3] =	stream.indirect_vreg.scatter [tilespmem:s20], [sflag:$0x1], $0x80, v3, vm0, $0xb8;
	[tilespmem:$0x9080] =	vst v63  }
0x39: {  	_ = 	snop  }
0x3a: {  	[hbm4b:s7+s3] =	stream.indirect_vreg.scatter [tilespmem:s21], [sflag:$0x1], $0x80, v3, vm0, $0xb8;
	[tilespmem:$0x9080] =	vst v63  }
0x3b: {  	v3 =	vld [tilespmem:$0x8010];
	_ =	sdelay $0x4  }
0x3c: {  	v57 =	vshll.u32 v3, $0x3  }
0x3d: {  	v3 =	vand.u32 $0x7, v3;
	v4 =	vand.u32 $0xFFFFFFC0, v57  }
0x3e: {  	v3 =	vor.u32 v3, v4  }
0x3f: {  	v4 =	vperm.xlane v3, v0;
	_ =	sdelay $0x1  }
0x40: {  	v4 =	vadd.s32 v1, v4;
	_ =	sdelay $0x4  }
0x41: {  	[hbm4b:s4+s3] =	stream.indirect_vreg.scatter [tilespmem:s22], [sflag:$0x1], $0x80, v4, vm0, $0xb8;
	[tilespmem:$0x9080] =	vst v63  }
0x42: {  	v3 =	vperm.xlane v3, v2  }
0x43: {  	[hbm4b:s5+s3] =	stream.indirect_vreg.scatter [tilespmem:s23], [sflag:$0x1], $0x80, v4, vm0, $0xb8;
	[tilespmem:$0x9080] =	vst v63  }
0x44: {  	v3 =	vadd.s32 v1, v3  }
0x45: {  	[hbm4b:s6+s3] =	stream.indirect_vreg.scatter [tilespmem:s24], [sflag:$0x1], $0x80, v4, vm0, $0xb8;
	[tilespmem:$0x9080] =	vst v63  }
0x46: {  	_ = 	snop  }
0x47: {  	[hbm4b:s7+s3] =	stream.indirect_vreg.scatter [tilespmem:s25], [sflag:$0x1], $0x80, v4, vm0, $0xb8;
	[tilespmem:$0x9080] =	vst v63  }
0x48: {  	_ = 	snop  }
0x49: {  	[hbm4b:s4+s3] =	stream.indirect_vreg.scatter [tilespmem:s26], [sflag:$0x1], $0x80, v3, vm0, $0xb8;
	[tilespmem:$0x9080] =	vst v63  }
0x4a: {  	_ = 	snop  }
0x4b: {  	[hbm4b:s5+s3] =	stream.indirect_vreg.scatter [tilespmem:s28], [sflag:$0x1], $0x80, v3, vm0, $0xb8;
	[tilespmem:$0x9080] =	vst v63  }
0x4c: {  	_ = 	snop  }
0x4d: {  	[hbm4b:s6+s3] =	stream.indirect_vreg.scatter [tilespmem:s29], [sflag:$0x1], $0x80, v3, vm0, $0xb8;
	[tilespmem:$0x9080] =	vst v63  }
0x4e: {  	_ = 	snop  }
0x4f: {  	[hbm4b:s7+s3] =	stream.indirect_vreg.scatter [tilespmem:s30], [sflag:$0x1], $0x80, v3, vm0, $0xb8;
	[tilespmem:$0x9080] =	vst v63  }
0x50: {  	_ =	swait.ge [sflag:s31], $0x8000  }
0x51: {  	[sflag:s31] =	ssyncset.done $0x0  }
0x52: {  	[sflag:s31] =	ssyncadd.s32 $0xFFFF8000  }
0x53: {  	[hbm4b:s1+s0] =	stream.indirect.scatter [tilespmem:s14], [sflag:$0x1], $0x80, s13, s0, $0xb8;
	[tilespmem:$0x9080] =	vst v63  }
0x54: {  	_ =	swait.ge [sflag:s31], $0x1000  }
0x55: {  	[sflag:s31] =	ssyncset.done $0x0  }
0x56: {  	s2 =	rddreg [dreg:$0x7];
	[sflag:s31] =	ssyncadd.s32 $0xFFFFF000  }
0x57: {  	[tilespmem:s13], [sflag:$0x2] =	stream.linear.gather [hbm4b:s2+s3], $0x20, $0x38;
	[tilespmem:$0x9080] =	vst v63  }
0x58: {  	_ =	swait.ge [sflag:s12], $0x20  }
0x59: {  	[sflag:s12] =	ssyncset.done $0x0  }
0x5a: {  	s2 =	rddreg [dreg:$0x8];
	[sflag:s12] =	ssyncadd.s32 $0xFFFFFFE0  }
0x5b: {  	[tilespmem:s14], [sflag:$0x2] =	stream.linear.gather [hbm4b:s2+s3], $0x1000, $0x38;
	[tilespmem:$0x9080] =	vst v63  }
0x5c: {  	_ =	swait.ge [sflag:s12], $0x1000  }
0x5d: {  	[sflag:s12] =	ssyncset.done $0x0  }
0x5e: {  	[sflag:s12] =	ssyncadd.s32 $0xFFFFF000  }
0x5f: {  	v3 =	vld [tilespmem:$0x8000];
	_ =	sdelay $0x4  }
0x60: {  	v58 =	vshll.u32 v3, $0x3  }
0x61: {  	v3 =	vand.u32 $0x7, v3;
	v4 =	vand.u32 $0xFFFFFFC0, v58  }
0x62: {  	v3 =	vor.u32 v3, v4  }
0x63: {  	v4 =	vperm.xlane v3, v0;
	_ =	sdelay $0x1  }
0x64: {  	v4 =	vadd.s32 v1, v4;
	_ =	sdelay $0x4  }
0x65: {  	[hbm4b:s4+s3] =	stream.indirect_vreg.scatter [tilespmem:s3], [sflag:$0x1], $0x80, v4, vm0, $0xb8;
	[tilespmem:$0x9080] =	vst v63  }
0x66: {  	v3 =	vperm.xlane v3, v2  }
0x67: {  	[hbm4b:s5+s3] =	stream.indirect_vreg.scatter [tilespmem:s15], [sflag:$0x1], $0x80, v4, vm0, $0xb8;
	[tilespmem:$0x9080] =	vst v63  }
0x68: {  	v3 =	vadd.s32 v1, v3  }
0x69: {  	[hbm4b:s6+s3] =	stream.indirect_vreg.scatter [tilespmem:s16], [sflag:$0x1], $0x80, v4, vm0, $0xb8;
	[tilespmem:$0x9080] =	vst v63  }
0x6a: {  	_ = 	snop  }
0x6b: {  	[hbm4b:s7+s3] =	stream.indirect_vreg.scatter [tilespmem:s17], [sflag:$0x1], $0x80, v4, vm0, $0xb8;
	[tilespmem:$0x9080] =	vst v63  }
0x6c: {  	_ = 	snop  }
0x6d: {  	[hbm4b:s4+s3] =	stream.indirect_vreg.scatter [tilespmem:s18], [sflag:$0x1], $0x80, v3, vm0, $0xb8;
	[tilespmem:$0x9080] =	vst v63  }
0x6e: {  	_ = 	snop  }
0x6f: {  	[hbm4b:s5+s3] =	stream.indirect_vreg.scatter [tilespmem:s19], [sflag:$0x1], $0x80, v3, vm0, $0xb8;
	[tilespmem:$0x9080] =	vst v63  }
0x70: {  	_ = 	snop  }
0x71: {  	[hbm4b:s6+s3] =	stream.indirect_vreg.scatter [tilespmem:s20], [sflag:$0x1], $0x80, v3, vm0, $0xb8;
	[tilespmem:$0x9080] =	vst v63  }
0x72: {  	_ = 	snop  }
0x73: {  	[hbm4b:s7+s3] =	stream.indirect_vreg.scatter [tilespmem:s21], [sflag:$0x1], $0x80, v3, vm0, $0xb8;
	[tilespmem:$0x9080] =	vst v63  }
0x74: {  	v3 =	vld [tilespmem:$0x8010];
	_ =	sdelay $0x4  }
0x75: {  	v59 =	vshll.u32 v3, $0x3  }
0x76: {  	v3 =	vand.u32 $0x7, v3;
	v4 =	vand.u32 $0xFFFFFFC0, v59  }
0x77: {  	v3 =	vor.u32 v3, v4  }
0x78: {  	v4 =	vperm.xlane v3, v0;
	_ =	sdelay $0x1  }
0x79: {  	v4 =	vadd.s32 v1, v4;
	_ =	sdelay $0x4  }
0x7a: {  	[hbm4b:s4+s3] =	stream.indirect_vreg.scatter [tilespmem:s22], [sflag:$0x1], $0x80, v4, vm0, $0xb8;
	[tilespmem:$0x9080] =	vst v63  }
0x7b: {  	v3 =	vperm.xlane v3, v2  }
0x7c: {  	[hbm4b:s5+s3] =	stream.indirect_vreg.scatter [tilespmem:s23], [sflag:$0x1], $0x80, v4, vm0, $0xb8;
	[tilespmem:$0x9080] =	vst v63  }
0x7d: {  	v3 =	vadd.s32 v1, v3  }
0x7e: {  	[hbm4b:s6+s3] =	stream.indirect_vreg.scatter [tilespmem:s24], [sflag:$0x1], $0x80, v4, vm0, $0xb8;
	[tilespmem:$0x9080] =	vst v63  }
0x7f: {  	_ = 	snop  }
0x80: {  	[hbm4b:s7+s3] =	stream.indirect_vreg.scatter [tilespmem:s25], [sflag:$0x1], $0x80, v4, vm0, $0xb8;
	[tilespmem:$0x9080] =	vst v63  }
0x81: {  	_ = 	snop  }
0x82: {  	[hbm4b:s4+s3] =	stream.indirect_vreg.scatter [tilespmem:s26], [sflag:$0x1], $0x80, v3, vm0, $0xb8;
	[tilespmem:$0x9080] =	vst v63  }
0x83: {  	_ = 	snop  }
0x84: {  	[hbm4b:s5+s3] =	stream.indirect_vreg.scatter [tilespmem:s28], [sflag:$0x1], $0x80, v3, vm0, $0xb8;
	[tilespmem:$0x9080] =	vst v63  }
0x85: {  	_ = 	snop  }
0x86: {  	[hbm4b:s6+s3] =	stream.indirect_vreg.scatter [tilespmem:s29], [sflag:$0x1], $0x80, v3, vm0, $0xb8;
	[tilespmem:$0x9080] =	vst v63  }
0x87: {  	_ = 	snop  }
0x88: {  	[hbm4b:s7+s3] =	stream.indirect_vreg.scatter [tilespmem:s30], [sflag:$0x1], $0x80, v3, vm0, $0xb8;
	[tilespmem:$0x9080] =	vst v63  }
0x89: {  	_ =	swait.ge [sflag:s31], $0x8000  }
0x8a: {  	[sflag:s31] =	ssyncset.done $0x0  }
0x8b: {  	[sflag:s31] =	ssyncadd.s32 $0xFFFF8000  }
0x8c: {  	[hbm4b:s1+s0] =	stream.indirect.scatter [tilespmem:s14], [sflag:$0x1], $0x80, s13, s0, $0xb8;
	[tilespmem:$0x9080] =	vst v63  }
0x8d: {  	_ =	swait.ge [sflag:s31], $0x1000  }
0x8e: {  	[sflag:s31] =	ssyncset.done $0x0  }
0x8f: {  	s2 =	rddreg [dreg:$0x9];
	[sflag:s31] =	ssyncadd.s32 $0xFFFFF000  }
0x90: {  	[tilespmem:s3], [sflag:$0x2] =	stream.linear.gather [hbm4b:s2+s3], $0x8000, $0x38;
	[tilespmem:$0x9080] =	vst v63  }
0x91: {  	_ =	swait.ge [sflag:s12], $0x8000  }
0x92: {  	[sflag:s12] =	ssyncset.done $0x0  }
0x93: {  	s2 =	rddreg [dreg:$0xa];
	[sflag:s12] =	ssyncadd.s32 $0xFFFF8000  }
0x94: {  	[tilespmem:s13], [sflag:$0x2] =	stream.linear.gather [hbm4b:s2+s3], $0x20, $0x38;
	[tilespmem:$0x9080] =	vst v63  }
0x95: {  	_ =	swait.ge [sflag:s12], $0x20  }
0x96: {  	[sflag:s12] =	ssyncset.done $0x0  }
0x97: {  	[sflag:s12] =	ssyncadd.s32 $0xFFFFFFE0  }
0x98: {  	[tilespmem:s14], [sflag:$0x2] =	stream.linear.gather [hbm4b:s8+s3], $0x1000, $0x38;
	[tilespmem:$0x9080] =	vst v63  }
0x99: {  	_ =	swait.ge [sflag:s12], $0x1000  }
0x9a: {  	[sflag:s12] =	ssyncset.done $0x0  }
0x9b: {  	[sflag:s12] =	ssyncadd.s32 $0xFFFFF000  }
0x9c: {  	v3 =	vld [tilespmem:$0x8000];
	_ =	sdelay $0x4  }
0x9d: {  	v60 =	vshll.u32 v3, $0x3  }
0x9e: {  	v3 =	vand.u32 $0x7, v3;
	v4 =	vand.u32 $0xFFFFFFC0, v60  }
0x9f: {  	v3 =	vor.u32 v3, v4  }
0xa0: {  	v4 =	vperm.xlane v3, v0;
	_ =	sdelay $0x1  }
0xa1: {  	v4 =	vadd.s32 v1, v4;
	_ =	sdelay $0x4  }
0xa2: {  	[hbm4b:s4+s3] =	stream.indirect_vreg.scatter [tilespmem:s3], [sflag:$0x1], $0x80, v4, vm0, $0xb8;
	[tilespmem:$0x9080] =	vst v63  }
0xa3: {  	v3 =	vperm.xlane v3, v2  }
0xa4: {  	[hbm4b:s5+s3] =	stream.indirect_vreg.scatter [tilespmem:s15], [sflag:$0x1], $0x80, v4, vm0, $0xb8;
	[tilespmem:$0x9080] =	vst v63  }
0xa5: {  	v3 =	vadd.s32 v1, v3  }
0xa6: {  	[hbm4b:s6+s3] =	stream.indirect_vreg.scatter [tilespmem:s16], [sflag:$0x1], $0x80, v4, vm0, $0xb8;
	[tilespmem:$0x9080] =	vst v63  }
0xa7: {  	_ = 	snop  }
0xa8: {  	[hbm4b:s7+s3] =	stream.indirect_vreg.scatter [tilespmem:s17], [sflag:$0x1], $0x80, v4, vm0, $0xb8;
	[tilespmem:$0x9080] =	vst v63  }
0xa9: {  	_ = 	snop  }
0xaa: {  	[hbm4b:s4+s3] =	stream.indirect_vreg.scatter [tilespmem:s18], [sflag:$0x1], $0x80, v3, vm0, $0xb8;
	[tilespmem:$0x9080] =	vst v63  }
0xab: {  	_ = 	snop  }
0xac: {  	[hbm4b:s5+s3] =	stream.indirect_vreg.scatter [tilespmem:s19], [sflag:$0x1], $0x80, v3, vm0, $0xb8;
	[tilespmem:$0x9080] =	vst v63  }
0xad: {  	_ = 	snop  }
0xae: {  	[hbm4b:s6+s3] =	stream.indirect_vreg.scatter [tilespmem:s20], [sflag:$0x1], $0x80, v3, vm0, $0xb8;
	[tilespmem:$0x9080] =	vst v63  }
0xaf: {  	_ = 	snop  }
0xb0: {  	[hbm4b:s7+s3] =	stream.indirect_vreg.scatter [tilespmem:s21], [sflag:$0x1], $0x80, v3, vm0, $0xb8;
	[tilespmem:$0x9080] =	vst v63  }
0xb1: {  	v3 =	vld [tilespmem:$0x8010];
	_ =	sdelay $0x4  }
0xb2: {  	v61 =	vshll.u32 v3, $0x3  }
0xb3: {  	v3 =	vand.u32 $0x7, v3;
	v4 =	vand.u32 $0xFFFFFFC0, v61  }
0xb4: {  	v3 =	vor.u32 v3, v4  }
0xb5: {  	v4 =	vperm.xlane v3, v0;
	_ =	sdelay $0x1  }
0xb6: {  	v4 =	vadd.s32 v1, v4;
	_ =	sdelay $0x4  }
0xb7: {  	[hbm4b:s4+s3] =	stream.indirect_vreg.scatter [tilespmem:s22], [sflag:$0x1], $0x80, v4, vm0, $0xb8;
	[tilespmem:$0x9080] =	vst v63  }
0xb8: {  	v3 =	vperm.xlane v3, v2  }
0xb9: {  	[hbm4b:s5+s3] =	stream.indirect_vreg.scatter [tilespmem:s23], [sflag:$0x1], $0x80, v4, vm0, $0xb8;
	[tilespmem:$0x9080] =	vst v63  }
0xba: {  	v3 =	vadd.s32 v1, v3  }
0xbb: {  	[hbm4b:s6+s3] =	stream.indirect_vreg.scatter [tilespmem:s24], [sflag:$0x1], $0x80, v4, vm0, $0xb8;
	[tilespmem:$0x9080] =	vst v63  }
0xbc: {  	_ = 	snop  }
0xbd: {  	[hbm4b:s7+s3] =	stream.indirect_vreg.scatter [tilespmem:s25], [sflag:$0x1], $0x80, v4, vm0, $0xb8;
	[tilespmem:$0x9080] =	vst v63  }
0xbe: {  	_ = 	snop  }
0xbf: {  	[hbm4b:s4+s3] =	stream.indirect_vreg.scatter [tilespmem:s26], [sflag:$0x1], $0x80, v3, vm0, $0xb8;
	[tilespmem:$0x9080] =	vst v63  }
0xc0: {  	_ = 	snop  }
0xc1: {  	[hbm4b:s5+s3] =	stream.indirect_vreg.scatter [tilespmem:s28], [sflag:$0x1], $0x80, v3, vm0, $0xb8;
	[tilespmem:$0x9080] =	vst v63  }
0xc2: {  	_ = 	snop  }
0xc3: {  	[hbm4b:s6+s3] =	stream.indirect_vreg.scatter [tilespmem:s29], [sflag:$0x1], $0x80, v3, vm0, $0xb8;
	[tilespmem:$0x9080] =	vst v63  }
0xc4: {  	_ = 	snop  }
0xc5: {  	[hbm4b:s7+s3] =	stream.indirect_vreg.scatter [tilespmem:s30], [sflag:$0x1], $0x80, v3, vm0, $0xb8;
	[tilespmem:$0x9080] =	vst v63  }
0xc6: {  	_ =	swait.ge [sflag:s31], $0x8000  }
0xc7: {  	[sflag:s31] =	ssyncset.done $0x0  }
0xc8: {  	[sflag:s31] =	ssyncadd.s32 $0xFFFF8000  }
0xc9: {  	[hbm4b:s1+s0] =	stream.indirect.scatter [tilespmem:s14], [sflag:$0x1], $0x80, s13, s0, $0xb8;
	[tilespmem:$0x9080] =	vst v63  }
0xca: {  	_ =	swait.ge [sflag:s31], $0x1000  }
0xcb: {  	[sflag:s31] =	ssyncset.done $0x0  }
0xcc: {  	[sflag:s31] =	ssyncadd.s32 $0xFFFFF000  }
0xcd: {  	[tilespmem:s13], [sflag:$0x2] =	stream.linear.gather [hbm4b:s9+s3], $0x20, $0x38;
	[tilespmem:$0x9080] =	vst v63  }
0xce: {  	_ =	swait.ge [sflag:s12], $0x20  }
0xcf: {  	[sflag:s12] =	ssyncset.done $0x0  }
0xd0: {  	[sflag:s12] =	ssyncadd.s32 $0xFFFFFFE0  }
0xd1: {  	[tilespmem:s14], [sflag:$0x2] =	stream.linear.gather [hbm4b:s10+s3], $0x1000, $0x38;
	[tilespmem:$0x9080] =	vst v63  }
0xd2: {  	_ =	swait.ge [sflag:s12], $0x1000  }
0xd3: {  	[sflag:s12] =	ssyncset.done $0x0  }
0xd4: {  	[sflag:s12] =	ssyncadd.s32 $0xFFFFF000  }
0xd5: {  	v3 =	vld [tilespmem:$0x8000];
	_ =	sdelay $0x4  }
0xd6: {  	v62 =	vshll.u32 v3, $0x3  }
0xd7: {  	v3 =	vand.u32 $0x7, v3;
	v4 =	vand.u32 $0xFFFFFFC0, v62  }
0xd8: {  	v3 =	vor.u32 v3, v4  }
0xd9: {  	v4 =	vperm.xlane v3, v0;
	_ =	sdelay $0x1  }
0xda: {  	v4 =	vadd.s32 v1, v4;
	_ =	sdelay $0x4  }
0xdb: {  	[hbm4b:s4+s3] =	stream.indirect_vreg.scatter [tilespmem:s3], [sflag:$0x1], $0x80, v4, vm0, $0xb8;
	[tilespmem:$0x9080] =	vst v63  }
0xdc: {  	v3 =	vperm.xlane v3, v2  }
0xdd: {  	[hbm4b:s5+s3] =	stream.indirect_vreg.scatter [tilespmem:s15], [sflag:$0x1], $0x80, v4, vm0, $0xb8;
	[tilespmem:$0x9080] =	vst v63  }
0xde: {  	v3 =	vadd.s32 v1, v3  }
0xdf: {  	[hbm4b:s6+s3] =	stream.indirect_vreg.scatter [tilespmem:s16], [sflag:$0x1], $0x80, v4, vm0, $0xb8;
	[tilespmem:$0x9080] =	vst v63  }
0xe0: {  	_ = 	snop  }
0xe1: {  	[hbm4b:s7+s3] =	stream.indirect_vreg.scatter [tilespmem:s17], [sflag:$0x1], $0x80, v4, vm0, $0xb8;
	[tilespmem:$0x9080] =	vst v63  }
0xe2: {  	_ = 	snop  }
0xe3: {  	[hbm4b:s4+s3] =	stream.indirect_vreg.scatter [tilespmem:s18], [sflag:$0x1], $0x80, v3, vm0, $0xb8;
	[tilespmem:$0x9080] =	vst v63  }
0xe4: {  	_ = 	snop  }
0xe5: {  	[hbm4b:s5+s3] =	stream.indirect_vreg.scatter [tilespmem:s19], [sflag:$0x1], $0x80, v3, vm0, $0xb8;
	[tilespmem:$0x9080] =	vst v63  }
0xe6: {  	_ = 	snop  }
0xe7: {  	[hbm4b:s6+s3] =	stream.indirect_vreg.scatter [tilespmem:s20], [sflag:$0x1], $0x80, v3, vm0, $0xb8;
	[tilespmem:$0x9080] =	vst v63  }
0xe8: {  	_ = 	snop  }
0xe9: {  	[hbm4b:s7+s3] =	stream.indirect_vreg.scatter [tilespmem:s21], [sflag:$0x1], $0x80, v3, vm0, $0xb8;
	[tilespmem:$0x9080] =	vst v63  }
0xea: {  	v3 =	vld [tilespmem:$0x8010];
	_ =	sdelay $0x4  }
0xeb: {  	v63 =	vshll.u32 v3, $0x3  }
0xec: {  	v3 =	vand.u32 $0x7, v3;
	v4 =	vand.u32 $0xFFFFFFC0, v63  }
0xed: {  	v3 =	vor.u32 v3, v4  }
0xee: {  	v4 =	vperm.xlane v3, v0;
	_ =	sdelay $0x1  }
0xef: {  	v4 =	vadd.s32 v1, v4;
	_ =	sdelay $0x4  }
0xf0: {  	[hbm4b:s4+s3] =	stream.indirect_vreg.scatter [tilespmem:s22], [sflag:$0x1], $0x80, v4, vm0, $0xb8;
	[tilespmem:$0x9080] =	vst v63  }
0xf1: {  	v3 =	vperm.xlane v3, v2  }
0xf2: {  	[hbm4b:s5+s3] =	stream.indirect_vreg.scatter [tilespmem:s23], [sflag:$0x1], $0x80, v4, vm0, $0xb8;
	[tilespmem:$0x9080] =	vst v63  }
0xf3: {  	v3 =	vadd.s32 v1, v3  }
0xf4: {  	[hbm4b:s6+s3] =	stream.indirect_vreg.scatter [tilespmem:s24], [sflag:$0x1], $0x80, v4, vm0, $0xb8;
	[tilespmem:$0x9080] =	vst v63  }
0xf5: {  	_ = 	snop  }
0xf6: {  	[hbm4b:s7+s3] =	stream.indirect_vreg.scatter [tilespmem:s25], [sflag:$0x1], $0x80, v4, vm0, $0xb8;
	[tilespmem:$0x9080] =	vst v63  }
0xf7: {  	_ = 	snop  }
0xf8: {  	[hbm4b:s4+s3] =	stream.indirect_vreg.scatter [tilespmem:s26], [sflag:$0x1], $0x80, v3, vm0, $0xb8;
	[tilespmem:$0x9080] =	vst v63  }
0xf9: {  	_ = 	snop  }
0xfa: {  	[hbm4b:s5+s3] =	stream.indirect_vreg.scatter [tilespmem:s28], [sflag:$0x1], $0x80, v3, vm0, $0xb8;
	[tilespmem:$0x9080] =	vst v63  }
0xfb: {  	_ = 	snop  }
0xfc: {  	[hbm4b:s6+s3] =	stream.indirect_vreg.scatter [tilespmem:s29], [sflag:$0x1], $0x80, v3, vm0, $0xb8;
	[tilespmem:$0x9080] =	vst v63  }
0xfd: {  	_ = 	snop  }
0xfe: {  	[hbm4b:s7+s3] =	stream.indirect_vreg.scatter [tilespmem:s30], [sflag:$0x1], $0x80, v3, vm0, $0xb8;
	[tilespmem:$0x9080] =	vst v63  }
0xff: {  	_ =	swait.ge [sflag:s31], $0x8000  }
0x100: {  	p0 =	sne.s32 s11, $0x1;
	[sflag:s31] =	ssyncset.done $0x0  }
.Ltmp0:
0x101: {  	[sflag:s31] =	ssyncadd.s32 $0xFFFF8000;
	(pc) =	sbr.rel @p0 .LBB2_1-.Ltmp0, $4  }
0x102: {  	[hbm4b:s1+s0] =	stream.indirect.scatter [tilespmem:s14], [sflag:$0x1], $0x80, s13, s0, $0xb8;
	[tilespmem:$0x9080] =	vst v63  }
0x103: {  	_ =	swait.ge [sflag:s31], $0x1000  }
0x104: {  	[sflag:s31] =	ssyncset.done $0x0  }
0x105: {  	s11 =	sadd.s32 $0xFFFFFFFF, s11;
	[sflag:s31] =	ssyncadd.s32 $0xFFFFF000  }
0x106: {  	_ =	sfence.sel $0x180000  }
0x107: {  	[bflag:$0x0] =	sbarrier.arrive $0xFFFF  }
0x108: {  	_ =	strace $0x90000047  }
0x109: {  	s0 =	stileid.u32;
	[bflag:$0x2] =	sbarrier.arrive $0xFFFF  }
0x10a: {  	p0 =	sne.s32 s0, $0x0;
	s0 =	rddreg [dreg:$0x3]  }
0x10b: {  	s0 =	sadd.s32 @!p0 $0x100000, s0  }
0x10c: {  	[sflag:s0] =	ssyncadd.tile.s32 @!p0 $0x1;
	_ =	shalt  }
.Lfunc_end2:
_tile_overlayer_lowered:
.L_overlay_start_2:
0x10d: {  	(tag) =	ssettag $0x2  }
0x10e: {  	s0 =	rddreg [dreg:$0x0];
	s2 =	stileid.u32  }
0x10f: {  	s1 =	rddreg [dreg:$0x1];
	p0 =	sne.s32 s2, $0x0  }
0x110: {  	s3 =	rddreg [dreg:$0x2];
	[bflag:$0x3] =	sbarrier.arrive $0xFFFF;
	s2 =	simm.s32 @!p0 $0x1C02  }
0x111: {  	[timem:s3], [sflag:s2] =	dma.local @!p0 [hbm:s0], s1  }
0x112: {  	s0 =	simm.s32 @!p0 $0x2  }
0x113: {  	_ =	swait.ge @!p0 [sflag:s0], s1  }
0x114: {  	s1 =	ssub.s32 @!p0 $0x0, s1;
	[sflag:s0] =	ssyncset.done @!p0 $0x0  }
0x115: {  	[sflag:s0] =	ssyncadd.s32 @!p0 s1  }
0x116: {  	[bflag:$0x3] =	sbarrier.arrive $0xFFFF  }
0x117: {  	_ =	shalt  }

</sc_bundles>
